<compile_context>
chip_gen: v7x
topology: tpu7x:2x2x1
jax: 0.10.2.dev20260603
libtpu: 0.0.44.dev20260713+nightly
codegen_flags: <defaults>
</compile_context>

<pallas_src>
import functools

import jax
import jax.numpy as jnp
from jax import lax
from jax.experimental import pallas as pl
from jax.experimental.pallas import tpu as pltpu
from jax.experimental.pallas import tpu_sc as plsc

SL = 8192
BS = 4
HIDDEN = 1024
EXPERTS = 8
TOPK = 2
N = SL * BS

_TOL = 1e-4
_EPS = 1e-8

N_SC = 2048
N_TC = N - N_SC

NC = 2
NS = 16
L = 16
NW = NC * NS
TPW = N_SC // NW
TB = 16
TG = 4
HC = HIDDEN // L

ROWS = 2048
NT = N_TC // ROWS


def _round_bf16(v):
    u = lax.bitcast_convert_type(v, jnp.uint32)
    lsb = lax.shift_right_logical(u, jnp.uint32(16)) & jnp.uint32(1)
    u = (u + jnp.uint32(0x7FFF) + lsb) & jnp.uint32(0xFFFF0000)
    return lax.bitcast_convert_type(u, jnp.float32)


def _sc_cost_kernel(x_hbm, w_hbm, out_hbm, w_v, x_v, stage_v, o_v):
    cid = lax.axis_index("c")
    sid = lax.axis_index("s")
    wid = sid * NC + cid
    base = wid * TPW
    sl_base = wid * (TPW // BS)
    pltpu.sync_copy(w_hbm, w_v)
    for e in range(EXPERTS):

        def w_round(h, carry, e=e):
            w_v[e, pl.ds(h * L, L)] = _round_bf16(w_v[e, pl.ds(h * L, L)])
            return carry

        lax.fori_loop(0, HC, w_round, 0)
    lane = lax.iota(jnp.int32, L)

    def blk_body(blk, carry):
        pltpu.sync_copy(x_hbm.at[pl.ds(sl_base + blk * (TB // BS), TB // BS)], x_v)
        for g in range(TB // TG):

            def h_body(h, accs):
                xcs = [
                    _round_bf16(
                        x_v[(g * TG + t) // BS, (g * TG + t) % BS, pl.ds(h * L, L)]
                    )
                    for t in range(TG)
                ]
                wcs = [w_v[e, pl.ds(h * L, L)] for e in range(EXPERTS)]
                return tuple(
                    accs[t * EXPERTS + e] + xcs[t] * wcs[e]
                    for t in range(TG)
                    for e in range(EXPERTS)
                )

            zero = jnp.zeros((L,), jnp.float32)
            accs = lax.fori_loop(0, HC, h_body, (zero,) * (TG * EXPERTS))
            for t in range(TG):
                r = zero
                for e in range(EXPERTS):
                    r = jnp.where(lane == e, jnp.sum(accs[t * EXPERTS + e]), r)
                stage_v[g * TG + t, :] = r
        for e in range(EXPERTS):
            ge = plsc.load_gather(stage_v, [lane, jnp.full((L,), e, jnp.int32)])
            o_v[e, pl.ds(blk * TB, TB)] = jnp.exp(ge)
        return carry

    lax.fori_loop(0, TPW // TB, blk_body, 0)
    for e in range(EXPERTS):
        pltpu.sync_copy(o_v.at[e], out_hbm.at[e, pl.ds(base, TPW)])


_sc_cost = functools.partial(
    pl.kernel,
    out_type=jax.ShapeDtypeStruct((EXPERTS, N_SC), jnp.float32),
    mesh=plsc.VectorSubcoreMesh(
        core_axis_name="c", subcore_axis_name="s", num_cores=NC, num_subcores=NS
    ),
    scratch_types=[
        pltpu.VMEM((EXPERTS, HIDDEN), jnp.float32),
        pltpu.VMEM((TB // BS, BS, HIDDEN), jnp.float32),
        pltpu.VMEM((TB, L), jnp.float32),
        pltpu.VMEM((EXPERTS, TPW), jnp.float32),
    ],
    compiler_params=pltpu.CompilerParams(needs_layout_passes=False),
    cost_estimate=pl.CostEstimate(
        flops=2 * N_SC * HIDDEN * EXPERTS,
        bytes_accessed=N_SC * HIDDEN * 4 + EXPERTS * N_SC * 4,
        transcendentals=N_SC * EXPERTS,
    ),
)(_sc_cost_kernel)


def _tc_cost_kernel(x_ref, w_ref, out_ref):
    x = x_ref[...].reshape(ROWS, HIDDEN)
    w = w_ref[...]
    logits_t = jax.lax.dot_general(
        w, x, (((1,), (1,)), ((), ())), preferred_element_type=jnp.float32
    )
    out_ref[...] = jnp.exp(logits_t)


def _finish_kernel(cost_a_ref, cost_b_ref, scores_ref, idx_ref):
    cost = jnp.concatenate([cost_a_ref[...], cost_b_ref[...]], axis=1)

    def cond_fn(carry):
        return carry[1] > _TOL

    def body_fn(carry):
        d1, _ = carry
        rowsum = jnp.sum(d1 * cost, axis=0, keepdims=True)
        d0 = (1.0 / N) / (rowsum + _EPS)
        colsum = jnp.sum(d0 * cost, axis=1, keepdims=True)
        d1n = (1.0 / EXPERTS) / (colsum + _EPS)
        err = jnp.mean(jnp.abs(d1 - d1n))
        return (d1n, err)

    d1_init = jnp.ones((EXPERTS, 1), jnp.float32)
    d1, _ = lax.while_loop(cond_fn, body_fn, (d1_init, jnp.float32(1e9)))

    s = d1 * cost
    eidx = lax.broadcasted_iota(jnp.int32, (EXPERTS, N), 0)
    m1 = jnp.max(s, axis=0, keepdims=True)
    i1 = jnp.min(jnp.where(s == m1, eidx, EXPERTS), axis=0, keepdims=True)
    masked = jnp.where(eidx == i1, -jnp.inf, s)
    m2 = jnp.max(masked, axis=0, keepdims=True)
    i2 = jnp.min(jnp.where(masked == m2, eidx, EXPERTS), axis=0, keepdims=True)

    denom = jnp.sum(cost, axis=0, keepdims=True)
    c1 = jnp.sum(jnp.where(eidx == i1, cost, 0.0), axis=0, keepdims=True)
    c2 = jnp.sum(jnp.where(eidx == i2, cost, 0.0), axis=0, keepdims=True)
    scores_ref[...] = jnp.concatenate([c1 / denom, c2 / denom], axis=0)
    idx_ref[...] = jnp.concatenate([i1, i2], axis=0)


def kernel(x, W):
    cost_sc = _sc_cost(x, W)
    cost_tc = pl.pallas_call(
        _tc_cost_kernel,
        grid=(NT,),
        in_specs=[
            pl.BlockSpec(
                (ROWS // BS, BS, HIDDEN), lambda i: (i + N_SC // ROWS, 0, 0)
            ),
            pl.BlockSpec((EXPERTS, HIDDEN), lambda i: (0, 0)),
        ],
        out_specs=pl.BlockSpec((EXPERTS, ROWS), lambda i: (0, i)),
        out_shape=jax.ShapeDtypeStruct((EXPERTS, N_TC), jnp.float32),
        compiler_params=pltpu.CompilerParams(
            dimension_semantics=("arbitrary",),
            skip_device_barrier=True,
        ),
    )(x, W)
    scores_t, idx_t = pl.pallas_call(
        _finish_kernel,
        out_shape=[
            jax.ShapeDtypeStruct((TOPK, N), jnp.float32),
            jax.ShapeDtypeStruct((TOPK, N), jnp.int32),
        ],
    )(cost_sc, cost_tc)
    return (scores_t.T, idx_t.T)

# --- scband reference (transcript-rebuilt; emitter-appended) ---
"""Pipeline reference for scband-sinkhorn-router-2302102471518 (READ-ONLY COPY).

The authoritative reference and input builder live on the scoring server;
editing this copy changes nothing except your own understanding.
"""

import jax, jax.numpy as jnp
import numpy as np

SL = 8192
BS = 4
HIDDEN = 1024
EXPERTS = 8
TOPK = 2


def setup_inputs(seed: int = 0) -> dict:
    key = jax.random.key(seed)
    k1, k2 = jax.random.split(key)
    x = jax.random.normal(k1, (SL, BS, HIDDEN), dtype=jnp.float32)
    # router weight, scaled like a typical init_method (std=0.02)
    W = jax.random.normal(k2, (EXPERTS, HIDDEN), dtype=jnp.float32) * 0.02
    return {"x": x, "W": W}


def _sinkhorn(cost, tol=1e-4):
    cost = jnp.exp(cost)
    n0 = cost.shape[0]
    n1 = cost.shape[1]
    eps = 1e-8

    def cond_fn(carry):
        return carry[3] > tol

    def body_fn(carry):
        d0, d1, d1_old, err = carry
        d0 = (1.0 / n0) * (1.0 / (jnp.sum(d1 * cost, axis=1) + eps))
        d1_new = (1.0 / n1) * (1.0 / (jnp.sum(d0[:, None] * cost, axis=0) + eps))
        err = jnp.mean(jnp.abs(d1_old - d1_new))
        return (d0, d1_new, d1_new, err)

    init = (
        jnp.ones((n0,), jnp.float32),
        jnp.ones((n1,), jnp.float32),
        jnp.ones((n1,), jnp.float32),
        jnp.array(1e9, jnp.float32),
    )
    d0, d1, _, _ = jax.lax.while_loop(cond_fn, body_fn, init)
    return d1 * cost * d0[:, None]


def reference(x, W):
    # router logits: (sl*bs, num_experts)
    logits = x.reshape(-1, x.shape[-1]) @ W.T
    # training path: sinkhorn (no-grad) for expert assignment indices
    norm_logits = _sinkhorn(jax.lax.stop_gradient(logits.astype(jnp.float32)))
    _, indices = jax.lax.top_k(norm_logits, TOPK)
    # top_k > 1 -> softmax activation in fp32, cast back
    act = jax.nn.softmax(logits.astype(jnp.float32), axis=-1).astype(logits.dtype)
    scores = jnp.take_along_axis(act, indices, axis=1)
    return (scores, indices)

if __name__ == "__main__":
    import jax
    _d = setup_inputs()
    print(jax.jit(kernel)(*tuple(_d.values())))

</pallas_src>

<mosaic_0001>
#map = affine_map<(d0, d1) -> (0, 0, 0)>
#map1 = affine_map<(d0, d1) -> (0, 0)>
module attributes {stable_mosaic.version = 14 : i64} {
  func.func @_sc_cost_kernel(%arg0: i32, %arg1: i32, %arg2: memref<8192x4x1024xf32, #tpu.memory_space<hbm>>, %arg3: memref<8x1024xf32, #tpu.memory_space<hbm>>, %arg4: memref<8x2048xf32, #tpu.memory_space<hbm>>, %arg5: memref<8x1024xf32, #tpu.memory_space<vmem>>, %arg6: memref<4x4x1024xf32, #tpu.memory_space<vmem>>, %arg7: memref<16x16xf32, #tpu.memory_space<vmem>>, %arg8: memref<8x64xf32, #tpu.memory_space<vmem>>) attributes {dimension_semantics = [#tpu.dimension_semantics<core_parallel>, #tpu.dimension_semantics<subcore_parallel>], iteration_bounds = array<i64: 2, 16>, scalar_prefetch = 0 : i64, scratch_operands = 4 : i64, tpu.core_type = #tpu.core_type<sc_vector_subcore>, window_params = [{transform_indices = #map}, {transform_indices = #map1}, {transform_indices = #map1}]} {
    %mul3A = arith.constant 2 : i32
    %mul3A_0 = arith.muli %arg1, %mul3A : i32
    %add3A = arith.addi %mul3A_0, %arg0 : i32
    %mul3A_1 = arith.constant 64 : i32
    %mul3A_2 = arith.muli %add3A, %mul3A_1 : i32
    %mul3A_3 = arith.constant 16 : i32
    %mul3A_4 = arith.muli %add3A, %mul3A_3 : i32
    "tpu.region"() ({
      %run_scoped3A_73 = tpu.sem_alloc : memref<!tpu.dma_semaphore, #tpu.memory_space<semaphore_mem>>
      tpu.enqueue_dma source(%arg3 : memref<8x1024xf32, #tpu.memory_space<hbm>>) target(%arg5 : memref<8x1024xf32, #tpu.memory_space<vmem>>) target_semaphore(%run_scoped3A_73 : memref<!tpu.dma_semaphore, #tpu.memory_space<semaphore_mem>>)
      tpu.wait_dma2 semaphore(%run_scoped3A_73 : memref<!tpu.dma_semaphore, #tpu.memory_space<semaphore_mem>>) src(%arg3 : memref<8x1024xf32, #tpu.memory_space<hbm>>) dst(%arg5 : memref<8x1024xf32, #tpu.memory_space<vmem>>)
      tpu.yield
    }) : () -> ()
    %scan3A = arith.constant 0 : i32
    %scan3A_5 = arith.constant 0 : i32
    %scan3A_6 = arith.constant 64 : i32
    %scan3A_7 = arith.addi %scan3A_5, %scan3A_6 : i32
    %scan3A_8 = arith.constant 1 : i32
    scf.for %scan3A_73 = %scan3A_5 to %scan3A_7 step %scan3A_8  : i32 {
      %mul3A_74 = arith.constant 16 : i32
      %mul3A_75 = arith.muli %scan3A_73, %mul3A_74 : i32
      %get3A = arith.constant 0 : i32
      %get3A_76 = arith.index_cast %get3A : i32 to index
      %get3A_77 = arith.index_cast %mul3A_75 : i32 to index
      %get3A_78 = tpu.vector_load %arg5[%get3A_76, %get3A_77] {strides = array<i32>} : memref<8x1024xf32, #tpu.memory_space<vmem>>, vector<16xf32>,
      %bitcast_convert_type3A = tpu.bitcast %get3A_78 : vector<16xf32> -> vector<16xi32>
      %shift_right_logical3A = arith.constant 16 : i32
      %shift_right_logical3A_79 = vector.broadcast %shift_right_logical3A : i32 to vector<16xi32>
      %shift_right_logical3A_80 = arith.shrui %bitcast_convert_type3A, %shift_right_logical3A_79 : vector<16xi32>
      %and3A = arith.constant 1 : i32
      %and3A_81 = vector.broadcast %and3A : i32 to vector<16xi32>
      %and3A_82 = arith.andi %shift_right_logical3A_80, %and3A_81 : vector<16xi32>
      %add3A_83 = arith.constant 32767 : i32
      %add3A_84 = vector.broadcast %add3A_83 : i32 to vector<16xi32>
      %add3A_85 = arith.addi %bitcast_convert_type3A, %add3A_84 : vector<16xi32>
      %add3A_86 = arith.addi %add3A_85, %and3A_82 : vector<16xi32>
      %and3A_87 = arith.constant -65536 : i32
      %and3A_88 = vector.broadcast %and3A_87 : i32 to vector<16xi32>
      %and3A_89 = arith.andi %add3A_86, %and3A_88 : vector<16xi32>
      %bitcast_convert_type3A_90 = tpu.bitcast %and3A_89 : vector<16xi32> -> vector<16xf32>
      %mul3A_91 = arith.constant 16 : i32
      %mul3A_92 = arith.muli %scan3A_73, %mul3A_91 : i32
      %swap3A = arith.constant 0 : i32
      %swap3A_93 = arith.index_cast %swap3A : i32 to index
      %swap3A_94 = arith.index_cast %mul3A_92 : i32 to index
      %swap3A_95 = tpu.vector_load %arg5[%swap3A_93, %swap3A_94] {strides = array<i32>} : memref<8x1024xf32, #tpu.memory_space<vmem>>, vector<16xf32>,
      tpu.vector_store %arg5[%swap3A_93, %swap3A_94], %bitcast_convert_type3A_90 {strides = array<i32>} : memref<8x1024xf32, #tpu.memory_space<vmem>>, vector<16xf32>,
    }
    %scan3A_9 = arith.constant 64 : i32
    %scan3A_10 = arith.constant 0 : i32
    %scan3A_11 = arith.constant 0 : i32
    %scan3A_12 = arith.constant 64 : i32
    %scan3A_13 = arith.addi %scan3A_11, %scan3A_12 : i32
    %scan3A_14 = arith.constant 1 : i32
    scf.for %scan3A_73 = %scan3A_11 to %scan3A_13 step %scan3A_14  : i32 {
      %mul3A_74 = arith.constant 16 : i32
      %mul3A_75 = arith.muli %scan3A_73, %mul3A_74 : i32
      %get3A = arith.constant 1 : i32
      %get3A_76 = arith.index_cast %get3A : i32 to index
      %get3A_77 = arith.index_cast %mul3A_75 : i32 to index
      %get3A_78 = tpu.vector_load %arg5[%get3A_76, %get3A_77] {strides = array<i32>} : memref<8x1024xf32, #tpu.memory_space<vmem>>, vector<16xf32>,
      %bitcast_convert_type3A = tpu.bitcast %get3A_78 : vector<16xf32> -> vector<16xi32>
      %shift_right_logical3A = arith.constant 16 : i32
      %shift_right_logical3A_79 = vector.broadcast %shift_right_logical3A : i32 to vector<16xi32>
      %shift_right_logical3A_80 = arith.shrui %bitcast_convert_type3A, %shift_right_logical3A_79 : vector<16xi32>
      %and3A = arith.constant 1 : i32
      %and3A_81 = vector.broadcast %and3A : i32 to vector<16xi32>
      %and3A_82 = arith.andi %shift_right_logical3A_80, %and3A_81 : vector<16xi32>
      %add3A_83 = arith.constant 32767 : i32
      %add3A_84 = vector.broadcast %add3A_83 : i32 to vector<16xi32>
      %add3A_85 = arith.addi %bitcast_convert_type3A, %add3A_84 : vector<16xi32>
      %add3A_86 = arith.addi %add3A_85, %and3A_82 : vector<16xi32>
      %and3A_87 = arith.constant -65536 : i32
      %and3A_88 = vector.broadcast %and3A_87 : i32 to vector<16xi32>
      %and3A_89 = arith.andi %add3A_86, %and3A_88 : vector<16xi32>
      %bitcast_convert_type3A_90 = tpu.bitcast %and3A_89 : vector<16xi32> -> vector<16xf32>
      %mul3A_91 = arith.constant 16 : i32
      %mul3A_92 = arith.muli %scan3A_73, %mul3A_91 : i32
      %swap3A = arith.constant 1 : i32
      %swap3A_93 = arith.index_cast %swap3A : i32 to index
      %swap3A_94 = arith.index_cast %mul3A_92 : i32 to index
      %swap3A_95 = tpu.vector_load %arg5[%swap3A_93, %swap3A_94] {strides = array<i32>} : memref<8x1024xf32, #tpu.memory_space<vmem>>, vector<16xf32>,
      tpu.vector_store %arg5[%swap3A_93, %swap3A_94], %bitcast_convert_type3A_90 {strides = array<i32>} : memref<8x1024xf32, #tpu.memory_space<vmem>>, vector<16xf32>,
    }
    %scan3A_15 = arith.constant 64 : i32
    %scan3A_16 = arith.constant 0 : i32
    %scan3A_17 = arith.constant 0 : i32
    %scan3A_18 = arith.constant 64 : i32
    %scan3A_19 = arith.addi %scan3A_17, %scan3A_18 : i32
    %scan3A_20 = arith.constant 1 : i32
    scf.for %scan3A_73 = %scan3A_17 to %scan3A_19 step %scan3A_20  : i32 {
      %mul3A_74 = arith.constant 16 : i32
      %mul3A_75 = arith.muli %scan3A_73, %mul3A_74 : i32
      %get3A = arith.constant 2 : i32
      %get3A_76 = arith.index_cast %get3A : i32 to index
      %get3A_77 = arith.index_cast %mul3A_75 : i32 to index
      %get3A_78 = tpu.vector_load %arg5[%get3A_76, %get3A_77] {strides = array<i32>} : memref<8x1024xf32, #tpu.memory_space<vmem>>, vector<16xf32>,
      %bitcast_convert_type3A = tpu.bitcast %get3A_78 : vector<16xf32> -> vector<16xi32>
      %shift_right_logical3A = arith.constant 16 : i32
      %shift_right_logical3A_79 = vector.broadcast %shift_right_logical3A : i32 to vector<16xi32>
      %shift_right_logical3A_80 = arith.shrui %bitcast_convert_type3A, %shift_right_logical3A_79 : vector<16xi32>
      %and3A = arith.constant 1 : i32
      %and3A_81 = vector.broadcast %and3A : i32 to vector<16xi32>
      %and3A_82 = arith.andi %shift_right_logical3A_80, %and3A_81 : vector<16xi32>
      %add3A_83 = arith.constant 32767 : i32
      %add3A_84 = vector.broadcast %add3A_83 : i32 to vector<16xi32>
      %add3A_85 = arith.addi %bitcast_convert_type3A, %add3A_84 : vector<16xi32>
      %add3A_86 = arith.addi %add3A_85, %and3A_82 : vector<16xi32>
      %and3A_87 = arith.constant -65536 : i32
      %and3A_88 = vector.broadcast %and3A_87 : i32 to vector<16xi32>
      %and3A_89 = arith.andi %add3A_86, %and3A_88 : vector<16xi32>
      %bitcast_convert_type3A_90 = tpu.bitcast %and3A_89 : vector<16xi32> -> vector<16xf32>
      %mul3A_91 = arith.constant 16 : i32
      %mul3A_92 = arith.muli %scan3A_73, %mul3A_91 : i32
      %swap3A = arith.constant 2 : i32
      %swap3A_93 = arith.index_cast %swap3A : i32 to index
      %swap3A_94 = arith.index_cast %mul3A_92 : i32 to index
      %swap3A_95 = tpu.vector_load %arg5[%swap3A_93, %swap3A_94] {strides = array<i32>} : memref<8x1024xf32, #tpu.memory_space<vmem>>, vector<16xf32>,
      tpu.vector_store %arg5[%swap3A_93, %swap3A_94], %bitcast_convert_type3A_90 {strides = array<i32>} : memref<8x1024xf32, #tpu.memory_space<vmem>>, vector<16xf32>,
    }
    %scan3A_21 = arith.constant 64 : i32
    %scan3A_22 = arith.constant 0 : i32
    %scan3A_23 = arith.constant 0 : i32
    %scan3A_24 = arith.constant 64 : i32
    %scan3A_25 = arith.addi %scan3A_23, %scan3A_24 : i32
    %scan3A_26 = arith.constant 1 : i32
    scf.for %scan3A_73 = %scan3A_23 to %scan3A_25 step %scan3A_26  : i32 {
      %mul3A_74 = arith.constant 16 : i32
      %mul3A_75 = arith.muli %scan3A_73, %mul3A_74 : i32
      %get3A = arith.constant 3 : i32
      %get3A_76 = arith.index_cast %get3A : i32 to index
      %get3A_77 = arith.index_cast %mul3A_75 : i32 to index
      %get3A_78 = tpu.vector_load %arg5[%get3A_76, %get3A_77] {strides = array<i32>} : memref<8x1024xf32, #tpu.memory_space<vmem>>, vector<16xf32>,
      %bitcast_convert_type3A = tpu.bitcast %get3A_78 : vector<16xf32> -> vector<16xi32>
      %shift_right_logical3A = arith.constant 16 : i32
      %shift_right_logical3A_79 = vector.broadcast %shift_right_logical3A : i32 to vector<16xi32>
      %shift_right_logical3A_80 = arith.shrui %bitcast_convert_type3A, %shift_right_logical3A_79 : vector<16xi32>
      %and3A = arith.constant 1 : i32
      %and3A_81 = vector.broadcast %and3A : i32 to vector<16xi32>
      %and3A_82 = arith.andi %shift_right_logical3A_80, %and3A_81 : vector<16xi32>
      %add3A_83 = arith.constant 32767 : i32
      %add3A_84 = vector.broadcast %add3A_83 : i32 to vector<16xi32>
      %add3A_85 = arith.addi %bitcast_convert_type3A, %add3A_84 : vector<16xi32>
      %add3A_86 = arith.addi %add3A_85, %and3A_82 : vector<16xi32>
      %and3A_87 = arith.constant -65536 : i32
      %and3A_88 = vector.broadcast %and3A_87 : i32 to vector<16xi32>
      %and3A_89 = arith.andi %add3A_86, %and3A_88 : vector<16xi32>
      %bitcast_convert_type3A_90 = tpu.bitcast %and3A_89 : vector<16xi32> -> vector<16xf32>
      %mul3A_91 = arith.constant 16 : i32
      %mul3A_92 = arith.muli %scan3A_73, %mul3A_91 : i32
      %swap3A = arith.constant 3 : i32
      %swap3A_93 = arith.index_cast %swap3A : i32 to index
      %swap3A_94 = arith.index_cast %mul3A_92 : i32 to index
      %swap3A_95 = tpu.vector_load %arg5[%swap3A_93, %swap3A_94] {strides = array<i32>} : memref<8x1024xf32, #tpu.memory_space<vmem>>, vector<16xf32>,
      tpu.vector_store %arg5[%swap3A_93, %swap3A_94], %bitcast_convert_type3A_90 {strides = array<i32>} : memref<8x1024xf32, #tpu.memory_space<vmem>>, vector<16xf32>,
    }
    %scan3A_27 = arith.constant 64 : i32
    %scan3A_28 = arith.constant 0 : i32
    %scan3A_29 = arith.constant 0 : i32
    %scan3A_30 = arith.constant 64 : i32
    %scan3A_31 = arith.addi %scan3A_29, %scan3A_30 : i32
    %scan3A_32 = arith.constant 1 : i32
    scf.for %scan3A_73 = %scan3A_29 to %scan3A_31 step %scan3A_32  : i32 {
      %mul3A_74 = arith.constant 16 : i32
      %mul3A_75 = arith.muli %scan3A_73, %mul3A_74 : i32
      %get3A = arith.constant 4 : i32
      %get3A_76 = arith.index_cast %get3A : i32 to index
      %get3A_77 = arith.index_cast %mul3A_75 : i32 to index
      %get3A_78 = tpu.vector_load %arg5[%get3A_76, %get3A_77] {strides = array<i32>} : memref<8x1024xf32, #tpu.memory_space<vmem>>, vector<16xf32>,
      %bitcast_convert_type3A = tpu.bitcast %get3A_78 : vector<16xf32> -> vector<16xi32>
      %shift_right_logical3A = arith.constant 16 : i32
      %shift_right_logical3A_79 = vector.broadcast %shift_right_logical3A : i32 to vector<16xi32>
      %shift_right_logical3A_80 = arith.shrui %bitcast_convert_type3A, %shift_right_logical3A_79 : vector<16xi32>
      %and3A = arith.constant 1 : i32
      %and3A_81 = vector.broadcast %and3A : i32 to vector<16xi32>
      %and3A_82 = arith.andi %shift_right_logical3A_80, %and3A_81 : vector<16xi32>
      %add3A_83 = arith.constant 32767 : i32
      %add3A_84 = vector.broadcast %add3A_83 : i32 to vector<16xi32>
      %add3A_85 = arith.addi %bitcast_convert_type3A, %add3A_84 : vector<16xi32>
      %add3A_86 = arith.addi %add3A_85, %and3A_82 : vector<16xi32>
      %and3A_87 = arith.constant -65536 : i32
      %and3A_88 = vector.broadcast %and3A_87 : i32 to vector<16xi32>
      %and3A_89 = arith.andi %add3A_86, %and3A_88 : vector<16xi32>
      %bitcast_convert_type3A_90 = tpu.bitcast %and3A_89 : vector<16xi32> -> vector<16xf32>
      %mul3A_91 = arith.constant 16 : i32
      %mul3A_92 = arith.muli %scan3A_73, %mul3A_91 : i32
      %swap3A = arith.constant 4 : i32
      %swap3A_93 = arith.index_cast %swap3A : i32 to index
      %swap3A_94 = arith.index_cast %mul3A_92 : i32 to index
      %swap3A_95 = tpu.vector_load %arg5[%swap3A_93, %swap3A_94] {strides = array<i32>} : memref<8x1024xf32, #tpu.memory_space<vmem>>, vector<16xf32>,
      tpu.vector_store %arg5[%swap3A_93, %swap3A_94], %bitcast_convert_type3A_90 {strides = array<i32>} : memref<8x1024xf32, #tpu.memory_space<vmem>>, vector<16xf32>,
    }
    %scan3A_33 = arith.constant 64 : i32
    %scan3A_34 = arith.constant 0 : i32
    %scan3A_35 = arith.constant 0 : i32
    %scan3A_36 = arith.constant 64 : i32
    %scan3A_37 = arith.addi %scan3A_35, %scan3A_36 : i32
    %scan3A_38 = arith.constant 1 : i32
    scf.for %scan3A_73 = %scan3A_35 to %scan3A_37 step %scan3A_38  : i32 {
      %mul3A_74 = arith.constant 16 : i32
      %mul3A_75 = arith.muli %scan3A_73, %mul3A_74 : i32
      %get3A = arith.constant 5 : i32
      %get3A_76 = arith.index_cast %get3A : i32 to index
      %get3A_77 = arith.index_cast %mul3A_75 : i32 to index
      %get3A_78 = tpu.vector_load %arg5[%get3A_76, %get3A_77] {strides = array<i32>} : memref<8x1024xf32, #tpu.memory_space<vmem>>, vector<16xf32>,
      %bitcast_convert_type3A = tpu.bitcast %get3A_78 : vector<16xf32> -> vector<16xi32>
      %shift_right_logical3A = arith.constant 16 : i32
      %shift_right_logical3A_79 = vector.broadcast %shift_right_logical3A : i32 to vector<16xi32>
      %shift_right_logical3A_80 = arith.shrui %bitcast_convert_type3A, %shift_right_logical3A_79 : vector<16xi32>
      %and3A = arith.constant 1 : i32
      %and3A_81 = vector.broadcast %and3A : i32 to vector<16xi32>
      %and3A_82 = arith.andi %shift_right_logical3A_80, %and3A_81 : vector<16xi32>
      %add3A_83 = arith.constant 32767 : i32
      %add3A_84 = vector.broadcast %add3A_83 : i32 to vector<16xi32>
      %add3A_85 = arith.addi %bitcast_convert_type3A, %add3A_84 : vector<16xi32>
      %add3A_86 = arith.addi %add3A_85, %and3A_82 : vector<16xi32>
      %and3A_87 = arith.constant -65536 : i32
      %and3A_88 = vector.broadcast %and3A_87 : i32 to vector<16xi32>
      %and3A_89 = arith.andi %add3A_86, %and3A_88 : vector<16xi32>
      %bitcast_convert_type3A_90 = tpu.bitcast %and3A_89 : vector<16xi32> -> vector<16xf32>
      %mul3A_91 = arith.constant 16 : i32
      %mul3A_92 = arith.muli %scan3A_73, %mul3A_91 : i32
      %swap3A = arith.constant 5 : i32
      %swap3A_93 = arith.index_cast %swap3A : i32 to index
      %swap3A_94 = arith.index_cast %mul3A_92 : i32 to index
      %swap3A_95 = tpu.vector_load %arg5[%swap3A_93, %swap3A_94] {strides = array<i32>} : memref<8x1024xf32, #tpu.memory_space<vmem>>, vector<16xf32>,
      tpu.vector_store %arg5[%swap3A_93, %swap3A_94], %bitcast_convert_type3A_90 {strides = array<i32>} : memref<8x1024xf32, #tpu.memory_space<vmem>>, vector<16xf32>,
    }
    %scan3A_39 = arith.constant 64 : i32
    %scan3A_40 = arith.constant 0 : i32
    %scan3A_41 = arith.constant 0 : i32
    %scan3A_42 = arith.constant 64 : i32
    %scan3A_43 = arith.addi %scan3A_41, %scan3A_42 : i32
    %scan3A_44 = arith.constant 1 : i32
    scf.for %scan3A_73 = %scan3A_41 to %scan3A_43 step %scan3A_44  : i32 {
      %mul3A_74 = arith.constant 16 : i32
      %mul3A_75 = arith.muli %scan3A_73, %mul3A_74 : i32
      %get3A = arith.constant 6 : i32
      %get3A_76 = arith.index_cast %get3A : i32 to index
      %get3A_77 = arith.index_cast %mul3A_75 : i32 to index
      %get3A_78 = tpu.vector_load %arg5[%get3A_76, %get3A_77] {strides = array<i32>} : memref<8x1024xf32, #tpu.memory_space<vmem>>, vector<16xf32>,
      %bitcast_convert_type3A = tpu.bitcast %get3A_78 : vector<16xf32> -> vector<16xi32>
      %shift_right_logical3A = arith.constant 16 : i32
      %shift_right_logical3A_79 = vector.broadcast %shift_right_logical3A : i32 to vector<16xi32>
      %shift_right_logical3A_80 = arith.shrui %bitcast_convert_type3A, %shift_right_logical3A_79 : vector<16xi32>
      %and3A = arith.constant 1 : i32
      %and3A_81 = vector.broadcast %and3A : i32 to vector<16xi32>
      %and3A_82 = arith.andi %shift_right_logical3A_80, %and3A_81 : vector<16xi32>
      %add3A_83 = arith.constant 32767 : i32
      %add3A_84 = vector.broadcast %add3A_83 : i32 to vector<16xi32>
      %add3A_85 = arith.addi %bitcast_convert_type3A, %add3A_84 : vector<16xi32>
      %add3A_86 = arith.addi %add3A_85, %and3A_82 : vector<16xi32>
      %and3A_87 = arith.constant -65536 : i32
      %and3A_88 = vector.broadcast %and3A_87 : i32 to vector<16xi32>
      %and3A_89 = arith.andi %add3A_86, %and3A_88 : vector<16xi32>
      %bitcast_convert_type3A_90 = tpu.bitcast %and3A_89 : vector<16xi32> -> vector<16xf32>
      %mul3A_91 = arith.constant 16 : i32
      %mul3A_92 = arith.muli %scan3A_73, %mul3A_91 : i32
      %swap3A = arith.constant 6 : i32
      %swap3A_93 = arith.index_cast %swap3A : i32 to index
      %swap3A_94 = arith.index_cast %mul3A_92 : i32 to index
      %swap3A_95 = tpu.vector_load %arg5[%swap3A_93, %swap3A_94] {strides = array<i32>} : memref<8x1024xf32, #tpu.memory_space<vmem>>, vector<16xf32>,
      tpu.vector_store %arg5[%swap3A_93, %swap3A_94], %bitcast_convert_type3A_90 {strides = array<i32>} : memref<8x1024xf32, #tpu.memory_space<vmem>>, vector<16xf32>,
    }
    %scan3A_45 = arith.constant 64 : i32
    %scan3A_46 = arith.constant 0 : i32
    %scan3A_47 = arith.constant 0 : i32
    %scan3A_48 = arith.constant 64 : i32
    %scan3A_49 = arith.addi %scan3A_47, %scan3A_48 : i32
    %scan3A_50 = arith.constant 1 : i32
    scf.for %scan3A_73 = %scan3A_47 to %scan3A_49 step %scan3A_50  : i32 {
      %mul3A_74 = arith.constant 16 : i32
      %mul3A_75 = arith.muli %scan3A_73, %mul3A_74 : i32
      %get3A = arith.constant 7 : i32
      %get3A_76 = arith.index_cast %get3A : i32 to index
      %get3A_77 = arith.index_cast %mul3A_75 : i32 to index
      %get3A_78 = tpu.vector_load %arg5[%get3A_76, %get3A_77] {strides = array<i32>} : memref<8x1024xf32, #tpu.memory_space<vmem>>, vector<16xf32>,
      %bitcast_convert_type3A = tpu.bitcast %get3A_78 : vector<16xf32> -> vector<16xi32>
      %shift_right_logical3A = arith.constant 16 : i32
      %shift_right_logical3A_79 = vector.broadcast %shift_right_logical3A : i32 to vector<16xi32>
      %shift_right_logical3A_80 = arith.shrui %bitcast_convert_type3A, %shift_right_logical3A_79 : vector<16xi32>
      %and3A = arith.constant 1 : i32
      %and3A_81 = vector.broadcast %and3A : i32 to vector<16xi32>
      %and3A_82 = arith.andi %shift_right_logical3A_80, %and3A_81 : vector<16xi32>
      %add3A_83 = arith.constant 32767 : i32
      %add3A_84 = vector.broadcast %add3A_83 : i32 to vector<16xi32>
      %add3A_85 = arith.addi %bitcast_convert_type3A, %add3A_84 : vector<16xi32>
      %add3A_86 = arith.addi %add3A_85, %and3A_82 : vector<16xi32>
      %and3A_87 = arith.constant -65536 : i32
      %and3A_88 = vector.broadcast %and3A_87 : i32 to vector<16xi32>
      %and3A_89 = arith.andi %add3A_86, %and3A_88 : vector<16xi32>
      %bitcast_convert_type3A_90 = tpu.bitcast %and3A_89 : vector<16xi32> -> vector<16xf32>
      %mul3A_91 = arith.constant 16 : i32
      %mul3A_92 = arith.muli %scan3A_73, %mul3A_91 : i32
      %swap3A = arith.constant 7 : i32
      %swap3A_93 = arith.index_cast %swap3A : i32 to index
      %swap3A_94 = arith.index_cast %mul3A_92 : i32 to index
      %swap3A_95 = tpu.vector_load %arg5[%swap3A_93, %swap3A_94] {strides = array<i32>} : memref<8x1024xf32, #tpu.memory_space<vmem>>, vector<16xf32>,
      tpu.vector_store %arg5[%swap3A_93, %swap3A_94], %bitcast_convert_type3A_90 {strides = array<i32>} : memref<8x1024xf32, #tpu.memory_space<vmem>>, vector<16xf32>,
    }
    %scan3A_51 = arith.constant 64 : i32
    %iota3A = tpu.iota {dimensions = array<i32: 0>} : vector<16xi32>
    %scan3A_52 = arith.constant 0 : i32
    %scan3A_53 = arith.constant 0 : i32
    %scan3A_54 = arith.constant 4 : i32
    %scan3A_55 = arith.addi %scan3A_53, %scan3A_54 : i32
    %scan3A_56 = arith.constant 1 : i32
    scf.for %scan3A_73 = %scan3A_53 to %scan3A_55 step %scan3A_56  : i32 {
      %mul3A_74 = arith.constant 4 : i32
      %mul3A_75 = arith.muli %scan3A_73, %mul3A_74 : i32
      %add3A_76 = arith.addi %mul3A_4, %mul3A_75 : i32
      "tpu.region"() ({
        %run_scoped3A_1398 = tpu.sem_alloc : memref<!tpu.dma_semaphore, #tpu.memory_space<semaphore_mem>>
        %dma_start3A = arith.constant 0 : i32
        %dma_start3A_1399 = arith.constant 0 : i32
        %dma_start3A_1400 = tpu.memref_slice %arg2[%add3A_76, %dma_start3A, %dma_start3A_1399] : memref<8192x4x1024xf32, #tpu.memory_space<hbm>> -> memref<4x4x1024xf32, #tpu.memory_space<hbm>>
        %dma_start3A_1401 = arith.constant 0 : i32
        %dma_start3A_1402 = arith.constant 0 : i32
        %dma_start3A_1403 = tpu.memref_slice %arg2[%add3A_76, %dma_start3A_1401, %dma_start3A_1402] : memref<8192x4x1024xf32, #tpu.memory_space<hbm>> -> memref<4x4x1024xf32, #tpu.memory_space<hbm>>
        tpu.enqueue_dma source(%dma_start3A_1403 : memref<4x4x1024xf32, #tpu.memory_space<hbm>>) target(%arg6 : memref<4x4x1024xf32, #tpu.memory_space<vmem>>) target_semaphore(%run_scoped3A_1398 : memref<!tpu.dma_semaphore, #tpu.memory_space<semaphore_mem>>)
        %dma_wait3A = arith.constant 0 : i32
        %dma_wait3A_1404 = arith.constant 0 : i32
        %dma_wait3A_1405 = tpu.memref_slice %arg2[%add3A_76, %dma_wait3A, %dma_wait3A_1404] : memref<8192x4x1024xf32, #tpu.memory_space<hbm>> -> memref<4x4x1024xf32, #tpu.memory_space<hbm>>
        %dma_wait3A_1406 = arith.constant 0 : i32
        %dma_wait3A_1407 = arith.constant 0 : i32
        %dma_wait3A_1408 = tpu.memref_slice %arg2[%add3A_76, %dma_wait3A_1406, %dma_wait3A_1407] : memref<8192x4x1024xf32, #tpu.memory_space<hbm>> -> memref<4x4x1024xf32, #tpu.memory_space<hbm>>
        tpu.wait_dma2 semaphore(%run_scoped3A_1398 : memref<!tpu.dma_semaphore, #tpu.memory_space<semaphore_mem>>) src(%dma_wait3A_1408 : memref<4x4x1024xf32, #tpu.memory_space<hbm>>) dst(%arg6 : memref<4x4x1024xf32, #tpu.memory_space<vmem>>)
        tpu.yield
      }) : () -> ()
      %broadcast_in_dim3A = arith.constant 0.000000e+00 : f32
      %broadcast_in_dim3A_77 = vector.broadcast %broadcast_in_dim3A : f32 to vector<16xf32>
      %scan3A_78 = arith.constant 0 : i32
      %scan3A_79 = arith.constant 64 : i32
      %scan3A_80 = arith.addi %scan3A_78, %scan3A_79 : i32
      %scan3A_81 = arith.constant 1 : i32
      %scan3A_82:32 = scf.for %scan3A_1398 = %scan3A_78 to %scan3A_80 step %scan3A_81 iter_args(%scan3A_1399 = %broadcast_in_dim3A_77, %scan3A_1400 = %broadcast_in_dim3A_77, %scan3A_1401 = %broadcast_in_dim3A_77, %scan3A_1402 = %broadcast_in_dim3A_77, %scan3A_1403 = %broadcast_in_dim3A_77, %scan3A_1404 = %broadcast_in_dim3A_77, %scan3A_1405 = %broadcast_in_dim3A_77, %scan3A_1406 = %broadcast_in_dim3A_77, %scan3A_1407 = %broadcast_in_dim3A_77, %scan3A_1408 = %broadcast_in_dim3A_77, %scan3A_1409 = %broadcast_in_dim3A_77, %scan3A_1410 = %broadcast_in_dim3A_77, %scan3A_1411 = %broadcast_in_dim3A_77, %scan3A_1412 = %broadcast_in_dim3A_77, %scan3A_1413 = %broadcast_in_dim3A_77, %scan3A_1414 = %broadcast_in_dim3A_77, %scan3A_1415 = %broadcast_in_dim3A_77, %scan3A_1416 = %broadcast_in_dim3A_77, %scan3A_1417 = %broadcast_in_dim3A_77, %scan3A_1418 = %broadcast_in_dim3A_77, %scan3A_1419 = %broadcast_in_dim3A_77, %scan3A_1420 = %broadcast_in_dim3A_77, %scan3A_1421 = %broadcast_in_dim3A_77, %scan3A_1422 = %broadcast_in_dim3A_77, %scan3A_1423 = %broadcast_in_dim3A_77, %scan3A_1424 = %broadcast_in_dim3A_77, %scan3A_1425 = %broadcast_in_dim3A_77, %scan3A_1426 = %broadcast_in_dim3A_77, %scan3A_1427 = %broadcast_in_dim3A_77, %scan3A_1428 = %broadcast_in_dim3A_77, %scan3A_1429 = %broadcast_in_dim3A_77, %scan3A_1430 = %broadcast_in_dim3A_77) -> (vector<16xf32>, vector<16xf32>, vector<16xf32>, vector<16xf32>, vector<16xf32>, vector<16xf32>, vector<16xf32>, vector<16xf32>, vector<16xf32>, vector<16xf32>, vector<16xf32>, vector<16xf32>, vector<16xf32>, vector<16xf32>, vector<16xf32>, vector<16xf32>, vector<16xf32>, vector<16xf32>, vector<16xf32>, vector<16xf32>, vector<16xf32>, vector<16xf32>, vector<16xf32>, vector<16xf32>, vector<16xf32>, vector<16xf32>, vector<16xf32>, vector<16xf32>, vector<16xf32>, vector<16xf32>, vector<16xf32>, vector<16xf32>)  : i32 {
        %mul3A_1431 = arith.constant 16 : i32
        %mul3A_1432 = arith.muli %scan3A_1398, %mul3A_1431 : i32
        %get3A = arith.constant 0 : i32
        %get3A_1433 = arith.constant 0 : i32
        %get3A_1434 = arith.index_cast %get3A : i32 to index
        %get3A_1435 = arith.index_cast %get3A_1433 : i32 to index
        %get3A_1436 = arith.index_cast %mul3A_1432 : i32 to index
        %get3A_1437 = tpu.vector_load %arg6[%get3A_1434, %get3A_1435, %get3A_1436] {strides = array<i32>} : memref<4x4x1024xf32, #tpu.memory_space<vmem>>, vector<16xf32>,
        %bitcast_convert_type3A = tpu.bitcast %get3A_1437 : vector<16xf32> -> vector<16xi32>
        %shift_right_logical3A = arith.constant 16 : i32
        %shift_right_logical3A_1438 = vector.broadcast %shift_right_logical3A : i32 to vector<16xi32>
        %shift_right_logical3A_1439 = arith.shrui %bitcast_convert_type3A, %shift_right_logical3A_1438 : vector<16xi32>
        %and3A = arith.constant 1 : i32
        %and3A_1440 = vector.broadcast %and3A : i32 to vector<16xi32>
        %and3A_1441 = arith.andi %shift_right_logical3A_1439, %and3A_1440 : vector<16xi32>
        %add3A_1442 = arith.constant 32767 : i32
        %add3A_1443 = vector.broadcast %add3A_1442 : i32 to vector<16xi32>
        %add3A_1444 = arith.addi %bitcast_convert_type3A, %add3A_1443 : vector<16xi32>
        %add3A_1445 = arith.addi %add3A_1444, %and3A_1441 : vector<16xi32>
        %and3A_1446 = arith.constant -65536 : i32
        %and3A_1447 = vector.broadcast %and3A_1446 : i32 to vector<16xi32>
        %and3A_1448 = arith.andi %add3A_1445, %and3A_1447 : vector<16xi32>
        %bitcast_convert_type3A_1449 = tpu.bitcast %and3A_1448 : vector<16xi32> -> vector<16xf32>
        %mul3A_1450 = arith.constant 16 : i32
        %mul3A_1451 = arith.muli %scan3A_1398, %mul3A_1450 : i32
        %get3A_1452 = arith.constant 0 : i32
        %get3A_1453 = arith.constant 1 : i32
        %get3A_1454 = arith.index_cast %get3A_1452 : i32 to index
        %get3A_1455 = arith.index_cast %get3A_1453 : i32 to index
        %get3A_1456 = arith.index_cast %mul3A_1451 : i32 to index
        %get3A_1457 = tpu.vector_load %arg6[%get3A_1454, %get3A_1455, %get3A_1456] {strides = array<i32>} : memref<4x4x1024xf32, #tpu.memory_space<vmem>>, vector<16xf32>,
        %bitcast_convert_type3A_1458 = tpu.bitcast %get3A_1457 : vector<16xf32> -> vector<16xi32>
        %shift_right_logical3A_1459 = arith.constant 16 : i32
        %shift_right_logical3A_1460 = vector.broadcast %shift_right_logical3A_1459 : i32 to vector<16xi32>
        %shift_right_logical3A_1461 = arith.shrui %bitcast_convert_type3A_1458, %shift_right_logical3A_1460 : vector<16xi32>
        %and3A_1462 = arith.constant 1 : i32
        %and3A_1463 = vector.broadcast %and3A_1462 : i32 to vector<16xi32>
        %and3A_1464 = arith.andi %shift_right_logical3A_1461, %and3A_1463 : vector<16xi32>
        %add3A_1465 = arith.constant 32767 : i32
        %add3A_1466 = vector.broadcast %add3A_1465 : i32 to vector<16xi32>
        %add3A_1467 = arith.addi %bitcast_convert_type3A_1458, %add3A_1466 : vector<16xi32>
        %add3A_1468 = arith.addi %add3A_1467, %and3A_1464 : vector<16xi32>
        %and3A_1469 = arith.constant -65536 : i32
        %and3A_1470 = vector.broadcast %and3A_1469 : i32 to vector<16xi32>
        %and3A_1471 = arith.andi %add3A_1468, %and3A_1470 : vector<16xi32>
        %bitcast_convert_type3A_1472 = tpu.bitcast %and3A_1471 : vector<16xi32> -> vector<16xf32>
        %mul3A_1473 = arith.constant 16 : i32
        %mul3A_1474 = arith.muli %scan3A_1398, %mul3A_1473 : i32
        %get3A_1475 = arith.constant 0 : i32
        %get3A_1476 = arith.constant 2 : i32
        %get3A_1477 = arith.index_cast %get3A_1475 : i32 to index
        %get3A_1478 = arith.index_cast %get3A_1476 : i32 to index
        %get3A_1479 = arith.index_cast %mul3A_1474 : i32 to index
        %get3A_1480 = tpu.vector_load %arg6[%get3A_1477, %get3A_1478, %get3A_1479] {strides = array<i32>} : memref<4x4x1024xf32, #tpu.memory_space<vmem>>, vector<16xf32>,
        %bitcast_convert_type3A_1481 = tpu.bitcast %get3A_1480 : vector<16xf32> -> vector<16xi32>
        %shift_right_logical3A_1482 = arith.constant 16 : i32
        %shift_right_logical3A_1483 = vector.broadcast %shift_right_logical3A_1482 : i32 to vector<16xi32>
        %shift_right_logical3A_1484 = arith.shrui %bitcast_convert_type3A_1481, %shift_right_logical3A_1483 : vector<16xi32>
        %and3A_1485 = arith.constant 1 : i32
        %and3A_1486 = vector.broadcast %and3A_1485 : i32 to vector<16xi32>
        %and3A_1487 = arith.andi %shift_right_logical3A_1484, %and3A_1486 : vector<16xi32>
        %add3A_1488 = arith.constant 32767 : i32
        %add3A_1489 = vector.broadcast %add3A_1488 : i32 to vector<16xi32>
        %add3A_1490 = arith.addi %bitcast_convert_type3A_1481, %add3A_1489 : vector<16xi32>
        %add3A_1491 = arith.addi %add3A_1490, %and3A_1487 : vector<16xi32>
        %and3A_1492 = arith.constant -65536 : i32
        %and3A_1493 = vector.broadcast %and3A_1492 : i32 to vector<16xi32>
        %and3A_1494 = arith.andi %add3A_1491, %and3A_1493 : vector<16xi32>
        %bitcast_convert_type3A_1495 = tpu.bitcast %and3A_1494 : vector<16xi32> -> vector<16xf32>
        %mul3A_1496 = arith.constant 16 : i32
        %mul3A_1497 = arith.muli %scan3A_1398, %mul3A_1496 : i32
        %get3A_1498 = arith.constant 0 : i32
        %get3A_1499 = arith.constant 3 : i32
        %get3A_1500 = arith.index_cast %get3A_1498 : i32 to index
        %get3A_1501 = arith.index_cast %get3A_1499 : i32 to index
        %get3A_1502 = arith.index_cast %mul3A_1497 : i32 to index
        %get3A_1503 = tpu.vector_load %arg6[%get3A_1500, %get3A_1501, %get3A_1502] {strides = array<i32>} : memref<4x4x1024xf32, #tpu.memory_space<vmem>>, vector<16xf32>,
        %bitcast_convert_type3A_1504 = tpu.bitcast %get3A_1503 : vector<16xf32> -> vector<16xi32>
        %shift_right_logical3A_1505 = arith.constant 16 : i32
        %shift_right_logical3A_1506 = vector.broadcast %shift_right_logical3A_1505 : i32 to vector<16xi32>
        %shift_right_logical3A_1507 = arith.shrui %bitcast_convert_type3A_1504, %shift_right_logical3A_1506 : vector<16xi32>
        %and3A_1508 = arith.constant 1 : i32
        %and3A_1509 = vector.broadcast %and3A_1508 : i32 to vector<16xi32>
        %and3A_1510 = arith.andi %shift_right_logical3A_1507, %and3A_1509 : vector<16xi32>
        %add3A_1511 = arith.constant 32767 : i32
        %add3A_1512 = vector.broadcast %add3A_1511 : i32 to vector<16xi32>
        %add3A_1513 = arith.addi %bitcast_convert_type3A_1504, %add3A_1512 : vector<16xi32>
        %add3A_1514 = arith.addi %add3A_1513, %and3A_1510 : vector<16xi32>
        %and3A_1515 = arith.constant -65536 : i32
        %and3A_1516 = vector.broadcast %and3A_1515 : i32 to vector<16xi32>
        %and3A_1517 = arith.andi %add3A_1514, %and3A_1516 : vector<16xi32>
        %bitcast_convert_type3A_1518 = tpu.bitcast %and3A_1517 : vector<16xi32> -> vector<16xf32>
        %mul3A_1519 = arith.constant 16 : i32
        %mul3A_1520 = arith.muli %scan3A_1398, %mul3A_1519 : i32
        %get3A_1521 = arith.constant 0 : i32
        %get3A_1522 = arith.index_cast %get3A_1521 : i32 to index
        %get3A_1523 = arith.index_cast %mul3A_1520 : i32 to index
        %get3A_1524 = tpu.vector_load %arg5[%get3A_1522, %get3A_1523] {strides = array<i32>} : memref<8x1024xf32, #tpu.memory_space<vmem>>, vector<16xf32>,
        %mul3A_1525 = arith.constant 16 : i32
        %mul3A_1526 = arith.muli %scan3A_1398, %mul3A_1525 : i32
        %get3A_1527 = arith.constant 1 : i32
        %get3A_1528 = arith.index_cast %get3A_1527 : i32 to index
        %get3A_1529 = arith.index_cast %mul3A_1526 : i32 to index
        %get3A_1530 = tpu.vector_load %arg5[%get3A_1528, %get3A_1529] {strides = array<i32>} : memref<8x1024xf32, #tpu.memory_space<vmem>>, vector<16xf32>,
        %mul3A_1531 = arith.constant 16 : i32
        %mul3A_1532 = arith.muli %scan3A_1398, %mul3A_1531 : i32
        %get3A_1533 = arith.constant 2 : i32
        %get3A_1534 = arith.index_cast %get3A_1533 : i32 to index
        %get3A_1535 = arith.index_cast %mul3A_1532 : i32 to index
        %get3A_1536 = tpu.vector_load %arg5[%get3A_1534, %get3A_1535] {strides = array<i32>} : memref<8x1024xf32, #tpu.memory_space<vmem>>, vector<16xf32>,
        %mul3A_1537 = arith.constant 16 : i32
        %mul3A_1538 = arith.muli %scan3A_1398, %mul3A_1537 : i32
        %get3A_1539 = arith.constant 3 : i32
        %get3A_1540 = arith.index_cast %get3A_1539 : i32 to index
        %get3A_1541 = arith.index_cast %mul3A_1538 : i32 to index
        %get3A_1542 = tpu.vector_load %arg5[%get3A_1540, %get3A_1541] {strides = array<i32>} : memref<8x1024xf32, #tpu.memory_space<vmem>>, vector<16xf32>,
        %mul3A_1543 = arith.constant 16 : i32
        %mul3A_1544 = arith.muli %scan3A_1398, %mul3A_1543 : i32
        %get3A_1545 = arith.constant 4 : i32
        %get3A_1546 = arith.index_cast %get3A_1545 : i32 to index
        %get3A_1547 = arith.index_cast %mul3A_1544 : i32 to index
        %get3A_1548 = tpu.vector_load %arg5[%get3A_1546, %get3A_1547] {strides = array<i32>} : memref<8x1024xf32, #tpu.memory_space<vmem>>, vector<16xf32>,
        %mul3A_1549 = arith.constant 16 : i32
        %mul3A_1550 = arith.muli %scan3A_1398, %mul3A_1549 : i32
        %get3A_1551 = arith.constant 5 : i32
        %get3A_1552 = arith.index_cast %get3A_1551 : i32 to index
        %get3A_1553 = arith.index_cast %mul3A_1550 : i32 to index
        %get3A_1554 = tpu.vector_load %arg5[%get3A_1552, %get3A_1553] {strides = array<i32>} : memref<8x1024xf32, #tpu.memory_space<vmem>>, vector<16xf32>,
        %mul3A_1555 = arith.constant 16 : i32
        %mul3A_1556 = arith.muli %scan3A_1398, %mul3A_1555 : i32
        %get3A_1557 = arith.constant 6 : i32
        %get3A_1558 = arith.index_cast %get3A_1557 : i32 to index
        %get3A_1559 = arith.index_cast %mul3A_1556 : i32 to index
        %get3A_1560 = tpu.vector_load %arg5[%get3A_1558, %get3A_1559] {strides = array<i32>} : memref<8x1024xf32, #tpu.memory_space<vmem>>, vector<16xf32>,
        %mul3A_1561 = arith.constant 16 : i32
        %mul3A_1562 = arith.muli %scan3A_1398, %mul3A_1561 : i32
        %get3A_1563 = arith.constant 7 : i32
        %get3A_1564 = arith.index_cast %get3A_1563 : i32 to index
        %get3A_1565 = arith.index_cast %mul3A_1562 : i32 to index
        %get3A_1566 = tpu.vector_load %arg5[%get3A_1564, %get3A_1565] {strides = array<i32>} : memref<8x1024xf32, #tpu.memory_space<vmem>>, vector<16xf32>,
        %mul3A_1567 = arith.mulf %bitcast_convert_type3A_1449, %get3A_1524 : vector<16xf32>
        %add3A_1568 = arith.addf %scan3A_1399, %mul3A_1567 : vector<16xf32>
        %mul3A_1569 = arith.mulf %bitcast_convert_type3A_1449, %get3A_1530 : vector<16xf32>
        %add3A_1570 = arith.addf %scan3A_1400, %mul3A_1569 : vector<16xf32>
        %mul3A_1571 = arith.mulf %bitcast_convert_type3A_1449, %get3A_1536 : vector<16xf32>
        %add3A_1572 = arith.addf %scan3A_1401, %mul3A_1571 : vector<16xf32>
        %mul3A_1573 = arith.mulf %bitcast_convert_type3A_1449, %get3A_1542 : vector<16xf32>
        %add3A_1574 = arith.addf %scan3A_1402, %mul3A_1573 : vector<16xf32>
        %mul3A_1575 = arith.mulf %bitcast_convert_type3A_1449, %get3A_1548 : vector<16xf32>
        %add3A_1576 = arith.addf %scan3A_1403, %mul3A_1575 : vector<16xf32>
        %mul3A_1577 = arith.mulf %bitcast_convert_type3A_1449, %get3A_1554 : vector<16xf32>
        %add3A_1578 = arith.addf %scan3A_1404, %mul3A_1577 : vector<16xf32>
        %mul3A_1579 = arith.mulf %bitcast_convert_type3A_1449, %get3A_1560 : vector<16xf32>
        %add3A_1580 = arith.addf %scan3A_1405, %mul3A_1579 : vector<16xf32>
        %mul3A_1581 = arith.mulf %bitcast_convert_type3A_1449, %get3A_1566 : vector<16xf32>
        %add3A_1582 = arith.addf %scan3A_1406, %mul3A_1581 : vector<16xf32>
        %mul3A_1583 = arith.mulf %bitcast_convert_type3A_1472, %get3A_1524 : vector<16xf32>
        %add3A_1584 = arith.addf %scan3A_1407, %mul3A_1583 : vector<16xf32>
        %mul3A_1585 = arith.mulf %bitcast_convert_type3A_1472, %get3A_1530 : vector<16xf32>
        %add3A_1586 = arith.addf %scan3A_1408, %mul3A_1585 : vector<16xf32>
        %mul3A_1587 = arith.mulf %bitcast_convert_type3A_1472, %get3A_1536 : vector<16xf32>
        %add3A_1588 = arith.addf %scan3A_1409, %mul3A_1587 : vector<16xf32>
        %mul3A_1589 = arith.mulf %bitcast_convert_type3A_1472, %get3A_1542 : vector<16xf32>
        %add3A_1590 = arith.addf %scan3A_1410, %mul3A_1589 : vector<16xf32>
        %mul3A_1591 = arith.mulf %bitcast_convert_type3A_1472, %get3A_1548 : vector<16xf32>
        %add3A_1592 = arith.addf %scan3A_1411, %mul3A_1591 : vector<16xf32>
        %mul3A_1593 = arith.mulf %bitcast_convert_type3A_1472, %get3A_1554 : vector<16xf32>
        %add3A_1594 = arith.addf %scan3A_1412, %mul3A_1593 : vector<16xf32>
        %mul3A_1595 = arith.mulf %bitcast_convert_type3A_1472, %get3A_1560 : vector<16xf32>
        %add3A_1596 = arith.addf %scan3A_1413, %mul3A_1595 : vector<16xf32>
        %mul3A_1597 = arith.mulf %bitcast_convert_type3A_1472, %get3A_1566 : vector<16xf32>
        %add3A_1598 = arith.addf %scan3A_1414, %mul3A_1597 : vector<16xf32>
        %mul3A_1599 = arith.mulf %bitcast_convert_type3A_1495, %get3A_1524 : vector<16xf32>
        %add3A_1600 = arith.addf %scan3A_1415, %mul3A_1599 : vector<16xf32>
        %mul3A_1601 = arith.mulf %bitcast_convert_type3A_1495, %get3A_1530 : vector<16xf32>
        %add3A_1602 = arith.addf %scan3A_1416, %mul3A_1601 : vector<16xf32>
        %mul3A_1603 = arith.mulf %bitcast_convert_type3A_1495, %get3A_1536 : vector<16xf32>
        %add3A_1604 = arith.addf %scan3A_1417, %mul3A_1603 : vector<16xf32>
        %mul3A_1605 = arith.mulf %bitcast_convert_type3A_1495, %get3A_1542 : vector<16xf32>
        %add3A_1606 = arith.addf %scan3A_1418, %mul3A_1605 : vector<16xf32>
        %mul3A_1607 = arith.mulf %bitcast_convert_type3A_1495, %get3A_1548 : vector<16xf32>
        %add3A_1608 = arith.addf %scan3A_1419, %mul3A_1607 : vector<16xf32>
        %mul3A_1609 = arith.mulf %bitcast_convert_type3A_1495, %get3A_1554 : vector<16xf32>
        %add3A_1610 = arith.addf %scan3A_1420, %mul3A_1609 : vector<16xf32>
        %mul3A_1611 = arith.mulf %bitcast_convert_type3A_1495, %get3A_1560 : vector<16xf32>
        %add3A_1612 = arith.addf %scan3A_1421, %mul3A_1611 : vector<16xf32>
        %mul3A_1613 = arith.mulf %bitcast_convert_type3A_1495, %get3A_1566 : vector<16xf32>
        %add3A_1614 = arith.addf %scan3A_1422, %mul3A_1613 : vector<16xf32>
        %mul3A_1615 = arith.mulf %bitcast_convert_type3A_1518, %get3A_1524 : vector<16xf32>
        %add3A_1616 = arith.addf %scan3A_1423, %mul3A_1615 : vector<16xf32>
        %mul3A_1617 = arith.mulf %bitcast_convert_type3A_1518, %get3A_1530 : vector<16xf32>
        %add3A_1618 = arith.addf %scan3A_1424, %mul3A_1617 : vector<16xf32>
        %mul3A_1619 = arith.mulf %bitcast_convert_type3A_1518, %get3A_1536 : vector<16xf32>
        %add3A_1620 = arith.addf %scan3A_1425, %mul3A_1619 : vector<16xf32>
        %mul3A_1621 = arith.mulf %bitcast_convert_type3A_1518, %get3A_1542 : vector<16xf32>
        %add3A_1622 = arith.addf %scan3A_1426, %mul3A_1621 : vector<16xf32>
        %mul3A_1623 = arith.mulf %bitcast_convert_type3A_1518, %get3A_1548 : vector<16xf32>
        %add3A_1624 = arith.addf %scan3A_1427, %mul3A_1623 : vector<16xf32>
        %mul3A_1625 = arith.mulf %bitcast_convert_type3A_1518, %get3A_1554 : vector<16xf32>
        %add3A_1626 = arith.addf %scan3A_1428, %mul3A_1625 : vector<16xf32>
        %mul3A_1627 = arith.mulf %bitcast_convert_type3A_1518, %get3A_1560 : vector<16xf32>
        %add3A_1628 = arith.addf %scan3A_1429, %mul3A_1627 : vector<16xf32>
        %mul3A_1629 = arith.mulf %bitcast_convert_type3A_1518, %get3A_1566 : vector<16xf32>
        %add3A_1630 = arith.addf %scan3A_1430, %mul3A_1629 : vector<16xf32>
        scf.yield %add3A_1568, %add3A_1570, %add3A_1572, %add3A_1574, %add3A_1576, %add3A_1578, %add3A_1580, %add3A_1582, %add3A_1584, %add3A_1586, %add3A_1588, %add3A_1590, %add3A_1592, %add3A_1594, %add3A_1596, %add3A_1598, %add3A_1600, %add3A_1602, %add3A_1604, %add3A_1606, %add3A_1608, %add3A_1610, %add3A_1612, %add3A_1614, %add3A_1616, %add3A_1618, %add3A_1620, %add3A_1622, %add3A_1624, %add3A_1626, %add3A_1628, %add3A_1630 : vector<16xf32>, vector<16xf32>, vector<16xf32>, vector<16xf32>, vector<16xf32>, vector<16xf32>, vector<16xf32>, vector<16xf32>, vector<16xf32>, vector<16xf32>, vector<16xf32>, vector<16xf32>, vector<16xf32>, vector<16xf32>, vector<16xf32>, vector<16xf32>, vector<16xf32>, vector<16xf32>, vector<16xf32>, vector<16xf32>, vector<16xf32>, vector<16xf32>, vector<16xf32>, vector<16xf32>, vector<16xf32>, vector<16xf32>, vector<16xf32>, vector<16xf32>, vector<16xf32>, vector<16xf32>, vector<16xf32>, vector<16xf32>
      }
      %scan3A_83 = arith.constant 64 : i32
      %eq3A = arith.constant 0 : i32
      %eq3A_84 = vector.broadcast %eq3A : i32 to vector<16xi32>
      %eq3A_85 = arith.cmpi eq, %iota3A, %eq3A_84 : vector<16xi32>
      %reduce_sum3A = arith.constant true
      %reduce_sum3A_86 = vector.broadcast %reduce_sum3A : i1 to vector<16xi1>
      %reduce_sum3A_87 = tpu.scan <sum>, %scan3A_82#0 masked %reduce_sum3A_86 : vector<16xf32>, vector<16xi1> -> vector<16xf32>
      %reduce_sum3A_88 = vector.extract %reduce_sum3A_87[15] : f32 from vector<16xf32>
      %broadcast_in_dim3A_89 = vector.broadcast %reduce_sum3A_88 : f32 to vector<16xf32>
      %select_n3A = arith.select %eq3A_85, %broadcast_in_dim3A_89, %broadcast_in_dim3A_77 : vector<16xi1>, vector<16xf32>
      %eq3A_90 = arith.constant 1 : i32
      %eq3A_91 = vector.broadcast %eq3A_90 : i32 to vector<16xi32>
      %eq3A_92 = arith.cmpi eq, %iota3A, %eq3A_91 : vector<16xi32>
      %reduce_sum3A_93 = arith.constant true
      %reduce_sum3A_94 = vector.broadcast %reduce_sum3A_93 : i1 to vector<16xi1>
      %reduce_sum3A_95 = tpu.scan <sum>, %scan3A_82#1 masked %reduce_sum3A_94 : vector<16xf32>, vector<16xi1> -> vector<16xf32>
      %reduce_sum3A_96 = vector.extract %reduce_sum3A_95[15] : f32 from vector<16xf32>
      %broadcast_in_dim3A_97 = vector.broadcast %reduce_sum3A_96 : f32 to vector<16xf32>
      %select_n3A_98 = arith.select %eq3A_92, %broadcast_in_dim3A_97, %select_n3A : vector<16xi1>, vector<16xf32>
      %eq3A_99 = arith.constant 2 : i32
      %eq3A_100 = vector.broadcast %eq3A_99 : i32 to vector<16xi32>
      %eq3A_101 = arith.cmpi eq, %iota3A, %eq3A_100 : vector<16xi32>
      %reduce_sum3A_102 = arith.constant true
      %reduce_sum3A_103 = vector.broadcast %reduce_sum3A_102 : i1 to vector<16xi1>
      %reduce_sum3A_104 = tpu.scan <sum>, %scan3A_82#2 masked %reduce_sum3A_103 : vector<16xf32>, vector<16xi1> -> vector<16xf32>
      %reduce_sum3A_105 = vector.extract %reduce_sum3A_104[15] : f32 from vector<16xf32>
      %broadcast_in_dim3A_106 = vector.broadcast %reduce_sum3A_105 : f32 to vector<16xf32>
      %select_n3A_107 = arith.select %eq3A_101, %broadcast_in_dim3A_106, %select_n3A_98 : vector<16xi1>, vector<16xf32>
      %eq3A_108 = arith.constant 3 : i32
      %eq3A_109 = vector.broadcast %eq3A_108 : i32 to vector<16xi32>
      %eq3A_110 = arith.cmpi eq, %iota3A, %eq3A_109 : vector<16xi32>
      %reduce_sum3A_111 = arith.constant true
      %reduce_sum3A_112 = vector.broadcast %reduce_sum3A_111 : i1 to vector<16xi1>
      %reduce_sum3A_113 = tpu.scan <sum>, %scan3A_82#3 masked %reduce_sum3A_112 : vector<16xf32>, vector<16xi1> -> vector<16xf32>
      %reduce_sum3A_114 = vector.extract %reduce_sum3A_113[15] : f32 from vector<16xf32>
      %broadcast_in_dim3A_115 = vector.broadcast %reduce_sum3A_114 : f32 to vector<16xf32>
      %select_n3A_116 = arith.select %eq3A_110, %broadcast_in_dim3A_115, %select_n3A_107 : vector<16xi1>, vector<16xf32>
      %eq3A_117 = arith.constant 4 : i32
      %eq3A_118 = vector.broadcast %eq3A_117 : i32 to vector<16xi32>
      %eq3A_119 = arith.cmpi eq, %iota3A, %eq3A_118 : vector<16xi32>
      %reduce_sum3A_120 = arith.constant true
      %reduce_sum3A_121 = vector.broadcast %reduce_sum3A_120 : i1 to vector<16xi1>
      %reduce_sum3A_122 = tpu.scan <sum>, %scan3A_82#4 masked %reduce_sum3A_121 : vector<16xf32>, vector<16xi1> -> vector<16xf32>
      %reduce_sum3A_123 = vector.extract %reduce_sum3A_122[15] : f32 from vector<16xf32>
      %broadcast_in_dim3A_124 = vector.broadcast %reduce_sum3A_123 : f32 to vector<16xf32>
      %select_n3A_125 = arith.select %eq3A_119, %broadcast_in_dim3A_124, %select_n3A_116 : vector<16xi1>, vector<16xf32>
      %eq3A_126 = arith.constant 5 : i32
      %eq3A_127 = vector.broadcast %eq3A_126 : i32 to vector<16xi32>
      %eq3A_128 = arith.cmpi eq, %iota3A, %eq3A_127 : vector<16xi32>
      %reduce_sum3A_129 = arith.constant true
      %reduce_sum3A_130 = vector.broadcast %reduce_sum3A_129 : i1 to vector<16xi1>
      %reduce_sum3A_131 = tpu.scan <sum>, %scan3A_82#5 masked %reduce_sum3A_130 : vector<16xf32>, vector<16xi1> -> vector<16xf32>
      %reduce_sum3A_132 = vector.extract %reduce_sum3A_131[15] : f32 from vector<16xf32>
      %broadcast_in_dim3A_133 = vector.broadcast %reduce_sum3A_132 : f32 to vector<16xf32>
      %select_n3A_134 = arith.select %eq3A_128, %broadcast_in_dim3A_133, %select_n3A_125 : vector<16xi1>, vector<16xf32>
      %eq3A_135 = arith.constant 6 : i32
      %eq3A_136 = vector.broadcast %eq3A_135 : i32 to vector<16xi32>
      %eq3A_137 = arith.cmpi eq, %iota3A, %eq3A_136 : vector<16xi32>
      %reduce_sum3A_138 = arith.constant true
      %reduce_sum3A_139 = vector.broadcast %reduce_sum3A_138 : i1 to vector<16xi1>
      %reduce_sum3A_140 = tpu.scan <sum>, %scan3A_82#6 masked %reduce_sum3A_139 : vector<16xf32>, vector<16xi1> -> vector<16xf32>
      %reduce_sum3A_141 = vector.extract %reduce_sum3A_140[15] : f32 from vector<16xf32>
      %broadcast_in_dim3A_142 = vector.broadcast %reduce_sum3A_141 : f32 to vector<16xf32>
      %select_n3A_143 = arith.select %eq3A_137, %broadcast_in_dim3A_142, %select_n3A_134 : vector<16xi1>, vector<16xf32>
      %eq3A_144 = arith.constant 7 : i32
      %eq3A_145 = vector.broadcast %eq3A_144 : i32 to vector<16xi32>
      %eq3A_146 = arith.cmpi eq, %iota3A, %eq3A_145 : vector<16xi32>
      %reduce_sum3A_147 = arith.constant true
      %reduce_sum3A_148 = vector.broadcast %reduce_sum3A_147 : i1 to vector<16xi1>
      %reduce_sum3A_149 = tpu.scan <sum>, %scan3A_82#7 masked %reduce_sum3A_148 : vector<16xf32>, vector<16xi1> -> vector<16xf32>
      %reduce_sum3A_150 = vector.extract %reduce_sum3A_149[15] : f32 from vector<16xf32>
      %broadcast_in_dim3A_151 = vector.broadcast %reduce_sum3A_150 : f32 to vector<16xf32>
      %select_n3A_152 = arith.select %eq3A_146, %broadcast_in_dim3A_151, %select_n3A_143 : vector<16xi1>, vector<16xf32>
      %swap3A = arith.constant 0 : i32
      %swap3A_153 = arith.index_cast %swap3A : i32 to index
      %swap3A_154 = arith.constant 0 : index
      %swap3A_155 = tpu.vector_load %arg7[%swap3A_153, %swap3A_154] {strides = array<i32>} : memref<16x16xf32, #tpu.memory_space<vmem>>, vector<16xf32>,
      tpu.vector_store %arg7[%swap3A_153, %swap3A_154], %select_n3A_152 {strides = array<i32>} : memref<16x16xf32, #tpu.memory_space<vmem>>, vector<16xf32>,
      %eq3A_156 = arith.constant 0 : i32
      %eq3A_157 = vector.broadcast %eq3A_156 : i32 to vector<16xi32>
      %eq3A_158 = arith.cmpi eq, %iota3A, %eq3A_157 : vector<16xi32>
      %reduce_sum3A_159 = arith.constant true
      %reduce_sum3A_160 = vector.broadcast %reduce_sum3A_159 : i1 to vector<16xi1>
      %reduce_sum3A_161 = tpu.scan <sum>, %scan3A_82#8 masked %reduce_sum3A_160 : vector<16xf32>, vector<16xi1> -> vector<16xf32>
      %reduce_sum3A_162 = vector.extract %reduce_sum3A_161[15] : f32 from vector<16xf32>
      %broadcast_in_dim3A_163 = vector.broadcast %reduce_sum3A_162 : f32 to vector<16xf32>
      %select_n3A_164 = arith.select %eq3A_158, %broadcast_in_dim3A_163, %broadcast_in_dim3A_77 : vector<16xi1>, vector<16xf32>
      %eq3A_165 = arith.constant 1 : i32
      %eq3A_166 = vector.broadcast %eq3A_165 : i32 to vector<16xi32>
      %eq3A_167 = arith.cmpi eq, %iota3A, %eq3A_166 : vector<16xi32>
      %reduce_sum3A_168 = arith.constant true
      %reduce_sum3A_169 = vector.broadcast %reduce_sum3A_168 : i1 to vector<16xi1>
      %reduce_sum3A_170 = tpu.scan <sum>, %scan3A_82#9 masked %reduce_sum3A_169 : vector<16xf32>, vector<16xi1> -> vector<16xf32>
      %reduce_sum3A_171 = vector.extract %reduce_sum3A_170[15] : f32 from vector<16xf32>
      %broadcast_in_dim3A_172 = vector.broadcast %reduce_sum3A_171 : f32 to vector<16xf32>
      %select_n3A_173 = arith.select %eq3A_167, %broadcast_in_dim3A_172, %select_n3A_164 : vector<16xi1>, vector<16xf32>
      %eq3A_174 = arith.constant 2 : i32
      %eq3A_175 = vector.broadcast %eq3A_174 : i32 to vector<16xi32>
      %eq3A_176 = arith.cmpi eq, %iota3A, %eq3A_175 : vector<16xi32>
      %reduce_sum3A_177 = arith.constant true
      %reduce_sum3A_178 = vector.broadcast %reduce_sum3A_177 : i1 to vector<16xi1>
      %reduce_sum3A_179 = tpu.scan <sum>, %scan3A_82#10 masked %reduce_sum3A_178 : vector<16xf32>, vector<16xi1> -> vector<16xf32>
      %reduce_sum3A_180 = vector.extract %reduce_sum3A_179[15] : f32 from vector<16xf32>
      %broadcast_in_dim3A_181 = vector.broadcast %reduce_sum3A_180 : f32 to vector<16xf32>
      %select_n3A_182 = arith.select %eq3A_176, %broadcast_in_dim3A_181, %select_n3A_173 : vector<16xi1>, vector<16xf32>
      %eq3A_183 = arith.constant 3 : i32
      %eq3A_184 = vector.broadcast %eq3A_183 : i32 to vector<16xi32>
      %eq3A_185 = arith.cmpi eq, %iota3A, %eq3A_184 : vector<16xi32>
      %reduce_sum3A_186 = arith.constant true
      %reduce_sum3A_187 = vector.broadcast %reduce_sum3A_186 : i1 to vector<16xi1>
      %reduce_sum3A_188 = tpu.scan <sum>, %scan3A_82#11 masked %reduce_sum3A_187 : vector<16xf32>, vector<16xi1> -> vector<16xf32>
      %reduce_sum3A_189 = vector.extract %reduce_sum3A_188[15] : f32 from vector<16xf32>
      %broadcast_in_dim3A_190 = vector.broadcast %reduce_sum3A_189 : f32 to vector<16xf32>
      %select_n3A_191 = arith.select %eq3A_185, %broadcast_in_dim3A_190, %select_n3A_182 : vector<16xi1>, vector<16xf32>
      %eq3A_192 = arith.constant 4 : i32
      %eq3A_193 = vector.broadcast %eq3A_192 : i32 to vector<16xi32>
      %eq3A_194 = arith.cmpi eq, %iota3A, %eq3A_193 : vector<16xi32>
      %reduce_sum3A_195 = arith.constant true
      %reduce_sum3A_196 = vector.broadcast %reduce_sum3A_195 : i1 to vector<16xi1>
      %reduce_sum3A_197 = tpu.scan <sum>, %scan3A_82#12 masked %reduce_sum3A_196 : vector<16xf32>, vector<16xi1> -> vector<16xf32>
      %reduce_sum3A_198 = vector.extract %reduce_sum3A_197[15] : f32 from vector<16xf32>
      %broadcast_in_dim3A_199 = vector.broadcast %reduce_sum3A_198 : f32 to vector<16xf32>
      %select_n3A_200 = arith.select %eq3A_194, %broadcast_in_dim3A_199, %select_n3A_191 : vector<16xi1>, vector<16xf32>
      %eq3A_201 = arith.constant 5 : i32
      %eq3A_202 = vector.broadcast %eq3A_201 : i32 to vector<16xi32>
      %eq3A_203 = arith.cmpi eq, %iota3A, %eq3A_202 : vector<16xi32>
      %reduce_sum3A_204 = arith.constant true
      %reduce_sum3A_205 = vector.broadcast %reduce_sum3A_204 : i1 to vector<16xi1>
      %reduce_sum3A_206 = tpu.scan <sum>, %scan3A_82#13 masked %reduce_sum3A_205 : vector<16xf32>, vector<16xi1> -> vector<16xf32>
      %reduce_sum3A_207 = vector.extract %reduce_sum3A_206[15] : f32 from vector<16xf32>
      %broadcast_in_dim3A_208 = vector.broadcast %reduce_sum3A_207 : f32 to vector<16xf32>
      %select_n3A_209 = arith.select %eq3A_203, %broadcast_in_dim3A_208, %select_n3A_200 : vector<16xi1>, vector<16xf32>
      %eq3A_210 = arith.constant 6 : i32
      %eq3A_211 = vector.broadcast %eq3A_210 : i32 to vector<16xi32>
      %eq3A_212 = arith.cmpi eq, %iota3A, %eq3A_211 : vector<16xi32>
      %reduce_sum3A_213 = arith.constant true
      %reduce_sum3A_214 = vector.broadcast %reduce_sum3A_213 : i1 to vector<16xi1>
      %reduce_sum3A_215 = tpu.scan <sum>, %scan3A_82#14 masked %reduce_sum3A_214 : vector<16xf32>, vector<16xi1> -> vector<16xf32>
      %reduce_sum3A_216 = vector.extract %reduce_sum3A_215[15] : f32 from vector<16xf32>
      %broadcast_in_dim3A_217 = vector.broadcast %reduce_sum3A_216 : f32 to vector<16xf32>
      %select_n3A_218 = arith.select %eq3A_212, %broadcast_in_dim3A_217, %select_n3A_209 : vector<16xi1>, vector<16xf32>
      %eq3A_219 = arith.constant 7 : i32
      %eq3A_220 = vector.broadcast %eq3A_219 : i32 to vector<16xi32>
      %eq3A_221 = arith.cmpi eq, %iota3A, %eq3A_220 : vector<16xi32>
      %reduce_sum3A_222 = arith.constant true
      %reduce_sum3A_223 = vector.broadcast %reduce_sum3A_222 : i1 to vector<16xi1>
      %reduce_sum3A_224 = tpu.scan <sum>, %scan3A_82#15 masked %reduce_sum3A_223 : vector<16xf32>, vector<16xi1> -> vector<16xf32>
      %reduce_sum3A_225 = vector.extract %reduce_sum3A_224[15] : f32 from vector<16xf32>
      %broadcast_in_dim3A_226 = vector.broadcast %reduce_sum3A_225 : f32 to vector<16xf32>
      %select_n3A_227 = arith.select %eq3A_221, %broadcast_in_dim3A_226, %select_n3A_218 : vector<16xi1>, vector<16xf32>
      %swap3A_228 = arith.constant 1 : i32
      %swap3A_229 = arith.index_cast %swap3A_228 : i32 to index
      %swap3A_230 = arith.constant 0 : index
      %swap3A_231 = tpu.vector_load %arg7[%swap3A_229, %swap3A_230] {strides = array<i32>} : memref<16x16xf32, #tpu.memory_space<vmem>>, vector<16xf32>,
      tpu.vector_store %arg7[%swap3A_229, %swap3A_230], %select_n3A_227 {strides = array<i32>} : memref<16x16xf32, #tpu.memory_space<vmem>>, vector<16xf32>,
      %eq3A_232 = arith.constant 0 : i32
      %eq3A_233 = vector.broadcast %eq3A_232 : i32 to vector<16xi32>
      %eq3A_234 = arith.cmpi eq, %iota3A, %eq3A_233 : vector<16xi32>
      %reduce_sum3A_235 = arith.constant true
      %reduce_sum3A_236 = vector.broadcast %reduce_sum3A_235 : i1 to vector<16xi1>
      %reduce_sum3A_237 = tpu.scan <sum>, %scan3A_82#16 masked %reduce_sum3A_236 : vector<16xf32>, vector<16xi1> -> vector<16xf32>
      %reduce_sum3A_238 = vector.extract %reduce_sum3A_237[15] : f32 from vector<16xf32>
      %broadcast_in_dim3A_239 = vector.broadcast %reduce_sum3A_238 : f32 to vector<16xf32>
      %select_n3A_240 = arith.select %eq3A_234, %broadcast_in_dim3A_239, %broadcast_in_dim3A_77 : vector<16xi1>, vector<16xf32>
      %eq3A_241 = arith.constant 1 : i32
      %eq3A_242 = vector.broadcast %eq3A_241 : i32 to vector<16xi32>
      %eq3A_243 = arith.cmpi eq, %iota3A, %eq3A_242 : vector<16xi32>
      %reduce_sum3A_244 = arith.constant true
      %reduce_sum3A_245 = vector.broadcast %reduce_sum3A_244 : i1 to vector<16xi1>
      %reduce_sum3A_246 = tpu.scan <sum>, %scan3A_82#17 masked %reduce_sum3A_245 : vector<16xf32>, vector<16xi1> -> vector<16xf32>
      %reduce_sum3A_247 = vector.extract %reduce_sum3A_246[15] : f32 from vector<16xf32>
      %broadcast_in_dim3A_248 = vector.broadcast %reduce_sum3A_247 : f32 to vector<16xf32>
      %select_n3A_249 = arith.select %eq3A_243, %broadcast_in_dim3A_248, %select_n3A_240 : vector<16xi1>, vector<16xf32>
      %eq3A_250 = arith.constant 2 : i32
      %eq3A_251 = vector.broadcast %eq3A_250 : i32 to vector<16xi32>
      %eq3A_252 = arith.cmpi eq, %iota3A, %eq3A_251 : vector<16xi32>
      %reduce_sum3A_253 = arith.constant true
      %reduce_sum3A_254 = vector.broadcast %reduce_sum3A_253 : i1 to vector<16xi1>
      %reduce_sum3A_255 = tpu.scan <sum>, %scan3A_82#18 masked %reduce_sum3A_254 : vector<16xf32>, vector<16xi1> -> vector<16xf32>
      %reduce_sum3A_256 = vector.extract %reduce_sum3A_255[15] : f32 from vector<16xf32>
      %broadcast_in_dim3A_257 = vector.broadcast %reduce_sum3A_256 : f32 to vector<16xf32>
      %select_n3A_258 = arith.select %eq3A_252, %broadcast_in_dim3A_257, %select_n3A_249 : vector<16xi1>, vector<16xf32>
      %eq3A_259 = arith.constant 3 : i32
      %eq3A_260 = vector.broadcast %eq3A_259 : i32 to vector<16xi32>
      %eq3A_261 = arith.cmpi eq, %iota3A, %eq3A_260 : vector<16xi32>
      %reduce_sum3A_262 = arith.constant true
      %reduce_sum3A_263 = vector.broadcast %reduce_sum3A_262 : i1 to vector<16xi1>
      %reduce_sum3A_264 = tpu.scan <sum>, %scan3A_82#19 masked %reduce_sum3A_263 : vector<16xf32>, vector<16xi1> -> vector<16xf32>
      %reduce_sum3A_265 = vector.extract %reduce_sum3A_264[15] : f32 from vector<16xf32>
      %broadcast_in_dim3A_266 = vector.broadcast %reduce_sum3A_265 : f32 to vector<16xf32>
      %select_n3A_267 = arith.select %eq3A_261, %broadcast_in_dim3A_266, %select_n3A_258 : vector<16xi1>, vector<16xf32>
      %eq3A_268 = arith.constant 4 : i32
      %eq3A_269 = vector.broadcast %eq3A_268 : i32 to vector<16xi32>
      %eq3A_270 = arith.cmpi eq, %iota3A, %eq3A_269 : vector<16xi32>
      %reduce_sum3A_271 = arith.constant true
      %reduce_sum3A_272 = vector.broadcast %reduce_sum3A_271 : i1 to vector<16xi1>
      %reduce_sum3A_273 = tpu.scan <sum>, %scan3A_82#20 masked %reduce_sum3A_272 : vector<16xf32>, vector<16xi1> -> vector<16xf32>
      %reduce_sum3A_274 = vector.extract %reduce_sum3A_273[15] : f32 from vector<16xf32>
      %broadcast_in_dim3A_275 = vector.broadcast %reduce_sum3A_274 : f32 to vector<16xf32>
      %select_n3A_276 = arith.select %eq3A_270, %broadcast_in_dim3A_275, %select_n3A_267 : vector<16xi1>, vector<16xf32>
      %eq3A_277 = arith.constant 5 : i32
      %eq3A_278 = vector.broadcast %eq3A_277 : i32 to vector<16xi32>
      %eq3A_279 = arith.cmpi eq, %iota3A, %eq3A_278 : vector<16xi32>
      %reduce_sum3A_280 = arith.constant true
      %reduce_sum3A_281 = vector.broadcast %reduce_sum3A_280 : i1 to vector<16xi1>
      %reduce_sum3A_282 = tpu.scan <sum>, %scan3A_82#21 masked %reduce_sum3A_281 : vector<16xf32>, vector<16xi1> -> vector<16xf32>
      %reduce_sum3A_283 = vector.extract %reduce_sum3A_282[15] : f32 from vector<16xf32>
      %broadcast_in_dim3A_284 = vector.broadcast %reduce_sum3A_283 : f32 to vector<16xf32>
      %select_n3A_285 = arith.select %eq3A_279, %broadcast_in_dim3A_284, %select_n3A_276 : vector<16xi1>, vector<16xf32>
      %eq3A_286 = arith.constant 6 : i32
      %eq3A_287 = vector.broadcast %eq3A_286 : i32 to vector<16xi32>
      %eq3A_288 = arith.cmpi eq, %iota3A, %eq3A_287 : vector<16xi32>
      %reduce_sum3A_289 = arith.constant true
      %reduce_sum3A_290 = vector.broadcast %reduce_sum3A_289 : i1 to vector<16xi1>
      %reduce_sum3A_291 = tpu.scan <sum>, %scan3A_82#22 masked %reduce_sum3A_290 : vector<16xf32>, vector<16xi1> -> vector<16xf32>
      %reduce_sum3A_292 = vector.extract %reduce_sum3A_291[15] : f32 from vector<16xf32>
      %broadcast_in_dim3A_293 = vector.broadcast %reduce_sum3A_292 : f32 to vector<16xf32>
      %select_n3A_294 = arith.select %eq3A_288, %broadcast_in_dim3A_293, %select_n3A_285 : vector<16xi1>, vector<16xf32>
      %eq3A_295 = arith.constant 7 : i32
      %eq3A_296 = vector.broadcast %eq3A_295 : i32 to vector<16xi32>
      %eq3A_297 = arith.cmpi eq, %iota3A, %eq3A_296 : vector<16xi32>
      %reduce_sum3A_298 = arith.constant true
      %reduce_sum3A_299 = vector.broadcast %reduce_sum3A_298 : i1 to vector<16xi1>
      %reduce_sum3A_300 = tpu.scan <sum>, %scan3A_82#23 masked %reduce_sum3A_299 : vector<16xf32>, vector<16xi1> -> vector<16xf32>
      %reduce_sum3A_301 = vector.extract %reduce_sum3A_300[15] : f32 from vector<16xf32>
      %broadcast_in_dim3A_302 = vector.broadcast %reduce_sum3A_301 : f32 to vector<16xf32>
      %select_n3A_303 = arith.select %eq3A_297, %broadcast_in_dim3A_302, %select_n3A_294 : vector<16xi1>, vector<16xf32>
      %swap3A_304 = arith.constant 2 : i32
      %swap3A_305 = arith.index_cast %swap3A_304 : i32 to index
      %swap3A_306 = arith.constant 0 : index
      %swap3A_307 = tpu.vector_load %arg7[%swap3A_305, %swap3A_306] {strides = array<i32>} : memref<16x16xf32, #tpu.memory_space<vmem>>, vector<16xf32>,
      tpu.vector_store %arg7[%swap3A_305, %swap3A_306], %select_n3A_303 {strides = array<i32>} : memref<16x16xf32, #tpu.memory_space<vmem>>, vector<16xf32>,
      %eq3A_308 = arith.constant 0 : i32
      %eq3A_309 = vector.broadcast %eq3A_308 : i32 to vector<16xi32>
      %eq3A_310 = arith.cmpi eq, %iota3A, %eq3A_309 : vector<16xi32>
      %reduce_sum3A_311 = arith.constant true
      %reduce_sum3A_312 = vector.broadcast %reduce_sum3A_311 : i1 to vector<16xi1>
      %reduce_sum3A_313 = tpu.scan <sum>, %scan3A_82#24 masked %reduce_sum3A_312 : vector<16xf32>, vector<16xi1> -> vector<16xf32>
      %reduce_sum3A_314 = vector.extract %reduce_sum3A_313[15] : f32 from vector<16xf32>
      %broadcast_in_dim3A_315 = vector.broadcast %reduce_sum3A_314 : f32 to vector<16xf32>
      %select_n3A_316 = arith.select %eq3A_310, %broadcast_in_dim3A_315, %broadcast_in_dim3A_77 : vector<16xi1>, vector<16xf32>
      %eq3A_317 = arith.constant 1 : i32
      %eq3A_318 = vector.broadcast %eq3A_317 : i32 to vector<16xi32>
      %eq3A_319 = arith.cmpi eq, %iota3A, %eq3A_318 : vector<16xi32>
      %reduce_sum3A_320 = arith.constant true
      %reduce_sum3A_321 = vector.broadcast %reduce_sum3A_320 : i1 to vector<16xi1>
      %reduce_sum3A_322 = tpu.scan <sum>, %scan3A_82#25 masked %reduce_sum3A_321 : vector<16xf32>, vector<16xi1> -> vector<16xf32>
      %reduce_sum3A_323 = vector.extract %reduce_sum3A_322[15] : f32 from vector<16xf32>
      %broadcast_in_dim3A_324 = vector.broadcast %reduce_sum3A_323 : f32 to vector<16xf32>
      %select_n3A_325 = arith.select %eq3A_319, %broadcast_in_dim3A_324, %select_n3A_316 : vector<16xi1>, vector<16xf32>
      %eq3A_326 = arith.constant 2 : i32
      %eq3A_327 = vector.broadcast %eq3A_326 : i32 to vector<16xi32>
      %eq3A_328 = arith.cmpi eq, %iota3A, %eq3A_327 : vector<16xi32>
      %reduce_sum3A_329 = arith.constant true
      %reduce_sum3A_330 = vector.broadcast %reduce_sum3A_329 : i1 to vector<16xi1>
      %reduce_sum3A_331 = tpu.scan <sum>, %scan3A_82#26 masked %reduce_sum3A_330 : vector<16xf32>, vector<16xi1> -> vector<16xf32>
      %reduce_sum3A_332 = vector.extract %reduce_sum3A_331[15] : f32 from vector<16xf32>
      %broadcast_in_dim3A_333 = vector.broadcast %reduce_sum3A_332 : f32 to vector<16xf32>
      %select_n3A_334 = arith.select %eq3A_328, %broadcast_in_dim3A_333, %select_n3A_325 : vector<16xi1>, vector<16xf32>
      %eq3A_335 = arith.constant 3 : i32
      %eq3A_336 = vector.broadcast %eq3A_335 : i32 to vector<16xi32>
      %eq3A_337 = arith.cmpi eq, %iota3A, %eq3A_336 : vector<16xi32>
      %reduce_sum3A_338 = arith.constant true
      %reduce_sum3A_339 = vector.broadcast %reduce_sum3A_338 : i1 to vector<16xi1>
      %reduce_sum3A_340 = tpu.scan <sum>, %scan3A_82#27 masked %reduce_sum3A_339 : vector<16xf32>, vector<16xi1> -> vector<16xf32>
      %reduce_sum3A_341 = vector.extract %reduce_sum3A_340[15] : f32 from vector<16xf32>
      %broadcast_in_dim3A_342 = vector.broadcast %reduce_sum3A_341 : f32 to vector<16xf32>
      %select_n3A_343 = arith.select %eq3A_337, %broadcast_in_dim3A_342, %select_n3A_334 : vector<16xi1>, vector<16xf32>
      %eq3A_344 = arith.constant 4 : i32
      %eq3A_345 = vector.broadcast %eq3A_344 : i32 to vector<16xi32>
      %eq3A_346 = arith.cmpi eq, %iota3A, %eq3A_345 : vector<16xi32>
      %reduce_sum3A_347 = arith.constant true
      %reduce_sum3A_348 = vector.broadcast %reduce_sum3A_347 : i1 to vector<16xi1>
      %reduce_sum3A_349 = tpu.scan <sum>, %scan3A_82#28 masked %reduce_sum3A_348 : vector<16xf32>, vector<16xi1> -> vector<16xf32>
      %reduce_sum3A_350 = vector.extract %reduce_sum3A_349[15] : f32 from vector<16xf32>
      %broadcast_in_dim3A_351 = vector.broadcast %reduce_sum3A_350 : f32 to vector<16xf32>
      %select_n3A_352 = arith.select %eq3A_346, %broadcast_in_dim3A_351, %select_n3A_343 : vector<16xi1>, vector<16xf32>
      %eq3A_353 = arith.constant 5 : i32
      %eq3A_354 = vector.broadcast %eq3A_353 : i32 to vector<16xi32>
      %eq3A_355 = arith.cmpi eq, %iota3A, %eq3A_354 : vector<16xi32>
      %reduce_sum3A_356 = arith.constant true
      %reduce_sum3A_357 = vector.broadcast %reduce_sum3A_356 : i1 to vector<16xi1>
      %reduce_sum3A_358 = tpu.scan <sum>, %scan3A_82#29 masked %reduce_sum3A_357 : vector<16xf32>, vector<16xi1> -> vector<16xf32>
      %reduce_sum3A_359 = vector.extract %reduce_sum3A_358[15] : f32 from vector<16xf32>
      %broadcast_in_dim3A_360 = vector.broadcast %reduce_sum3A_359 : f32 to vector<16xf32>
      %select_n3A_361 = arith.select %eq3A_355, %broadcast_in_dim3A_360, %select_n3A_352 : vector<16xi1>, vector<16xf32>
      %eq3A_362 = arith.constant 6 : i32
      %eq3A_363 = vector.broadcast %eq3A_362 : i32 to vector<16xi32>
      %eq3A_364 = arith.cmpi eq, %iota3A, %eq3A_363 : vector<16xi32>
      %reduce_sum3A_365 = arith.constant true
      %reduce_sum3A_366 = vector.broadcast %reduce_sum3A_365 : i1 to vector<16xi1>
      %reduce_sum3A_367 = tpu.scan <sum>, %scan3A_82#30 masked %reduce_sum3A_366 : vector<16xf32>, vector<16xi1> -> vector<16xf32>
      %reduce_sum3A_368 = vector.extract %reduce_sum3A_367[15] : f32 from vector<16xf32>
      %broadcast_in_dim3A_369 = vector.broadcast %reduce_sum3A_368 : f32 to vector<16xf32>
      %select_n3A_370 = arith.select %eq3A_364, %broadcast_in_dim3A_369, %select_n3A_361 : vector<16xi1>, vector<16xf32>
      %eq3A_371 = arith.constant 7 : i32
      %eq3A_372 = vector.broadcast %eq3A_371 : i32 to vector<16xi32>
      %eq3A_373 = arith.cmpi eq, %iota3A, %eq3A_372 : vector<16xi32>
      %reduce_sum3A_374 = arith.constant true
      %reduce_sum3A_375 = vector.broadcast %reduce_sum3A_374 : i1 to vector<16xi1>
      %reduce_sum3A_376 = tpu.scan <sum>, %scan3A_82#31 masked %reduce_sum3A_375 : vector<16xf32>, vector<16xi1> -> vector<16xf32>
      %reduce_sum3A_377 = vector.extract %reduce_sum3A_376[15] : f32 from vector<16xf32>
      %broadcast_in_dim3A_378 = vector.broadcast %reduce_sum3A_377 : f32 to vector<16xf32>
      %select_n3A_379 = arith.select %eq3A_373, %broadcast_in_dim3A_378, %select_n3A_370 : vector<16xi1>, vector<16xf32>
      %swap3A_380 = arith.constant 3 : i32
      %swap3A_381 = arith.index_cast %swap3A_380 : i32 to index
      %swap3A_382 = arith.constant 0 : index
      %swap3A_383 = tpu.vector_load %arg7[%swap3A_381, %swap3A_382] {strides = array<i32>} : memref<16x16xf32, #tpu.memory_space<vmem>>, vector<16xf32>,
      tpu.vector_store %arg7[%swap3A_381, %swap3A_382], %select_n3A_379 {strides = array<i32>} : memref<16x16xf32, #tpu.memory_space<vmem>>, vector<16xf32>,
      %broadcast_in_dim3A_384 = arith.constant 0.000000e+00 : f32
      %broadcast_in_dim3A_385 = vector.broadcast %broadcast_in_dim3A_384 : f32 to vector<16xf32>
      %scan3A_386 = arith.constant 0 : i32
      %scan3A_387 = arith.constant 64 : i32
      %scan3A_388 = arith.addi %scan3A_386, %scan3A_387 : i32
      %scan3A_389 = arith.constant 1 : i32
      %scan3A_390:32 = scf.for %scan3A_1398 = %scan3A_386 to %scan3A_388 step %scan3A_389 iter_args(%scan3A_1399 = %broadcast_in_dim3A_385, %scan3A_1400 = %broadcast_in_dim3A_385, %scan3A_1401 = %broadcast_in_dim3A_385, %scan3A_1402 = %broadcast_in_dim3A_385, %scan3A_1403 = %broadcast_in_dim3A_385, %scan3A_1404 = %broadcast_in_dim3A_385, %scan3A_1405 = %broadcast_in_dim3A_385, %scan3A_1406 = %broadcast_in_dim3A_385, %scan3A_1407 = %broadcast_in_dim3A_385, %scan3A_1408 = %broadcast_in_dim3A_385, %scan3A_1409 = %broadcast_in_dim3A_385, %scan3A_1410 = %broadcast_in_dim3A_385, %scan3A_1411 = %broadcast_in_dim3A_385, %scan3A_1412 = %broadcast_in_dim3A_385, %scan3A_1413 = %broadcast_in_dim3A_385, %scan3A_1414 = %broadcast_in_dim3A_385, %scan3A_1415 = %broadcast_in_dim3A_385, %scan3A_1416 = %broadcast_in_dim3A_385, %scan3A_1417 = %broadcast_in_dim3A_385, %scan3A_1418 = %broadcast_in_dim3A_385, %scan3A_1419 = %broadcast_in_dim3A_385, %scan3A_1420 = %broadcast_in_dim3A_385, %scan3A_1421 = %broadcast_in_dim3A_385, %scan3A_1422 = %broadcast_in_dim3A_385, %scan3A_1423 = %broadcast_in_dim3A_385, %scan3A_1424 = %broadcast_in_dim3A_385, %scan3A_1425 = %broadcast_in_dim3A_385, %scan3A_1426 = %broadcast_in_dim3A_385, %scan3A_1427 = %broadcast_in_dim3A_385, %scan3A_1428 = %broadcast_in_dim3A_385, %scan3A_1429 = %broadcast_in_dim3A_385, %scan3A_1430 = %broadcast_in_dim3A_385) -> (vector<16xf32>, vector<16xf32>, vector<16xf32>, vector<16xf32>, vector<16xf32>, vector<16xf32>, vector<16xf32>, vector<16xf32>, vector<16xf32>, vector<16xf32>, vector<16xf32>, vector<16xf32>, vector<16xf32>, vector<16xf32>, vector<16xf32>, vector<16xf32>, vector<16xf32>, vector<16xf32>, vector<16xf32>, vector<16xf32>, vector<16xf32>, vector<16xf32>, vector<16xf32>, vector<16xf32>, vector<16xf32>, vector<16xf32>, vector<16xf32>, vector<16xf32>, vector<16xf32>, vector<16xf32>, vector<16xf32>, vector<16xf32>)  : i32 {
        %mul3A_1431 = arith.constant 16 : i32
        %mul3A_1432 = arith.muli %scan3A_1398, %mul3A_1431 : i32
        %get3A = arith.constant 1 : i32
        %get3A_1433 = arith.constant 0 : i32
        %get3A_1434 = arith.index_cast %get3A : i32 to index
        %get3A_1435 = arith.index_cast %get3A_1433 : i32 to index
        %get3A_1436 = arith.index_cast %mul3A_1432 : i32 to index
        %get3A_1437 = tpu.vector_load %arg6[%get3A_1434, %get3A_1435, %get3A_1436] {strides = array<i32>} : memref<4x4x1024xf32, #tpu.memory_space<vmem>>, vector<16xf32>,
        %bitcast_convert_type3A = tpu.bitcast %get3A_1437 : vector<16xf32> -> vector<16xi32>
        %shift_right_logical3A = arith.constant 16 : i32
        %shift_right_logical3A_1438 = vector.broadcast %shift_right_logical3A : i32 to vector<16xi32>
        %shift_right_logical3A_1439 = arith.shrui %bitcast_convert_type3A, %shift_right_logical3A_1438 : vector<16xi32>
        %and3A = arith.constant 1 : i32
        %and3A_1440 = vector.broadcast %and3A : i32 to vector<16xi32>
        %and3A_1441 = arith.andi %shift_right_logical3A_1439, %and3A_1440 : vector<16xi32>
        %add3A_1442 = arith.constant 32767 : i32
        %add3A_1443 = vector.broadcast %add3A_1442 : i32 to vector<16xi32>
        %add3A_1444 = arith.addi %bitcast_convert_type3A, %add3A_1443 : vector<16xi32>
        %add3A_1445 = arith.addi %add3A_1444, %and3A_1441 : vector<16xi32>
        %and3A_1446 = arith.constant -65536 : i32
        %and3A_1447 = vector.broadcast %and3A_1446 : i32 to vector<16xi32>
        %and3A_1448 = arith.andi %add3A_1445, %and3A_1447 : vector<16xi32>
        %bitcast_convert_type3A_1449 = tpu.bitcast %and3A_1448 : vector<16xi32> -> vector<16xf32>
        %mul3A_1450 = arith.constant 16 : i32
        %mul3A_1451 = arith.muli %scan3A_1398, %mul3A_1450 : i32
        %get3A_1452 = arith.constant 1 : i32
        %get3A_1453 = arith.constant 1 : i32
        %get3A_1454 = arith.index_cast %get3A_1452 : i32 to index
        %get3A_1455 = arith.index_cast %get3A_1453 : i32 to index
        %get3A_1456 = arith.index_cast %mul3A_1451 : i32 to index
        %get3A_1457 = tpu.vector_load %arg6[%get3A_1454, %get3A_1455, %get3A_1456] {strides = array<i32>} : memref<4x4x1024xf32, #tpu.memory_space<vmem>>, vector<16xf32>,
        %bitcast_convert_type3A_1458 = tpu.bitcast %get3A_1457 : vector<16xf32> -> vector<16xi32>
        %shift_right_logical3A_1459 = arith.constant 16 : i32
        %shift_right_logical3A_1460 = vector.broadcast %shift_right_logical3A_1459 : i32 to vector<16xi32>
        %shift_right_logical3A_1461 = arith.shrui %bitcast_convert_type3A_1458, %shift_right_logical3A_1460 : vector<16xi32>
        %and3A_1462 = arith.constant 1 : i32
        %and3A_1463 = vector.broadcast %and3A_1462 : i32 to vector<16xi32>
        %and3A_1464 = arith.andi %shift_right_logical3A_1461, %and3A_1463 : vector<16xi32>
        %add3A_1465 = arith.constant 32767 : i32
        %add3A_1466 = vector.broadcast %add3A_1465 : i32 to vector<16xi32>
        %add3A_1467 = arith.addi %bitcast_convert_type3A_1458, %add3A_1466 : vector<16xi32>
        %add3A_1468 = arith.addi %add3A_1467, %and3A_1464 : vector<16xi32>
        %and3A_1469 = arith.constant -65536 : i32
        %and3A_1470 = vector.broadcast %and3A_1469 : i32 to vector<16xi32>
        %and3A_1471 = arith.andi %add3A_1468, %and3A_1470 : vector<16xi32>
        %bitcast_convert_type3A_1472 = tpu.bitcast %and3A_1471 : vector<16xi32> -> vector<16xf32>
        %mul3A_1473 = arith.constant 16 : i32
        %mul3A_1474 = arith.muli %scan3A_1398, %mul3A_1473 : i32
        %get3A_1475 = arith.constant 1 : i32
        %get3A_1476 = arith.constant 2 : i32
        %get3A_1477 = arith.index_cast %get3A_1475 : i32 to index
        %get3A_1478 = arith.index_cast %get3A_1476 : i32 to index
        %get3A_1479 = arith.index_cast %mul3A_1474 : i32 to index
        %get3A_1480 = tpu.vector_load %arg6[%get3A_1477, %get3A_1478, %get3A_1479] {strides = array<i32>} : memref<4x4x1024xf32, #tpu.memory_space<vmem>>, vector<16xf32>,
        %bitcast_convert_type3A_1481 = tpu.bitcast %get3A_1480 : vector<16xf32> -> vector<16xi32>
        %shift_right_logical3A_1482 = arith.constant 16 : i32
        %shift_right_logical3A_1483 = vector.broadcast %shift_right_logical3A_1482 : i32 to vector<16xi32>
        %shift_right_logical3A_1484 = arith.shrui %bitcast_convert_type3A_1481, %shift_right_logical3A_1483 : vector<16xi32>
        %and3A_1485 = arith.constant 1 : i32
        %and3A_1486 = vector.broadcast %and3A_1485 : i32 to vector<16xi32>
        %and3A_1487 = arith.andi %shift_right_logical3A_1484, %and3A_1486 : vector<16xi32>
        %add3A_1488 = arith.constant 32767 : i32
        %add3A_1489 = vector.broadcast %add3A_1488 : i32 to vector<16xi32>
        %add3A_1490 = arith.addi %bitcast_convert_type3A_1481, %add3A_1489 : vector<16xi32>
        %add3A_1491 = arith.addi %add3A_1490, %and3A_1487 : vector<16xi32>
        %and3A_1492 = arith.constant -65536 : i32
        %and3A_1493 = vector.broadcast %and3A_1492 : i32 to vector<16xi32>
        %and3A_1494 = arith.andi %add3A_1491, %and3A_1493 : vector<16xi32>
        %bitcast_convert_type3A_1495 = tpu.bitcast %and3A_1494 : vector<16xi32> -> vector<16xf32>
        %mul3A_1496 = arith.constant 16 : i32
        %mul3A_1497 = arith.muli %scan3A_1398, %mul3A_1496 : i32
        %get3A_1498 = arith.constant 1 : i32
        %get3A_1499 = arith.constant 3 : i32
        %get3A_1500 = arith.index_cast %get3A_1498 : i32 to index
        %get3A_1501 = arith.index_cast %get3A_1499 : i32 to index
        %get3A_1502 = arith.index_cast %mul3A_1497 : i32 to index
        %get3A_1503 = tpu.vector_load %arg6[%get3A_1500, %get3A_1501, %get3A_1502] {strides = array<i32>} : memref<4x4x1024xf32, #tpu.memory_space<vmem>>, vector<16xf32>,
        %bitcast_convert_type3A_1504 = tpu.bitcast %get3A_1503 : vector<16xf32> -> vector<16xi32>
        %shift_right_logical3A_1505 = arith.constant 16 : i32
        %shift_right_logical3A_1506 = vector.broadcast %shift_right_logical3A_1505 : i32 to vector<16xi32>
        %shift_right_logical3A_1507 = arith.shrui %bitcast_convert_type3A_1504, %shift_right_logical3A_1506 : vector<16xi32>
        %and3A_1508 = arith.constant 1 : i32
        %and3A_1509 = vector.broadcast %and3A_1508 : i32 to vector<16xi32>
        %and3A_1510 = arith.andi %shift_right_logical3A_1507, %and3A_1509 : vector<16xi32>
        %add3A_1511 = arith.constant 32767 : i32
        %add3A_1512 = vector.broadcast %add3A_1511 : i32 to vector<16xi32>
        %add3A_1513 = arith.addi %bitcast_convert_type3A_1504, %add3A_1512 : vector<16xi32>
        %add3A_1514 = arith.addi %add3A_1513, %and3A_1510 : vector<16xi32>
        %and3A_1515 = arith.constant -65536 : i32
        %and3A_1516 = vector.broadcast %and3A_1515 : i32 to vector<16xi32>
        %and3A_1517 = arith.andi %add3A_1514, %and3A_1516 : vector<16xi32>
        %bitcast_convert_type3A_1518 = tpu.bitcast %and3A_1517 : vector<16xi32> -> vector<16xf32>
        %mul3A_1519 = arith.constant 16 : i32
        %mul3A_1520 = arith.muli %scan3A_1398, %mul3A_1519 : i32
        %get3A_1521 = arith.constant 0 : i32
        %get3A_1522 = arith.index_cast %get3A_1521 : i32 to index
        %get3A_1523 = arith.index_cast %mul3A_1520 : i32 to index
        %get3A_1524 = tpu.vector_load %arg5[%get3A_1522, %get3A_1523] {strides = array<i32>} : memref<8x1024xf32, #tpu.memory_space<vmem>>, vector<16xf32>,
        %mul3A_1525 = arith.constant 16 : i32
        %mul3A_1526 = arith.muli %scan3A_1398, %mul3A_1525 : i32
        %get3A_1527 = arith.constant 1 : i32
        %get3A_1528 = arith.index_cast %get3A_1527 : i32 to index
        %get3A_1529 = arith.index_cast %mul3A_1526 : i32 to index
        %get3A_1530 = tpu.vector_load %arg5[%get3A_1528, %get3A_1529] {strides = array<i32>} : memref<8x1024xf32, #tpu.memory_space<vmem>>, vector<16xf32>,
        %mul3A_1531 = arith.constant 16 : i32
        %mul3A_1532 = arith.muli %scan3A_1398, %mul3A_1531 : i32
        %get3A_1533 = arith.constant 2 : i32
        %get3A_1534 = arith.index_cast %get3A_1533 : i32 to index
        %get3A_1535 = arith.index_cast %mul3A_1532 : i32 to index
        %get3A_1536 = tpu.vector_load %arg5[%get3A_1534, %get3A_1535] {strides = array<i32>} : memref<8x1024xf32, #tpu.memory_space<vmem>>, vector<16xf32>,
        %mul3A_1537 = arith.constant 16 : i32
        %mul3A_1538 = arith.muli %scan3A_1398, %mul3A_1537 : i32
        %get3A_1539 = arith.constant 3 : i32
        %get3A_1540 = arith.index_cast %get3A_1539 : i32 to index
        %get3A_1541 = arith.index_cast %mul3A_1538 : i32 to index
        %get3A_1542 = tpu.vector_load %arg5[%get3A_1540, %get3A_1541] {strides = array<i32>} : memref<8x1024xf32, #tpu.memory_space<vmem>>, vector<16xf32>,
        %mul3A_1543 = arith.constant 16 : i32
        %mul3A_1544 = arith.muli %scan3A_1398, %mul3A_1543 : i32
        %get3A_1545 = arith.constant 4 : i32
        %get3A_1546 = arith.index_cast %get3A_1545 : i32 to index
        %get3A_1547 = arith.index_cast %mul3A_1544 : i32 to index
        %get3A_1548 = tpu.vector_load %arg5[%get3A_1546, %get3A_1547] {strides = array<i32>} : memref<8x1024xf32, #tpu.memory_space<vmem>>, vector<16xf32>,
        %mul3A_1549 = arith.constant 16 : i32
        %mul3A_1550 = arith.muli %scan3A_1398, %mul3A_1549 : i32
        %get3A_1551 = arith.constant 5 : i32
        %get3A_1552 = arith.index_cast %get3A_1551 : i32 to index
        %get3A_1553 = arith.index_cast %mul3A_1550 : i32 to index
        %get3A_1554 = tpu.vector_load %arg5[%get3A_1552, %get3A_1553] {strides = array<i32>} : memref<8x1024xf32, #tpu.memory_space<vmem>>, vector<16xf32>,
        %mul3A_1555 = arith.constant 16 : i32
        %mul3A_1556 = arith.muli %scan3A_1398, %mul3A_1555 : i32
        %get3A_1557 = arith.constant 6 : i32
        %get3A_1558 = arith.index_cast %get3A_1557 : i32 to index
        %get3A_1559 = arith.index_cast %mul3A_1556 : i32 to index
        %get3A_1560 = tpu.vector_load %arg5[%get3A_1558, %get3A_1559] {strides = array<i32>} : memref<8x1024xf32, #tpu.memory_space<vmem>>, vector<16xf32>,
        %mul3A_1561 = arith.constant 16 : i32
        %mul3A_1562 = arith.muli %scan3A_1398, %mul3A_1561 : i32
        %get3A_1563 = arith.constant 7 : i32
        %get3A_1564 = arith.index_cast %get3A_1563 : i32 to index
        %get3A_1565 = arith.index_cast %mul3A_1562 : i32 to index
        %get3A_1566 = tpu.vector_load %arg5[%get3A_1564, %get3A_1565] {strides = array<i32>} : memref<8x1024xf32, #tpu.memory_space<vmem>>, vector<16xf32>,
        %mul3A_1567 = arith.mulf %bitcast_convert_type3A_1449, %get3A_1524 : vector<16xf32>
        %add3A_1568 = arith.addf %scan3A_1399, %mul3A_1567 : vector<16xf32>
        %mul3A_1569 = arith.mulf %bitcast_convert_type3A_1449, %get3A_1530 : vector<16xf32>
        %add3A_1570 = arith.addf %scan3A_1400, %mul3A_1569 : vector<16xf32>
        %mul3A_1571 = arith.mulf %bitcast_convert_type3A_1449, %get3A_1536 : vector<16xf32>
        %add3A_1572 = arith.addf %scan3A_1401, %mul3A_1571 : vector<16xf32>
        %mul3A_1573 = arith.mulf %bitcast_convert_type3A_1449, %get3A_1542 : vector<16xf32>
        %add3A_1574 = arith.addf %scan3A_1402, %mul3A_1573 : vector<16xf32>
        %mul3A_1575 = arith.mulf %bitcast_convert_type3A_1449, %get3A_1548 : vector<16xf32>
        %add3A_1576 = arith.addf %scan3A_1403, %mul3A_1575 : vector<16xf32>
        %mul3A_1577 = arith.mulf %bitcast_convert_type3A_1449, %get3A_1554 : vector<16xf32>
        %add3A_1578 = arith.addf %scan3A_1404, %mul3A_1577 : vector<16xf32>
        %mul3A_1579 = arith.mulf %bitcast_convert_type3A_1449, %get3A_1560 : vector<16xf32>
        %add3A_1580 = arith.addf %scan3A_1405, %mul3A_1579 : vector<16xf32>
        %mul3A_1581 = arith.mulf %bitcast_convert_type3A_1449, %get3A_1566 : vector<16xf32>
        %add3A_1582 = arith.addf %scan3A_1406, %mul3A_1581 : vector<16xf32>
        %mul3A_1583 = arith.mulf %bitcast_convert_type3A_1472, %get3A_1524 : vector<16xf32>
        %add3A_1584 = arith.addf %scan3A_1407, %mul3A_1583 : vector<16xf32>
        %mul3A_1585 = arith.mulf %bitcast_convert_type3A_1472, %get3A_1530 : vector<16xf32>
        %add3A_1586 = arith.addf %scan3A_1408, %mul3A_1585 : vector<16xf32>
        %mul3A_1587 = arith.mulf %bitcast_convert_type3A_1472, %get3A_1536 : vector<16xf32>
        %add3A_1588 = arith.addf %scan3A_1409, %mul3A_1587 : vector<16xf32>
        %mul3A_1589 = arith.mulf %bitcast_convert_type3A_1472, %get3A_1542 : vector<16xf32>
        %add3A_1590 = arith.addf %scan3A_1410, %mul3A_1589 : vector<16xf32>
        %mul3A_1591 = arith.mulf %bitcast_convert_type3A_1472, %get3A_1548 : vector<16xf32>
        %add3A_1592 = arith.addf %scan3A_1411, %mul3A_1591 : vector<16xf32>
        %mul3A_1593 = arith.mulf %bitcast_convert_type3A_1472, %get3A_1554 : vector<16xf32>
        %add3A_1594 = arith.addf %scan3A_1412, %mul3A_1593 : vector<16xf32>
        %mul3A_1595 = arith.mulf %bitcast_convert_type3A_1472, %get3A_1560 : vector<16xf32>
        %add3A_1596 = arith.addf %scan3A_1413, %mul3A_1595 : vector<16xf32>
        %mul3A_1597 = arith.mulf %bitcast_convert_type3A_1472, %get3A_1566 : vector<16xf32>
        %add3A_1598 = arith.addf %scan3A_1414, %mul3A_1597 : vector<16xf32>
        %mul3A_1599 = arith.mulf %bitcast_convert_type3A_1495, %get3A_1524 : vector<16xf32>
        %add3A_1600 = arith.addf %scan3A_1415, %mul3A_1599 : vector<16xf32>
        %mul3A_1601 = arith.mulf %bitcast_convert_type3A_1495, %get3A_1530 : vector<16xf32>
        %add3A_1602 = arith.addf %scan3A_1416, %mul3A_1601 : vector<16xf32>
        %mul3A_1603 = arith.mulf %bitcast_convert_type3A_1495, %get3A_1536 : vector<16xf32>
        %add3A_1604 = arith.addf %scan3A_1417, %mul3A_1603 : vector<16xf32>
        %mul3A_1605 = arith.mulf %bitcast_convert_type3A_1495, %get3A_1542 : vector<16xf32>
        %add3A_1606 = arith.addf %scan3A_1418, %mul3A_1605 : vector<16xf32>
        %mul3A_1607 = arith.mulf %bitcast_convert_type3A_1495, %get3A_1548 : vector<16xf32>
        %add3A_1608 = arith.addf %scan3A_1419, %mul3A_1607 : vector<16xf32>
        %mul3A_1609 = arith.mulf %bitcast_convert_type3A_1495, %get3A_1554 : vector<16xf32>
        %add3A_1610 = arith.addf %scan3A_1420, %mul3A_1609 : vector<16xf32>
        %mul3A_1611 = arith.mulf %bitcast_convert_type3A_1495, %get3A_1560 : vector<16xf32>
        %add3A_1612 = arith.addf %scan3A_1421, %mul3A_1611 : vector<16xf32>
        %mul3A_1613 = arith.mulf %bitcast_convert_type3A_1495, %get3A_1566 : vector<16xf32>
        %add3A_1614 = arith.addf %scan3A_1422, %mul3A_1613 : vector<16xf32>
        %mul3A_1615 = arith.mulf %bitcast_convert_type3A_1518, %get3A_1524 : vector<16xf32>
        %add3A_1616 = arith.addf %scan3A_1423, %mul3A_1615 : vector<16xf32>
        %mul3A_1617 = arith.mulf %bitcast_convert_type3A_1518, %get3A_1530 : vector<16xf32>
        %add3A_1618 = arith.addf %scan3A_1424, %mul3A_1617 : vector<16xf32>
        %mul3A_1619 = arith.mulf %bitcast_convert_type3A_1518, %get3A_1536 : vector<16xf32>
        %add3A_1620 = arith.addf %scan3A_1425, %mul3A_1619 : vector<16xf32>
        %mul3A_1621 = arith.mulf %bitcast_convert_type3A_1518, %get3A_1542 : vector<16xf32>
        %add3A_1622 = arith.addf %scan3A_1426, %mul3A_1621 : vector<16xf32>
        %mul3A_1623 = arith.mulf %bitcast_convert_type3A_1518, %get3A_1548 : vector<16xf32>
        %add3A_1624 = arith.addf %scan3A_1427, %mul3A_1623 : vector<16xf32>
        %mul3A_1625 = arith.mulf %bitcast_convert_type3A_1518, %get3A_1554 : vector<16xf32>
        %add3A_1626 = arith.addf %scan3A_1428, %mul3A_1625 : vector<16xf32>
        %mul3A_1627 = arith.mulf %bitcast_convert_type3A_1518, %get3A_1560 : vector<16xf32>
        %add3A_1628 = arith.addf %scan3A_1429, %mul3A_1627 : vector<16xf32>
        %mul3A_1629 = arith.mulf %bitcast_convert_type3A_1518, %get3A_1566 : vector<16xf32>
        %add3A_1630 = arith.addf %scan3A_1430, %mul3A_1629 : vector<16xf32>
        scf.yield %add3A_1568, %add3A_1570, %add3A_1572, %add3A_1574, %add3A_1576, %add3A_1578, %add3A_1580, %add3A_1582, %add3A_1584, %add3A_1586, %add3A_1588, %add3A_1590, %add3A_1592, %add3A_1594, %add3A_1596, %add3A_1598, %add3A_1600, %add3A_1602, %add3A_1604, %add3A_1606, %add3A_1608, %add3A_1610, %add3A_1612, %add3A_1614, %add3A_1616, %add3A_1618, %add3A_1620, %add3A_1622, %add3A_1624, %add3A_1626, %add3A_1628, %add3A_1630 : vector<16xf32>, vector<16xf32>, vector<16xf32>, vector<16xf32>, vector<16xf32>, vector<16xf32>, vector<16xf32>, vector<16xf32>, vector<16xf32>, vector<16xf32>, vector<16xf32>, vector<16xf32>, vector<16xf32>, vector<16xf32>, vector<16xf32>, vector<16xf32>, vector<16xf32>, vector<16xf32>, vector<16xf32>, vector<16xf32>, vector<16xf32>, vector<16xf32>, vector<16xf32>, vector<16xf32>, vector<16xf32>, vector<16xf32>, vector<16xf32>, vector<16xf32>, vector<16xf32>, vector<16xf32>, vector<16xf32>, vector<16xf32>
      }
      %scan3A_391 = arith.constant 64 : i32
      %eq3A_392 = arith.constant 0 : i32
      %eq3A_393 = vector.broadcast %eq3A_392 : i32 to vector<16xi32>
      %eq3A_394 = arith.cmpi eq, %iota3A, %eq3A_393 : vector<16xi32>
      %reduce_sum3A_395 = arith.constant true
      %reduce_sum3A_396 = vector.broadcast %reduce_sum3A_395 : i1 to vector<16xi1>
      %reduce_sum3A_397 = tpu.scan <sum>, %scan3A_390#0 masked %reduce_sum3A_396 : vector<16xf32>, vector<16xi1> -> vector<16xf32>
      %reduce_sum3A_398 = vector.extract %reduce_sum3A_397[15] : f32 from vector<16xf32>
      %broadcast_in_dim3A_399 = vector.broadcast %reduce_sum3A_398 : f32 to vector<16xf32>
      %select_n3A_400 = arith.select %eq3A_394, %broadcast_in_dim3A_399, %broadcast_in_dim3A_385 : vector<16xi1>, vector<16xf32>
      %eq3A_401 = arith.constant 1 : i32
      %eq3A_402 = vector.broadcast %eq3A_401 : i32 to vector<16xi32>
      %eq3A_403 = arith.cmpi eq, %iota3A, %eq3A_402 : vector<16xi32>
      %reduce_sum3A_404 = arith.constant true
      %reduce_sum3A_405 = vector.broadcast %reduce_sum3A_404 : i1 to vector<16xi1>
      %reduce_sum3A_406 = tpu.scan <sum>, %scan3A_390#1 masked %reduce_sum3A_405 : vector<16xf32>, vector<16xi1> -> vector<16xf32>
      %reduce_sum3A_407 = vector.extract %reduce_sum3A_406[15] : f32 from vector<16xf32>
      %broadcast_in_dim3A_408 = vector.broadcast %reduce_sum3A_407 : f32 to vector<16xf32>
      %select_n3A_409 = arith.select %eq3A_403, %broadcast_in_dim3A_408, %select_n3A_400 : vector<16xi1>, vector<16xf32>
      %eq3A_410 = arith.constant 2 : i32
      %eq3A_411 = vector.broadcast %eq3A_410 : i32 to vector<16xi32>
      %eq3A_412 = arith.cmpi eq, %iota3A, %eq3A_411 : vector<16xi32>
      %reduce_sum3A_413 = arith.constant true
      %reduce_sum3A_414 = vector.broadcast %reduce_sum3A_413 : i1 to vector<16xi1>
      %reduce_sum3A_415 = tpu.scan <sum>, %scan3A_390#2 masked %reduce_sum3A_414 : vector<16xf32>, vector<16xi1> -> vector<16xf32>
      %reduce_sum3A_416 = vector.extract %reduce_sum3A_415[15] : f32 from vector<16xf32>
      %broadcast_in_dim3A_417 = vector.broadcast %reduce_sum3A_416 : f32 to vector<16xf32>
      %select_n3A_418 = arith.select %eq3A_412, %broadcast_in_dim3A_417, %select_n3A_409 : vector<16xi1>, vector<16xf32>
      %eq3A_419 = arith.constant 3 : i32
      %eq3A_420 = vector.broadcast %eq3A_419 : i32 to vector<16xi32>
      %eq3A_421 = arith.cmpi eq, %iota3A, %eq3A_420 : vector<16xi32>
      %reduce_sum3A_422 = arith.constant true
      %reduce_sum3A_423 = vector.broadcast %reduce_sum3A_422 : i1 to vector<16xi1>
      %reduce_sum3A_424 = tpu.scan <sum>, %scan3A_390#3 masked %reduce_sum3A_423 : vector<16xf32>, vector<16xi1> -> vector<16xf32>
      %reduce_sum3A_425 = vector.extract %reduce_sum3A_424[15] : f32 from vector<16xf32>
      %broadcast_in_dim3A_426 = vector.broadcast %reduce_sum3A_425 : f32 to vector<16xf32>
      %select_n3A_427 = arith.select %eq3A_421, %broadcast_in_dim3A_426, %select_n3A_418 : vector<16xi1>, vector<16xf32>
      %eq3A_428 = arith.constant 4 : i32
      %eq3A_429 = vector.broadcast %eq3A_428 : i32 to vector<16xi32>
      %eq3A_430 = arith.cmpi eq, %iota3A, %eq3A_429 : vector<16xi32>
      %reduce_sum3A_431 = arith.constant true
      %reduce_sum3A_432 = vector.broadcast %reduce_sum3A_431 : i1 to vector<16xi1>
      %reduce_sum3A_433 = tpu.scan <sum>, %scan3A_390#4 masked %reduce_sum3A_432 : vector<16xf32>, vector<16xi1> -> vector<16xf32>
      %reduce_sum3A_434 = vector.extract %reduce_sum3A_433[15] : f32 from vector<16xf32>
      %broadcast_in_dim3A_435 = vector.broadcast %reduce_sum3A_434 : f32 to vector<16xf32>
      %select_n3A_436 = arith.select %eq3A_430, %broadcast_in_dim3A_435, %select_n3A_427 : vector<16xi1>, vector<16xf32>
      %eq3A_437 = arith.constant 5 : i32
      %eq3A_438 = vector.broadcast %eq3A_437 : i32 to vector<16xi32>
      %eq3A_439 = arith.cmpi eq, %iota3A, %eq3A_438 : vector<16xi32>
      %reduce_sum3A_440 = arith.constant true
      %reduce_sum3A_441 = vector.broadcast %reduce_sum3A_440 : i1 to vector<16xi1>
      %reduce_sum3A_442 = tpu.scan <sum>, %scan3A_390#5 masked %reduce_sum3A_441 : vector<16xf32>, vector<16xi1> -> vector<16xf32>
      %reduce_sum3A_443 = vector.extract %reduce_sum3A_442[15] : f32 from vector<16xf32>
      %broadcast_in_dim3A_444 = vector.broadcast %reduce_sum3A_443 : f32 to vector<16xf32>
      %select_n3A_445 = arith.select %eq3A_439, %broadcast_in_dim3A_444, %select_n3A_436 : vector<16xi1>, vector<16xf32>
      %eq3A_446 = arith.constant 6 : i32
      %eq3A_447 = vector.broadcast %eq3A_446 : i32 to vector<16xi32>
      %eq3A_448 = arith.cmpi eq, %iota3A, %eq3A_447 : vector<16xi32>
      %reduce_sum3A_449 = arith.constant true
      %reduce_sum3A_450 = vector.broadcast %reduce_sum3A_449 : i1 to vector<16xi1>
      %reduce_sum3A_451 = tpu.scan <sum>, %scan3A_390#6 masked %reduce_sum3A_450 : vector<16xf32>, vector<16xi1> -> vector<16xf32>
      %reduce_sum3A_452 = vector.extract %reduce_sum3A_451[15] : f32 from vector<16xf32>
      %broadcast_in_dim3A_453 = vector.broadcast %reduce_sum3A_452 : f32 to vector<16xf32>
      %select_n3A_454 = arith.select %eq3A_448, %broadcast_in_dim3A_453, %select_n3A_445 : vector<16xi1>, vector<16xf32>
      %eq3A_455 = arith.constant 7 : i32
      %eq3A_456 = vector.broadcast %eq3A_455 : i32 to vector<16xi32>
      %eq3A_457 = arith.cmpi eq, %iota3A, %eq3A_456 : vector<16xi32>
      %reduce_sum3A_458 = arith.constant true
      %reduce_sum3A_459 = vector.broadcast %reduce_sum3A_458 : i1 to vector<16xi1>
      %reduce_sum3A_460 = tpu.scan <sum>, %scan3A_390#7 masked %reduce_sum3A_459 : vector<16xf32>, vector<16xi1> -> vector<16xf32>
      %reduce_sum3A_461 = vector.extract %reduce_sum3A_460[15] : f32 from vector<16xf32>
      %broadcast_in_dim3A_462 = vector.broadcast %reduce_sum3A_461 : f32 to vector<16xf32>
      %select_n3A_463 = arith.select %eq3A_457, %broadcast_in_dim3A_462, %select_n3A_454 : vector<16xi1>, vector<16xf32>
      %swap3A_464 = arith.constant 4 : i32
      %swap3A_465 = arith.index_cast %swap3A_464 : i32 to index
      %swap3A_466 = arith.constant 0 : index
      %swap3A_467 = tpu.vector_load %arg7[%swap3A_465, %swap3A_466] {strides = array<i32>} : memref<16x16xf32, #tpu.memory_space<vmem>>, vector<16xf32>,
      tpu.vector_store %arg7[%swap3A_465, %swap3A_466], %select_n3A_463 {strides = array<i32>} : memref<16x16xf32, #tpu.memory_space<vmem>>, vector<16xf32>,
      %eq3A_468 = arith.constant 0 : i32
      %eq3A_469 = vector.broadcast %eq3A_468 : i32 to vector<16xi32>
      %eq3A_470 = arith.cmpi eq, %iota3A, %eq3A_469 : vector<16xi32>
      %reduce_sum3A_471 = arith.constant true
      %reduce_sum3A_472 = vector.broadcast %reduce_sum3A_471 : i1 to vector<16xi1>
      %reduce_sum3A_473 = tpu.scan <sum>, %scan3A_390#8 masked %reduce_sum3A_472 : vector<16xf32>, vector<16xi1> -> vector<16xf32>
      %reduce_sum3A_474 = vector.extract %reduce_sum3A_473[15] : f32 from vector<16xf32>
      %broadcast_in_dim3A_475 = vector.broadcast %reduce_sum3A_474 : f32 to vector<16xf32>
      %select_n3A_476 = arith.select %eq3A_470, %broadcast_in_dim3A_475, %broadcast_in_dim3A_385 : vector<16xi1>, vector<16xf32>
      %eq3A_477 = arith.constant 1 : i32
      %eq3A_478 = vector.broadcast %eq3A_477 : i32 to vector<16xi32>
      %eq3A_479 = arith.cmpi eq, %iota3A, %eq3A_478 : vector<16xi32>
      %reduce_sum3A_480 = arith.constant true
      %reduce_sum3A_481 = vector.broadcast %reduce_sum3A_480 : i1 to vector<16xi1>
      %reduce_sum3A_482 = tpu.scan <sum>, %scan3A_390#9 masked %reduce_sum3A_481 : vector<16xf32>, vector<16xi1> -> vector<16xf32>
      %reduce_sum3A_483 = vector.extract %reduce_sum3A_482[15] : f32 from vector<16xf32>
      %broadcast_in_dim3A_484 = vector.broadcast %reduce_sum3A_483 : f32 to vector<16xf32>
      %select_n3A_485 = arith.select %eq3A_479, %broadcast_in_dim3A_484, %select_n3A_476 : vector<16xi1>, vector<16xf32>
      %eq3A_486 = arith.constant 2 : i32
      %eq3A_487 = vector.broadcast %eq3A_486 : i32 to vector<16xi32>
      %eq3A_488 = arith.cmpi eq, %iota3A, %eq3A_487 : vector<16xi32>
      %reduce_sum3A_489 = arith.constant true
      %reduce_sum3A_490 = vector.broadcast %reduce_sum3A_489 : i1 to vector<16xi1>
      %reduce_sum3A_491 = tpu.scan <sum>, %scan3A_390#10 masked %reduce_sum3A_490 : vector<16xf32>, vector<16xi1> -> vector<16xf32>
      %reduce_sum3A_492 = vector.extract %reduce_sum3A_491[15] : f32 from vector<16xf32>
      %broadcast_in_dim3A_493 = vector.broadcast %reduce_sum3A_492 : f32 to vector<16xf32>
      %select_n3A_494 = arith.select %eq3A_488, %broadcast_in_dim3A_493, %select_n3A_485 : vector<16xi1>, vector<16xf32>
      %eq3A_495 = arith.constant 3 : i32
      %eq3A_496 = vector.broadcast %eq3A_495 : i32 to vector<16xi32>
      %eq3A_497 = arith.cmpi eq, %iota3A, %eq3A_496 : vector<16xi32>
      %reduce_sum3A_498 = arith.constant true
      %reduce_sum3A_499 = vector.broadcast %reduce_sum3A_498 : i1 to vector<16xi1>
      %reduce_sum3A_500 = tpu.scan <sum>, %scan3A_390#11 masked %reduce_sum3A_499 : vector<16xf32>, vector<16xi1> -> vector<16xf32>
      %reduce_sum3A_501 = vector.extract %reduce_sum3A_500[15] : f32 from vector<16xf32>
      %broadcast_in_dim3A_502 = vector.broadcast %reduce_sum3A_501 : f32 to vector<16xf32>
      %select_n3A_503 = arith.select %eq3A_497, %broadcast_in_dim3A_502, %select_n3A_494 : vector<16xi1>, vector<16xf32>
      %eq3A_504 = arith.constant 4 : i32
      %eq3A_505 = vector.broadcast %eq3A_504 : i32 to vector<16xi32>
      %eq3A_506 = arith.cmpi eq, %iota3A, %eq3A_505 : vector<16xi32>
      %reduce_sum3A_507 = arith.constant true
      %reduce_sum3A_508 = vector.broadcast %reduce_sum3A_507 : i1 to vector<16xi1>
      %reduce_sum3A_509 = tpu.scan <sum>, %scan3A_390#12 masked %reduce_sum3A_508 : vector<16xf32>, vector<16xi1> -> vector<16xf32>
      %reduce_sum3A_510 = vector.extract %reduce_sum3A_509[15] : f32 from vector<16xf32>
      %broadcast_in_dim3A_511 = vector.broadcast %reduce_sum3A_510 : f32 to vector<16xf32>
      %select_n3A_512 = arith.select %eq3A_506, %broadcast_in_dim3A_511, %select_n3A_503 : vector<16xi1>, vector<16xf32>
      %eq3A_513 = arith.constant 5 : i32
      %eq3A_514 = vector.broadcast %eq3A_513 : i32 to vector<16xi32>
      %eq3A_515 = arith.cmpi eq, %iota3A, %eq3A_514 : vector<16xi32>
      %reduce_sum3A_516 = arith.constant true
      %reduce_sum3A_517 = vector.broadcast %reduce_sum3A_516 : i1 to vector<16xi1>
      %reduce_sum3A_518 = tpu.scan <sum>, %scan3A_390#13 masked %reduce_sum3A_517 : vector<16xf32>, vector<16xi1> -> vector<16xf32>
      %reduce_sum3A_519 = vector.extract %reduce_sum3A_518[15] : f32 from vector<16xf32>
      %broadcast_in_dim3A_520 = vector.broadcast %reduce_sum3A_519 : f32 to vector<16xf32>
      %select_n3A_521 = arith.select %eq3A_515, %broadcast_in_dim3A_520, %select_n3A_512 : vector<16xi1>, vector<16xf32>
      %eq3A_522 = arith.constant 6 : i32
      %eq3A_523 = vector.broadcast %eq3A_522 : i32 to vector<16xi32>
      %eq3A_524 = arith.cmpi eq, %iota3A, %eq3A_523 : vector<16xi32>
      %reduce_sum3A_525 = arith.constant true
      %reduce_sum3A_526 = vector.broadcast %reduce_sum3A_525 : i1 to vector<16xi1>
      %reduce_sum3A_527 = tpu.scan <sum>, %scan3A_390#14 masked %reduce_sum3A_526 : vector<16xf32>, vector<16xi1> -> vector<16xf32>
      %reduce_sum3A_528 = vector.extract %reduce_sum3A_527[15] : f32 from vector<16xf32>
      %broadcast_in_dim3A_529 = vector.broadcast %reduce_sum3A_528 : f32 to vector<16xf32>
      %select_n3A_530 = arith.select %eq3A_524, %broadcast_in_dim3A_529, %select_n3A_521 : vector<16xi1>, vector<16xf32>
      %eq3A_531 = arith.constant 7 : i32
      %eq3A_532 = vector.broadcast %eq3A_531 : i32 to vector<16xi32>
      %eq3A_533 = arith.cmpi eq, %iota3A, %eq3A_532 : vector<16xi32>
      %reduce_sum3A_534 = arith.constant true
      %reduce_sum3A_535 = vector.broadcast %reduce_sum3A_534 : i1 to vector<16xi1>
      %reduce_sum3A_536 = tpu.scan <sum>, %scan3A_390#15 masked %reduce_sum3A_535 : vector<16xf32>, vector<16xi1> -> vector<16xf32>
      %reduce_sum3A_537 = vector.extract %reduce_sum3A_536[15] : f32 from vector<16xf32>
      %broadcast_in_dim3A_538 = vector.broadcast %reduce_sum3A_537 : f32 to vector<16xf32>
      %select_n3A_539 = arith.select %eq3A_533, %broadcast_in_dim3A_538, %select_n3A_530 : vector<16xi1>, vector<16xf32>
      %swap3A_540 = arith.constant 5 : i32
      %swap3A_541 = arith.index_cast %swap3A_540 : i32 to index
      %swap3A_542 = arith.constant 0 : index
      %swap3A_543 = tpu.vector_load %arg7[%swap3A_541, %swap3A_542] {strides = array<i32>} : memref<16x16xf32, #tpu.memory_space<vmem>>, vector<16xf32>,
      tpu.vector_store %arg7[%swap3A_541, %swap3A_542], %select_n3A_539 {strides = array<i32>} : memref<16x16xf32, #tpu.memory_space<vmem>>, vector<16xf32>,
      %eq3A_544 = arith.constant 0 : i32
      %eq3A_545 = vector.broadcast %eq3A_544 : i32 to vector<16xi32>
      %eq3A_546 = arith.cmpi eq, %iota3A, %eq3A_545 : vector<16xi32>
      %reduce_sum3A_547 = arith.constant true
      %reduce_sum3A_548 = vector.broadcast %reduce_sum3A_547 : i1 to vector<16xi1>
      %reduce_sum3A_549 = tpu.scan <sum>, %scan3A_390#16 masked %reduce_sum3A_548 : vector<16xf32>, vector<16xi1> -> vector<16xf32>
      %reduce_sum3A_550 = vector.extract %reduce_sum3A_549[15] : f32 from vector<16xf32>
      %broadcast_in_dim3A_551 = vector.broadcast %reduce_sum3A_550 : f32 to vector<16xf32>
      %select_n3A_552 = arith.select %eq3A_546, %broadcast_in_dim3A_551, %broadcast_in_dim3A_385 : vector<16xi1>, vector<16xf32>
      %eq3A_553 = arith.constant 1 : i32
      %eq3A_554 = vector.broadcast %eq3A_553 : i32 to vector<16xi32>
      %eq3A_555 = arith.cmpi eq, %iota3A, %eq3A_554 : vector<16xi32>
      %reduce_sum3A_556 = arith.constant true
      %reduce_sum3A_557 = vector.broadcast %reduce_sum3A_556 : i1 to vector<16xi1>
      %reduce_sum3A_558 = tpu.scan <sum>, %scan3A_390#17 masked %reduce_sum3A_557 : vector<16xf32>, vector<16xi1> -> vector<16xf32>
      %reduce_sum3A_559 = vector.extract %reduce_sum3A_558[15] : f32 from vector<16xf32>
      %broadcast_in_dim3A_560 = vector.broadcast %reduce_sum3A_559 : f32 to vector<16xf32>
      %select_n3A_561 = arith.select %eq3A_555, %broadcast_in_dim3A_560, %select_n3A_552 : vector<16xi1>, vector<16xf32>
      %eq3A_562 = arith.constant 2 : i32
      %eq3A_563 = vector.broadcast %eq3A_562 : i32 to vector<16xi32>
      %eq3A_564 = arith.cmpi eq, %iota3A, %eq3A_563 : vector<16xi32>
      %reduce_sum3A_565 = arith.constant true
      %reduce_sum3A_566 = vector.broadcast %reduce_sum3A_565 : i1 to vector<16xi1>
      %reduce_sum3A_567 = tpu.scan <sum>, %scan3A_390#18 masked %reduce_sum3A_566 : vector<16xf32>, vector<16xi1> -> vector<16xf32>
      %reduce_sum3A_568 = vector.extract %reduce_sum3A_567[15] : f32 from vector<16xf32>
      %broadcast_in_dim3A_569 = vector.broadcast %reduce_sum3A_568 : f32 to vector<16xf32>
      %select_n3A_570 = arith.select %eq3A_564, %broadcast_in_dim3A_569, %select_n3A_561 : vector<16xi1>, vector<16xf32>
      %eq3A_571 = arith.constant 3 : i32
      %eq3A_572 = vector.broadcast %eq3A_571 : i32 to vector<16xi32>
      %eq3A_573 = arith.cmpi eq, %iota3A, %eq3A_572 : vector<16xi32>
      %reduce_sum3A_574 = arith.constant true
      %reduce_sum3A_575 = vector.broadcast %reduce_sum3A_574 : i1 to vector<16xi1>
      %reduce_sum3A_576 = tpu.scan <sum>, %scan3A_390#19 masked %reduce_sum3A_575 : vector<16xf32>, vector<16xi1> -> vector<16xf32>
      %reduce_sum3A_577 = vector.extract %reduce_sum3A_576[15] : f32 from vector<16xf32>
      %broadcast_in_dim3A_578 = vector.broadcast %reduce_sum3A_577 : f32 to vector<16xf32>
      %select_n3A_579 = arith.select %eq3A_573, %broadcast_in_dim3A_578, %select_n3A_570 : vector<16xi1>, vector<16xf32>
      %eq3A_580 = arith.constant 4 : i32
      %eq3A_581 = vector.broadcast %eq3A_580 : i32 to vector<16xi32>
      %eq3A_582 = arith.cmpi eq, %iota3A, %eq3A_581 : vector<16xi32>
      %reduce_sum3A_583 = arith.constant true
      %reduce_sum3A_584 = vector.broadcast %reduce_sum3A_583 : i1 to vector<16xi1>
      %reduce_sum3A_585 = tpu.scan <sum>, %scan3A_390#20 masked %reduce_sum3A_584 : vector<16xf32>, vector<16xi1> -> vector<16xf32>
      %reduce_sum3A_586 = vector.extract %reduce_sum3A_585[15] : f32 from vector<16xf32>
      %broadcast_in_dim3A_587 = vector.broadcast %reduce_sum3A_586 : f32 to vector<16xf32>
      %select_n3A_588 = arith.select %eq3A_582, %broadcast_in_dim3A_587, %select_n3A_579 : vector<16xi1>, vector<16xf32>
      %eq3A_589 = arith.constant 5 : i32
      %eq3A_590 = vector.broadcast %eq3A_589 : i32 to vector<16xi32>
      %eq3A_591 = arith.cmpi eq, %iota3A, %eq3A_590 : vector<16xi32>
      %reduce_sum3A_592 = arith.constant true
      %reduce_sum3A_593 = vector.broadcast %reduce_sum3A_592 : i1 to vector<16xi1>
      %reduce_sum3A_594 = tpu.scan <sum>, %scan3A_390#21 masked %reduce_sum3A_593 : vector<16xf32>, vector<16xi1> -> vector<16xf32>
      %reduce_sum3A_595 = vector.extract %reduce_sum3A_594[15] : f32 from vector<16xf32>
      %broadcast_in_dim3A_596 = vector.broadcast %reduce_sum3A_595 : f32 to vector<16xf32>
      %select_n3A_597 = arith.select %eq3A_591, %broadcast_in_dim3A_596, %select_n3A_588 : vector<16xi1>, vector<16xf32>
      %eq3A_598 = arith.constant 6 : i32
      %eq3A_599 = vector.broadcast %eq3A_598 : i32 to vector<16xi32>
      %eq3A_600 = arith.cmpi eq, %iota3A, %eq3A_599 : vector<16xi32>
      %reduce_sum3A_601 = arith.constant true
      %reduce_sum3A_602 = vector.broadcast %reduce_sum3A_601 : i1 to vector<16xi1>
      %reduce_sum3A_603 = tpu.scan <sum>, %scan3A_390#22 masked %reduce_sum3A_602 : vector<16xf32>, vector<16xi1> -> vector<16xf32>
      %reduce_sum3A_604 = vector.extract %reduce_sum3A_603[15] : f32 from vector<16xf32>
      %broadcast_in_dim3A_605 = vector.broadcast %reduce_sum3A_604 : f32 to vector<16xf32>
      %select_n3A_606 = arith.select %eq3A_600, %broadcast_in_dim3A_605, %select_n3A_597 : vector<16xi1>, vector<16xf32>
      %eq3A_607 = arith.constant 7 : i32
      %eq3A_608 = vector.broadcast %eq3A_607 : i32 to vector<16xi32>
      %eq3A_609 = arith.cmpi eq, %iota3A, %eq3A_608 : vector<16xi32>
      %reduce_sum3A_610 = arith.constant true
      %reduce_sum3A_611 = vector.broadcast %reduce_sum3A_610 : i1 to vector<16xi1>
      %reduce_sum3A_612 = tpu.scan <sum>, %scan3A_390#23 masked %reduce_sum3A_611 : vector<16xf32>, vector<16xi1> -> vector<16xf32>
      %reduce_sum3A_613 = vector.extract %reduce_sum3A_612[15] : f32 from vector<16xf32>
      %broadcast_in_dim3A_614 = vector.broadcast %reduce_sum3A_613 : f32 to vector<16xf32>
      %select_n3A_615 = arith.select %eq3A_609, %broadcast_in_dim3A_614, %select_n3A_606 : vector<16xi1>, vector<16xf32>
      %swap3A_616 = arith.constant 6 : i32
      %swap3A_617 = arith.index_cast %swap3A_616 : i32 to index
      %swap3A_618 = arith.constant 0 : index
      %swap3A_619 = tpu.vector_load %arg7[%swap3A_617, %swap3A_618] {strides = array<i32>} : memref<16x16xf32, #tpu.memory_space<vmem>>, vector<16xf32>,
      tpu.vector_store %arg7[%swap3A_617, %swap3A_618], %select_n3A_615 {strides = array<i32>} : memref<16x16xf32, #tpu.memory_space<vmem>>, vector<16xf32>,
      %eq3A_620 = arith.constant 0 : i32
      %eq3A_621 = vector.broadcast %eq3A_620 : i32 to vector<16xi32>
      %eq3A_622 = arith.cmpi eq, %iota3A, %eq3A_621 : vector<16xi32>
      %reduce_sum3A_623 = arith.constant true
      %reduce_sum3A_624 = vector.broadcast %reduce_sum3A_623 : i1 to vector<16xi1>
      %reduce_sum3A_625 = tpu.scan <sum>, %scan3A_390#24 masked %reduce_sum3A_624 : vector<16xf32>, vector<16xi1> -> vector<16xf32>
      %reduce_sum3A_626 = vector.extract %reduce_sum3A_625[15] : f32 from vector<16xf32>
      %broadcast_in_dim3A_627 = vector.broadcast %reduce_sum3A_626 : f32 to vector<16xf32>
      %select_n3A_628 = arith.select %eq3A_622, %broadcast_in_dim3A_627, %broadcast_in_dim3A_385 : vector<16xi1>, vector<16xf32>
      %eq3A_629 = arith.constant 1 : i32
      %eq3A_630 = vector.broadcast %eq3A_629 : i32 to vector<16xi32>
      %eq3A_631 = arith.cmpi eq, %iota3A, %eq3A_630 : vector<16xi32>
      %reduce_sum3A_632 = arith.constant true
      %reduce_sum3A_633 = vector.broadcast %reduce_sum3A_632 : i1 to vector<16xi1>
      %reduce_sum3A_634 = tpu.scan <sum>, %scan3A_390#25 masked %reduce_sum3A_633 : vector<16xf32>, vector<16xi1> -> vector<16xf32>
      %reduce_sum3A_635 = vector.extract %reduce_sum3A_634[15] : f32 from vector<16xf32>
      %broadcast_in_dim3A_636 = vector.broadcast %reduce_sum3A_635 : f32 to vector<16xf32>
      %select_n3A_637 = arith.select %eq3A_631, %broadcast_in_dim3A_636, %select_n3A_628 : vector<16xi1>, vector<16xf32>
      %eq3A_638 = arith.constant 2 : i32
      %eq3A_639 = vector.broadcast %eq3A_638 : i32 to vector<16xi32>
      %eq3A_640 = arith.cmpi eq, %iota3A, %eq3A_639 : vector<16xi32>
      %reduce_sum3A_641 = arith.constant true
      %reduce_sum3A_642 = vector.broadcast %reduce_sum3A_641 : i1 to vector<16xi1>
      %reduce_sum3A_643 = tpu.scan <sum>, %scan3A_390#26 masked %reduce_sum3A_642 : vector<16xf32>, vector<16xi1> -> vector<16xf32>
      %reduce_sum3A_644 = vector.extract %reduce_sum3A_643[15] : f32 from vector<16xf32>
      %broadcast_in_dim3A_645 = vector.broadcast %reduce_sum3A_644 : f32 to vector<16xf32>
      %select_n3A_646 = arith.select %eq3A_640, %broadcast_in_dim3A_645, %select_n3A_637 : vector<16xi1>, vector<16xf32>
      %eq3A_647 = arith.constant 3 : i32
      %eq3A_648 = vector.broadcast %eq3A_647 : i32 to vector<16xi32>
      %eq3A_649 = arith.cmpi eq, %iota3A, %eq3A_648 : vector<16xi32>
      %reduce_sum3A_650 = arith.constant true
      %reduce_sum3A_651 = vector.broadcast %reduce_sum3A_650 : i1 to vector<16xi1>
      %reduce_sum3A_652 = tpu.scan <sum>, %scan3A_390#27 masked %reduce_sum3A_651 : vector<16xf32>, vector<16xi1> -> vector<16xf32>
      %reduce_sum3A_653 = vector.extract %reduce_sum3A_652[15] : f32 from vector<16xf32>
      %broadcast_in_dim3A_654 = vector.broadcast %reduce_sum3A_653 : f32 to vector<16xf32>
      %select_n3A_655 = arith.select %eq3A_649, %broadcast_in_dim3A_654, %select_n3A_646 : vector<16xi1>, vector<16xf32>
      %eq3A_656 = arith.constant 4 : i32
      %eq3A_657 = vector.broadcast %eq3A_656 : i32 to vector<16xi32>
      %eq3A_658 = arith.cmpi eq, %iota3A, %eq3A_657 : vector<16xi32>
      %reduce_sum3A_659 = arith.constant true
      %reduce_sum3A_660 = vector.broadcast %reduce_sum3A_659 : i1 to vector<16xi1>
      %reduce_sum3A_661 = tpu.scan <sum>, %scan3A_390#28 masked %reduce_sum3A_660 : vector<16xf32>, vector<16xi1> -> vector<16xf32>
      %reduce_sum3A_662 = vector.extract %reduce_sum3A_661[15] : f32 from vector<16xf32>
      %broadcast_in_dim3A_663 = vector.broadcast %reduce_sum3A_662 : f32 to vector<16xf32>
      %select_n3A_664 = arith.select %eq3A_658, %broadcast_in_dim3A_663, %select_n3A_655 : vector<16xi1>, vector<16xf32>
      %eq3A_665 = arith.constant 5 : i32
      %eq3A_666 = vector.broadcast %eq3A_665 : i32 to vector<16xi32>
      %eq3A_667 = arith.cmpi eq, %iota3A, %eq3A_666 : vector<16xi32>
      %reduce_sum3A_668 = arith.constant true
      %reduce_sum3A_669 = vector.broadcast %reduce_sum3A_668 : i1 to vector<16xi1>
      %reduce_sum3A_670 = tpu.scan <sum>, %scan3A_390#29 masked %reduce_sum3A_669 : vector<16xf32>, vector<16xi1> -> vector<16xf32>
      %reduce_sum3A_671 = vector.extract %reduce_sum3A_670[15] : f32 from vector<16xf32>
      %broadcast_in_dim3A_672 = vector.broadcast %reduce_sum3A_671 : f32 to vector<16xf32>
      %select_n3A_673 = arith.select %eq3A_667, %broadcast_in_dim3A_672, %select_n3A_664 : vector<16xi1>, vector<16xf32>
      %eq3A_674 = arith.constant 6 : i32
      %eq3A_675 = vector.broadcast %eq3A_674 : i32 to vector<16xi32>
      %eq3A_676 = arith.cmpi eq, %iota3A, %eq3A_675 : vector<16xi32>
      %reduce_sum3A_677 = arith.constant true
      %reduce_sum3A_678 = vector.broadcast %reduce_sum3A_677 : i1 to vector<16xi1>
      %reduce_sum3A_679 = tpu.scan <sum>, %scan3A_390#30 masked %reduce_sum3A_678 : vector<16xf32>, vector<16xi1> -> vector<16xf32>
      %reduce_sum3A_680 = vector.extract %reduce_sum3A_679[15] : f32 from vector<16xf32>
      %broadcast_in_dim3A_681 = vector.broadcast %reduce_sum3A_680 : f32 to vector<16xf32>
      %select_n3A_682 = arith.select %eq3A_676, %broadcast_in_dim3A_681, %select_n3A_673 : vector<16xi1>, vector<16xf32>
      %eq3A_683 = arith.constant 7 : i32
      %eq3A_684 = vector.broadcast %eq3A_683 : i32 to vector<16xi32>
      %eq3A_685 = arith.cmpi eq, %iota3A, %eq3A_684 : vector<16xi32>
      %reduce_sum3A_686 = arith.constant true
      %reduce_sum3A_687 = vector.broadcast %reduce_sum3A_686 : i1 to vector<16xi1>
      %reduce_sum3A_688 = tpu.scan <sum>, %scan3A_390#31 masked %reduce_sum3A_687 : vector<16xf32>, vector<16xi1> -> vector<16xf32>
      %reduce_sum3A_689 = vector.extract %reduce_sum3A_688[15] : f32 from vector<16xf32>
      %broadcast_in_dim3A_690 = vector.broadcast %reduce_sum3A_689 : f32 to vector<16xf32>
      %select_n3A_691 = arith.select %eq3A_685, %broadcast_in_dim3A_690, %select_n3A_682 : vector<16xi1>, vector<16xf32>
      %swap3A_692 = arith.constant 7 : i32
      %swap3A_693 = arith.index_cast %swap3A_692 : i32 to index
      %swap3A_694 = arith.constant 0 : index
      %swap3A_695 = tpu.vector_load %arg7[%swap3A_693, %swap3A_694] {strides = array<i32>} : memref<16x16xf32, #tpu.memory_space<vmem>>, vector<16xf32>,
      tpu.vector_store %arg7[%swap3A_693, %swap3A_694], %select_n3A_691 {strides = array<i32>} : memref<16x16xf32, #tpu.memory_space<vmem>>, vector<16xf32>,
      %broadcast_in_dim3A_696 = arith.constant 0.000000e+00 : f32
      %broadcast_in_dim3A_697 = vector.broadcast %broadcast_in_dim3A_696 : f32 to vector<16xf32>
      %scan3A_698 = arith.constant 0 : i32
      %scan3A_699 = arith.constant 64 : i32
      %scan3A_700 = arith.addi %scan3A_698, %scan3A_699 : i32
      %scan3A_701 = arith.constant 1 : i32
      %scan3A_702:32 = scf.for %scan3A_1398 = %scan3A_698 to %scan3A_700 step %scan3A_701 iter_args(%scan3A_1399 = %broadcast_in_dim3A_697, %scan3A_1400 = %broadcast_in_dim3A_697, %scan3A_1401 = %broadcast_in_dim3A_697, %scan3A_1402 = %broadcast_in_dim3A_697, %scan3A_1403 = %broadcast_in_dim3A_697, %scan3A_1404 = %broadcast_in_dim3A_697, %scan3A_1405 = %broadcast_in_dim3A_697, %scan3A_1406 = %broadcast_in_dim3A_697, %scan3A_1407 = %broadcast_in_dim3A_697, %scan3A_1408 = %broadcast_in_dim3A_697, %scan3A_1409 = %broadcast_in_dim3A_697, %scan3A_1410 = %broadcast_in_dim3A_697, %scan3A_1411 = %broadcast_in_dim3A_697, %scan3A_1412 = %broadcast_in_dim3A_697, %scan3A_1413 = %broadcast_in_dim3A_697, %scan3A_1414 = %broadcast_in_dim3A_697, %scan3A_1415 = %broadcast_in_dim3A_697, %scan3A_1416 = %broadcast_in_dim3A_697, %scan3A_1417 = %broadcast_in_dim3A_697, %scan3A_1418 = %broadcast_in_dim3A_697, %scan3A_1419 = %broadcast_in_dim3A_697, %scan3A_1420 = %broadcast_in_dim3A_697, %scan3A_1421 = %broadcast_in_dim3A_697, %scan3A_1422 = %broadcast_in_dim3A_697, %scan3A_1423 = %broadcast_in_dim3A_697, %scan3A_1424 = %broadcast_in_dim3A_697, %scan3A_1425 = %broadcast_in_dim3A_697, %scan3A_1426 = %broadcast_in_dim3A_697, %scan3A_1427 = %broadcast_in_dim3A_697, %scan3A_1428 = %broadcast_in_dim3A_697, %scan3A_1429 = %broadcast_in_dim3A_697, %scan3A_1430 = %broadcast_in_dim3A_697) -> (vector<16xf32>, vector<16xf32>, vector<16xf32>, vector<16xf32>, vector<16xf32>, vector<16xf32>, vector<16xf32>, vector<16xf32>, vector<16xf32>, vector<16xf32>, vector<16xf32>, vector<16xf32>, vector<16xf32>, vector<16xf32>, vector<16xf32>, vector<16xf32>, vector<16xf32>, vector<16xf32>, vector<16xf32>, vector<16xf32>, vector<16xf32>, vector<16xf32>, vector<16xf32>, vector<16xf32>, vector<16xf32>, vector<16xf32>, vector<16xf32>, vector<16xf32>, vector<16xf32>, vector<16xf32>, vector<16xf32>, vector<16xf32>)  : i32 {
        %mul3A_1431 = arith.constant 16 : i32
        %mul3A_1432 = arith.muli %scan3A_1398, %mul3A_1431 : i32
        %get3A = arith.constant 2 : i32
        %get3A_1433 = arith.constant 0 : i32
        %get3A_1434 = arith.index_cast %get3A : i32 to index
        %get3A_1435 = arith.index_cast %get3A_1433 : i32 to index
        %get3A_1436 = arith.index_cast %mul3A_1432 : i32 to index
        %get3A_1437 = tpu.vector_load %arg6[%get3A_1434, %get3A_1435, %get3A_1436] {strides = array<i32>} : memref<4x4x1024xf32, #tpu.memory_space<vmem>>, vector<16xf32>,
        %bitcast_convert_type3A = tpu.bitcast %get3A_1437 : vector<16xf32> -> vector<16xi32>
        %shift_right_logical3A = arith.constant 16 : i32
        %shift_right_logical3A_1438 = vector.broadcast %shift_right_logical3A : i32 to vector<16xi32>
        %shift_right_logical3A_1439 = arith.shrui %bitcast_convert_type3A, %shift_right_logical3A_1438 : vector<16xi32>
        %and3A = arith.constant 1 : i32
        %and3A_1440 = vector.broadcast %and3A : i32 to vector<16xi32>
        %and3A_1441 = arith.andi %shift_right_logical3A_1439, %and3A_1440 : vector<16xi32>
        %add3A_1442 = arith.constant 32767 : i32
        %add3A_1443 = vector.broadcast %add3A_1442 : i32 to vector<16xi32>
        %add3A_1444 = arith.addi %bitcast_convert_type3A, %add3A_1443 : vector<16xi32>
        %add3A_1445 = arith.addi %add3A_1444, %and3A_1441 : vector<16xi32>
        %and3A_1446 = arith.constant -65536 : i32
        %and3A_1447 = vector.broadcast %and3A_1446 : i32 to vector<16xi32>
        %and3A_1448 = arith.andi %add3A_1445, %and3A_1447 : vector<16xi32>
        %bitcast_convert_type3A_1449 = tpu.bitcast %and3A_1448 : vector<16xi32> -> vector<16xf32>
        %mul3A_1450 = arith.constant 16 : i32
        %mul3A_1451 = arith.muli %scan3A_1398, %mul3A_1450 : i32
        %get3A_1452 = arith.constant 2 : i32
        %get3A_1453 = arith.constant 1 : i32
        %get3A_1454 = arith.index_cast %get3A_1452 : i32 to index
        %get3A_1455 = arith.index_cast %get3A_1453 : i32 to index
        %get3A_1456 = arith.index_cast %mul3A_1451 : i32 to index
        %get3A_1457 = tpu.vector_load %arg6[%get3A_1454, %get3A_1455, %get3A_1456] {strides = array<i32>} : memref<4x4x1024xf32, #tpu.memory_space<vmem>>, vector<16xf32>,
        %bitcast_convert_type3A_1458 = tpu.bitcast %get3A_1457 : vector<16xf32> -> vector<16xi32>
        %shift_right_logical3A_1459 = arith.constant 16 : i32
        %shift_right_logical3A_1460 = vector.broadcast %shift_right_logical3A_1459 : i32 to vector<16xi32>
        %shift_right_logical3A_1461 = arith.shrui %bitcast_convert_type3A_1458, %shift_right_logical3A_1460 : vector<16xi32>
        %and3A_1462 = arith.constant 1 : i32
        %and3A_1463 = vector.broadcast %and3A_1462 : i32 to vector<16xi32>
        %and3A_1464 = arith.andi %shift_right_logical3A_1461, %and3A_1463 : vector<16xi32>
        %add3A_1465 = arith.constant 32767 : i32
        %add3A_1466 = vector.broadcast %add3A_1465 : i32 to vector<16xi32>
        %add3A_1467 = arith.addi %bitcast_convert_type3A_1458, %add3A_1466 : vector<16xi32>
        %add3A_1468 = arith.addi %add3A_1467, %and3A_1464 : vector<16xi32>
        %and3A_1469 = arith.constant -65536 : i32
        %and3A_1470 = vector.broadcast %and3A_1469 : i32 to vector<16xi32>
        %and3A_1471 = arith.andi %add3A_1468, %and3A_1470 : vector<16xi32>
        %bitcast_convert_type3A_1472 = tpu.bitcast %and3A_1471 : vector<16xi32> -> vector<16xf32>
        %mul3A_1473 = arith.constant 16 : i32
        %mul3A_1474 = arith.muli %scan3A_1398, %mul3A_1473 : i32
        %get3A_1475 = arith.constant 2 : i32
        %get3A_1476 = arith.constant 2 : i32
        %get3A_1477 = arith.index_cast %get3A_1475 : i32 to index
        %get3A_1478 = arith.index_cast %get3A_1476 : i32 to index
        %get3A_1479 = arith.index_cast %mul3A_1474 : i32 to index
        %get3A_1480 = tpu.vector_load %arg6[%get3A_1477, %get3A_1478, %get3A_1479] {strides = array<i32>} : memref<4x4x1024xf32, #tpu.memory_space<vmem>>, vector<16xf32>,
        %bitcast_convert_type3A_1481 = tpu.bitcast %get3A_1480 : vector<16xf32> -> vector<16xi32>
        %shift_right_logical3A_1482 = arith.constant 16 : i32
        %shift_right_logical3A_1483 = vector.broadcast %shift_right_logical3A_1482 : i32 to vector<16xi32>
        %shift_right_logical3A_1484 = arith.shrui %bitcast_convert_type3A_1481, %shift_right_logical3A_1483 : vector<16xi32>
        %and3A_1485 = arith.constant 1 : i32
        %and3A_1486 = vector.broadcast %and3A_1485 : i32 to vector<16xi32>
        %and3A_1487 = arith.andi %shift_right_logical3A_1484, %and3A_1486 : vector<16xi32>
        %add3A_1488 = arith.constant 32767 : i32
        %add3A_1489 = vector.broadcast %add3A_1488 : i32 to vector<16xi32>
        %add3A_1490 = arith.addi %bitcast_convert_type3A_1481, %add3A_1489 : vector<16xi32>
        %add3A_1491 = arith.addi %add3A_1490, %and3A_1487 : vector<16xi32>
        %and3A_1492 = arith.constant -65536 : i32
        %and3A_1493 = vector.broadcast %and3A_1492 : i32 to vector<16xi32>
        %and3A_1494 = arith.andi %add3A_1491, %and3A_1493 : vector<16xi32>
        %bitcast_convert_type3A_1495 = tpu.bitcast %and3A_1494 : vector<16xi32> -> vector<16xf32>
        %mul3A_1496 = arith.constant 16 : i32
        %mul3A_1497 = arith.muli %scan3A_1398, %mul3A_1496 : i32
        %get3A_1498 = arith.constant 2 : i32
        %get3A_1499 = arith.constant 3 : i32
        %get3A_1500 = arith.index_cast %get3A_1498 : i32 to index
        %get3A_1501 = arith.index_cast %get3A_1499 : i32 to index
        %get3A_1502 = arith.index_cast %mul3A_1497 : i32 to index
        %get3A_1503 = tpu.vector_load %arg6[%get3A_1500, %get3A_1501, %get3A_1502] {strides = array<i32>} : memref<4x4x1024xf32, #tpu.memory_space<vmem>>, vector<16xf32>,
        %bitcast_convert_type3A_1504 = tpu.bitcast %get3A_1503 : vector<16xf32> -> vector<16xi32>
        %shift_right_logical3A_1505 = arith.constant 16 : i32
        %shift_right_logical3A_1506 = vector.broadcast %shift_right_logical3A_1505 : i32 to vector<16xi32>
        %shift_right_logical3A_1507 = arith.shrui %bitcast_convert_type3A_1504, %shift_right_logical3A_1506 : vector<16xi32>
        %and3A_1508 = arith.constant 1 : i32
        %and3A_1509 = vector.broadcast %and3A_1508 : i32 to vector<16xi32>
        %and3A_1510 = arith.andi %shift_right_logical3A_1507, %and3A_1509 : vector<16xi32>
        %add3A_1511 = arith.constant 32767 : i32
        %add3A_1512 = vector.broadcast %add3A_1511 : i32 to vector<16xi32>
        %add3A_1513 = arith.addi %bitcast_convert_type3A_1504, %add3A_1512 : vector<16xi32>
        %add3A_1514 = arith.addi %add3A_1513, %and3A_1510 : vector<16xi32>
        %and3A_1515 = arith.constant -65536 : i32
        %and3A_1516 = vector.broadcast %and3A_1515 : i32 to vector<16xi32>
        %and3A_1517 = arith.andi %add3A_1514, %and3A_1516 : vector<16xi32>
        %bitcast_convert_type3A_1518 = tpu.bitcast %and3A_1517 : vector<16xi32> -> vector<16xf32>
        %mul3A_1519 = arith.constant 16 : i32
        %mul3A_1520 = arith.muli %scan3A_1398, %mul3A_1519 : i32
        %get3A_1521 = arith.constant 0 : i32
        %get3A_1522 = arith.index_cast %get3A_1521 : i32 to index
        %get3A_1523 = arith.index_cast %mul3A_1520 : i32 to index
        %get3A_1524 = tpu.vector_load %arg5[%get3A_1522, %get3A_1523] {strides = array<i32>} : memref<8x1024xf32, #tpu.memory_space<vmem>>, vector<16xf32>,
        %mul3A_1525 = arith.constant 16 : i32
        %mul3A_1526 = arith.muli %scan3A_1398, %mul3A_1525 : i32
        %get3A_1527 = arith.constant 1 : i32
        %get3A_1528 = arith.index_cast %get3A_1527 : i32 to index
        %get3A_1529 = arith.index_cast %mul3A_1526 : i32 to index
        %get3A_1530 = tpu.vector_load %arg5[%get3A_1528, %get3A_1529] {strides = array<i32>} : memref<8x1024xf32, #tpu.memory_space<vmem>>, vector<16xf32>,
        %mul3A_1531 = arith.constant 16 : i32
        %mul3A_1532 = arith.muli %scan3A_1398, %mul3A_1531 : i32
        %get3A_1533 = arith.constant 2 : i32
        %get3A_1534 = arith.index_cast %get3A_1533 : i32 to index
        %get3A_1535 = arith.index_cast %mul3A_1532 : i32 to index
        %get3A_1536 = tpu.vector_load %arg5[%get3A_1534, %get3A_1535] {strides = array<i32>} : memref<8x1024xf32, #tpu.memory_space<vmem>>, vector<16xf32>,
        %mul3A_1537 = arith.constant 16 : i32
        %mul3A_1538 = arith.muli %scan3A_1398, %mul3A_1537 : i32
        %get3A_1539 = arith.constant 3 : i32
        %get3A_1540 = arith.index_cast %get3A_1539 : i32 to index
        %get3A_1541 = arith.index_cast %mul3A_1538 : i32 to index
        %get3A_1542 = tpu.vector_load %arg5[%get3A_1540, %get3A_1541] {strides = array<i32>} : memref<8x1024xf32, #tpu.memory_space<vmem>>, vector<16xf32>,
        %mul3A_1543 = arith.constant 16 : i32
        %mul3A_1544 = arith.muli %scan3A_1398, %mul3A_1543 : i32
        %get3A_1545 = arith.constant 4 : i32
        %get3A_1546 = arith.index_cast %get3A_1545 : i32 to index
        %get3A_1547 = arith.index_cast %mul3A_1544 : i32 to index
        %get3A_1548 = tpu.vector_load %arg5[%get3A_1546, %get3A_1547] {strides = array<i32>} : memref<8x1024xf32, #tpu.memory_space<vmem>>, vector<16xf32>,
        %mul3A_1549 = arith.constant 16 : i32
        %mul3A_1550 = arith.muli %scan3A_1398, %mul3A_1549 : i32
        %get3A_1551 = arith.constant 5 : i32
        %get3A_1552 = arith.index_cast %get3A_1551 : i32 to index
        %get3A_1553 = arith.index_cast %mul3A_1550 : i32 to index
        %get3A_1554 = tpu.vector_load %arg5[%get3A_1552, %get3A_1553] {strides = array<i32>} : memref<8x1024xf32, #tpu.memory_space<vmem>>, vector<16xf32>,
        %mul3A_1555 = arith.constant 16 : i32
        %mul3A_1556 = arith.muli %scan3A_1398, %mul3A_1555 : i32
        %get3A_1557 = arith.constant 6 : i32
        %get3A_1558 = arith.index_cast %get3A_1557 : i32 to index
        %get3A_1559 = arith.index_cast %mul3A_1556 : i32 to index
        %get3A_1560 = tpu.vector_load %arg5[%get3A_1558, %get3A_1559] {strides = array<i32>} : memref<8x1024xf32, #tpu.memory_space<vmem>>, vector<16xf32>,
        %mul3A_1561 = arith.constant 16 : i32
        %mul3A_1562 = arith.muli %scan3A_1398, %mul3A_1561 : i32
        %get3A_1563 = arith.constant 7 : i32
        %get3A_1564 = arith.index_cast %get3A_1563 : i32 to index
        %get3A_1565 = arith.index_cast %mul3A_1562 : i32 to index
        %get3A_1566 = tpu.vector_load %arg5[%get3A_1564, %get3A_1565] {strides = array<i32>} : memref<8x1024xf32, #tpu.memory_space<vmem>>, vector<16xf32>,
        %mul3A_1567 = arith.mulf %bitcast_convert_type3A_1449, %get3A_1524 : vector<16xf32>
        %add3A_1568 = arith.addf %scan3A_1399, %mul3A_1567 : vector<16xf32>
        %mul3A_1569 = arith.mulf %bitcast_convert_type3A_1449, %get3A_1530 : vector<16xf32>
        %add3A_1570 = arith.addf %scan3A_1400, %mul3A_1569 : vector<16xf32>
        %mul3A_1571 = arith.mulf %bitcast_convert_type3A_1449, %get3A_1536 : vector<16xf32>
        %add3A_1572 = arith.addf %scan3A_1401, %mul3A_1571 : vector<16xf32>
        %mul3A_1573 = arith.mulf %bitcast_convert_type3A_1449, %get3A_1542 : vector<16xf32>
        %add3A_1574 = arith.addf %scan3A_1402, %mul3A_1573 : vector<16xf32>
        %mul3A_1575 = arith.mulf %bitcast_convert_type3A_1449, %get3A_1548 : vector<16xf32>
        %add3A_1576 = arith.addf %scan3A_1403, %mul3A_1575 : vector<16xf32>
        %mul3A_1577 = arith.mulf %bitcast_convert_type3A_1449, %get3A_1554 : vector<16xf32>
        %add3A_1578 = arith.addf %scan3A_1404, %mul3A_1577 : vector<16xf32>
        %mul3A_1579 = arith.mulf %bitcast_convert_type3A_1449, %get3A_1560 : vector<16xf32>
        %add3A_1580 = arith.addf %scan3A_1405, %mul3A_1579 : vector<16xf32>
        %mul3A_1581 = arith.mulf %bitcast_convert_type3A_1449, %get3A_1566 : vector<16xf32>
        %add3A_1582 = arith.addf %scan3A_1406, %mul3A_1581 : vector<16xf32>
        %mul3A_1583 = arith.mulf %bitcast_convert_type3A_1472, %get3A_1524 : vector<16xf32>
        %add3A_1584 = arith.addf %scan3A_1407, %mul3A_1583 : vector<16xf32>
        %mul3A_1585 = arith.mulf %bitcast_convert_type3A_1472, %get3A_1530 : vector<16xf32>
        %add3A_1586 = arith.addf %scan3A_1408, %mul3A_1585 : vector<16xf32>
        %mul3A_1587 = arith.mulf %bitcast_convert_type3A_1472, %get3A_1536 : vector<16xf32>
        %add3A_1588 = arith.addf %scan3A_1409, %mul3A_1587 : vector<16xf32>
        %mul3A_1589 = arith.mulf %bitcast_convert_type3A_1472, %get3A_1542 : vector<16xf32>
        %add3A_1590 = arith.addf %scan3A_1410, %mul3A_1589 : vector<16xf32>
        %mul3A_1591 = arith.mulf %bitcast_convert_type3A_1472, %get3A_1548 : vector<16xf32>
        %add3A_1592 = arith.addf %scan3A_1411, %mul3A_1591 : vector<16xf32>
        %mul3A_1593 = arith.mulf %bitcast_convert_type3A_1472, %get3A_1554 : vector<16xf32>
        %add3A_1594 = arith.addf %scan3A_1412, %mul3A_1593 : vector<16xf32>
        %mul3A_1595 = arith.mulf %bitcast_convert_type3A_1472, %get3A_1560 : vector<16xf32>
        %add3A_1596 = arith.addf %scan3A_1413, %mul3A_1595 : vector<16xf32>
        %mul3A_1597 = arith.mulf %bitcast_convert_type3A_1472, %get3A_1566 : vector<16xf32>
        %add3A_1598 = arith.addf %scan3A_1414, %mul3A_1597 : vector<16xf32>
        %mul3A_1599 = arith.mulf %bitcast_convert_type3A_1495, %get3A_1524 : vector<16xf32>
        %add3A_1600 = arith.addf %scan3A_1415, %mul3A_1599 : vector<16xf32>
        %mul3A_1601 = arith.mulf %bitcast_convert_type3A_1495, %get3A_1530 : vector<16xf32>
        %add3A_1602 = arith.addf %scan3A_1416, %mul3A_1601 : vector<16xf32>
        %mul3A_1603 = arith.mulf %bitcast_convert_type3A_1495, %get3A_1536 : vector<16xf32>
        %add3A_1604 = arith.addf %scan3A_1417, %mul3A_1603 : vector<16xf32>
        %mul3A_1605 = arith.mulf %bitcast_convert_type3A_1495, %get3A_1542 : vector<16xf32>
        %add3A_1606 = arith.addf %scan3A_1418, %mul3A_1605 : vector<16xf32>
        %mul3A_1607 = arith.mulf %bitcast_convert_type3A_1495, %get3A_1548 : vector<16xf32>
        %add3A_1608 = arith.addf %scan3A_1419, %mul3A_1607 : vector<16xf32>
        %mul3A_1609 = arith.mulf %bitcast_convert_type3A_1495, %get3A_1554 : vector<16xf32>
        %add3A_1610 = arith.addf %scan3A_1420, %mul3A_1609 : vector<16xf32>
        %mul3A_1611 = arith.mulf %bitcast_convert_type3A_1495, %get3A_1560 : vector<16xf32>
        %add3A_1612 = arith.addf %scan3A_1421, %mul3A_1611 : vector<16xf32>
        %mul3A_1613 = arith.mulf %bitcast_convert_type3A_1495, %get3A_1566 : vector<16xf32>
        %add3A_1614 = arith.addf %scan3A_1422, %mul3A_1613 : vector<16xf32>
        %mul3A_1615 = arith.mulf %bitcast_convert_type3A_1518, %get3A_1524 : vector<16xf32>
        %add3A_1616 = arith.addf %scan3A_1423, %mul3A_1615 : vector<16xf32>
        %mul3A_1617 = arith.mulf %bitcast_convert_type3A_1518, %get3A_1530 : vector<16xf32>
        %add3A_1618 = arith.addf %scan3A_1424, %mul3A_1617 : vector<16xf32>
        %mul3A_1619 = arith.mulf %bitcast_convert_type3A_1518, %get3A_1536 : vector<16xf32>
        %add3A_1620 = arith.addf %scan3A_1425, %mul3A_1619 : vector<16xf32>
        %mul3A_1621 = arith.mulf %bitcast_convert_type3A_1518, %get3A_1542 : vector<16xf32>
        %add3A_1622 = arith.addf %scan3A_1426, %mul3A_1621 : vector<16xf32>
        %mul3A_1623 = arith.mulf %bitcast_convert_type3A_1518, %get3A_1548 : vector<16xf32>
        %add3A_1624 = arith.addf %scan3A_1427, %mul3A_1623 : vector<16xf32>
        %mul3A_1625 = arith.mulf %bitcast_convert_type3A_1518, %get3A_1554 : vector<16xf32>
        %add3A_1626 = arith.addf %scan3A_1428, %mul3A_1625 : vector<16xf32>
        %mul3A_1627 = arith.mulf %bitcast_convert_type3A_1518, %get3A_1560 : vector<16xf32>
        %add3A_1628 = arith.addf %scan3A_1429, %mul3A_1627 : vector<16xf32>
        %mul3A_1629 = arith.mulf %bitcast_convert_type3A_1518, %get3A_1566 : vector<16xf32>
        %add3A_1630 = arith.addf %scan3A_1430, %mul3A_1629 : vector<16xf32>
        scf.yield %add3A_1568, %add3A_1570, %add3A_1572, %add3A_1574, %add3A_1576, %add3A_1578, %add3A_1580, %add3A_1582, %add3A_1584, %add3A_1586, %add3A_1588, %add3A_1590, %add3A_1592, %add3A_1594, %add3A_1596, %add3A_1598, %add3A_1600, %add3A_1602, %add3A_1604, %add3A_1606, %add3A_1608, %add3A_1610, %add3A_1612, %add3A_1614, %add3A_1616, %add3A_1618, %add3A_1620, %add3A_1622, %add3A_1624, %add3A_1626, %add3A_1628, %add3A_1630 : vector<16xf32>, vector<16xf32>, vector<16xf32>, vector<16xf32>, vector<16xf32>, vector<16xf32>, vector<16xf32>, vector<16xf32>, vector<16xf32>, vector<16xf32>, vector<16xf32>, vector<16xf32>, vector<16xf32>, vector<16xf32>, vector<16xf32>, vector<16xf32>, vector<16xf32>, vector<16xf32>, vector<16xf32>, vector<16xf32>, vector<16xf32>, vector<16xf32>, vector<16xf32>, vector<16xf32>, vector<16xf32>, vector<16xf32>, vector<16xf32>, vector<16xf32>, vector<16xf32>, vector<16xf32>, vector<16xf32>, vector<16xf32>
      }
      %scan3A_703 = arith.constant 64 : i32
      %eq3A_704 = arith.constant 0 : i32
      %eq3A_705 = vector.broadcast %eq3A_704 : i32 to vector<16xi32>
      %eq3A_706 = arith.cmpi eq, %iota3A, %eq3A_705 : vector<16xi32>
      %reduce_sum3A_707 = arith.constant true
      %reduce_sum3A_708 = vector.broadcast %reduce_sum3A_707 : i1 to vector<16xi1>
      %reduce_sum3A_709 = tpu.scan <sum>, %scan3A_702#0 masked %reduce_sum3A_708 : vector<16xf32>, vector<16xi1> -> vector<16xf32>
      %reduce_sum3A_710 = vector.extract %reduce_sum3A_709[15] : f32 from vector<16xf32>
      %broadcast_in_dim3A_711 = vector.broadcast %reduce_sum3A_710 : f32 to vector<16xf32>
      %select_n3A_712 = arith.select %eq3A_706, %broadcast_in_dim3A_711, %broadcast_in_dim3A_697 : vector<16xi1>, vector<16xf32>
      %eq3A_713 = arith.constant 1 : i32
      %eq3A_714 = vector.broadcast %eq3A_713 : i32 to vector<16xi32>
      %eq3A_715 = arith.cmpi eq, %iota3A, %eq3A_714 : vector<16xi32>
      %reduce_sum3A_716 = arith.constant true
      %reduce_sum3A_717 = vector.broadcast %reduce_sum3A_716 : i1 to vector<16xi1>
      %reduce_sum3A_718 = tpu.scan <sum>, %scan3A_702#1 masked %reduce_sum3A_717 : vector<16xf32>, vector<16xi1> -> vector<16xf32>
      %reduce_sum3A_719 = vector.extract %reduce_sum3A_718[15] : f32 from vector<16xf32>
      %broadcast_in_dim3A_720 = vector.broadcast %reduce_sum3A_719 : f32 to vector<16xf32>
      %select_n3A_721 = arith.select %eq3A_715, %broadcast_in_dim3A_720, %select_n3A_712 : vector<16xi1>, vector<16xf32>
      %eq3A_722 = arith.constant 2 : i32
      %eq3A_723 = vector.broadcast %eq3A_722 : i32 to vector<16xi32>
      %eq3A_724 = arith.cmpi eq, %iota3A, %eq3A_723 : vector<16xi32>
      %reduce_sum3A_725 = arith.constant true
      %reduce_sum3A_726 = vector.broadcast %reduce_sum3A_725 : i1 to vector<16xi1>
      %reduce_sum3A_727 = tpu.scan <sum>, %scan3A_702#2 masked %reduce_sum3A_726 : vector<16xf32>, vector<16xi1> -> vector<16xf32>
      %reduce_sum3A_728 = vector.extract %reduce_sum3A_727[15] : f32 from vector<16xf32>
      %broadcast_in_dim3A_729 = vector.broadcast %reduce_sum3A_728 : f32 to vector<16xf32>
      %select_n3A_730 = arith.select %eq3A_724, %broadcast_in_dim3A_729, %select_n3A_721 : vector<16xi1>, vector<16xf32>
      %eq3A_731 = arith.constant 3 : i32
      %eq3A_732 = vector.broadcast %eq3A_731 : i32 to vector<16xi32>
      %eq3A_733 = arith.cmpi eq, %iota3A, %eq3A_732 : vector<16xi32>
      %reduce_sum3A_734 = arith.constant true
      %reduce_sum3A_735 = vector.broadcast %reduce_sum3A_734 : i1 to vector<16xi1>
      %reduce_sum3A_736 = tpu.scan <sum>, %scan3A_702#3 masked %reduce_sum3A_735 : vector<16xf32>, vector<16xi1> -> vector<16xf32>
      %reduce_sum3A_737 = vector.extract %reduce_sum3A_736[15] : f32 from vector<16xf32>
      %broadcast_in_dim3A_738 = vector.broadcast %reduce_sum3A_737 : f32 to vector<16xf32>
      %select_n3A_739 = arith.select %eq3A_733, %broadcast_in_dim3A_738, %select_n3A_730 : vector<16xi1>, vector<16xf32>
      %eq3A_740 = arith.constant 4 : i32
      %eq3A_741 = vector.broadcast %eq3A_740 : i32 to vector<16xi32>
      %eq3A_742 = arith.cmpi eq, %iota3A, %eq3A_741 : vector<16xi32>
      %reduce_sum3A_743 = arith.constant true
      %reduce_sum3A_744 = vector.broadcast %reduce_sum3A_743 : i1 to vector<16xi1>
      %reduce_sum3A_745 = tpu.scan <sum>, %scan3A_702#4 masked %reduce_sum3A_744 : vector<16xf32>, vector<16xi1> -> vector<16xf32>
      %reduce_sum3A_746 = vector.extract %reduce_sum3A_745[15] : f32 from vector<16xf32>
      %broadcast_in_dim3A_747 = vector.broadcast %reduce_sum3A_746 : f32 to vector<16xf32>
      %select_n3A_748 = arith.select %eq3A_742, %broadcast_in_dim3A_747, %select_n3A_739 : vector<16xi1>, vector<16xf32>
      %eq3A_749 = arith.constant 5 : i32
      %eq3A_750 = vector.broadcast %eq3A_749 : i32 to vector<16xi32>
      %eq3A_751 = arith.cmpi eq, %iota3A, %eq3A_750 : vector<16xi32>
      %reduce_sum3A_752 = arith.constant true
      %reduce_sum3A_753 = vector.broadcast %reduce_sum3A_752 : i1 to vector<16xi1>
      %reduce_sum3A_754 = tpu.scan <sum>, %scan3A_702#5 masked %reduce_sum3A_753 : vector<16xf32>, vector<16xi1> -> vector<16xf32>
      %reduce_sum3A_755 = vector.extract %reduce_sum3A_754[15] : f32 from vector<16xf32>
      %broadcast_in_dim3A_756 = vector.broadcast %reduce_sum3A_755 : f32 to vector<16xf32>
      %select_n3A_757 = arith.select %eq3A_751, %broadcast_in_dim3A_756, %select_n3A_748 : vector<16xi1>, vector<16xf32>
      %eq3A_758 = arith.constant 6 : i32
      %eq3A_759 = vector.broadcast %eq3A_758 : i32 to vector<16xi32>
      %eq3A_760 = arith.cmpi eq, %iota3A, %eq3A_759 : vector<16xi32>
      %reduce_sum3A_761 = arith.constant true
      %reduce_sum3A_762 = vector.broadcast %reduce_sum3A_761 : i1 to vector<16xi1>
      %reduce_sum3A_763 = tpu.scan <sum>, %scan3A_702#6 masked %reduce_sum3A_762 : vector<16xf32>, vector<16xi1> -> vector<16xf32>
      %reduce_sum3A_764 = vector.extract %reduce_sum3A_763[15] : f32 from vector<16xf32>
      %broadcast_in_dim3A_765 = vector.broadcast %reduce_sum3A_764 : f32 to vector<16xf32>
      %select_n3A_766 = arith.select %eq3A_760, %broadcast_in_dim3A_765, %select_n3A_757 : vector<16xi1>, vector<16xf32>
      %eq3A_767 = arith.constant 7 : i32
      %eq3A_768 = vector.broadcast %eq3A_767 : i32 to vector<16xi32>
      %eq3A_769 = arith.cmpi eq, %iota3A, %eq3A_768 : vector<16xi32>
      %reduce_sum3A_770 = arith.constant true
      %reduce_sum3A_771 = vector.broadcast %reduce_sum3A_770 : i1 to vector<16xi1>
      %reduce_sum3A_772 = tpu.scan <sum>, %scan3A_702#7 masked %reduce_sum3A_771 : vector<16xf32>, vector<16xi1> -> vector<16xf32>
      %reduce_sum3A_773 = vector.extract %reduce_sum3A_772[15] : f32 from vector<16xf32>
      %broadcast_in_dim3A_774 = vector.broadcast %reduce_sum3A_773 : f32 to vector<16xf32>
      %select_n3A_775 = arith.select %eq3A_769, %broadcast_in_dim3A_774, %select_n3A_766 : vector<16xi1>, vector<16xf32>
      %swap3A_776 = arith.constant 8 : i32
      %swap3A_777 = arith.index_cast %swap3A_776 : i32 to index
      %swap3A_778 = arith.constant 0 : index
      %swap3A_779 = tpu.vector_load %arg7[%swap3A_777, %swap3A_778] {strides = array<i32>} : memref<16x16xf32, #tpu.memory_space<vmem>>, vector<16xf32>,
      tpu.vector_store %arg7[%swap3A_777, %swap3A_778], %select_n3A_775 {strides = array<i32>} : memref<16x16xf32, #tpu.memory_space<vmem>>, vector<16xf32>,
      %eq3A_780 = arith.constant 0 : i32
      %eq3A_781 = vector.broadcast %eq3A_780 : i32 to vector<16xi32>
      %eq3A_782 = arith.cmpi eq, %iota3A, %eq3A_781 : vector<16xi32>
      %reduce_sum3A_783 = arith.constant true
      %reduce_sum3A_784 = vector.broadcast %reduce_sum3A_783 : i1 to vector<16xi1>
      %reduce_sum3A_785 = tpu.scan <sum>, %scan3A_702#8 masked %reduce_sum3A_784 : vector<16xf32>, vector<16xi1> -> vector<16xf32>
      %reduce_sum3A_786 = vector.extract %reduce_sum3A_785[15] : f32 from vector<16xf32>
      %broadcast_in_dim3A_787 = vector.broadcast %reduce_sum3A_786 : f32 to vector<16xf32>
      %select_n3A_788 = arith.select %eq3A_782, %broadcast_in_dim3A_787, %broadcast_in_dim3A_697 : vector<16xi1>, vector<16xf32>
      %eq3A_789 = arith.constant 1 : i32
      %eq3A_790 = vector.broadcast %eq3A_789 : i32 to vector<16xi32>
      %eq3A_791 = arith.cmpi eq, %iota3A, %eq3A_790 : vector<16xi32>
      %reduce_sum3A_792 = arith.constant true
      %reduce_sum3A_793 = vector.broadcast %reduce_sum3A_792 : i1 to vector<16xi1>
      %reduce_sum3A_794 = tpu.scan <sum>, %scan3A_702#9 masked %reduce_sum3A_793 : vector<16xf32>, vector<16xi1> -> vector<16xf32>
      %reduce_sum3A_795 = vector.extract %reduce_sum3A_794[15] : f32 from vector<16xf32>
      %broadcast_in_dim3A_796 = vector.broadcast %reduce_sum3A_795 : f32 to vector<16xf32>
      %select_n3A_797 = arith.select %eq3A_791, %broadcast_in_dim3A_796, %select_n3A_788 : vector<16xi1>, vector<16xf32>
      %eq3A_798 = arith.constant 2 : i32
      %eq3A_799 = vector.broadcast %eq3A_798 : i32 to vector<16xi32>
      %eq3A_800 = arith.cmpi eq, %iota3A, %eq3A_799 : vector<16xi32>
      %reduce_sum3A_801 = arith.constant true
      %reduce_sum3A_802 = vector.broadcast %reduce_sum3A_801 : i1 to vector<16xi1>
      %reduce_sum3A_803 = tpu.scan <sum>, %scan3A_702#10 masked %reduce_sum3A_802 : vector<16xf32>, vector<16xi1> -> vector<16xf32>
      %reduce_sum3A_804 = vector.extract %reduce_sum3A_803[15] : f32 from vector<16xf32>
      %broadcast_in_dim3A_805 = vector.broadcast %reduce_sum3A_804 : f32 to vector<16xf32>
      %select_n3A_806 = arith.select %eq3A_800, %broadcast_in_dim3A_805, %select_n3A_797 : vector<16xi1>, vector<16xf32>
      %eq3A_807 = arith.constant 3 : i32
      %eq3A_808 = vector.broadcast %eq3A_807 : i32 to vector<16xi32>
      %eq3A_809 = arith.cmpi eq, %iota3A, %eq3A_808 : vector<16xi32>
      %reduce_sum3A_810 = arith.constant true
      %reduce_sum3A_811 = vector.broadcast %reduce_sum3A_810 : i1 to vector<16xi1>
      %reduce_sum3A_812 = tpu.scan <sum>, %scan3A_702#11 masked %reduce_sum3A_811 : vector<16xf32>, vector<16xi1> -> vector<16xf32>
      %reduce_sum3A_813 = vector.extract %reduce_sum3A_812[15] : f32 from vector<16xf32>
      %broadcast_in_dim3A_814 = vector.broadcast %reduce_sum3A_813 : f32 to vector<16xf32>
      %select_n3A_815 = arith.select %eq3A_809, %broadcast_in_dim3A_814, %select_n3A_806 : vector<16xi1>, vector<16xf32>
      %eq3A_816 = arith.constant 4 : i32
      %eq3A_817 = vector.broadcast %eq3A_816 : i32 to vector<16xi32>
      %eq3A_818 = arith.cmpi eq, %iota3A, %eq3A_817 : vector<16xi32>
      %reduce_sum3A_819 = arith.constant true
      %reduce_sum3A_820 = vector.broadcast %reduce_sum3A_819 : i1 to vector<16xi1>
      %reduce_sum3A_821 = tpu.scan <sum>, %scan3A_702#12 masked %reduce_sum3A_820 : vector<16xf32>, vector<16xi1> -> vector<16xf32>
      %reduce_sum3A_822 = vector.extract %reduce_sum3A_821[15] : f32 from vector<16xf32>
      %broadcast_in_dim3A_823 = vector.broadcast %reduce_sum3A_822 : f32 to vector<16xf32>
      %select_n3A_824 = arith.select %eq3A_818, %broadcast_in_dim3A_823, %select_n3A_815 : vector<16xi1>, vector<16xf32>
      %eq3A_825 = arith.constant 5 : i32
      %eq3A_826 = vector.broadcast %eq3A_825 : i32 to vector<16xi32>
      %eq3A_827 = arith.cmpi eq, %iota3A, %eq3A_826 : vector<16xi32>
      %reduce_sum3A_828 = arith.constant true
      %reduce_sum3A_829 = vector.broadcast %reduce_sum3A_828 : i1 to vector<16xi1>
      %reduce_sum3A_830 = tpu.scan <sum>, %scan3A_702#13 masked %reduce_sum3A_829 : vector<16xf32>, vector<16xi1> -> vector<16xf32>
      %reduce_sum3A_831 = vector.extract %reduce_sum3A_830[15] : f32 from vector<16xf32>
      %broadcast_in_dim3A_832 = vector.broadcast %reduce_sum3A_831 : f32 to vector<16xf32>
      %select_n3A_833 = arith.select %eq3A_827, %broadcast_in_dim3A_832, %select_n3A_824 : vector<16xi1>, vector<16xf32>
      %eq3A_834 = arith.constant 6 : i32
      %eq3A_835 = vector.broadcast %eq3A_834 : i32 to vector<16xi32>
      %eq3A_836 = arith.cmpi eq, %iota3A, %eq3A_835 : vector<16xi32>
      %reduce_sum3A_837 = arith.constant true
      %reduce_sum3A_838 = vector.broadcast %reduce_sum3A_837 : i1 to vector<16xi1>
      %reduce_sum3A_839 = tpu.scan <sum>, %scan3A_702#14 masked %reduce_sum3A_838 : vector<16xf32>, vector<16xi1> -> vector<16xf32>
      %reduce_sum3A_840 = vector.extract %reduce_sum3A_839[15] : f32 from vector<16xf32>
      %broadcast_in_dim3A_841 = vector.broadcast %reduce_sum3A_840 : f32 to vector<16xf32>
      %select_n3A_842 = arith.select %eq3A_836, %broadcast_in_dim3A_841, %select_n3A_833 : vector<16xi1>, vector<16xf32>
      %eq3A_843 = arith.constant 7 : i32
      %eq3A_844 = vector.broadcast %eq3A_843 : i32 to vector<16xi32>
      %eq3A_845 = arith.cmpi eq, %iota3A, %eq3A_844 : vector<16xi32>
      %reduce_sum3A_846 = arith.constant true
      %reduce_sum3A_847 = vector.broadcast %reduce_sum3A_846 : i1 to vector<16xi1>
      %reduce_sum3A_848 = tpu.scan <sum>, %scan3A_702#15 masked %reduce_sum3A_847 : vector<16xf32>, vector<16xi1> -> vector<16xf32>
      %reduce_sum3A_849 = vector.extract %reduce_sum3A_848[15] : f32 from vector<16xf32>
      %broadcast_in_dim3A_850 = vector.broadcast %reduce_sum3A_849 : f32 to vector<16xf32>
      %select_n3A_851 = arith.select %eq3A_845, %broadcast_in_dim3A_850, %select_n3A_842 : vector<16xi1>, vector<16xf32>
      %swap3A_852 = arith.constant 9 : i32
      %swap3A_853 = arith.index_cast %swap3A_852 : i32 to index
      %swap3A_854 = arith.constant 0 : index
      %swap3A_855 = tpu.vector_load %arg7[%swap3A_853, %swap3A_854] {strides = array<i32>} : memref<16x16xf32, #tpu.memory_space<vmem>>, vector<16xf32>,
      tpu.vector_store %arg7[%swap3A_853, %swap3A_854], %select_n3A_851 {strides = array<i32>} : memref<16x16xf32, #tpu.memory_space<vmem>>, vector<16xf32>,
      %eq3A_856 = arith.constant 0 : i32
      %eq3A_857 = vector.broadcast %eq3A_856 : i32 to vector<16xi32>
      %eq3A_858 = arith.cmpi eq, %iota3A, %eq3A_857 : vector<16xi32>
      %reduce_sum3A_859 = arith.constant true
      %reduce_sum3A_860 = vector.broadcast %reduce_sum3A_859 : i1 to vector<16xi1>
      %reduce_sum3A_861 = tpu.scan <sum>, %scan3A_702#16 masked %reduce_sum3A_860 : vector<16xf32>, vector<16xi1> -> vector<16xf32>
      %reduce_sum3A_862 = vector.extract %reduce_sum3A_861[15] : f32 from vector<16xf32>
      %broadcast_in_dim3A_863 = vector.broadcast %reduce_sum3A_862 : f32 to vector<16xf32>
      %select_n3A_864 = arith.select %eq3A_858, %broadcast_in_dim3A_863, %broadcast_in_dim3A_697 : vector<16xi1>, vector<16xf32>
      %eq3A_865 = arith.constant 1 : i32
      %eq3A_866 = vector.broadcast %eq3A_865 : i32 to vector<16xi32>
      %eq3A_867 = arith.cmpi eq, %iota3A, %eq3A_866 : vector<16xi32>
      %reduce_sum3A_868 = arith.constant true
      %reduce_sum3A_869 = vector.broadcast %reduce_sum3A_868 : i1 to vector<16xi1>
      %reduce_sum3A_870 = tpu.scan <sum>, %scan3A_702#17 masked %reduce_sum3A_869 : vector<16xf32>, vector<16xi1> -> vector<16xf32>
      %reduce_sum3A_871 = vector.extract %reduce_sum3A_870[15] : f32 from vector<16xf32>
      %broadcast_in_dim3A_872 = vector.broadcast %reduce_sum3A_871 : f32 to vector<16xf32>
      %select_n3A_873 = arith.select %eq3A_867, %broadcast_in_dim3A_872, %select_n3A_864 : vector<16xi1>, vector<16xf32>
      %eq3A_874 = arith.constant 2 : i32
      %eq3A_875 = vector.broadcast %eq3A_874 : i32 to vector<16xi32>
      %eq3A_876 = arith.cmpi eq, %iota3A, %eq3A_875 : vector<16xi32>
      %reduce_sum3A_877 = arith.constant true
      %reduce_sum3A_878 = vector.broadcast %reduce_sum3A_877 : i1 to vector<16xi1>
      %reduce_sum3A_879 = tpu.scan <sum>, %scan3A_702#18 masked %reduce_sum3A_878 : vector<16xf32>, vector<16xi1> -> vector<16xf32>
      %reduce_sum3A_880 = vector.extract %reduce_sum3A_879[15] : f32 from vector<16xf32>
      %broadcast_in_dim3A_881 = vector.broadcast %reduce_sum3A_880 : f32 to vector<16xf32>
      %select_n3A_882 = arith.select %eq3A_876, %broadcast_in_dim3A_881, %select_n3A_873 : vector<16xi1>, vector<16xf32>
      %eq3A_883 = arith.constant 3 : i32
      %eq3A_884 = vector.broadcast %eq3A_883 : i32 to vector<16xi32>
      %eq3A_885 = arith.cmpi eq, %iota3A, %eq3A_884 : vector<16xi32>
      %reduce_sum3A_886 = arith.constant true
      %reduce_sum3A_887 = vector.broadcast %reduce_sum3A_886 : i1 to vector<16xi1>
      %reduce_sum3A_888 = tpu.scan <sum>, %scan3A_702#19 masked %reduce_sum3A_887 : vector<16xf32>, vector<16xi1> -> vector<16xf32>
      %reduce_sum3A_889 = vector.extract %reduce_sum3A_888[15] : f32 from vector<16xf32>
      %broadcast_in_dim3A_890 = vector.broadcast %reduce_sum3A_889 : f32 to vector<16xf32>
      %select_n3A_891 = arith.select %eq3A_885, %broadcast_in_dim3A_890, %select_n3A_882 : vector<16xi1>, vector<16xf32>
      %eq3A_892 = arith.constant 4 : i32
      %eq3A_893 = vector.broadcast %eq3A_892 : i32 to vector<16xi32>
      %eq3A_894 = arith.cmpi eq, %iota3A, %eq3A_893 : vector<16xi32>
      %reduce_sum3A_895 = arith.constant true
      %reduce_sum3A_896 = vector.broadcast %reduce_sum3A_895 : i1 to vector<16xi1>
      %reduce_sum3A_897 = tpu.scan <sum>, %scan3A_702#20 masked %reduce_sum3A_896 : vector<16xf32>, vector<16xi1> -> vector<16xf32>
      %reduce_sum3A_898 = vector.extract %reduce_sum3A_897[15] : f32 from vector<16xf32>
      %broadcast_in_dim3A_899 = vector.broadcast %reduce_sum3A_898 : f32 to vector<16xf32>
      %select_n3A_900 = arith.select %eq3A_894, %broadcast_in_dim3A_899, %select_n3A_891 : vector<16xi1>, vector<16xf32>
      %eq3A_901 = arith.constant 5 : i32
      %eq3A_902 = vector.broadcast %eq3A_901 : i32 to vector<16xi32>
      %eq3A_903 = arith.cmpi eq, %iota3A, %eq3A_902 : vector<16xi32>
      %reduce_sum3A_904 = arith.constant true
      %reduce_sum3A_905 = vector.broadcast %reduce_sum3A_904 : i1 to vector<16xi1>
      %reduce_sum3A_906 = tpu.scan <sum>, %scan3A_702#21 masked %reduce_sum3A_905 : vector<16xf32>, vector<16xi1> -> vector<16xf32>
      %reduce_sum3A_907 = vector.extract %reduce_sum3A_906[15] : f32 from vector<16xf32>
      %broadcast_in_dim3A_908 = vector.broadcast %reduce_sum3A_907 : f32 to vector<16xf32>
      %select_n3A_909 = arith.select %eq3A_903, %broadcast_in_dim3A_908, %select_n3A_900 : vector<16xi1>, vector<16xf32>
      %eq3A_910 = arith.constant 6 : i32
      %eq3A_911 = vector.broadcast %eq3A_910 : i32 to vector<16xi32>
      %eq3A_912 = arith.cmpi eq, %iota3A, %eq3A_911 : vector<16xi32>
      %reduce_sum3A_913 = arith.constant true
      %reduce_sum3A_914 = vector.broadcast %reduce_sum3A_913 : i1 to vector<16xi1>
      %reduce_sum3A_915 = tpu.scan <sum>, %scan3A_702#22 masked %reduce_sum3A_914 : vector<16xf32>, vector<16xi1> -> vector<16xf32>
      %reduce_sum3A_916 = vector.extract %reduce_sum3A_915[15] : f32 from vector<16xf32>
      %broadcast_in_dim3A_917 = vector.broadcast %reduce_sum3A_916 : f32 to vector<16xf32>
      %select_n3A_918 = arith.select %eq3A_912, %broadcast_in_dim3A_917, %select_n3A_909 : vector<16xi1>, vector<16xf32>
      %eq3A_919 = arith.constant 7 : i32
      %eq3A_920 = vector.broadcast %eq3A_919 : i32 to vector<16xi32>
      %eq3A_921 = arith.cmpi eq, %iota3A, %eq3A_920 : vector<16xi32>
      %reduce_sum3A_922 = arith.constant true
      %reduce_sum3A_923 = vector.broadcast %reduce_sum3A_922 : i1 to vector<16xi1>
      %reduce_sum3A_924 = tpu.scan <sum>, %scan3A_702#23 masked %reduce_sum3A_923 : vector<16xf32>, vector<16xi1> -> vector<16xf32>
      %reduce_sum3A_925 = vector.extract %reduce_sum3A_924[15] : f32 from vector<16xf32>
      %broadcast_in_dim3A_926 = vector.broadcast %reduce_sum3A_925 : f32 to vector<16xf32>
      %select_n3A_927 = arith.select %eq3A_921, %broadcast_in_dim3A_926, %select_n3A_918 : vector<16xi1>, vector<16xf32>
      %swap3A_928 = arith.constant 10 : i32
      %swap3A_929 = arith.index_cast %swap3A_928 : i32 to index
      %swap3A_930 = arith.constant 0 : index
      %swap3A_931 = tpu.vector_load %arg7[%swap3A_929, %swap3A_930] {strides = array<i32>} : memref<16x16xf32, #tpu.memory_space<vmem>>, vector<16xf32>,
      tpu.vector_store %arg7[%swap3A_929, %swap3A_930], %select_n3A_927 {strides = array<i32>} : memref<16x16xf32, #tpu.memory_space<vmem>>, vector<16xf32>,
      %eq3A_932 = arith.constant 0 : i32
      %eq3A_933 = vector.broadcast %eq3A_932 : i32 to vector<16xi32>
      %eq3A_934 = arith.cmpi eq, %iota3A, %eq3A_933 : vector<16xi32>
      %reduce_sum3A_935 = arith.constant true
      %reduce_sum3A_936 = vector.broadcast %reduce_sum3A_935 : i1 to vector<16xi1>
      %reduce_sum3A_937 = tpu.scan <sum>, %scan3A_702#24 masked %reduce_sum3A_936 : vector<16xf32>, vector<16xi1> -> vector<16xf32>
      %reduce_sum3A_938 = vector.extract %reduce_sum3A_937[15] : f32 from vector<16xf32>
      %broadcast_in_dim3A_939 = vector.broadcast %reduce_sum3A_938 : f32 to vector<16xf32>
      %select_n3A_940 = arith.select %eq3A_934, %broadcast_in_dim3A_939, %broadcast_in_dim3A_697 : vector<16xi1>, vector<16xf32>
      %eq3A_941 = arith.constant 1 : i32
      %eq3A_942 = vector.broadcast %eq3A_941 : i32 to vector<16xi32>
      %eq3A_943 = arith.cmpi eq, %iota3A, %eq3A_942 : vector<16xi32>
      %reduce_sum3A_944 = arith.constant true
      %reduce_sum3A_945 = vector.broadcast %reduce_sum3A_944 : i1 to vector<16xi1>
      %reduce_sum3A_946 = tpu.scan <sum>, %scan3A_702#25 masked %reduce_sum3A_945 : vector<16xf32>, vector<16xi1> -> vector<16xf32>
      %reduce_sum3A_947 = vector.extract %reduce_sum3A_946[15] : f32 from vector<16xf32>
      %broadcast_in_dim3A_948 = vector.broadcast %reduce_sum3A_947 : f32 to vector<16xf32>
      %select_n3A_949 = arith.select %eq3A_943, %broadcast_in_dim3A_948, %select_n3A_940 : vector<16xi1>, vector<16xf32>
      %eq3A_950 = arith.constant 2 : i32
      %eq3A_951 = vector.broadcast %eq3A_950 : i32 to vector<16xi32>
      %eq3A_952 = arith.cmpi eq, %iota3A, %eq3A_951 : vector<16xi32>
      %reduce_sum3A_953 = arith.constant true
      %reduce_sum3A_954 = vector.broadcast %reduce_sum3A_953 : i1 to vector<16xi1>
      %reduce_sum3A_955 = tpu.scan <sum>, %scan3A_702#26 masked %reduce_sum3A_954 : vector<16xf32>, vector<16xi1> -> vector<16xf32>
      %reduce_sum3A_956 = vector.extract %reduce_sum3A_955[15] : f32 from vector<16xf32>
      %broadcast_in_dim3A_957 = vector.broadcast %reduce_sum3A_956 : f32 to vector<16xf32>
      %select_n3A_958 = arith.select %eq3A_952, %broadcast_in_dim3A_957, %select_n3A_949 : vector<16xi1>, vector<16xf32>
      %eq3A_959 = arith.constant 3 : i32
      %eq3A_960 = vector.broadcast %eq3A_959 : i32 to vector<16xi32>
      %eq3A_961 = arith.cmpi eq, %iota3A, %eq3A_960 : vector<16xi32>
      %reduce_sum3A_962 = arith.constant true
      %reduce_sum3A_963 = vector.broadcast %reduce_sum3A_962 : i1 to vector<16xi1>
      %reduce_sum3A_964 = tpu.scan <sum>, %scan3A_702#27 masked %reduce_sum3A_963 : vector<16xf32>, vector<16xi1> -> vector<16xf32>
      %reduce_sum3A_965 = vector.extract %reduce_sum3A_964[15] : f32 from vector<16xf32>
      %broadcast_in_dim3A_966 = vector.broadcast %reduce_sum3A_965 : f32 to vector<16xf32>
      %select_n3A_967 = arith.select %eq3A_961, %broadcast_in_dim3A_966, %select_n3A_958 : vector<16xi1>, vector<16xf32>
      %eq3A_968 = arith.constant 4 : i32
      %eq3A_969 = vector.broadcast %eq3A_968 : i32 to vector<16xi32>
      %eq3A_970 = arith.cmpi eq, %iota3A, %eq3A_969 : vector<16xi32>
      %reduce_sum3A_971 = arith.constant true
      %reduce_sum3A_972 = vector.broadcast %reduce_sum3A_971 : i1 to vector<16xi1>
      %reduce_sum3A_973 = tpu.scan <sum>, %scan3A_702#28 masked %reduce_sum3A_972 : vector<16xf32>, vector<16xi1> -> vector<16xf32>
      %reduce_sum3A_974 = vector.extract %reduce_sum3A_973[15] : f32 from vector<16xf32>
      %broadcast_in_dim3A_975 = vector.broadcast %reduce_sum3A_974 : f32 to vector<16xf32>
      %select_n3A_976 = arith.select %eq3A_970, %broadcast_in_dim3A_975, %select_n3A_967 : vector<16xi1>, vector<16xf32>
      %eq3A_977 = arith.constant 5 : i32
      %eq3A_978 = vector.broadcast %eq3A_977 : i32 to vector<16xi32>
      %eq3A_979 = arith.cmpi eq, %iota3A, %eq3A_978 : vector<16xi32>
      %reduce_sum3A_980 = arith.constant true
      %reduce_sum3A_981 = vector.broadcast %reduce_sum3A_980 : i1 to vector<16xi1>
      %reduce_sum3A_982 = tpu.scan <sum>, %scan3A_702#29 masked %reduce_sum3A_981 : vector<16xf32>, vector<16xi1> -> vector<16xf32>
      %reduce_sum3A_983 = vector.extract %reduce_sum3A_982[15] : f32 from vector<16xf32>
      %broadcast_in_dim3A_984 = vector.broadcast %reduce_sum3A_983 : f32 to vector<16xf32>
      %select_n3A_985 = arith.select %eq3A_979, %broadcast_in_dim3A_984, %select_n3A_976 : vector<16xi1>, vector<16xf32>
      %eq3A_986 = arith.constant 6 : i32
      %eq3A_987 = vector.broadcast %eq3A_986 : i32 to vector<16xi32>
      %eq3A_988 = arith.cmpi eq, %iota3A, %eq3A_987 : vector<16xi32>
      %reduce_sum3A_989 = arith.constant true
      %reduce_sum3A_990 = vector.broadcast %reduce_sum3A_989 : i1 to vector<16xi1>
      %reduce_sum3A_991 = tpu.scan <sum>, %scan3A_702#30 masked %reduce_sum3A_990 : vector<16xf32>, vector<16xi1> -> vector<16xf32>
      %reduce_sum3A_992 = vector.extract %reduce_sum3A_991[15] : f32 from vector<16xf32>
      %broadcast_in_dim3A_993 = vector.broadcast %reduce_sum3A_992 : f32 to vector<16xf32>
      %select_n3A_994 = arith.select %eq3A_988, %broadcast_in_dim3A_993, %select_n3A_985 : vector<16xi1>, vector<16xf32>
      %eq3A_995 = arith.constant 7 : i32
      %eq3A_996 = vector.broadcast %eq3A_995 : i32 to vector<16xi32>
      %eq3A_997 = arith.cmpi eq, %iota3A, %eq3A_996 : vector<16xi32>
      %reduce_sum3A_998 = arith.constant true
      %reduce_sum3A_999 = vector.broadcast %reduce_sum3A_998 : i1 to vector<16xi1>
      %reduce_sum3A_1000 = tpu.scan <sum>, %scan3A_702#31 masked %reduce_sum3A_999 : vector<16xf32>, vector<16xi1> -> vector<16xf32>
      %reduce_sum3A_1001 = vector.extract %reduce_sum3A_1000[15] : f32 from vector<16xf32>
      %broadcast_in_dim3A_1002 = vector.broadcast %reduce_sum3A_1001 : f32 to vector<16xf32>
      %select_n3A_1003 = arith.select %eq3A_997, %broadcast_in_dim3A_1002, %select_n3A_994 : vector<16xi1>, vector<16xf32>
      %swap3A_1004 = arith.constant 11 : i32
      %swap3A_1005 = arith.index_cast %swap3A_1004 : i32 to index
      %swap3A_1006 = arith.constant 0 : index
      %swap3A_1007 = tpu.vector_load %arg7[%swap3A_1005, %swap3A_1006] {strides = array<i32>} : memref<16x16xf32, #tpu.memory_space<vmem>>, vector<16xf32>,
      tpu.vector_store %arg7[%swap3A_1005, %swap3A_1006], %select_n3A_1003 {strides = array<i32>} : memref<16x16xf32, #tpu.memory_space<vmem>>, vector<16xf32>,
      %broadcast_in_dim3A_1008 = arith.constant 0.000000e+00 : f32
      %broadcast_in_dim3A_1009 = vector.broadcast %broadcast_in_dim3A_1008 : f32 to vector<16xf32>
      %scan3A_1010 = arith.constant 0 : i32
      %scan3A_1011 = arith.constant 64 : i32
      %scan3A_1012 = arith.addi %scan3A_1010, %scan3A_1011 : i32
      %scan3A_1013 = arith.constant 1 : i32
      %scan3A_1014:32 = scf.for %scan3A_1398 = %scan3A_1010 to %scan3A_1012 step %scan3A_1013 iter_args(%scan3A_1399 = %broadcast_in_dim3A_1009, %scan3A_1400 = %broadcast_in_dim3A_1009, %scan3A_1401 = %broadcast_in_dim3A_1009, %scan3A_1402 = %broadcast_in_dim3A_1009, %scan3A_1403 = %broadcast_in_dim3A_1009, %scan3A_1404 = %broadcast_in_dim3A_1009, %scan3A_1405 = %broadcast_in_dim3A_1009, %scan3A_1406 = %broadcast_in_dim3A_1009, %scan3A_1407 = %broadcast_in_dim3A_1009, %scan3A_1408 = %broadcast_in_dim3A_1009, %scan3A_1409 = %broadcast_in_dim3A_1009, %scan3A_1410 = %broadcast_in_dim3A_1009, %scan3A_1411 = %broadcast_in_dim3A_1009, %scan3A_1412 = %broadcast_in_dim3A_1009, %scan3A_1413 = %broadcast_in_dim3A_1009, %scan3A_1414 = %broadcast_in_dim3A_1009, %scan3A_1415 = %broadcast_in_dim3A_1009, %scan3A_1416 = %broadcast_in_dim3A_1009, %scan3A_1417 = %broadcast_in_dim3A_1009, %scan3A_1418 = %broadcast_in_dim3A_1009, %scan3A_1419 = %broadcast_in_dim3A_1009, %scan3A_1420 = %broadcast_in_dim3A_1009, %scan3A_1421 = %broadcast_in_dim3A_1009, %scan3A_1422 = %broadcast_in_dim3A_1009, %scan3A_1423 = %broadcast_in_dim3A_1009, %scan3A_1424 = %broadcast_in_dim3A_1009, %scan3A_1425 = %broadcast_in_dim3A_1009, %scan3A_1426 = %broadcast_in_dim3A_1009, %scan3A_1427 = %broadcast_in_dim3A_1009, %scan3A_1428 = %broadcast_in_dim3A_1009, %scan3A_1429 = %broadcast_in_dim3A_1009, %scan3A_1430 = %broadcast_in_dim3A_1009) -> (vector<16xf32>, vector<16xf32>, vector<16xf32>, vector<16xf32>, vector<16xf32>, vector<16xf32>, vector<16xf32>, vector<16xf32>, vector<16xf32>, vector<16xf32>, vector<16xf32>, vector<16xf32>, vector<16xf32>, vector<16xf32>, vector<16xf32>, vector<16xf32>, vector<16xf32>, vector<16xf32>, vector<16xf32>, vector<16xf32>, vector<16xf32>, vector<16xf32>, vector<16xf32>, vector<16xf32>, vector<16xf32>, vector<16xf32>, vector<16xf32>, vector<16xf32>, vector<16xf32>, vector<16xf32>, vector<16xf32>, vector<16xf32>)  : i32 {
        %mul3A_1431 = arith.constant 16 : i32
        %mul3A_1432 = arith.muli %scan3A_1398, %mul3A_1431 : i32
        %get3A = arith.constant 3 : i32
        %get3A_1433 = arith.constant 0 : i32
        %get3A_1434 = arith.index_cast %get3A : i32 to index
        %get3A_1435 = arith.index_cast %get3A_1433 : i32 to index
        %get3A_1436 = arith.index_cast %mul3A_1432 : i32 to index
        %get3A_1437 = tpu.vector_load %arg6[%get3A_1434, %get3A_1435, %get3A_1436] {strides = array<i32>} : memref<4x4x1024xf32, #tpu.memory_space<vmem>>, vector<16xf32>,
        %bitcast_convert_type3A = tpu.bitcast %get3A_1437 : vector<16xf32> -> vector<16xi32>
        %shift_right_logical3A = arith.constant 16 : i32
        %shift_right_logical3A_1438 = vector.broadcast %shift_right_logical3A : i32 to vector<16xi32>
        %shift_right_logical3A_1439 = arith.shrui %bitcast_convert_type3A, %shift_right_logical3A_1438 : vector<16xi32>
        %and3A = arith.constant 1 : i32
        %and3A_1440 = vector.broadcast %and3A : i32 to vector<16xi32>
        %and3A_1441 = arith.andi %shift_right_logical3A_1439, %and3A_1440 : vector<16xi32>
        %add3A_1442 = arith.constant 32767 : i32
        %add3A_1443 = vector.broadcast %add3A_1442 : i32 to vector<16xi32>
        %add3A_1444 = arith.addi %bitcast_convert_type3A, %add3A_1443 : vector<16xi32>
        %add3A_1445 = arith.addi %add3A_1444, %and3A_1441 : vector<16xi32>
        %and3A_1446 = arith.constant -65536 : i32
        %and3A_1447 = vector.broadcast %and3A_1446 : i32 to vector<16xi32>
        %and3A_1448 = arith.andi %add3A_1445, %and3A_1447 : vector<16xi32>
        %bitcast_convert_type3A_1449 = tpu.bitcast %and3A_1448 : vector<16xi32> -> vector<16xf32>
        %mul3A_1450 = arith.constant 16 : i32
        %mul3A_1451 = arith.muli %scan3A_1398, %mul3A_1450 : i32
        %get3A_1452 = arith.constant 3 : i32
        %get3A_1453 = arith.constant 1 : i32
        %get3A_1454 = arith.index_cast %get3A_1452 : i32 to index
        %get3A_1455 = arith.index_cast %get3A_1453 : i32 to index
        %get3A_1456 = arith.index_cast %mul3A_1451 : i32 to index
        %get3A_1457 = tpu.vector_load %arg6[%get3A_1454, %get3A_1455, %get3A_1456] {strides = array<i32>} : memref<4x4x1024xf32, #tpu.memory_space<vmem>>, vector<16xf32>,
        %bitcast_convert_type3A_1458 = tpu.bitcast %get3A_1457 : vector<16xf32> -> vector<16xi32>
        %shift_right_logical3A_1459 = arith.constant 16 : i32
        %shift_right_logical3A_1460 = vector.broadcast %shift_right_logical3A_1459 : i32 to vector<16xi32>
        %shift_right_logical3A_1461 = arith.shrui %bitcast_convert_type3A_1458, %shift_right_logical3A_1460 : vector<16xi32>
        %and3A_1462 = arith.constant 1 : i32
        %and3A_1463 = vector.broadcast %and3A_1462 : i32 to vector<16xi32>
        %and3A_1464 = arith.andi %shift_right_logical3A_1461, %and3A_1463 : vector<16xi32>
        %add3A_1465 = arith.constant 32767 : i32
        %add3A_1466 = vector.broadcast %add3A_1465 : i32 to vector<16xi32>
        %add3A_1467 = arith.addi %bitcast_convert_type3A_1458, %add3A_1466 : vector<16xi32>
        %add3A_1468 = arith.addi %add3A_1467, %and3A_1464 : vector<16xi32>
        %and3A_1469 = arith.constant -65536 : i32
        %and3A_1470 = vector.broadcast %and3A_1469 : i32 to vector<16xi32>
        %and3A_1471 = arith.andi %add3A_1468, %and3A_1470 : vector<16xi32>
        %bitcast_convert_type3A_1472 = tpu.bitcast %and3A_1471 : vector<16xi32> -> vector<16xf32>
        %mul3A_1473 = arith.constant 16 : i32
        %mul3A_1474 = arith.muli %scan3A_1398, %mul3A_1473 : i32
        %get3A_1475 = arith.constant 3 : i32
        %get3A_1476 = arith.constant 2 : i32
        %get3A_1477 = arith.index_cast %get3A_1475 : i32 to index
        %get3A_1478 = arith.index_cast %get3A_1476 : i32 to index
        %get3A_1479 = arith.index_cast %mul3A_1474 : i32 to index
        %get3A_1480 = tpu.vector_load %arg6[%get3A_1477, %get3A_1478, %get3A_1479] {strides = array<i32>} : memref<4x4x1024xf32, #tpu.memory_space<vmem>>, vector<16xf32>,
        %bitcast_convert_type3A_1481 = tpu.bitcast %get3A_1480 : vector<16xf32> -> vector<16xi32>
        %shift_right_logical3A_1482 = arith.constant 16 : i32
        %shift_right_logical3A_1483 = vector.broadcast %shift_right_logical3A_1482 : i32 to vector<16xi32>
        %shift_right_logical3A_1484 = arith.shrui %bitcast_convert_type3A_1481, %shift_right_logical3A_1483 : vector<16xi32>
        %and3A_1485 = arith.constant 1 : i32
        %and3A_1486 = vector.broadcast %and3A_1485 : i32 to vector<16xi32>
        %and3A_1487 = arith.andi %shift_right_logical3A_1484, %and3A_1486 : vector<16xi32>
        %add3A_1488 = arith.constant 32767 : i32
        %add3A_1489 = vector.broadcast %add3A_1488 : i32 to vector<16xi32>
        %add3A_1490 = arith.addi %bitcast_convert_type3A_1481, %add3A_1489 : vector<16xi32>
        %add3A_1491 = arith.addi %add3A_1490, %and3A_1487 : vector<16xi32>
        %and3A_1492 = arith.constant -65536 : i32
        %and3A_1493 = vector.broadcast %and3A_1492 : i32 to vector<16xi32>
        %and3A_1494 = arith.andi %add3A_1491, %and3A_1493 : vector<16xi32>
        %bitcast_convert_type3A_1495 = tpu.bitcast %and3A_1494 : vector<16xi32> -> vector<16xf32>
        %mul3A_1496 = arith.constant 16 : i32
        %mul3A_1497 = arith.muli %scan3A_1398, %mul3A_1496 : i32
        %get3A_1498 = arith.constant 3 : i32
        %get3A_1499 = arith.constant 3 : i32
        %get3A_1500 = arith.index_cast %get3A_1498 : i32 to index
        %get3A_1501 = arith.index_cast %get3A_1499 : i32 to index
        %get3A_1502 = arith.index_cast %mul3A_1497 : i32 to index
        %get3A_1503 = tpu.vector_load %arg6[%get3A_1500, %get3A_1501, %get3A_1502] {strides = array<i32>} : memref<4x4x1024xf32, #tpu.memory_space<vmem>>, vector<16xf32>,
        %bitcast_convert_type3A_1504 = tpu.bitcast %get3A_1503 : vector<16xf32> -> vector<16xi32>
        %shift_right_logical3A_1505 = arith.constant 16 : i32
        %shift_right_logical3A_1506 = vector.broadcast %shift_right_logical3A_1505 : i32 to vector<16xi32>
        %shift_right_logical3A_1507 = arith.shrui %bitcast_convert_type3A_1504, %shift_right_logical3A_1506 : vector<16xi32>
        %and3A_1508 = arith.constant 1 : i32
        %and3A_1509 = vector.broadcast %and3A_1508 : i32 to vector<16xi32>
        %and3A_1510 = arith.andi %shift_right_logical3A_1507, %and3A_1509 : vector<16xi32>
        %add3A_1511 = arith.constant 32767 : i32
        %add3A_1512 = vector.broadcast %add3A_1511 : i32 to vector<16xi32>
        %add3A_1513 = arith.addi %bitcast_convert_type3A_1504, %add3A_1512 : vector<16xi32>
        %add3A_1514 = arith.addi %add3A_1513, %and3A_1510 : vector<16xi32>
        %and3A_1515 = arith.constant -65536 : i32
        %and3A_1516 = vector.broadcast %and3A_1515 : i32 to vector<16xi32>
        %and3A_1517 = arith.andi %add3A_1514, %and3A_1516 : vector<16xi32>
        %bitcast_convert_type3A_1518 = tpu.bitcast %and3A_1517 : vector<16xi32> -> vector<16xf32>
        %mul3A_1519 = arith.constant 16 : i32
        %mul3A_1520 = arith.muli %scan3A_1398, %mul3A_1519 : i32
        %get3A_1521 = arith.constant 0 : i32
        %get3A_1522 = arith.index_cast %get3A_1521 : i32 to index
        %get3A_1523 = arith.index_cast %mul3A_1520 : i32 to index
        %get3A_1524 = tpu.vector_load %arg5[%get3A_1522, %get3A_1523] {strides = array<i32>} : memref<8x1024xf32, #tpu.memory_space<vmem>>, vector<16xf32>,
        %mul3A_1525 = arith.constant 16 : i32
        %mul3A_1526 = arith.muli %scan3A_1398, %mul3A_1525 : i32
        %get3A_1527 = arith.constant 1 : i32
        %get3A_1528 = arith.index_cast %get3A_1527 : i32 to index
        %get3A_1529 = arith.index_cast %mul3A_1526 : i32 to index
        %get3A_1530 = tpu.vector_load %arg5[%get3A_1528, %get3A_1529] {strides = array<i32>} : memref<8x1024xf32, #tpu.memory_space<vmem>>, vector<16xf32>,
        %mul3A_1531 = arith.constant 16 : i32
        %mul3A_1532 = arith.muli %scan3A_1398, %mul3A_1531 : i32
        %get3A_1533 = arith.constant 2 : i32
        %get3A_1534 = arith.index_cast %get3A_1533 : i32 to index
        %get3A_1535 = arith.index_cast %mul3A_1532 : i32 to index
        %get3A_1536 = tpu.vector_load %arg5[%get3A_1534, %get3A_1535] {strides = array<i32>} : memref<8x1024xf32, #tpu.memory_space<vmem>>, vector<16xf32>,
        %mul3A_1537 = arith.constant 16 : i32
        %mul3A_1538 = arith.muli %scan3A_1398, %mul3A_1537 : i32
        %get3A_1539 = arith.constant 3 : i32
        %get3A_1540 = arith.index_cast %get3A_1539 : i32 to index
        %get3A_1541 = arith.index_cast %mul3A_1538 : i32 to index
        %get3A_1542 = tpu.vector_load %arg5[%get3A_1540, %get3A_1541] {strides = array<i32>} : memref<8x1024xf32, #tpu.memory_space<vmem>>, vector<16xf32>,
        %mul3A_1543 = arith.constant 16 : i32
        %mul3A_1544 = arith.muli %scan3A_1398, %mul3A_1543 : i32
        %get3A_1545 = arith.constant 4 : i32
        %get3A_1546 = arith.index_cast %get3A_1545 : i32 to index
        %get3A_1547 = arith.index_cast %mul3A_1544 : i32 to index
        %get3A_1548 = tpu.vector_load %arg5[%get3A_1546, %get3A_1547] {strides = array<i32>} : memref<8x1024xf32, #tpu.memory_space<vmem>>, vector<16xf32>,
        %mul3A_1549 = arith.constant 16 : i32
        %mul3A_1550 = arith.muli %scan3A_1398, %mul3A_1549 : i32
        %get3A_1551 = arith.constant 5 : i32
        %get3A_1552 = arith.index_cast %get3A_1551 : i32 to index
        %get3A_1553 = arith.index_cast %mul3A_1550 : i32 to index
        %get3A_1554 = tpu.vector_load %arg5[%get3A_1552, %get3A_1553] {strides = array<i32>} : memref<8x1024xf32, #tpu.memory_space<vmem>>, vector<16xf32>,
        %mul3A_1555 = arith.constant 16 : i32
        %mul3A_1556 = arith.muli %scan3A_1398, %mul3A_1555 : i32
        %get3A_1557 = arith.constant 6 : i32
        %get3A_1558 = arith.index_cast %get3A_1557 : i32 to index
        %get3A_1559 = arith.index_cast %mul3A_1556 : i32 to index
        %get3A_1560 = tpu.vector_load %arg5[%get3A_1558, %get3A_1559] {strides = array<i32>} : memref<8x1024xf32, #tpu.memory_space<vmem>>, vector<16xf32>,
        %mul3A_1561 = arith.constant 16 : i32
        %mul3A_1562 = arith.muli %scan3A_1398, %mul3A_1561 : i32
        %get3A_1563 = arith.constant 7 : i32
        %get3A_1564 = arith.index_cast %get3A_1563 : i32 to index
        %get3A_1565 = arith.index_cast %mul3A_1562 : i32 to index
        %get3A_1566 = tpu.vector_load %arg5[%get3A_1564, %get3A_1565] {strides = array<i32>} : memref<8x1024xf32, #tpu.memory_space<vmem>>, vector<16xf32>,
        %mul3A_1567 = arith.mulf %bitcast_convert_type3A_1449, %get3A_1524 : vector<16xf32>
        %add3A_1568 = arith.addf %scan3A_1399, %mul3A_1567 : vector<16xf32>
        %mul3A_1569 = arith.mulf %bitcast_convert_type3A_1449, %get3A_1530 : vector<16xf32>
        %add3A_1570 = arith.addf %scan3A_1400, %mul3A_1569 : vector<16xf32>
        %mul3A_1571 = arith.mulf %bitcast_convert_type3A_1449, %get3A_1536 : vector<16xf32>
        %add3A_1572 = arith.addf %scan3A_1401, %mul3A_1571 : vector<16xf32>
        %mul3A_1573 = arith.mulf %bitcast_convert_type3A_1449, %get3A_1542 : vector<16xf32>
        %add3A_1574 = arith.addf %scan3A_1402, %mul3A_1573 : vector<16xf32>
        %mul3A_1575 = arith.mulf %bitcast_convert_type3A_1449, %get3A_1548 : vector<16xf32>
        %add3A_1576 = arith.addf %scan3A_1403, %mul3A_1575 : vector<16xf32>
        %mul3A_1577 = arith.mulf %bitcast_convert_type3A_1449, %get3A_1554 : vector<16xf32>
        %add3A_1578 = arith.addf %scan3A_1404, %mul3A_1577 : vector<16xf32>
        %mul3A_1579 = arith.mulf %bitcast_convert_type3A_1449, %get3A_1560 : vector<16xf32>
        %add3A_1580 = arith.addf %scan3A_1405, %mul3A_1579 : vector<16xf32>
        %mul3A_1581 = arith.mulf %bitcast_convert_type3A_1449, %get3A_1566 : vector<16xf32>
        %add3A_1582 = arith.addf %scan3A_1406, %mul3A_1581 : vector<16xf32>
        %mul3A_1583 = arith.mulf %bitcast_convert_type3A_1472, %get3A_1524 : vector<16xf32>
        %add3A_1584 = arith.addf %scan3A_1407, %mul3A_1583 : vector<16xf32>
        %mul3A_1585 = arith.mulf %bitcast_convert_type3A_1472, %get3A_1530 : vector<16xf32>
        %add3A_1586 = arith.addf %scan3A_1408, %mul3A_1585 : vector<16xf32>
        %mul3A_1587 = arith.mulf %bitcast_convert_type3A_1472, %get3A_1536 : vector<16xf32>
        %add3A_1588 = arith.addf %scan3A_1409, %mul3A_1587 : vector<16xf32>
        %mul3A_1589 = arith.mulf %bitcast_convert_type3A_1472, %get3A_1542 : vector<16xf32>
        %add3A_1590 = arith.addf %scan3A_1410, %mul3A_1589 : vector<16xf32>
        %mul3A_1591 = arith.mulf %bitcast_convert_type3A_1472, %get3A_1548 : vector<16xf32>
        %add3A_1592 = arith.addf %scan3A_1411, %mul3A_1591 : vector<16xf32>
        %mul3A_1593 = arith.mulf %bitcast_convert_type3A_1472, %get3A_1554 : vector<16xf32>
        %add3A_1594 = arith.addf %scan3A_1412, %mul3A_1593 : vector<16xf32>
        %mul3A_1595 = arith.mulf %bitcast_convert_type3A_1472, %get3A_1560 : vector<16xf32>
        %add3A_1596 = arith.addf %scan3A_1413, %mul3A_1595 : vector<16xf32>
        %mul3A_1597 = arith.mulf %bitcast_convert_type3A_1472, %get3A_1566 : vector<16xf32>
        %add3A_1598 = arith.addf %scan3A_1414, %mul3A_1597 : vector<16xf32>
        %mul3A_1599 = arith.mulf %bitcast_convert_type3A_1495, %get3A_1524 : vector<16xf32>
        %add3A_1600 = arith.addf %scan3A_1415, %mul3A_1599 : vector<16xf32>
        %mul3A_1601 = arith.mulf %bitcast_convert_type3A_1495, %get3A_1530 : vector<16xf32>
        %add3A_1602 = arith.addf %scan3A_1416, %mul3A_1601 : vector<16xf32>
        %mul3A_1603 = arith.mulf %bitcast_convert_type3A_1495, %get3A_1536 : vector<16xf32>
        %add3A_1604 = arith.addf %scan3A_1417, %mul3A_1603 : vector<16xf32>
        %mul3A_1605 = arith.mulf %bitcast_convert_type3A_1495, %get3A_1542 : vector<16xf32>
        %add3A_1606 = arith.addf %scan3A_1418, %mul3A_1605 : vector<16xf32>
        %mul3A_1607 = arith.mulf %bitcast_convert_type3A_1495, %get3A_1548 : vector<16xf32>
        %add3A_1608 = arith.addf %scan3A_1419, %mul3A_1607 : vector<16xf32>
        %mul3A_1609 = arith.mulf %bitcast_convert_type3A_1495, %get3A_1554 : vector<16xf32>
        %add3A_1610 = arith.addf %scan3A_1420, %mul3A_1609 : vector<16xf32>
        %mul3A_1611 = arith.mulf %bitcast_convert_type3A_1495, %get3A_1560 : vector<16xf32>
        %add3A_1612 = arith.addf %scan3A_1421, %mul3A_1611 : vector<16xf32>
        %mul3A_1613 = arith.mulf %bitcast_convert_type3A_1495, %get3A_1566 : vector<16xf32>
        %add3A_1614 = arith.addf %scan3A_1422, %mul3A_1613 : vector<16xf32>
        %mul3A_1615 = arith.mulf %bitcast_convert_type3A_1518, %get3A_1524 : vector<16xf32>
        %add3A_1616 = arith.addf %scan3A_1423, %mul3A_1615 : vector<16xf32>
        %mul3A_1617 = arith.mulf %bitcast_convert_type3A_1518, %get3A_1530 : vector<16xf32>
        %add3A_1618 = arith.addf %scan3A_1424, %mul3A_1617 : vector<16xf32>
        %mul3A_1619 = arith.mulf %bitcast_convert_type3A_1518, %get3A_1536 : vector<16xf32>
        %add3A_1620 = arith.addf %scan3A_1425, %mul3A_1619 : vector<16xf32>
        %mul3A_1621 = arith.mulf %bitcast_convert_type3A_1518, %get3A_1542 : vector<16xf32>
        %add3A_1622 = arith.addf %scan3A_1426, %mul3A_1621 : vector<16xf32>
        %mul3A_1623 = arith.mulf %bitcast_convert_type3A_1518, %get3A_1548 : vector<16xf32>
        %add3A_1624 = arith.addf %scan3A_1427, %mul3A_1623 : vector<16xf32>
        %mul3A_1625 = arith.mulf %bitcast_convert_type3A_1518, %get3A_1554 : vector<16xf32>
        %add3A_1626 = arith.addf %scan3A_1428, %mul3A_1625 : vector<16xf32>
        %mul3A_1627 = arith.mulf %bitcast_convert_type3A_1518, %get3A_1560 : vector<16xf32>
        %add3A_1628 = arith.addf %scan3A_1429, %mul3A_1627 : vector<16xf32>
        %mul3A_1629 = arith.mulf %bitcast_convert_type3A_1518, %get3A_1566 : vector<16xf32>
        %add3A_1630 = arith.addf %scan3A_1430, %mul3A_1629 : vector<16xf32>
        scf.yield %add3A_1568, %add3A_1570, %add3A_1572, %add3A_1574, %add3A_1576, %add3A_1578, %add3A_1580, %add3A_1582, %add3A_1584, %add3A_1586, %add3A_1588, %add3A_1590, %add3A_1592, %add3A_1594, %add3A_1596, %add3A_1598, %add3A_1600, %add3A_1602, %add3A_1604, %add3A_1606, %add3A_1608, %add3A_1610, %add3A_1612, %add3A_1614, %add3A_1616, %add3A_1618, %add3A_1620, %add3A_1622, %add3A_1624, %add3A_1626, %add3A_1628, %add3A_1630 : vector<16xf32>, vector<16xf32>, vector<16xf32>, vector<16xf32>, vector<16xf32>, vector<16xf32>, vector<16xf32>, vector<16xf32>, vector<16xf32>, vector<16xf32>, vector<16xf32>, vector<16xf32>, vector<16xf32>, vector<16xf32>, vector<16xf32>, vector<16xf32>, vector<16xf32>, vector<16xf32>, vector<16xf32>, vector<16xf32>, vector<16xf32>, vector<16xf32>, vector<16xf32>, vector<16xf32>, vector<16xf32>, vector<16xf32>, vector<16xf32>, vector<16xf32>, vector<16xf32>, vector<16xf32>, vector<16xf32>, vector<16xf32>
      }
      %scan3A_1015 = arith.constant 64 : i32
      %eq3A_1016 = arith.constant 0 : i32
      %eq3A_1017 = vector.broadcast %eq3A_1016 : i32 to vector<16xi32>
      %eq3A_1018 = arith.cmpi eq, %iota3A, %eq3A_1017 : vector<16xi32>
      %reduce_sum3A_1019 = arith.constant true
      %reduce_sum3A_1020 = vector.broadcast %reduce_sum3A_1019 : i1 to vector<16xi1>
      %reduce_sum3A_1021 = tpu.scan <sum>, %scan3A_1014#0 masked %reduce_sum3A_1020 : vector<16xf32>, vector<16xi1> -> vector<16xf32>
      %reduce_sum3A_1022 = vector.extract %reduce_sum3A_1021[15] : f32 from vector<16xf32>
      %broadcast_in_dim3A_1023 = vector.broadcast %reduce_sum3A_1022 : f32 to vector<16xf32>
      %select_n3A_1024 = arith.select %eq3A_1018, %broadcast_in_dim3A_1023, %broadcast_in_dim3A_1009 : vector<16xi1>, vector<16xf32>
      %eq3A_1025 = arith.constant 1 : i32
      %eq3A_1026 = vector.broadcast %eq3A_1025 : i32 to vector<16xi32>
      %eq3A_1027 = arith.cmpi eq, %iota3A, %eq3A_1026 : vector<16xi32>
      %reduce_sum3A_1028 = arith.constant true
      %reduce_sum3A_1029 = vector.broadcast %reduce_sum3A_1028 : i1 to vector<16xi1>
      %reduce_sum3A_1030 = tpu.scan <sum>, %scan3A_1014#1 masked %reduce_sum3A_1029 : vector<16xf32>, vector<16xi1> -> vector<16xf32>
      %reduce_sum3A_1031 = vector.extract %reduce_sum3A_1030[15] : f32 from vector<16xf32>
      %broadcast_in_dim3A_1032 = vector.broadcast %reduce_sum3A_1031 : f32 to vector<16xf32>
      %select_n3A_1033 = arith.select %eq3A_1027, %broadcast_in_dim3A_1032, %select_n3A_1024 : vector<16xi1>, vector<16xf32>
      %eq3A_1034 = arith.constant 2 : i32
      %eq3A_1035 = vector.broadcast %eq3A_1034 : i32 to vector<16xi32>
      %eq3A_1036 = arith.cmpi eq, %iota3A, %eq3A_1035 : vector<16xi32>
      %reduce_sum3A_1037 = arith.constant true
      %reduce_sum3A_1038 = vector.broadcast %reduce_sum3A_1037 : i1 to vector<16xi1>
      %reduce_sum3A_1039 = tpu.scan <sum>, %scan3A_1014#2 masked %reduce_sum3A_1038 : vector<16xf32>, vector<16xi1> -> vector<16xf32>
      %reduce_sum3A_1040 = vector.extract %reduce_sum3A_1039[15] : f32 from vector<16xf32>
      %broadcast_in_dim3A_1041 = vector.broadcast %reduce_sum3A_1040 : f32 to vector<16xf32>
      %select_n3A_1042 = arith.select %eq3A_1036, %broadcast_in_dim3A_1041, %select_n3A_1033 : vector<16xi1>, vector<16xf32>
      %eq3A_1043 = arith.constant 3 : i32
      %eq3A_1044 = vector.broadcast %eq3A_1043 : i32 to vector<16xi32>
      %eq3A_1045 = arith.cmpi eq, %iota3A, %eq3A_1044 : vector<16xi32>
      %reduce_sum3A_1046 = arith.constant true
      %reduce_sum3A_1047 = vector.broadcast %reduce_sum3A_1046 : i1 to vector<16xi1>
      %reduce_sum3A_1048 = tpu.scan <sum>, %scan3A_1014#3 masked %reduce_sum3A_1047 : vector<16xf32>, vector<16xi1> -> vector<16xf32>
      %reduce_sum3A_1049 = vector.extract %reduce_sum3A_1048[15] : f32 from vector<16xf32>
      %broadcast_in_dim3A_1050 = vector.broadcast %reduce_sum3A_1049 : f32 to vector<16xf32>
      %select_n3A_1051 = arith.select %eq3A_1045, %broadcast_in_dim3A_1050, %select_n3A_1042 : vector<16xi1>, vector<16xf32>
      %eq3A_1052 = arith.constant 4 : i32
      %eq3A_1053 = vector.broadcast %eq3A_1052 : i32 to vector<16xi32>
      %eq3A_1054 = arith.cmpi eq, %iota3A, %eq3A_1053 : vector<16xi32>
      %reduce_sum3A_1055 = arith.constant true
      %reduce_sum3A_1056 = vector.broadcast %reduce_sum3A_1055 : i1 to vector<16xi1>
      %reduce_sum3A_1057 = tpu.scan <sum>, %scan3A_1014#4 masked %reduce_sum3A_1056 : vector<16xf32>, vector<16xi1> -> vector<16xf32>
      %reduce_sum3A_1058 = vector.extract %reduce_sum3A_1057[15] : f32 from vector<16xf32>
      %broadcast_in_dim3A_1059 = vector.broadcast %reduce_sum3A_1058 : f32 to vector<16xf32>
      %select_n3A_1060 = arith.select %eq3A_1054, %broadcast_in_dim3A_1059, %select_n3A_1051 : vector<16xi1>, vector<16xf32>
      %eq3A_1061 = arith.constant 5 : i32
      %eq3A_1062 = vector.broadcast %eq3A_1061 : i32 to vector<16xi32>
      %eq3A_1063 = arith.cmpi eq, %iota3A, %eq3A_1062 : vector<16xi32>
      %reduce_sum3A_1064 = arith.constant true
      %reduce_sum3A_1065 = vector.broadcast %reduce_sum3A_1064 : i1 to vector<16xi1>
      %reduce_sum3A_1066 = tpu.scan <sum>, %scan3A_1014#5 masked %reduce_sum3A_1065 : vector<16xf32>, vector<16xi1> -> vector<16xf32>
      %reduce_sum3A_1067 = vector.extract %reduce_sum3A_1066[15] : f32 from vector<16xf32>
      %broadcast_in_dim3A_1068 = vector.broadcast %reduce_sum3A_1067 : f32 to vector<16xf32>
      %select_n3A_1069 = arith.select %eq3A_1063, %broadcast_in_dim3A_1068, %select_n3A_1060 : vector<16xi1>, vector<16xf32>
      %eq3A_1070 = arith.constant 6 : i32
      %eq3A_1071 = vector.broadcast %eq3A_1070 : i32 to vector<16xi32>
      %eq3A_1072 = arith.cmpi eq, %iota3A, %eq3A_1071 : vector<16xi32>
      %reduce_sum3A_1073 = arith.constant true
      %reduce_sum3A_1074 = vector.broadcast %reduce_sum3A_1073 : i1 to vector<16xi1>
      %reduce_sum3A_1075 = tpu.scan <sum>, %scan3A_1014#6 masked %reduce_sum3A_1074 : vector<16xf32>, vector<16xi1> -> vector<16xf32>
      %reduce_sum3A_1076 = vector.extract %reduce_sum3A_1075[15] : f32 from vector<16xf32>
      %broadcast_in_dim3A_1077 = vector.broadcast %reduce_sum3A_1076 : f32 to vector<16xf32>
      %select_n3A_1078 = arith.select %eq3A_1072, %broadcast_in_dim3A_1077, %select_n3A_1069 : vector<16xi1>, vector<16xf32>
      %eq3A_1079 = arith.constant 7 : i32
      %eq3A_1080 = vector.broadcast %eq3A_1079 : i32 to vector<16xi32>
      %eq3A_1081 = arith.cmpi eq, %iota3A, %eq3A_1080 : vector<16xi32>
      %reduce_sum3A_1082 = arith.constant true
      %reduce_sum3A_1083 = vector.broadcast %reduce_sum3A_1082 : i1 to vector<16xi1>
      %reduce_sum3A_1084 = tpu.scan <sum>, %scan3A_1014#7 masked %reduce_sum3A_1083 : vector<16xf32>, vector<16xi1> -> vector<16xf32>
      %reduce_sum3A_1085 = vector.extract %reduce_sum3A_1084[15] : f32 from vector<16xf32>
      %broadcast_in_dim3A_1086 = vector.broadcast %reduce_sum3A_1085 : f32 to vector<16xf32>
      %select_n3A_1087 = arith.select %eq3A_1081, %broadcast_in_dim3A_1086, %select_n3A_1078 : vector<16xi1>, vector<16xf32>
      %swap3A_1088 = arith.constant 12 : i32
      %swap3A_1089 = arith.index_cast %swap3A_1088 : i32 to index
      %swap3A_1090 = arith.constant 0 : index
      %swap3A_1091 = tpu.vector_load %arg7[%swap3A_1089, %swap3A_1090] {strides = array<i32>} : memref<16x16xf32, #tpu.memory_space<vmem>>, vector<16xf32>,
      tpu.vector_store %arg7[%swap3A_1089, %swap3A_1090], %select_n3A_1087 {strides = array<i32>} : memref<16x16xf32, #tpu.memory_space<vmem>>, vector<16xf32>,
      %eq3A_1092 = arith.constant 0 : i32
      %eq3A_1093 = vector.broadcast %eq3A_1092 : i32 to vector<16xi32>
      %eq3A_1094 = arith.cmpi eq, %iota3A, %eq3A_1093 : vector<16xi32>
      %reduce_sum3A_1095 = arith.constant true
      %reduce_sum3A_1096 = vector.broadcast %reduce_sum3A_1095 : i1 to vector<16xi1>
      %reduce_sum3A_1097 = tpu.scan <sum>, %scan3A_1014#8 masked %reduce_sum3A_1096 : vector<16xf32>, vector<16xi1> -> vector<16xf32>
      %reduce_sum3A_1098 = vector.extract %reduce_sum3A_1097[15] : f32 from vector<16xf32>
      %broadcast_in_dim3A_1099 = vector.broadcast %reduce_sum3A_1098 : f32 to vector<16xf32>
      %select_n3A_1100 = arith.select %eq3A_1094, %broadcast_in_dim3A_1099, %broadcast_in_dim3A_1009 : vector<16xi1>, vector<16xf32>
      %eq3A_1101 = arith.constant 1 : i32
      %eq3A_1102 = vector.broadcast %eq3A_1101 : i32 to vector<16xi32>
      %eq3A_1103 = arith.cmpi eq, %iota3A, %eq3A_1102 : vector<16xi32>
      %reduce_sum3A_1104 = arith.constant true
      %reduce_sum3A_1105 = vector.broadcast %reduce_sum3A_1104 : i1 to vector<16xi1>
      %reduce_sum3A_1106 = tpu.scan <sum>, %scan3A_1014#9 masked %reduce_sum3A_1105 : vector<16xf32>, vector<16xi1> -> vector<16xf32>
      %reduce_sum3A_1107 = vector.extract %reduce_sum3A_1106[15] : f32 from vector<16xf32>
      %broadcast_in_dim3A_1108 = vector.broadcast %reduce_sum3A_1107 : f32 to vector<16xf32>
      %select_n3A_1109 = arith.select %eq3A_1103, %broadcast_in_dim3A_1108, %select_n3A_1100 : vector<16xi1>, vector<16xf32>
      %eq3A_1110 = arith.constant 2 : i32
      %eq3A_1111 = vector.broadcast %eq3A_1110 : i32 to vector<16xi32>
      %eq3A_1112 = arith.cmpi eq, %iota3A, %eq3A_1111 : vector<16xi32>
      %reduce_sum3A_1113 = arith.constant true
      %reduce_sum3A_1114 = vector.broadcast %reduce_sum3A_1113 : i1 to vector<16xi1>
      %reduce_sum3A_1115 = tpu.scan <sum>, %scan3A_1014#10 masked %reduce_sum3A_1114 : vector<16xf32>, vector<16xi1> -> vector<16xf32>
      %reduce_sum3A_1116 = vector.extract %reduce_sum3A_1115[15] : f32 from vector<16xf32>
      %broadcast_in_dim3A_1117 = vector.broadcast %reduce_sum3A_1116 : f32 to vector<16xf32>
      %select_n3A_1118 = arith.select %eq3A_1112, %broadcast_in_dim3A_1117, %select_n3A_1109 : vector<16xi1>, vector<16xf32>
      %eq3A_1119 = arith.constant 3 : i32
      %eq3A_1120 = vector.broadcast %eq3A_1119 : i32 to vector<16xi32>
      %eq3A_1121 = arith.cmpi eq, %iota3A, %eq3A_1120 : vector<16xi32>
      %reduce_sum3A_1122 = arith.constant true
      %reduce_sum3A_1123 = vector.broadcast %reduce_sum3A_1122 : i1 to vector<16xi1>
      %reduce_sum3A_1124 = tpu.scan <sum>, %scan3A_1014#11 masked %reduce_sum3A_1123 : vector<16xf32>, vector<16xi1> -> vector<16xf32>
      %reduce_sum3A_1125 = vector.extract %reduce_sum3A_1124[15] : f32 from vector<16xf32>
      %broadcast_in_dim3A_1126 = vector.broadcast %reduce_sum3A_1125 : f32 to vector<16xf32>
      %select_n3A_1127 = arith.select %eq3A_1121, %broadcast_in_dim3A_1126, %select_n3A_1118 : vector<16xi1>, vector<16xf32>
      %eq3A_1128 = arith.constant 4 : i32
      %eq3A_1129 = vector.broadcast %eq3A_1128 : i32 to vector<16xi32>
      %eq3A_1130 = arith.cmpi eq, %iota3A, %eq3A_1129 : vector<16xi32>
      %reduce_sum3A_1131 = arith.constant true
      %reduce_sum3A_1132 = vector.broadcast %reduce_sum3A_1131 : i1 to vector<16xi1>
      %reduce_sum3A_1133 = tpu.scan <sum>, %scan3A_1014#12 masked %reduce_sum3A_1132 : vector<16xf32>, vector<16xi1> -> vector<16xf32>
      %reduce_sum3A_1134 = vector.extract %reduce_sum3A_1133[15] : f32 from vector<16xf32>
      %broadcast_in_dim3A_1135 = vector.broadcast %reduce_sum3A_1134 : f32 to vector<16xf32>
      %select_n3A_1136 = arith.select %eq3A_1130, %broadcast_in_dim3A_1135, %select_n3A_1127 : vector<16xi1>, vector<16xf32>
      %eq3A_1137 = arith.constant 5 : i32
      %eq3A_1138 = vector.broadcast %eq3A_1137 : i32 to vector<16xi32>
      %eq3A_1139 = arith.cmpi eq, %iota3A, %eq3A_1138 : vector<16xi32>
      %reduce_sum3A_1140 = arith.constant true
      %reduce_sum3A_1141 = vector.broadcast %reduce_sum3A_1140 : i1 to vector<16xi1>
      %reduce_sum3A_1142 = tpu.scan <sum>, %scan3A_1014#13 masked %reduce_sum3A_1141 : vector<16xf32>, vector<16xi1> -> vector<16xf32>
      %reduce_sum3A_1143 = vector.extract %reduce_sum3A_1142[15] : f32 from vector<16xf32>
      %broadcast_in_dim3A_1144 = vector.broadcast %reduce_sum3A_1143 : f32 to vector<16xf32>
      %select_n3A_1145 = arith.select %eq3A_1139, %broadcast_in_dim3A_1144, %select_n3A_1136 : vector<16xi1>, vector<16xf32>
      %eq3A_1146 = arith.constant 6 : i32
      %eq3A_1147 = vector.broadcast %eq3A_1146 : i32 to vector<16xi32>
      %eq3A_1148 = arith.cmpi eq, %iota3A, %eq3A_1147 : vector<16xi32>
      %reduce_sum3A_1149 = arith.constant true
      %reduce_sum3A_1150 = vector.broadcast %reduce_sum3A_1149 : i1 to vector<16xi1>
      %reduce_sum3A_1151 = tpu.scan <sum>, %scan3A_1014#14 masked %reduce_sum3A_1150 : vector<16xf32>, vector<16xi1> -> vector<16xf32>
      %reduce_sum3A_1152 = vector.extract %reduce_sum3A_1151[15] : f32 from vector<16xf32>
      %broadcast_in_dim3A_1153 = vector.broadcast %reduce_sum3A_1152 : f32 to vector<16xf32>
      %select_n3A_1154 = arith.select %eq3A_1148, %broadcast_in_dim3A_1153, %select_n3A_1145 : vector<16xi1>, vector<16xf32>
      %eq3A_1155 = arith.constant 7 : i32
      %eq3A_1156 = vector.broadcast %eq3A_1155 : i32 to vector<16xi32>
      %eq3A_1157 = arith.cmpi eq, %iota3A, %eq3A_1156 : vector<16xi32>
      %reduce_sum3A_1158 = arith.constant true
      %reduce_sum3A_1159 = vector.broadcast %reduce_sum3A_1158 : i1 to vector<16xi1>
      %reduce_sum3A_1160 = tpu.scan <sum>, %scan3A_1014#15 masked %reduce_sum3A_1159 : vector<16xf32>, vector<16xi1> -> vector<16xf32>
      %reduce_sum3A_1161 = vector.extract %reduce_sum3A_1160[15] : f32 from vector<16xf32>
      %broadcast_in_dim3A_1162 = vector.broadcast %reduce_sum3A_1161 : f32 to vector<16xf32>
      %select_n3A_1163 = arith.select %eq3A_1157, %broadcast_in_dim3A_1162, %select_n3A_1154 : vector<16xi1>, vector<16xf32>
      %swap3A_1164 = arith.constant 13 : i32
      %swap3A_1165 = arith.index_cast %swap3A_1164 : i32 to index
      %swap3A_1166 = arith.constant 0 : index
      %swap3A_1167 = tpu.vector_load %arg7[%swap3A_1165, %swap3A_1166] {strides = array<i32>} : memref<16x16xf32, #tpu.memory_space<vmem>>, vector<16xf32>,
      tpu.vector_store %arg7[%swap3A_1165, %swap3A_1166], %select_n3A_1163 {strides = array<i32>} : memref<16x16xf32, #tpu.memory_space<vmem>>, vector<16xf32>,
      %eq3A_1168 = arith.constant 0 : i32
      %eq3A_1169 = vector.broadcast %eq3A_1168 : i32 to vector<16xi32>
      %eq3A_1170 = arith.cmpi eq, %iota3A, %eq3A_1169 : vector<16xi32>
      %reduce_sum3A_1171 = arith.constant true
      %reduce_sum3A_1172 = vector.broadcast %reduce_sum3A_1171 : i1 to vector<16xi1>
      %reduce_sum3A_1173 = tpu.scan <sum>, %scan3A_1014#16 masked %reduce_sum3A_1172 : vector<16xf32>, vector<16xi1> -> vector<16xf32>
      %reduce_sum3A_1174 = vector.extract %reduce_sum3A_1173[15] : f32 from vector<16xf32>
      %broadcast_in_dim3A_1175 = vector.broadcast %reduce_sum3A_1174 : f32 to vector<16xf32>
      %select_n3A_1176 = arith.select %eq3A_1170, %broadcast_in_dim3A_1175, %broadcast_in_dim3A_1009 : vector<16xi1>, vector<16xf32>
      %eq3A_1177 = arith.constant 1 : i32
      %eq3A_1178 = vector.broadcast %eq3A_1177 : i32 to vector<16xi32>
      %eq3A_1179 = arith.cmpi eq, %iota3A, %eq3A_1178 : vector<16xi32>
      %reduce_sum3A_1180 = arith.constant true
      %reduce_sum3A_1181 = vector.broadcast %reduce_sum3A_1180 : i1 to vector<16xi1>
      %reduce_sum3A_1182 = tpu.scan <sum>, %scan3A_1014#17 masked %reduce_sum3A_1181 : vector<16xf32>, vector<16xi1> -> vector<16xf32>
      %reduce_sum3A_1183 = vector.extract %reduce_sum3A_1182[15] : f32 from vector<16xf32>
      %broadcast_in_dim3A_1184 = vector.broadcast %reduce_sum3A_1183 : f32 to vector<16xf32>
      %select_n3A_1185 = arith.select %eq3A_1179, %broadcast_in_dim3A_1184, %select_n3A_1176 : vector<16xi1>, vector<16xf32>
      %eq3A_1186 = arith.constant 2 : i32
      %eq3A_1187 = vector.broadcast %eq3A_1186 : i32 to vector<16xi32>
      %eq3A_1188 = arith.cmpi eq, %iota3A, %eq3A_1187 : vector<16xi32>
      %reduce_sum3A_1189 = arith.constant true
      %reduce_sum3A_1190 = vector.broadcast %reduce_sum3A_1189 : i1 to vector<16xi1>
      %reduce_sum3A_1191 = tpu.scan <sum>, %scan3A_1014#18 masked %reduce_sum3A_1190 : vector<16xf32>, vector<16xi1> -> vector<16xf32>
      %reduce_sum3A_1192 = vector.extract %reduce_sum3A_1191[15] : f32 from vector<16xf32>
      %broadcast_in_dim3A_1193 = vector.broadcast %reduce_sum3A_1192 : f32 to vector<16xf32>
      %select_n3A_1194 = arith.select %eq3A_1188, %broadcast_in_dim3A_1193, %select_n3A_1185 : vector<16xi1>, vector<16xf32>
      %eq3A_1195 = arith.constant 3 : i32
      %eq3A_1196 = vector.broadcast %eq3A_1195 : i32 to vector<16xi32>
      %eq3A_1197 = arith.cmpi eq, %iota3A, %eq3A_1196 : vector<16xi32>
      %reduce_sum3A_1198 = arith.constant true
      %reduce_sum3A_1199 = vector.broadcast %reduce_sum3A_1198 : i1 to vector<16xi1>
      %reduce_sum3A_1200 = tpu.scan <sum>, %scan3A_1014#19 masked %reduce_sum3A_1199 : vector<16xf32>, vector<16xi1> -> vector<16xf32>
      %reduce_sum3A_1201 = vector.extract %reduce_sum3A_1200[15] : f32 from vector<16xf32>
      %broadcast_in_dim3A_1202 = vector.broadcast %reduce_sum3A_1201 : f32 to vector<16xf32>
      %select_n3A_1203 = arith.select %eq3A_1197, %broadcast_in_dim3A_1202, %select_n3A_1194 : vector<16xi1>, vector<16xf32>
      %eq3A_1204 = arith.constant 4 : i32
      %eq3A_1205 = vector.broadcast %eq3A_1204 : i32 to vector<16xi32>
      %eq3A_1206 = arith.cmpi eq, %iota3A, %eq3A_1205 : vector<16xi32>
      %reduce_sum3A_1207 = arith.constant true
      %reduce_sum3A_1208 = vector.broadcast %reduce_sum3A_1207 : i1 to vector<16xi1>
      %reduce_sum3A_1209 = tpu.scan <sum>, %scan3A_1014#20 masked %reduce_sum3A_1208 : vector<16xf32>, vector<16xi1> -> vector<16xf32>
      %reduce_sum3A_1210 = vector.extract %reduce_sum3A_1209[15] : f32 from vector<16xf32>
      %broadcast_in_dim3A_1211 = vector.broadcast %reduce_sum3A_1210 : f32 to vector<16xf32>
      %select_n3A_1212 = arith.select %eq3A_1206, %broadcast_in_dim3A_1211, %select_n3A_1203 : vector<16xi1>, vector<16xf32>
      %eq3A_1213 = arith.constant 5 : i32
      %eq3A_1214 = vector.broadcast %eq3A_1213 : i32 to vector<16xi32>
      %eq3A_1215 = arith.cmpi eq, %iota3A, %eq3A_1214 : vector<16xi32>
      %reduce_sum3A_1216 = arith.constant true
      %reduce_sum3A_1217 = vector.broadcast %reduce_sum3A_1216 : i1 to vector<16xi1>
      %reduce_sum3A_1218 = tpu.scan <sum>, %scan3A_1014#21 masked %reduce_sum3A_1217 : vector<16xf32>, vector<16xi1> -> vector<16xf32>
      %reduce_sum3A_1219 = vector.extract %reduce_sum3A_1218[15] : f32 from vector<16xf32>
      %broadcast_in_dim3A_1220 = vector.broadcast %reduce_sum3A_1219 : f32 to vector<16xf32>
      %select_n3A_1221 = arith.select %eq3A_1215, %broadcast_in_dim3A_1220, %select_n3A_1212 : vector<16xi1>, vector<16xf32>
      %eq3A_1222 = arith.constant 6 : i32
      %eq3A_1223 = vector.broadcast %eq3A_1222 : i32 to vector<16xi32>
      %eq3A_1224 = arith.cmpi eq, %iota3A, %eq3A_1223 : vector<16xi32>
      %reduce_sum3A_1225 = arith.constant true
      %reduce_sum3A_1226 = vector.broadcast %reduce_sum3A_1225 : i1 to vector<16xi1>
      %reduce_sum3A_1227 = tpu.scan <sum>, %scan3A_1014#22 masked %reduce_sum3A_1226 : vector<16xf32>, vector<16xi1> -> vector<16xf32>
      %reduce_sum3A_1228 = vector.extract %reduce_sum3A_1227[15] : f32 from vector<16xf32>
      %broadcast_in_dim3A_1229 = vector.broadcast %reduce_sum3A_1228 : f32 to vector<16xf32>
      %select_n3A_1230 = arith.select %eq3A_1224, %broadcast_in_dim3A_1229, %select_n3A_1221 : vector<16xi1>, vector<16xf32>
      %eq3A_1231 = arith.constant 7 : i32
      %eq3A_1232 = vector.broadcast %eq3A_1231 : i32 to vector<16xi32>
      %eq3A_1233 = arith.cmpi eq, %iota3A, %eq3A_1232 : vector<16xi32>
      %reduce_sum3A_1234 = arith.constant true
      %reduce_sum3A_1235 = vector.broadcast %reduce_sum3A_1234 : i1 to vector<16xi1>
      %reduce_sum3A_1236 = tpu.scan <sum>, %scan3A_1014#23 masked %reduce_sum3A_1235 : vector<16xf32>, vector<16xi1> -> vector<16xf32>
      %reduce_sum3A_1237 = vector.extract %reduce_sum3A_1236[15] : f32 from vector<16xf32>
      %broadcast_in_dim3A_1238 = vector.broadcast %reduce_sum3A_1237 : f32 to vector<16xf32>
      %select_n3A_1239 = arith.select %eq3A_1233, %broadcast_in_dim3A_1238, %select_n3A_1230 : vector<16xi1>, vector<16xf32>
      %swap3A_1240 = arith.constant 14 : i32
      %swap3A_1241 = arith.index_cast %swap3A_1240 : i32 to index
      %swap3A_1242 = arith.constant 0 : index
      %swap3A_1243 = tpu.vector_load %arg7[%swap3A_1241, %swap3A_1242] {strides = array<i32>} : memref<16x16xf32, #tpu.memory_space<vmem>>, vector<16xf32>,
      tpu.vector_store %arg7[%swap3A_1241, %swap3A_1242], %select_n3A_1239 {strides = array<i32>} : memref<16x16xf32, #tpu.memory_space<vmem>>, vector<16xf32>,
      %eq3A_1244 = arith.constant 0 : i32
      %eq3A_1245 = vector.broadcast %eq3A_1244 : i32 to vector<16xi32>
      %eq3A_1246 = arith.cmpi eq, %iota3A, %eq3A_1245 : vector<16xi32>
      %reduce_sum3A_1247 = arith.constant true
      %reduce_sum3A_1248 = vector.broadcast %reduce_sum3A_1247 : i1 to vector<16xi1>
      %reduce_sum3A_1249 = tpu.scan <sum>, %scan3A_1014#24 masked %reduce_sum3A_1248 : vector<16xf32>, vector<16xi1> -> vector<16xf32>
      %reduce_sum3A_1250 = vector.extract %reduce_sum3A_1249[15] : f32 from vector<16xf32>
      %broadcast_in_dim3A_1251 = vector.broadcast %reduce_sum3A_1250 : f32 to vector<16xf32>
      %select_n3A_1252 = arith.select %eq3A_1246, %broadcast_in_dim3A_1251, %broadcast_in_dim3A_1009 : vector<16xi1>, vector<16xf32>
      %eq3A_1253 = arith.constant 1 : i32
      %eq3A_1254 = vector.broadcast %eq3A_1253 : i32 to vector<16xi32>
      %eq3A_1255 = arith.cmpi eq, %iota3A, %eq3A_1254 : vector<16xi32>
      %reduce_sum3A_1256 = arith.constant true
      %reduce_sum3A_1257 = vector.broadcast %reduce_sum3A_1256 : i1 to vector<16xi1>
      %reduce_sum3A_1258 = tpu.scan <sum>, %scan3A_1014#25 masked %reduce_sum3A_1257 : vector<16xf32>, vector<16xi1> -> vector<16xf32>
      %reduce_sum3A_1259 = vector.extract %reduce_sum3A_1258[15] : f32 from vector<16xf32>
      %broadcast_in_dim3A_1260 = vector.broadcast %reduce_sum3A_1259 : f32 to vector<16xf32>
      %select_n3A_1261 = arith.select %eq3A_1255, %broadcast_in_dim3A_1260, %select_n3A_1252 : vector<16xi1>, vector<16xf32>
      %eq3A_1262 = arith.constant 2 : i32
      %eq3A_1263 = vector.broadcast %eq3A_1262 : i32 to vector<16xi32>
      %eq3A_1264 = arith.cmpi eq, %iota3A, %eq3A_1263 : vector<16xi32>
      %reduce_sum3A_1265 = arith.constant true
      %reduce_sum3A_1266 = vector.broadcast %reduce_sum3A_1265 : i1 to vector<16xi1>
      %reduce_sum3A_1267 = tpu.scan <sum>, %scan3A_1014#26 masked %reduce_sum3A_1266 : vector<16xf32>, vector<16xi1> -> vector<16xf32>
      %reduce_sum3A_1268 = vector.extract %reduce_sum3A_1267[15] : f32 from vector<16xf32>
      %broadcast_in_dim3A_1269 = vector.broadcast %reduce_sum3A_1268 : f32 to vector<16xf32>
      %select_n3A_1270 = arith.select %eq3A_1264, %broadcast_in_dim3A_1269, %select_n3A_1261 : vector<16xi1>, vector<16xf32>
      %eq3A_1271 = arith.constant 3 : i32
      %eq3A_1272 = vector.broadcast %eq3A_1271 : i32 to vector<16xi32>
      %eq3A_1273 = arith.cmpi eq, %iota3A, %eq3A_1272 : vector<16xi32>
      %reduce_sum3A_1274 = arith.constant true
      %reduce_sum3A_1275 = vector.broadcast %reduce_sum3A_1274 : i1 to vector<16xi1>
      %reduce_sum3A_1276 = tpu.scan <sum>, %scan3A_1014#27 masked %reduce_sum3A_1275 : vector<16xf32>, vector<16xi1> -> vector<16xf32>
      %reduce_sum3A_1277 = vector.extract %reduce_sum3A_1276[15] : f32 from vector<16xf32>
      %broadcast_in_dim3A_1278 = vector.broadcast %reduce_sum3A_1277 : f32 to vector<16xf32>
      %select_n3A_1279 = arith.select %eq3A_1273, %broadcast_in_dim3A_1278, %select_n3A_1270 : vector<16xi1>, vector<16xf32>
      %eq3A_1280 = arith.constant 4 : i32
      %eq3A_1281 = vector.broadcast %eq3A_1280 : i32 to vector<16xi32>
      %eq3A_1282 = arith.cmpi eq, %iota3A, %eq3A_1281 : vector<16xi32>
      %reduce_sum3A_1283 = arith.constant true
      %reduce_sum3A_1284 = vector.broadcast %reduce_sum3A_1283 : i1 to vector<16xi1>
      %reduce_sum3A_1285 = tpu.scan <sum>, %scan3A_1014#28 masked %reduce_sum3A_1284 : vector<16xf32>, vector<16xi1> -> vector<16xf32>
      %reduce_sum3A_1286 = vector.extract %reduce_sum3A_1285[15] : f32 from vector<16xf32>
      %broadcast_in_dim3A_1287 = vector.broadcast %reduce_sum3A_1286 : f32 to vector<16xf32>
      %select_n3A_1288 = arith.select %eq3A_1282, %broadcast_in_dim3A_1287, %select_n3A_1279 : vector<16xi1>, vector<16xf32>
      %eq3A_1289 = arith.constant 5 : i32
      %eq3A_1290 = vector.broadcast %eq3A_1289 : i32 to vector<16xi32>
      %eq3A_1291 = arith.cmpi eq, %iota3A, %eq3A_1290 : vector<16xi32>
      %reduce_sum3A_1292 = arith.constant true
      %reduce_sum3A_1293 = vector.broadcast %reduce_sum3A_1292 : i1 to vector<16xi1>
      %reduce_sum3A_1294 = tpu.scan <sum>, %scan3A_1014#29 masked %reduce_sum3A_1293 : vector<16xf32>, vector<16xi1> -> vector<16xf32>
      %reduce_sum3A_1295 = vector.extract %reduce_sum3A_1294[15] : f32 from vector<16xf32>
      %broadcast_in_dim3A_1296 = vector.broadcast %reduce_sum3A_1295 : f32 to vector<16xf32>
      %select_n3A_1297 = arith.select %eq3A_1291, %broadcast_in_dim3A_1296, %select_n3A_1288 : vector<16xi1>, vector<16xf32>
      %eq3A_1298 = arith.constant 6 : i32
      %eq3A_1299 = vector.broadcast %eq3A_1298 : i32 to vector<16xi32>
      %eq3A_1300 = arith.cmpi eq, %iota3A, %eq3A_1299 : vector<16xi32>
      %reduce_sum3A_1301 = arith.constant true
      %reduce_sum3A_1302 = vector.broadcast %reduce_sum3A_1301 : i1 to vector<16xi1>
      %reduce_sum3A_1303 = tpu.scan <sum>, %scan3A_1014#30 masked %reduce_sum3A_1302 : vector<16xf32>, vector<16xi1> -> vector<16xf32>
      %reduce_sum3A_1304 = vector.extract %reduce_sum3A_1303[15] : f32 from vector<16xf32>
      %broadcast_in_dim3A_1305 = vector.broadcast %reduce_sum3A_1304 : f32 to vector<16xf32>
      %select_n3A_1306 = arith.select %eq3A_1300, %broadcast_in_dim3A_1305, %select_n3A_1297 : vector<16xi1>, vector<16xf32>
      %eq3A_1307 = arith.constant 7 : i32
      %eq3A_1308 = vector.broadcast %eq3A_1307 : i32 to vector<16xi32>
      %eq3A_1309 = arith.cmpi eq, %iota3A, %eq3A_1308 : vector<16xi32>
      %reduce_sum3A_1310 = arith.constant true
      %reduce_sum3A_1311 = vector.broadcast %reduce_sum3A_1310 : i1 to vector<16xi1>
      %reduce_sum3A_1312 = tpu.scan <sum>, %scan3A_1014#31 masked %reduce_sum3A_1311 : vector<16xf32>, vector<16xi1> -> vector<16xf32>
      %reduce_sum3A_1313 = vector.extract %reduce_sum3A_1312[15] : f32 from vector<16xf32>
      %broadcast_in_dim3A_1314 = vector.broadcast %reduce_sum3A_1313 : f32 to vector<16xf32>
      %select_n3A_1315 = arith.select %eq3A_1309, %broadcast_in_dim3A_1314, %select_n3A_1306 : vector<16xi1>, vector<16xf32>
      %swap3A_1316 = arith.constant 15 : i32
      %swap3A_1317 = arith.index_cast %swap3A_1316 : i32 to index
      %swap3A_1318 = arith.constant 0 : index
      %swap3A_1319 = tpu.vector_load %arg7[%swap3A_1317, %swap3A_1318] {strides = array<i32>} : memref<16x16xf32, #tpu.memory_space<vmem>>, vector<16xf32>,
      tpu.vector_store %arg7[%swap3A_1317, %swap3A_1318], %select_n3A_1315 {strides = array<i32>} : memref<16x16xf32, #tpu.memory_space<vmem>>, vector<16xf32>,
      %broadcast_in_dim3A_1320 = arith.constant 0 : i32
      %broadcast_in_dim3A_1321 = vector.broadcast %broadcast_in_dim3A_1320 : i32 to vector<16xi32>
      %gather3A = tpu.vector_load_idx %arg7[%iota3A, %broadcast_in_dim3A_1321] : memref<16x16xf32, #tpu.memory_space<vmem>>[vector<16xi32>, vector<16xi32>], vector<16xf32>,
      %exp3A = math.exp %gather3A : vector<16xf32>
      %mul3A_1322 = arith.constant 16 : i32
      %mul3A_1323 = arith.muli %scan3A_73, %mul3A_1322 : i32
      %swap3A_1324 = arith.constant 0 : i32
      %swap3A_1325 = arith.index_cast %swap3A_1324 : i32 to index
      %swap3A_1326 = arith.index_cast %mul3A_1323 : i32 to index
      %swap3A_1327 = tpu.vector_load %arg8[%swap3A_1325, %swap3A_1326] {strides = array<i32>} : memref<8x64xf32, #tpu.memory_space<vmem>>, vector<16xf32>,
      tpu.vector_store %arg8[%swap3A_1325, %swap3A_1326], %exp3A {strides = array<i32>} : memref<8x64xf32, #tpu.memory_space<vmem>>, vector<16xf32>,
      %broadcast_in_dim3A_1328 = arith.constant 1 : i32
      %broadcast_in_dim3A_1329 = vector.broadcast %broadcast_in_dim3A_1328 : i32 to vector<16xi32>
      %gather3A_1330 = tpu.vector_load_idx %arg7[%iota3A, %broadcast_in_dim3A_1329] : memref<16x16xf32, #tpu.memory_space<vmem>>[vector<16xi32>, vector<16xi32>], vector<16xf32>,
      %exp3A_1331 = math.exp %gather3A_1330 : vector<16xf32>
      %mul3A_1332 = arith.constant 16 : i32
      %mul3A_1333 = arith.muli %scan3A_73, %mul3A_1332 : i32
      %swap3A_1334 = arith.constant 1 : i32
      %swap3A_1335 = arith.index_cast %swap3A_1334 : i32 to index
      %swap3A_1336 = arith.index_cast %mul3A_1333 : i32 to index
      %swap3A_1337 = tpu.vector_load %arg8[%swap3A_1335, %swap3A_1336] {strides = array<i32>} : memref<8x64xf32, #tpu.memory_space<vmem>>, vector<16xf32>,
      tpu.vector_store %arg8[%swap3A_1335, %swap3A_1336], %exp3A_1331 {strides = array<i32>} : memref<8x64xf32, #tpu.memory_space<vmem>>, vector<16xf32>,
      %broadcast_in_dim3A_1338 = arith.constant 2 : i32
      %broadcast_in_dim3A_1339 = vector.broadcast %broadcast_in_dim3A_1338 : i32 to vector<16xi32>
      %gather3A_1340 = tpu.vector_load_idx %arg7[%iota3A, %broadcast_in_dim3A_1339] : memref<16x16xf32, #tpu.memory_space<vmem>>[vector<16xi32>, vector<16xi32>], vector<16xf32>,
      %exp3A_1341 = math.exp %gather3A_1340 : vector<16xf32>
      %mul3A_1342 = arith.constant 16 : i32
      %mul3A_1343 = arith.muli %scan3A_73, %mul3A_1342 : i32
      %swap3A_1344 = arith.constant 2 : i32
      %swap3A_1345 = arith.index_cast %swap3A_1344 : i32 to index
      %swap3A_1346 = arith.index_cast %mul3A_1343 : i32 to index
      %swap3A_1347 = tpu.vector_load %arg8[%swap3A_1345, %swap3A_1346] {strides = array<i32>} : memref<8x64xf32, #tpu.memory_space<vmem>>, vector<16xf32>,
      tpu.vector_store %arg8[%swap3A_1345, %swap3A_1346], %exp3A_1341 {strides = array<i32>} : memref<8x64xf32, #tpu.memory_space<vmem>>, vector<16xf32>,
      %broadcast_in_dim3A_1348 = arith.constant 3 : i32
      %broadcast_in_dim3A_1349 = vector.broadcast %broadcast_in_dim3A_1348 : i32 to vector<16xi32>
      %gather3A_1350 = tpu.vector_load_idx %arg7[%iota3A, %broadcast_in_dim3A_1349] : memref<16x16xf32, #tpu.memory_space<vmem>>[vector<16xi32>, vector<16xi32>], vector<16xf32>,
      %exp3A_1351 = math.exp %gather3A_1350 : vector<16xf32>
      %mul3A_1352 = arith.constant 16 : i32
      %mul3A_1353 = arith.muli %scan3A_73, %mul3A_1352 : i32
      %swap3A_1354 = arith.constant 3 : i32
      %swap3A_1355 = arith.index_cast %swap3A_1354 : i32 to index
      %swap3A_1356 = arith.index_cast %mul3A_1353 : i32 to index
      %swap3A_1357 = tpu.vector_load %arg8[%swap3A_1355, %swap3A_1356] {strides = array<i32>} : memref<8x64xf32, #tpu.memory_space<vmem>>, vector<16xf32>,
      tpu.vector_store %arg8[%swap3A_1355, %swap3A_1356], %exp3A_1351 {strides = array<i32>} : memref<8x64xf32, #tpu.memory_space<vmem>>, vector<16xf32>,
      %broadcast_in_dim3A_1358 = arith.constant 4 : i32
      %broadcast_in_dim3A_1359 = vector.broadcast %broadcast_in_dim3A_1358 : i32 to vector<16xi32>
      %gather3A_1360 = tpu.vector_load_idx %arg7[%iota3A, %broadcast_in_dim3A_1359] : memref<16x16xf32, #tpu.memory_space<vmem>>[vector<16xi32>, vector<16xi32>], vector<16xf32>,
      %exp3A_1361 = math.exp %gather3A_1360 : vector<16xf32>
      %mul3A_1362 = arith.constant 16 : i32
      %mul3A_1363 = arith.muli %scan3A_73, %mul3A_1362 : i32
      %swap3A_1364 = arith.constant 4 : i32
      %swap3A_1365 = arith.index_cast %swap3A_1364 : i32 to index
      %swap3A_1366 = arith.index_cast %mul3A_1363 : i32 to index
      %swap3A_1367 = tpu.vector_load %arg8[%swap3A_1365, %swap3A_1366] {strides = array<i32>} : memref<8x64xf32, #tpu.memory_space<vmem>>, vector<16xf32>,
      tpu.vector_store %arg8[%swap3A_1365, %swap3A_1366], %exp3A_1361 {strides = array<i32>} : memref<8x64xf32, #tpu.memory_space<vmem>>, vector<16xf32>,
      %broadcast_in_dim3A_1368 = arith.constant 5 : i32
      %broadcast_in_dim3A_1369 = vector.broadcast %broadcast_in_dim3A_1368 : i32 to vector<16xi32>
      %gather3A_1370 = tpu.vector_load_idx %arg7[%iota3A, %broadcast_in_dim3A_1369] : memref<16x16xf32, #tpu.memory_space<vmem>>[vector<16xi32>, vector<16xi32>], vector<16xf32>,
      %exp3A_1371 = math.exp %gather3A_1370 : vector<16xf32>
      %mul3A_1372 = arith.constant 16 : i32
      %mul3A_1373 = arith.muli %scan3A_73, %mul3A_1372 : i32
      %swap3A_1374 = arith.constant 5 : i32
      %swap3A_1375 = arith.index_cast %swap3A_1374 : i32 to index
      %swap3A_1376 = arith.index_cast %mul3A_1373 : i32 to index
      %swap3A_1377 = tpu.vector_load %arg8[%swap3A_1375, %swap3A_1376] {strides = array<i32>} : memref<8x64xf32, #tpu.memory_space<vmem>>, vector<16xf32>,
      tpu.vector_store %arg8[%swap3A_1375, %swap3A_1376], %exp3A_1371 {strides = array<i32>} : memref<8x64xf32, #tpu.memory_space<vmem>>, vector<16xf32>,
      %broadcast_in_dim3A_1378 = arith.constant 6 : i32
      %broadcast_in_dim3A_1379 = vector.broadcast %broadcast_in_dim3A_1378 : i32 to vector<16xi32>
      %gather3A_1380 = tpu.vector_load_idx %arg7[%iota3A, %broadcast_in_dim3A_1379] : memref<16x16xf32, #tpu.memory_space<vmem>>[vector<16xi32>, vector<16xi32>], vector<16xf32>,
      %exp3A_1381 = math.exp %gather3A_1380 : vector<16xf32>
      %mul3A_1382 = arith.constant 16 : i32
      %mul3A_1383 = arith.muli %scan3A_73, %mul3A_1382 : i32
      %swap3A_1384 = arith.constant 6 : i32
      %swap3A_1385 = arith.index_cast %swap3A_1384 : i32 to index
      %swap3A_1386 = arith.index_cast %mul3A_1383 : i32 to index
      %swap3A_1387 = tpu.vector_load %arg8[%swap3A_1385, %swap3A_1386] {strides = array<i32>} : memref<8x64xf32, #tpu.memory_space<vmem>>, vector<16xf32>,
      tpu.vector_store %arg8[%swap3A_1385, %swap3A_1386], %exp3A_1381 {strides = array<i32>} : memref<8x64xf32, #tpu.memory_space<vmem>>, vector<16xf32>,
      %broadcast_in_dim3A_1388 = arith.constant 7 : i32
      %broadcast_in_dim3A_1389 = vector.broadcast %broadcast_in_dim3A_1388 : i32 to vector<16xi32>
      %gather3A_1390 = tpu.vector_load_idx %arg7[%iota3A, %broadcast_in_dim3A_1389] : memref<16x16xf32, #tpu.memory_space<vmem>>[vector<16xi32>, vector<16xi32>], vector<16xf32>,
      %exp3A_1391 = math.exp %gather3A_1390 : vector<16xf32>
      %mul3A_1392 = arith.constant 16 : i32
      %mul3A_1393 = arith.muli %scan3A_73, %mul3A_1392 : i32
      %swap3A_1394 = arith.constant 7 : i32
      %swap3A_1395 = arith.index_cast %swap3A_1394 : i32 to index
      %swap3A_1396 = arith.index_cast %mul3A_1393 : i32 to index
      %swap3A_1397 = tpu.vector_load %arg8[%swap3A_1395, %swap3A_1396] {strides = array<i32>} : memref<8x64xf32, #tpu.memory_space<vmem>>, vector<16xf32>,
      tpu.vector_store %arg8[%swap3A_1395, %swap3A_1396], %exp3A_1391 {strides = array<i32>} : memref<8x64xf32, #tpu.memory_space<vmem>>, vector<16xf32>,
    }
    %scan3A_57 = arith.constant 4 : i32
    %run_scoped3A = arith.constant 0 : i32
    %run_scoped3A_58 = arith.constant 0 : i32
    "tpu.region"() ({
      %run_scoped3A_73 = tpu.sem_alloc : memref<!tpu.dma_semaphore, #tpu.memory_space<semaphore_mem>>
      %dma_start3A = arith.constant 0 : i32
      %dma_start3A_74 = tpu.memref_slice %arg8[%run_scoped3A, %dma_start3A] : memref<8x64xf32, #tpu.memory_space<vmem>> -> memref<1x64xf32, #tpu.memory_space<vmem>>
      %dma_start3A_75 = tpu.memref_squeeze %dma_start3A_74 : memref<1x64xf32, #tpu.memory_space<vmem>> -> memref<64xf32, #tpu.memory_space<vmem>>
      %dma_start3A_76 = tpu.memref_slice %arg4[%run_scoped3A_58, %mul3A_2] : memref<8x2048xf32, #tpu.memory_space<hbm>> -> memref<1x64xf32, #tpu.memory_space<hbm>>
      %dma_start3A_77 = tpu.memref_squeeze %dma_start3A_76 : memref<1x64xf32, #tpu.memory_space<hbm>> -> memref<64xf32, #tpu.memory_space<hbm>>
      %dma_start3A_78 = tpu.memref_slice %arg4[%run_scoped3A_58, %mul3A_2] : memref<8x2048xf32, #tpu.memory_space<hbm>> -> memref<1x64xf32, #tpu.memory_space<hbm>>
      %dma_start3A_79 = tpu.memref_squeeze %dma_start3A_78 : memref<1x64xf32, #tpu.memory_space<hbm>> -> memref<64xf32, #tpu.memory_space<hbm>>
      %dma_start3A_80 = arith.constant 0 : i32
      %dma_start3A_81 = tpu.memref_slice %arg8[%run_scoped3A, %dma_start3A_80] : memref<8x64xf32, #tpu.memory_space<vmem>> -> memref<1x64xf32, #tpu.memory_space<vmem>>
      %dma_start3A_82 = tpu.memref_squeeze %dma_start3A_81 : memref<1x64xf32, #tpu.memory_space<vmem>> -> memref<64xf32, #tpu.memory_space<vmem>>
      tpu.enqueue_dma source(%dma_start3A_82 : memref<64xf32, #tpu.memory_space<vmem>>) target(%dma_start3A_79 : memref<64xf32, #tpu.memory_space<hbm>>) target_semaphore(%run_scoped3A_73 : memref<!tpu.dma_semaphore, #tpu.memory_space<semaphore_mem>>)
      %dma_wait3A = arith.constant 0 : i32
      %dma_wait3A_83 = tpu.memref_slice %arg8[%run_scoped3A, %dma_wait3A] : memref<8x64xf32, #tpu.memory_space<vmem>> -> memref<1x64xf32, #tpu.memory_space<vmem>>
      %dma_wait3A_84 = tpu.memref_squeeze %dma_wait3A_83 : memref<1x64xf32, #tpu.memory_space<vmem>> -> memref<64xf32, #tpu.memory_space<vmem>>
      %dma_wait3A_85 = tpu.memref_slice %arg4[%run_scoped3A_58, %mul3A_2] : memref<8x2048xf32, #tpu.memory_space<hbm>> -> memref<1x64xf32, #tpu.memory_space<hbm>>
      %dma_wait3A_86 = tpu.memref_squeeze %dma_wait3A_85 : memref<1x64xf32, #tpu.memory_space<hbm>> -> memref<64xf32, #tpu.memory_space<hbm>>
      %dma_wait3A_87 = tpu.memref_slice %arg4[%run_scoped3A_58, %mul3A_2] : memref<8x2048xf32, #tpu.memory_space<hbm>> -> memref<1x64xf32, #tpu.memory_space<hbm>>
      %dma_wait3A_88 = tpu.memref_squeeze %dma_wait3A_87 : memref<1x64xf32, #tpu.memory_space<hbm>> -> memref<64xf32, #tpu.memory_space<hbm>>
      %dma_wait3A_89 = arith.constant 0 : i32
      %dma_wait3A_90 = tpu.memref_slice %arg8[%run_scoped3A, %dma_wait3A_89] : memref<8x64xf32, #tpu.memory_space<vmem>> -> memref<1x64xf32, #tpu.memory_space<vmem>>
      %dma_wait3A_91 = tpu.memref_squeeze %dma_wait3A_90 : memref<1x64xf32, #tpu.memory_space<vmem>> -> memref<64xf32, #tpu.memory_space<vmem>>
      tpu.wait_dma2 semaphore(%run_scoped3A_73 : memref<!tpu.dma_semaphore, #tpu.memory_space<semaphore_mem>>) src(%dma_wait3A_91 : memref<64xf32, #tpu.memory_space<vmem>>) dst(%dma_wait3A_88 : memref<64xf32, #tpu.memory_space<hbm>>)
      tpu.yield
    }) : () -> ()
    %run_scoped3A_59 = arith.constant 1 : i32
    %run_scoped3A_60 = arith.constant 1 : i32
    "tpu.region"() ({
      %run_scoped3A_73 = tpu.sem_alloc : memref<!tpu.dma_semaphore, #tpu.memory_space<semaphore_mem>>
      %dma_start3A = arith.constant 0 : i32
      %dma_start3A_74 = tpu.memref_slice %arg8[%run_scoped3A_59, %dma_start3A] : memref<8x64xf32, #tpu.memory_space<vmem>> -> memref<1x64xf32, #tpu.memory_space<vmem>>
      %dma_start3A_75 = tpu.memref_squeeze %dma_start3A_74 : memref<1x64xf32, #tpu.memory_space<vmem>> -> memref<64xf32, #tpu.memory_space<vmem>>
      %dma_start3A_76 = tpu.memref_slice %arg4[%run_scoped3A_60, %mul3A_2] : memref<8x2048xf32, #tpu.memory_space<hbm>> -> memref<1x64xf32, #tpu.memory_space<hbm>>
      %dma_start3A_77 = tpu.memref_squeeze %dma_start3A_76 : memref<1x64xf32, #tpu.memory_space<hbm>> -> memref<64xf32, #tpu.memory_space<hbm>>
      %dma_start3A_78 = tpu.memref_slice %arg4[%run_scoped3A_60, %mul3A_2] : memref<8x2048xf32, #tpu.memory_space<hbm>> -> memref<1x64xf32, #tpu.memory_space<hbm>>
      %dma_start3A_79 = tpu.memref_squeeze %dma_start3A_78 : memref<1x64xf32, #tpu.memory_space<hbm>> -> memref<64xf32, #tpu.memory_space<hbm>>
      %dma_start3A_80 = arith.constant 0 : i32
      %dma_start3A_81 = tpu.memref_slice %arg8[%run_scoped3A_59, %dma_start3A_80] : memref<8x64xf32, #tpu.memory_space<vmem>> -> memref<1x64xf32, #tpu.memory_space<vmem>>
      %dma_start3A_82 = tpu.memref_squeeze %dma_start3A_81 : memref<1x64xf32, #tpu.memory_space<vmem>> -> memref<64xf32, #tpu.memory_space<vmem>>
      tpu.enqueue_dma source(%dma_start3A_82 : memref<64xf32, #tpu.memory_space<vmem>>) target(%dma_start3A_79 : memref<64xf32, #tpu.memory_space<hbm>>) target_semaphore(%run_scoped3A_73 : memref<!tpu.dma_semaphore, #tpu.memory_space<semaphore_mem>>)
      %dma_wait3A = arith.constant 0 : i32
      %dma_wait3A_83 = tpu.memref_slice %arg8[%run_scoped3A_59, %dma_wait3A] : memref<8x64xf32, #tpu.memory_space<vmem>> -> memref<1x64xf32, #tpu.memory_space<vmem>>
      %dma_wait3A_84 = tpu.memref_squeeze %dma_wait3A_83 : memref<1x64xf32, #tpu.memory_space<vmem>> -> memref<64xf32, #tpu.memory_space<vmem>>
      %dma_wait3A_85 = tpu.memref_slice %arg4[%run_scoped3A_60, %mul3A_2] : memref<8x2048xf32, #tpu.memory_space<hbm>> -> memref<1x64xf32, #tpu.memory_space<hbm>>
      %dma_wait3A_86 = tpu.memref_squeeze %dma_wait3A_85 : memref<1x64xf32, #tpu.memory_space<hbm>> -> memref<64xf32, #tpu.memory_space<hbm>>
      %dma_wait3A_87 = tpu.memref_slice %arg4[%run_scoped3A_60, %mul3A_2] : memref<8x2048xf32, #tpu.memory_space<hbm>> -> memref<1x64xf32, #tpu.memory_space<hbm>>
      %dma_wait3A_88 = tpu.memref_squeeze %dma_wait3A_87 : memref<1x64xf32, #tpu.memory_space<hbm>> -> memref<64xf32, #tpu.memory_space<hbm>>
      %dma_wait3A_89 = arith.constant 0 : i32
      %dma_wait3A_90 = tpu.memref_slice %arg8[%run_scoped3A_59, %dma_wait3A_89] : memref<8x64xf32, #tpu.memory_space<vmem>> -> memref<1x64xf32, #tpu.memory_space<vmem>>
      %dma_wait3A_91 = tpu.memref_squeeze %dma_wait3A_90 : memref<1x64xf32, #tpu.memory_space<vmem>> -> memref<64xf32, #tpu.memory_space<vmem>>
      tpu.wait_dma2 semaphore(%run_scoped3A_73 : memref<!tpu.dma_semaphore, #tpu.memory_space<semaphore_mem>>) src(%dma_wait3A_91 : memref<64xf32, #tpu.memory_space<vmem>>) dst(%dma_wait3A_88 : memref<64xf32, #tpu.memory_space<hbm>>)
      tpu.yield
    }) : () -> ()
    %run_scoped3A_61 = arith.constant 2 : i32
    %run_scoped3A_62 = arith.constant 2 : i32
    "tpu.region"() ({
      %run_scoped3A_73 = tpu.sem_alloc : memref<!tpu.dma_semaphore, #tpu.memory_space<semaphore_mem>>
      %dma_start3A = arith.constant 0 : i32
      %dma_start3A_74 = tpu.memref_slice %arg8[%run_scoped3A_61, %dma_start3A] : memref<8x64xf32, #tpu.memory_space<vmem>> -> memref<1x64xf32, #tpu.memory_space<vmem>>
      %dma_start3A_75 = tpu.memref_squeeze %dma_start3A_74 : memref<1x64xf32, #tpu.memory_space<vmem>> -> memref<64xf32, #tpu.memory_space<vmem>>
      %dma_start3A_76 = tpu.memref_slice %arg4[%run_scoped3A_62, %mul3A_2] : memref<8x2048xf32, #tpu.memory_space<hbm>> -> memref<1x64xf32, #tpu.memory_space<hbm>>
      %dma_start3A_77 = tpu.memref_squeeze %dma_start3A_76 : memref<1x64xf32, #tpu.memory_space<hbm>> -> memref<64xf32, #tpu.memory_space<hbm>>
      %dma_start3A_78 = tpu.memref_slice %arg4[%run_scoped3A_62, %mul3A_2] : memref<8x2048xf32, #tpu.memory_space<hbm>> -> memref<1x64xf32, #tpu.memory_space<hbm>>
      %dma_start3A_79 = tpu.memref_squeeze %dma_start3A_78 : memref<1x64xf32, #tpu.memory_space<hbm>> -> memref<64xf32, #tpu.memory_space<hbm>>
      %dma_start3A_80 = arith.constant 0 : i32
      %dma_start3A_81 = tpu.memref_slice %arg8[%run_scoped3A_61, %dma_start3A_80] : memref<8x64xf32, #tpu.memory_space<vmem>> -> memref<1x64xf32, #tpu.memory_space<vmem>>
      %dma_start3A_82 = tpu.memref_squeeze %dma_start3A_81 : memref<1x64xf32, #tpu.memory_space<vmem>> -> memref<64xf32, #tpu.memory_space<vmem>>
      tpu.enqueue_dma source(%dma_start3A_82 : memref<64xf32, #tpu.memory_space<vmem>>) target(%dma_start3A_79 : memref<64xf32, #tpu.memory_space<hbm>>) target_semaphore(%run_scoped3A_73 : memref<!tpu.dma_semaphore, #tpu.memory_space<semaphore_mem>>)
      %dma_wait3A = arith.constant 0 : i32
      %dma_wait3A_83 = tpu.memref_slice %arg8[%run_scoped3A_61, %dma_wait3A] : memref<8x64xf32, #tpu.memory_space<vmem>> -> memref<1x64xf32, #tpu.memory_space<vmem>>
      %dma_wait3A_84 = tpu.memref_squeeze %dma_wait3A_83 : memref<1x64xf32, #tpu.memory_space<vmem>> -> memref<64xf32, #tpu.memory_space<vmem>>
      %dma_wait3A_85 = tpu.memref_slice %arg4[%run_scoped3A_62, %mul3A_2] : memref<8x2048xf32, #tpu.memory_space<hbm>> -> memref<1x64xf32, #tpu.memory_space<hbm>>
      %dma_wait3A_86 = tpu.memref_squeeze %dma_wait3A_85 : memref<1x64xf32, #tpu.memory_space<hbm>> -> memref<64xf32, #tpu.memory_space<hbm>>
      %dma_wait3A_87 = tpu.memref_slice %arg4[%run_scoped3A_62, %mul3A_2] : memref<8x2048xf32, #tpu.memory_space<hbm>> -> memref<1x64xf32, #tpu.memory_space<hbm>>
      %dma_wait3A_88 = tpu.memref_squeeze %dma_wait3A_87 : memref<1x64xf32, #tpu.memory_space<hbm>> -> memref<64xf32, #tpu.memory_space<hbm>>
      %dma_wait3A_89 = arith.constant 0 : i32
      %dma_wait3A_90 = tpu.memref_slice %arg8[%run_scoped3A_61, %dma_wait3A_89] : memref<8x64xf32, #tpu.memory_space<vmem>> -> memref<1x64xf32, #tpu.memory_space<vmem>>
      %dma_wait3A_91 = tpu.memref_squeeze %dma_wait3A_90 : memref<1x64xf32, #tpu.memory_space<vmem>> -> memref<64xf32, #tpu.memory_space<vmem>>
      tpu.wait_dma2 semaphore(%run_scoped3A_73 : memref<!tpu.dma_semaphore, #tpu.memory_space<semaphore_mem>>) src(%dma_wait3A_91 : memref<64xf32, #tpu.memory_space<vmem>>) dst(%dma_wait3A_88 : memref<64xf32, #tpu.memory_space<hbm>>)
      tpu.yield
    }) : () -> ()
    %run_scoped3A_63 = arith.constant 3 : i32
    %run_scoped3A_64 = arith.constant 3 : i32
    "tpu.region"() ({
      %run_scoped3A_73 = tpu.sem_alloc : memref<!tpu.dma_semaphore, #tpu.memory_space<semaphore_mem>>
      %dma_start3A = arith.constant 0 : i32
      %dma_start3A_74 = tpu.memref_slice %arg8[%run_scoped3A_63, %dma_start3A] : memref<8x64xf32, #tpu.memory_space<vmem>> -> memref<1x64xf32, #tpu.memory_space<vmem>>
      %dma_start3A_75 = tpu.memref_squeeze %dma_start3A_74 : memref<1x64xf32, #tpu.memory_space<vmem>> -> memref<64xf32, #tpu.memory_space<vmem>>
      %dma_start3A_76 = tpu.memref_slice %arg4[%run_scoped3A_64, %mul3A_2] : memref<8x2048xf32, #tpu.memory_space<hbm>> -> memref<1x64xf32, #tpu.memory_space<hbm>>
      %dma_start3A_77 = tpu.memref_squeeze %dma_start3A_76 : memref<1x64xf32, #tpu.memory_space<hbm>> -> memref<64xf32, #tpu.memory_space<hbm>>
      %dma_start3A_78 = tpu.memref_slice %arg4[%run_scoped3A_64, %mul3A_2] : memref<8x2048xf32, #tpu.memory_space<hbm>> -> memref<1x64xf32, #tpu.memory_space<hbm>>
      %dma_start3A_79 = tpu.memref_squeeze %dma_start3A_78 : memref<1x64xf32, #tpu.memory_space<hbm>> -> memref<64xf32, #tpu.memory_space<hbm>>
      %dma_start3A_80 = arith.constant 0 : i32
      %dma_start3A_81 = tpu.memref_slice %arg8[%run_scoped3A_63, %dma_start3A_80] : memref<8x64xf32, #tpu.memory_space<vmem>> -> memref<1x64xf32, #tpu.memory_space<vmem>>
      %dma_start3A_82 = tpu.memref_squeeze %dma_start3A_81 : memref<1x64xf32, #tpu.memory_space<vmem>> -> memref<64xf32, #tpu.memory_space<vmem>>
      tpu.enqueue_dma source(%dma_start3A_82 : memref<64xf32, #tpu.memory_space<vmem>>) target(%dma_start3A_79 : memref<64xf32, #tpu.memory_space<hbm>>) target_semaphore(%run_scoped3A_73 : memref<!tpu.dma_semaphore, #tpu.memory_space<semaphore_mem>>)
      %dma_wait3A = arith.constant 0 : i32
      %dma_wait3A_83 = tpu.memref_slice %arg8[%run_scoped3A_63, %dma_wait3A] : memref<8x64xf32, #tpu.memory_space<vmem>> -> memref<1x64xf32, #tpu.memory_space<vmem>>
      %dma_wait3A_84 = tpu.memref_squeeze %dma_wait3A_83 : memref<1x64xf32, #tpu.memory_space<vmem>> -> memref<64xf32, #tpu.memory_space<vmem>>
      %dma_wait3A_85 = tpu.memref_slice %arg4[%run_scoped3A_64, %mul3A_2] : memref<8x2048xf32, #tpu.memory_space<hbm>> -> memref<1x64xf32, #tpu.memory_space<hbm>>
      %dma_wait3A_86 = tpu.memref_squeeze %dma_wait3A_85 : memref<1x64xf32, #tpu.memory_space<hbm>> -> memref<64xf32, #tpu.memory_space<hbm>>
      %dma_wait3A_87 = tpu.memref_slice %arg4[%run_scoped3A_64, %mul3A_2] : memref<8x2048xf32, #tpu.memory_space<hbm>> -> memref<1x64xf32, #tpu.memory_space<hbm>>
      %dma_wait3A_88 = tpu.memref_squeeze %dma_wait3A_87 : memref<1x64xf32, #tpu.memory_space<hbm>> -> memref<64xf32, #tpu.memory_space<hbm>>
      %dma_wait3A_89 = arith.constant 0 : i32
      %dma_wait3A_90 = tpu.memref_slice %arg8[%run_scoped3A_63, %dma_wait3A_89] : memref<8x64xf32, #tpu.memory_space<vmem>> -> memref<1x64xf32, #tpu.memory_space<vmem>>
      %dma_wait3A_91 = tpu.memref_squeeze %dma_wait3A_90 : memref<1x64xf32, #tpu.memory_space<vmem>> -> memref<64xf32, #tpu.memory_space<vmem>>
      tpu.wait_dma2 semaphore(%run_scoped3A_73 : memref<!tpu.dma_semaphore, #tpu.memory_space<semaphore_mem>>) src(%dma_wait3A_91 : memref<64xf32, #tpu.memory_space<vmem>>) dst(%dma_wait3A_88 : memref<64xf32, #tpu.memory_space<hbm>>)
      tpu.yield
    }) : () -> ()
    %run_scoped3A_65 = arith.constant 4 : i32
    %run_scoped3A_66 = arith.constant 4 : i32
    "tpu.region"() ({
      %run_scoped3A_73 = tpu.sem_alloc : memref<!tpu.dma_semaphore, #tpu.memory_space<semaphore_mem>>
      %dma_start3A = arith.constant 0 : i32
      %dma_start3A_74 = tpu.memref_slice %arg8[%run_scoped3A_65, %dma_start3A] : memref<8x64xf32, #tpu.memory_space<vmem>> -> memref<1x64xf32, #tpu.memory_space<vmem>>
      %dma_start3A_75 = tpu.memref_squeeze %dma_start3A_74 : memref<1x64xf32, #tpu.memory_space<vmem>> -> memref<64xf32, #tpu.memory_space<vmem>>
      %dma_start3A_76 = tpu.memref_slice %arg4[%run_scoped3A_66, %mul3A_2] : memref<8x2048xf32, #tpu.memory_space<hbm>> -> memref<1x64xf32, #tpu.memory_space<hbm>>
      %dma_start3A_77 = tpu.memref_squeeze %dma_start3A_76 : memref<1x64xf32, #tpu.memory_space<hbm>> -> memref<64xf32, #tpu.memory_space<hbm>>
      %dma_start3A_78 = tpu.memref_slice %arg4[%run_scoped3A_66, %mul3A_2] : memref<8x2048xf32, #tpu.memory_space<hbm>> -> memref<1x64xf32, #tpu.memory_space<hbm>>
      %dma_start3A_79 = tpu.memref_squeeze %dma_start3A_78 : memref<1x64xf32, #tpu.memory_space<hbm>> -> memref<64xf32, #tpu.memory_space<hbm>>
      %dma_start3A_80 = arith.constant 0 : i32
      %dma_start3A_81 = tpu.memref_slice %arg8[%run_scoped3A_65, %dma_start3A_80] : memref<8x64xf32, #tpu.memory_space<vmem>> -> memref<1x64xf32, #tpu.memory_space<vmem>>
      %dma_start3A_82 = tpu.memref_squeeze %dma_start3A_81 : memref<1x64xf32, #tpu.memory_space<vmem>> -> memref<64xf32, #tpu.memory_space<vmem>>
      tpu.enqueue_dma source(%dma_start3A_82 : memref<64xf32, #tpu.memory_space<vmem>>) target(%dma_start3A_79 : memref<64xf32, #tpu.memory_space<hbm>>) target_semaphore(%run_scoped3A_73 : memref<!tpu.dma_semaphore, #tpu.memory_space<semaphore_mem>>)
      %dma_wait3A = arith.constant 0 : i32
      %dma_wait3A_83 = tpu.memref_slice %arg8[%run_scoped3A_65, %dma_wait3A] : memref<8x64xf32, #tpu.memory_space<vmem>> -> memref<1x64xf32, #tpu.memory_space<vmem>>
      %dma_wait3A_84 = tpu.memref_squeeze %dma_wait3A_83 : memref<1x64xf32, #tpu.memory_space<vmem>> -> memref<64xf32, #tpu.memory_space<vmem>>
      %dma_wait3A_85 = tpu.memref_slice %arg4[%run_scoped3A_66, %mul3A_2] : memref<8x2048xf32, #tpu.memory_space<hbm>> -> memref<1x64xf32, #tpu.memory_space<hbm>>
      %dma_wait3A_86 = tpu.memref_squeeze %dma_wait3A_85 : memref<1x64xf32, #tpu.memory_space<hbm>> -> memref<64xf32, #tpu.memory_space<hbm>>
      %dma_wait3A_87 = tpu.memref_slice %arg4[%run_scoped3A_66, %mul3A_2] : memref<8x2048xf32, #tpu.memory_space<hbm>> -> memref<1x64xf32, #tpu.memory_space<hbm>>
      %dma_wait3A_88 = tpu.memref_squeeze %dma_wait3A_87 : memref<1x64xf32, #tpu.memory_space<hbm>> -> memref<64xf32, #tpu.memory_space<hbm>>
      %dma_wait3A_89 = arith.constant 0 : i32
      %dma_wait3A_90 = tpu.memref_slice %arg8[%run_scoped3A_65, %dma_wait3A_89] : memref<8x64xf32, #tpu.memory_space<vmem>> -> memref<1x64xf32, #tpu.memory_space<vmem>>
      %dma_wait3A_91 = tpu.memref_squeeze %dma_wait3A_90 : memref<1x64xf32, #tpu.memory_space<vmem>> -> memref<64xf32, #tpu.memory_space<vmem>>
      tpu.wait_dma2 semaphore(%run_scoped3A_73 : memref<!tpu.dma_semaphore, #tpu.memory_space<semaphore_mem>>) src(%dma_wait3A_91 : memref<64xf32, #tpu.memory_space<vmem>>) dst(%dma_wait3A_88 : memref<64xf32, #tpu.memory_space<hbm>>)
      tpu.yield
    }) : () -> ()
    %run_scoped3A_67 = arith.constant 5 : i32
    %run_scoped3A_68 = arith.constant 5 : i32
    "tpu.region"() ({
      %run_scoped3A_73 = tpu.sem_alloc : memref<!tpu.dma_semaphore, #tpu.memory_space<semaphore_mem>>
      %dma_start3A = arith.constant 0 : i32
      %dma_start3A_74 = tpu.memref_slice %arg8[%run_scoped3A_67, %dma_start3A] : memref<8x64xf32, #tpu.memory_space<vmem>> -> memref<1x64xf32, #tpu.memory_space<vmem>>
      %dma_start3A_75 = tpu.memref_squeeze %dma_start3A_74 : memref<1x64xf32, #tpu.memory_space<vmem>> -> memref<64xf32, #tpu.memory_space<vmem>>
      %dma_start3A_76 = tpu.memref_slice %arg4[%run_scoped3A_68, %mul3A_2] : memref<8x2048xf32, #tpu.memory_space<hbm>> -> memref<1x64xf32, #tpu.memory_space<hbm>>
      %dma_start3A_77 = tpu.memref_squeeze %dma_start3A_76 : memref<1x64xf32, #tpu.memory_space<hbm>> -> memref<64xf32, #tpu.memory_space<hbm>>
      %dma_start3A_78 = tpu.memref_slice %arg4[%run_scoped3A_68, %mul3A_2] : memref<8x2048xf32, #tpu.memory_space<hbm>> -> memref<1x64xf32, #tpu.memory_space<hbm>>
      %dma_start3A_79 = tpu.memref_squeeze %dma_start3A_78 : memref<1x64xf32, #tpu.memory_space<hbm>> -> memref<64xf32, #tpu.memory_space<hbm>>
      %dma_start3A_80 = arith.constant 0 : i32
      %dma_start3A_81 = tpu.memref_slice %arg8[%run_scoped3A_67, %dma_start3A_80] : memref<8x64xf32, #tpu.memory_space<vmem>> -> memref<1x64xf32, #tpu.memory_space<vmem>>
      %dma_start3A_82 = tpu.memref_squeeze %dma_start3A_81 : memref<1x64xf32, #tpu.memory_space<vmem>> -> memref<64xf32, #tpu.memory_space<vmem>>
      tpu.enqueue_dma source(%dma_start3A_82 : memref<64xf32, #tpu.memory_space<vmem>>) target(%dma_start3A_79 : memref<64xf32, #tpu.memory_space<hbm>>) target_semaphore(%run_scoped3A_73 : memref<!tpu.dma_semaphore, #tpu.memory_space<semaphore_mem>>)
      %dma_wait3A = arith.constant 0 : i32
      %dma_wait3A_83 = tpu.memref_slice %arg8[%run_scoped3A_67, %dma_wait3A] : memref<8x64xf32, #tpu.memory_space<vmem>> -> memref<1x64xf32, #tpu.memory_space<vmem>>
      %dma_wait3A_84 = tpu.memref_squeeze %dma_wait3A_83 : memref<1x64xf32, #tpu.memory_space<vmem>> -> memref<64xf32, #tpu.memory_space<vmem>>
      %dma_wait3A_85 = tpu.memref_slice %arg4[%run_scoped3A_68, %mul3A_2] : memref<8x2048xf32, #tpu.memory_space<hbm>> -> memref<1x64xf32, #tpu.memory_space<hbm>>
      %dma_wait3A_86 = tpu.memref_squeeze %dma_wait3A_85 : memref<1x64xf32, #tpu.memory_space<hbm>> -> memref<64xf32, #tpu.memory_space<hbm>>
      %dma_wait3A_87 = tpu.memref_slice %arg4[%run_scoped3A_68, %mul3A_2] : memref<8x2048xf32, #tpu.memory_space<hbm>> -> memref<1x64xf32, #tpu.memory_space<hbm>>
      %dma_wait3A_88 = tpu.memref_squeeze %dma_wait3A_87 : memref<1x64xf32, #tpu.memory_space<hbm>> -> memref<64xf32, #tpu.memory_space<hbm>>
      %dma_wait3A_89 = arith.constant 0 : i32
      %dma_wait3A_90 = tpu.memref_slice %arg8[%run_scoped3A_67, %dma_wait3A_89] : memref<8x64xf32, #tpu.memory_space<vmem>> -> memref<1x64xf32, #tpu.memory_space<vmem>>
      %dma_wait3A_91 = tpu.memref_squeeze %dma_wait3A_90 : memref<1x64xf32, #tpu.memory_space<vmem>> -> memref<64xf32, #tpu.memory_space<vmem>>
      tpu.wait_dma2 semaphore(%run_scoped3A_73 : memref<!tpu.dma_semaphore, #tpu.memory_space<semaphore_mem>>) src(%dma_wait3A_91 : memref<64xf32, #tpu.memory_space<vmem>>) dst(%dma_wait3A_88 : memref<64xf32, #tpu.memory_space<hbm>>)
      tpu.yield
    }) : () -> ()
    %run_scoped3A_69 = arith.constant 6 : i32
    %run_scoped3A_70 = arith.constant 6 : i32
    "tpu.region"() ({
      %run_scoped3A_73 = tpu.sem_alloc : memref<!tpu.dma_semaphore, #tpu.memory_space<semaphore_mem>>
      %dma_start3A = arith.constant 0 : i32
      %dma_start3A_74 = tpu.memref_slice %arg8[%run_scoped3A_69, %dma_start3A] : memref<8x64xf32, #tpu.memory_space<vmem>> -> memref<1x64xf32, #tpu.memory_space<vmem>>
      %dma_start3A_75 = tpu.memref_squeeze %dma_start3A_74 : memref<1x64xf32, #tpu.memory_space<vmem>> -> memref<64xf32, #tpu.memory_space<vmem>>
      %dma_start3A_76 = tpu.memref_slice %arg4[%run_scoped3A_70, %mul3A_2] : memref<8x2048xf32, #tpu.memory_space<hbm>> -> memref<1x64xf32, #tpu.memory_space<hbm>>
      %dma_start3A_77 = tpu.memref_squeeze %dma_start3A_76 : memref<1x64xf32, #tpu.memory_space<hbm>> -> memref<64xf32, #tpu.memory_space<hbm>>
      %dma_start3A_78 = tpu.memref_slice %arg4[%run_scoped3A_70, %mul3A_2] : memref<8x2048xf32, #tpu.memory_space<hbm>> -> memref<1x64xf32, #tpu.memory_space<hbm>>
      %dma_start3A_79 = tpu.memref_squeeze %dma_start3A_78 : memref<1x64xf32, #tpu.memory_space<hbm>> -> memref<64xf32, #tpu.memory_space<hbm>>
      %dma_start3A_80 = arith.constant 0 : i32
      %dma_start3A_81 = tpu.memref_slice %arg8[%run_scoped3A_69, %dma_start3A_80] : memref<8x64xf32, #tpu.memory_space<vmem>> -> memref<1x64xf32, #tpu.memory_space<vmem>>
      %dma_start3A_82 = tpu.memref_squeeze %dma_start3A_81 : memref<1x64xf32, #tpu.memory_space<vmem>> -> memref<64xf32, #tpu.memory_space<vmem>>
      tpu.enqueue_dma source(%dma_start3A_82 : memref<64xf32, #tpu.memory_space<vmem>>) target(%dma_start3A_79 : memref<64xf32, #tpu.memory_space<hbm>>) target_semaphore(%run_scoped3A_73 : memref<!tpu.dma_semaphore, #tpu.memory_space<semaphore_mem>>)
      %dma_wait3A = arith.constant 0 : i32
      %dma_wait3A_83 = tpu.memref_slice %arg8[%run_scoped3A_69, %dma_wait3A] : memref<8x64xf32, #tpu.memory_space<vmem>> -> memref<1x64xf32, #tpu.memory_space<vmem>>
      %dma_wait3A_84 = tpu.memref_squeeze %dma_wait3A_83 : memref<1x64xf32, #tpu.memory_space<vmem>> -> memref<64xf32, #tpu.memory_space<vmem>>
      %dma_wait3A_85 = tpu.memref_slice %arg4[%run_scoped3A_70, %mul3A_2] : memref<8x2048xf32, #tpu.memory_space<hbm>> -> memref<1x64xf32, #tpu.memory_space<hbm>>
      %dma_wait3A_86 = tpu.memref_squeeze %dma_wait3A_85 : memref<1x64xf32, #tpu.memory_space<hbm>> -> memref<64xf32, #tpu.memory_space<hbm>>
      %dma_wait3A_87 = tpu.memref_slice %arg4[%run_scoped3A_70, %mul3A_2] : memref<8x2048xf32, #tpu.memory_space<hbm>> -> memref<1x64xf32, #tpu.memory_space<hbm>>
      %dma_wait3A_88 = tpu.memref_squeeze %dma_wait3A_87 : memref<1x64xf32, #tpu.memory_space<hbm>> -> memref<64xf32, #tpu.memory_space<hbm>>
      %dma_wait3A_89 = arith.constant 0 : i32
      %dma_wait3A_90 = tpu.memref_slice %arg8[%run_scoped3A_69, %dma_wait3A_89] : memref<8x64xf32, #tpu.memory_space<vmem>> -> memref<1x64xf32, #tpu.memory_space<vmem>>
      %dma_wait3A_91 = tpu.memref_squeeze %dma_wait3A_90 : memref<1x64xf32, #tpu.memory_space<vmem>> -> memref<64xf32, #tpu.memory_space<vmem>>
      tpu.wait_dma2 semaphore(%run_scoped3A_73 : memref<!tpu.dma_semaphore, #tpu.memory_space<semaphore_mem>>) src(%dma_wait3A_91 : memref<64xf32, #tpu.memory_space<vmem>>) dst(%dma_wait3A_88 : memref<64xf32, #tpu.memory_space<hbm>>)
      tpu.yield
    }) : () -> ()
    %run_scoped3A_71 = arith.constant 7 : i32
    %run_scoped3A_72 = arith.constant 7 : i32
    "tpu.region"() ({
      %run_scoped3A_73 = tpu.sem_alloc : memref<!tpu.dma_semaphore, #tpu.memory_space<semaphore_mem>>
      %dma_start3A = arith.constant 0 : i32
      %dma_start3A_74 = tpu.memref_slice %arg8[%run_scoped3A_71, %dma_start3A] : memref<8x64xf32, #tpu.memory_space<vmem>> -> memref<1x64xf32, #tpu.memory_space<vmem>>
      %dma_start3A_75 = tpu.memref_squeeze %dma_start3A_74 : memref<1x64xf32, #tpu.memory_space<vmem>> -> memref<64xf32, #tpu.memory_space<vmem>>
      %dma_start3A_76 = tpu.memref_slice %arg4[%run_scoped3A_72, %mul3A_2] : memref<8x2048xf32, #tpu.memory_space<hbm>> -> memref<1x64xf32, #tpu.memory_space<hbm>>
      %dma_start3A_77 = tpu.memref_squeeze %dma_start3A_76 : memref<1x64xf32, #tpu.memory_space<hbm>> -> memref<64xf32, #tpu.memory_space<hbm>>
      %dma_start3A_78 = tpu.memref_slice %arg4[%run_scoped3A_72, %mul3A_2] : memref<8x2048xf32, #tpu.memory_space<hbm>> -> memref<1x64xf32, #tpu.memory_space<hbm>>
      %dma_start3A_79 = tpu.memref_squeeze %dma_start3A_78 : memref<1x64xf32, #tpu.memory_space<hbm>> -> memref<64xf32, #tpu.memory_space<hbm>>
      %dma_start3A_80 = arith.constant 0 : i32
      %dma_start3A_81 = tpu.memref_slice %arg8[%run_scoped3A_71, %dma_start3A_80] : memref<8x64xf32, #tpu.memory_space<vmem>> -> memref<1x64xf32, #tpu.memory_space<vmem>>
      %dma_start3A_82 = tpu.memref_squeeze %dma_start3A_81 : memref<1x64xf32, #tpu.memory_space<vmem>> -> memref<64xf32, #tpu.memory_space<vmem>>
      tpu.enqueue_dma source(%dma_start3A_82 : memref<64xf32, #tpu.memory_space<vmem>>) target(%dma_start3A_79 : memref<64xf32, #tpu.memory_space<hbm>>) target_semaphore(%run_scoped3A_73 : memref<!tpu.dma_semaphore, #tpu.memory_space<semaphore_mem>>)
      %dma_wait3A = arith.constant 0 : i32
      %dma_wait3A_83 = tpu.memref_slice %arg8[%run_scoped3A_71, %dma_wait3A] : memref<8x64xf32, #tpu.memory_space<vmem>> -> memref<1x64xf32, #tpu.memory_space<vmem>>
      %dma_wait3A_84 = tpu.memref_squeeze %dma_wait3A_83 : memref<1x64xf32, #tpu.memory_space<vmem>> -> memref<64xf32, #tpu.memory_space<vmem>>
      %dma_wait3A_85 = tpu.memref_slice %arg4[%run_scoped3A_72, %mul3A_2] : memref<8x2048xf32, #tpu.memory_space<hbm>> -> memref<1x64xf32, #tpu.memory_space<hbm>>
      %dma_wait3A_86 = tpu.memref_squeeze %dma_wait3A_85 : memref<1x64xf32, #tpu.memory_space<hbm>> -> memref<64xf32, #tpu.memory_space<hbm>>
      %dma_wait3A_87 = tpu.memref_slice %arg4[%run_scoped3A_72, %mul3A_2] : memref<8x2048xf32, #tpu.memory_space<hbm>> -> memref<1x64xf32, #tpu.memory_space<hbm>>
      %dma_wait3A_88 = tpu.memref_squeeze %dma_wait3A_87 : memref<1x64xf32, #tpu.memory_space<hbm>> -> memref<64xf32, #tpu.memory_space<hbm>>
      %dma_wait3A_89 = arith.constant 0 : i32
      %dma_wait3A_90 = tpu.memref_slice %arg8[%run_scoped3A_71, %dma_wait3A_89] : memref<8x64xf32, #tpu.memory_space<vmem>> -> memref<1x64xf32, #tpu.memory_space<vmem>>
      %dma_wait3A_91 = tpu.memref_squeeze %dma_wait3A_90 : memref<1x64xf32, #tpu.memory_space<vmem>> -> memref<64xf32, #tpu.memory_space<vmem>>
      tpu.wait_dma2 semaphore(%run_scoped3A_73 : memref<!tpu.dma_semaphore, #tpu.memory_space<semaphore_mem>>) src(%dma_wait3A_91 : memref<64xf32, #tpu.memory_space<vmem>>) dst(%dma_wait3A_88 : memref<64xf32, #tpu.memory_space<hbm>>)
      tpu.yield
    }) : () -> ()
    return
  }
}

module attributes {stable_mosaic.version = 14 : i64} {
  func.func @_finish_kernel(%arg0: memref<8x2048xf32, #tpu.memory_space<vmem>>, %arg1: memref<8x30720xf32, #tpu.memory_space<vmem>>, %arg2: memref<2x32768xf32, #tpu.memory_space<vmem>>, %arg3: memref<2x32768xi32, #tpu.memory_space<vmem>>) attributes {dimension_semantics = [], scalar_prefetch = 0 : i64, scratch_operands = 0 : i64, tpu.core_type = #tpu.core_type<tc>} {
    %get3A = arith.constant 0 : index
    %get3A_0 = arith.constant 0 : index
    %get3A_1 = vector.load %arg0[%get3A, %get3A_0] : memref<8x2048xf32, #tpu.memory_space<vmem>>, vector<8x2048xf32>
    %get3A_2 = arith.constant 0 : index
    %get3A_3 = arith.constant 0 : index
    %get3A_4 = vector.load %arg1[%get3A_2, %get3A_3] : memref<8x30720xf32, #tpu.memory_space<vmem>>, vector<8x30720xf32>
    %concatenate3A = tpu.concatenate %get3A_1, %get3A_4 in 1 : vector<8x2048xf32>, vector<8x30720xf32> -> vector<8x32768xf32>
    %broadcast_in_dim3A = arith.constant 1.000000e+00 : f32
    %broadcast_in_dim3A_5 = vector.broadcast %broadcast_in_dim3A : f32 to vector<8x1xf32>
    %while3A = arith.constant 1.000000e+09 : f32
    %while3A_6:2 = scf.while (%while3A_56 = %broadcast_in_dim3A_5, %while3A_57 = %while3A) : (vector<8x1xf32>, f32) -> (vector<8x1xf32>, f32) {
      %gt3A = arith.constant 9.99999974E-5 : f32
      %gt3A_58 = arith.cmpf ogt, %while3A_57, %gt3A : f32
      scf.condition(%gt3A_58) %while3A_56, %while3A_57 : vector<8x1xf32>, f32
    } do {
    ^bb0(%while3A_56: vector<8x1xf32>, %while3A_57: f32):
      %mul3A_58 = vector.broadcast %while3A_56 : vector<8x1xf32> to vector<8x32768xf32>
      %mul3A_59 = arith.mulf %mul3A_58, %concatenate3A : vector<8x32768xf32>
      %reduce_sum3A_60 = arith.constant dense<0.000000e+00> : vector<32768xf32>
      %reduce_sum3A_61 = vector.multi_reduction <add>, %mul3A_59, %reduce_sum3A_60 [0] : vector<8x32768xf32> to vector<32768xf32>
      %broadcast_in_dim3A_62 = vector.shape_cast %reduce_sum3A_61 : vector<32768xf32> to vector<1x32768xf32>
      %add3A = arith.constant 9.99999993E-9 : f32
      %add3A_63 = vector.broadcast %add3A : f32 to vector<1x32768xf32>
      %add3A_64 = arith.addf %broadcast_in_dim3A_62, %add3A_63 : vector<1x32768xf32>
      %div3A_65 = arith.constant 3.05175781E-5 : f32
      %div3A_66 = vector.broadcast %div3A_65 : f32 to vector<1x32768xf32>
      %div3A_67 = arith.divf %div3A_66, %add3A_64 : vector<1x32768xf32>
      %mul3A_68 = vector.broadcast %div3A_67 : vector<1x32768xf32> to vector<8x32768xf32>
      %mul3A_69 = arith.mulf %mul3A_68, %concatenate3A : vector<8x32768xf32>
      %reduce_sum3A_70 = arith.constant dense<0.000000e+00> : vector<8xf32>
      %reduce_sum3A_71 = vector.multi_reduction <add>, %mul3A_69, %reduce_sum3A_70 [1] : vector<8x32768xf32> to vector<8xf32>
      %broadcast_in_dim3A_72 = vector.shape_cast %reduce_sum3A_71 : vector<8xf32> to vector<8x1xf32>
      %add3A_73 = arith.constant 9.99999993E-9 : f32
      %add3A_74 = vector.broadcast %add3A_73 : f32 to vector<8x1xf32>
      %add3A_75 = arith.addf %broadcast_in_dim3A_72, %add3A_74 : vector<8x1xf32>
      %div3A_76 = arith.constant 1.250000e-01 : f32
      %div3A_77 = vector.broadcast %div3A_76 : f32 to vector<8x1xf32>
      %div3A_78 = arith.divf %div3A_77, %add3A_75 : vector<8x1xf32>
      %sub3A = arith.subf %while3A_56, %div3A_78 : vector<8x1xf32>
      %abs3A = math.absf %sub3A : vector<8x1xf32>
      %reduce_sum3A_79 = vector.shape_cast %abs3A : vector<8x1xf32> to vector<1x8x1xf32>
      %reduce_sum3A_80 = arith.constant dense<0.000000e+00> : vector<1xf32>
      %reduce_sum3A_81 = vector.multi_reduction <add>, %reduce_sum3A_79, %reduce_sum3A_80 [1, 2] : vector<1x8x1xf32> to vector<1xf32>
      %reduce_sum3A_82 = vector.shape_cast %reduce_sum3A_81 : vector<1xf32> to vector<1x1x1xf32>
      %reduce_sum3A_83 = vector.extract %reduce_sum3A_82[0, 0, 0] : f32 from vector<1x1x1xf32>
      %div3A_84 = arith.constant 8.000000e+00 : f32
      %div3A_85 = arith.divf %reduce_sum3A_83, %div3A_84 : f32
      scf.yield %div3A_78, %div3A_85 : vector<8x1xf32>, f32
    }
    %mul3A = vector.broadcast %while3A_6#0 : vector<8x1xf32> to vector<8x32768xf32>
    %mul3A_7 = arith.mulf %mul3A, %concatenate3A : vector<8x32768xf32>
    %iota3A = tpu.iota {dimensions = array<i32: 0>} : vector<8x32768xi32>
    %reduce_max3A = arith.constant dense<0xFF800000> : vector<32768xf32>
    %reduce_max3A_8 = vector.multi_reduction <maximumf>, %mul3A_7, %reduce_max3A [0] : vector<8x32768xf32> to vector<32768xf32>
    %broadcast_in_dim3A_9 = vector.shape_cast %reduce_max3A_8 : vector<32768xf32> to vector<1x32768xf32>
    %eq3A = vector.broadcast %broadcast_in_dim3A_9 : vector<1x32768xf32> to vector<8x32768xf32>
    %eq3A_10 = arith.cmpf oeq, %mul3A_7, %eq3A : vector<8x32768xf32>
    %jit3A = arith.constant 8 : i32
    %broadcast_in_dim3A_11 = vector.broadcast %jit3A : i32 to vector<8x32768xi32>
    %select_n3A = arith.select %eq3A_10, %iota3A, %broadcast_in_dim3A_11 : vector<8x32768xi1>, vector<8x32768xi32>
    %reduce_min3A = arith.constant dense<2147483647> : vector<32768xi32>
    %reduce_min3A_12 = vector.multi_reduction <minsi>, %select_n3A, %reduce_min3A [0] : vector<8x32768xi32> to vector<32768xi32>
    %broadcast_in_dim3A_13 = vector.shape_cast %reduce_min3A_12 : vector<32768xi32> to vector<1x32768xi32>
    %eq3A_14 = vector.broadcast %broadcast_in_dim3A_13 : vector<1x32768xi32> to vector<8x32768xi32>
    %eq3A_15 = arith.cmpi eq, %iota3A, %eq3A_14 : vector<8x32768xi32>
    %jit3A_16 = arith.constant 0xFF800000 : f32
    %broadcast_in_dim3A_17 = vector.broadcast %jit3A_16 : f32 to vector<8x32768xf32>
    %select_n3A_18 = arith.select %eq3A_15, %broadcast_in_dim3A_17, %mul3A_7 : vector<8x32768xi1>, vector<8x32768xf32>
    %reduce_max3A_19 = arith.constant dense<0xFF800000> : vector<32768xf32>
    %reduce_max3A_20 = vector.multi_reduction <maximumf>, %select_n3A_18, %reduce_max3A_19 [0] : vector<8x32768xf32> to vector<32768xf32>
    %broadcast_in_dim3A_21 = vector.shape_cast %reduce_max3A_20 : vector<32768xf32> to vector<1x32768xf32>
    %eq3A_22 = vector.broadcast %broadcast_in_dim3A_21 : vector<1x32768xf32> to vector<8x32768xf32>
    %eq3A_23 = arith.cmpf oeq, %select_n3A_18, %eq3A_22 : vector<8x32768xf32>
    %jit3A_24 = arith.constant 8 : i32
    %broadcast_in_dim3A_25 = vector.broadcast %jit3A_24 : i32 to vector<8x32768xi32>
    %select_n3A_26 = arith.select %eq3A_23, %iota3A, %broadcast_in_dim3A_25 : vector<8x32768xi1>, vector<8x32768xi32>
    %reduce_min3A_27 = arith.constant dense<2147483647> : vector<32768xi32>
    %reduce_min3A_28 = vector.multi_reduction <minsi>, %select_n3A_26, %reduce_min3A_27 [0] : vector<8x32768xi32> to vector<32768xi32>
    %broadcast_in_dim3A_29 = vector.shape_cast %reduce_min3A_28 : vector<32768xi32> to vector<1x32768xi32>
    %reduce_sum3A = arith.constant dense<0.000000e+00> : vector<32768xf32>
    %reduce_sum3A_30 = vector.multi_reduction <add>, %concatenate3A, %reduce_sum3A [0] : vector<8x32768xf32> to vector<32768xf32>
    %broadcast_in_dim3A_31 = vector.shape_cast %reduce_sum3A_30 : vector<32768xf32> to vector<1x32768xf32>
    %eq3A_32 = vector.broadcast %broadcast_in_dim3A_13 : vector<1x32768xi32> to vector<8x32768xi32>
    %eq3A_33 = arith.cmpi eq, %iota3A, %eq3A_32 : vector<8x32768xi32>
    %jit3A_34 = arith.constant 0.000000e+00 : f32
    %broadcast_in_dim3A_35 = vector.broadcast %jit3A_34 : f32 to vector<8x32768xf32>
    %select_n3A_36 = arith.select %eq3A_33, %concatenate3A, %broadcast_in_dim3A_35 : vector<8x32768xi1>, vector<8x32768xf32>
    %reduce_sum3A_37 = arith.constant dense<0.000000e+00> : vector<32768xf32>
    %reduce_sum3A_38 = vector.multi_reduction <add>, %select_n3A_36, %reduce_sum3A_37 [0] : vector<8x32768xf32> to vector<32768xf32>
    %broadcast_in_dim3A_39 = vector.shape_cast %reduce_sum3A_38 : vector<32768xf32> to vector<1x32768xf32>
    %eq3A_40 = vector.broadcast %broadcast_in_dim3A_29 : vector<1x32768xi32> to vector<8x32768xi32>
    %eq3A_41 = arith.cmpi eq, %iota3A, %eq3A_40 : vector<8x32768xi32>
    %jit3A_42 = arith.constant 0.000000e+00 : f32
    %broadcast_in_dim3A_43 = vector.broadcast %jit3A_42 : f32 to vector<8x32768xf32>
    %select_n3A_44 = arith.select %eq3A_41, %concatenate3A, %broadcast_in_dim3A_43 : vector<8x32768xi1>, vector<8x32768xf32>
    %reduce_sum3A_45 = arith.constant dense<0.000000e+00> : vector<32768xf32>
    %reduce_sum3A_46 = vector.multi_reduction <add>, %select_n3A_44, %reduce_sum3A_45 [0] : vector<8x32768xf32> to vector<32768xf32>
    %broadcast_in_dim3A_47 = vector.shape_cast %reduce_sum3A_46 : vector<32768xf32> to vector<1x32768xf32>
    %div3A = arith.divf %broadcast_in_dim3A_39, %broadcast_in_dim3A_31 : vector<1x32768xf32>
    %div3A_48 = arith.divf %broadcast_in_dim3A_47, %broadcast_in_dim3A_31 : vector<1x32768xf32>
    %concatenate3A_49 = tpu.concatenate %div3A, %div3A_48 in 0 : vector<1x32768xf32>, vector<1x32768xf32> -> vector<2x32768xf32>
    %swap3A = arith.constant 0 : index
    %swap3A_50 = arith.constant 0 : index
    %swap3A_51 = vector.load %arg2[%swap3A, %swap3A_50] : memref<2x32768xf32, #tpu.memory_space<vmem>>, vector<2x32768xf32>
    tpu.vector_store %arg2[%swap3A, %swap3A_50], %concatenate3A_49 {strides = array<i32>} : memref<2x32768xf32, #tpu.memory_space<vmem>>, vector<2x32768xf32>,
    %concatenate3A_52 = tpu.concatenate %broadcast_in_dim3A_13, %broadcast_in_dim3A_29 in 0 : vector<1x32768xi32>, vector<1x32768xi32> -> vector<2x32768xi32>
    %swap3A_53 = arith.constant 0 : index
    %swap3A_54 = arith.constant 0 : index
    %swap3A_55 = vector.load %arg3[%swap3A_53, %swap3A_54] : memref<2x32768xi32, #tpu.memory_space<vmem>>, vector<2x32768xi32>
    tpu.vector_store %arg3[%swap3A_53, %swap3A_54], %concatenate3A_52 {strides = array<i32>} : memref<2x32768xi32, #tpu.memory_space<vmem>>, vector<2x32768xi32>,
    return
  }
}

module attributes {stable_mosaic.version = 14 : i64} {
  func.func @_tc_cost_kernel(%arg0: i32, %arg1: memref<512x4x1024xf32, #tpu.memory_space<vmem>>, %arg2: memref<8x1024xf32, #tpu.memory_space<vmem>>, %arg3: memref<8x2048xf32, #tpu.memory_space<vmem>>) attributes {dimension_semantics = [#tpu.dimension_semantics<arbitrary>], iteration_bounds = array<i64: 15>, scalar_prefetch = 0 : i64, scratch_operands = 0 : i64, tpu.core_type = #tpu.core_type<tc>, window_params = [{transform_indices = @transform_0, window_bounds = array<i64: 512, 4, 1024>}, {pipeline_mode = #tpu.pipeline_mode<synchronous>, transform_indices = @transform_1, window_bounds = array<i64: 8, 1024>}, {transform_indices = @transform_2, window_bounds = array<i64: 8, 2048>}]} {
    %get3A = arith.constant 0 : index
    %get3A_0 = arith.constant 0 : index
    %get3A_1 = arith.constant 0 : index
    %get3A_2 = vector.load %arg1[%get3A, %get3A_0, %get3A_1] : memref<512x4x1024xf32, #tpu.memory_space<vmem>>, vector<512x4x1024xf32>
    %reshape3A = vector.shape_cast %get3A_2 : vector<512x4x1024xf32> to vector<2048x1024xf32>
    %get3A_3 = arith.constant 0 : index
    %get3A_4 = arith.constant 0 : index
    %get3A_5 = vector.load %arg2[%get3A_3, %get3A_4] : memref<8x1024xf32, #tpu.memory_space<vmem>>, vector<8x1024xf32>
    %dot_general3A = arith.constant dense<0.000000e+00> : vector<8x2048xf32>
    %dot_general3A_6 = tpu.matmul %get3A_5, %reshape3A, %dot_general3A {dimension_numbers = #tpu.dot_dimension_numbers<[1], [1], [0], [0], [0, 0, 1, 0], [], []>, transpose_lhs_hint = false} : vector<8x1024xf32>, vector<2048x1024xf32>, vector<8x2048xf32> -> vector<8x2048xf32>
    %exp3A = math.exp %dot_general3A_6 : vector<8x2048xf32>
    %swap3A = arith.constant 0 : index
    %swap3A_7 = arith.constant 0 : index
    %swap3A_8 = vector.load %arg3[%swap3A, %swap3A_7] : memref<8x2048xf32, #tpu.memory_space<vmem>>, vector<8x2048xf32>
    tpu.vector_store %arg3[%swap3A, %swap3A_7], %exp3A {strides = array<i32>} : memref<8x2048xf32, #tpu.memory_space<vmem>>, vector<8x2048xf32>,
    return
  }
  func.func @transform_0(%arg0: i32) -> (i32, i32, i32) {
    %add3A = arith.constant 1 : i32
    %add3A_0 = arith.addi %arg0, %add3A : i32
    %c0_i32 = arith.constant 0 : i32
    %c0_i32_1 = arith.constant 0 : i32
    %c0_i32_2 = arith.constant 0 : i32
    return %add3A_0, %c0_i32, %c0_i32_1 : i32, i32, i32
  }
  func.func @transform_1(%arg0: i32) -> (i32, i32) {
    %c0_i32 = arith.constant 0 : i32
    %c0_i32_0 = arith.constant 0 : i32
    %c0_i32_1 = arith.constant 0 : i32
    return %c0_i32, %c0_i32_0 : i32, i32
  }
  func.func @transform_2(%arg0: i32) -> (i32, i32) {
    %c0_i32 = arith.constant 0 : i32
    %c0_i32_0 = arith.constant 0 : i32
    return %c0_i32, %arg0 : i32, i32
  }
}

</mosaic_0001>

<sc_bundles>
// kernel: kernel.5.cloned.1.call-start
scs
__scs_entry_jumppad:
0x0: {  	(pc) =	sbr.rel $0x88, $3  }
0x1: {  	(tag) =	ssettag $0x0;
	lr =	simm.s32 $0x1  }
0x2: {  	[smem:$0x3F9F] =	sst lr;
	_ =	strace $0xD0000000  }
0x3: {  	_ = 	snop  }
0x4: {  	_ = 	snop  }
0x5: {  	_ = 	snop  }
0x6: {  	_ = 	snop  }
0x7: {  	_ = 	snop  }
__scs_overlays_trampoline_lowered:
0x8: {  	[smem:$0x3FAE] =	sst s0  }
0x9: {  	[smem:$0x3FAF] =	sst s1  }
0xa: {  	[smem:$0x3FB0] =	sst s2  }
0xb: {  	[smem:$0x3FB1] =	sst s3  }
0xc: {  	[smem:$0x3FB2] =	sst s4  }
0xd: {  	[smem:$0x3FB3] =	sst s5  }
0xe: {  	[smem:$0x3FB4] =	sst s6  }
0xf: {  	[smem:$0x3FB5] =	sst s7  }
0x10: {  	[smem:$0x3FB6] =	sst s8  }
0x11: {  	[smem:$0x3FB7] =	sst s9;
	s0 =	simm.s32 @!p0 $0x0  }
0x12: {  	s1 =	sld [smem:$0x3F9D];
	s0 =	simm.s32 @p0 $0x1  }
0x13: {  	[smem:$0x3FB8] =	sst s0;
	s0 =	simm.s32 @!p1 $0x0  }
0x14: {  	s2 =	sld [smem:$0x3F9C];
	s0 =	simm.s32 @p1 $0x1  }
0x15: {  	[smem:$0x3FB9] =	sst s0;
	s0 =	simm.s32 @!p2 $0x0  }
0x16: {  	s3 =	sld [smem:$0x3FDB];
	s0 =	simm.s32 @p2 $0x1  }
0x17: {  	s4 =	simm.s32 $0x1BF5;
	[smem:$0x3FBB] =	sst s0  }
0x18: {  	s0 =	sld [smem:$0x3F9E];
	_ =	swait.ge [sflag:s4], $0x0  }
0x19: {  	s7 =	sld [smem:$0x3F9F]  }
0x1a: {  	s8 =	sadd.s32 $0xFFFFE003, lr  }
0x1b: {  	s9 =	sadd.s32 $0xFFFFFEF7, lr;
	s5 =	simm.s32 $0xFFFFFFFF;
	p2 =	slt.u32 s8, $0xFFFFF086  }
0x1c: {  	p1 =	slt.u32 s9, $0xF7A;
	s5 =	simm.s32 @!p2 $0x0  }
0x1d: {  	s5 =	simm.s32 @p1 $0x1;
	p0 =	seq.s32 s7, s2  }
0x1e: {  	s7 =	smul.u32 @!p0 $0xF7A, s2;
	p2 =	seq.s32 @!p0 s5, $0x0  }
0x1f: {  	s9 =	smul.u32 $0xF7A, s1;
	s8 =	simm.s32 @!p0 $0x1BF5;
	p2 =	por !p2, p0  }
0x20: {  	[sflag:s8] =	ssyncset.s32 @!p0 $0xFFFFF086;
	s6 =	sadd.s32 @!p0 s3, s7;
	s7 =	simm.s32 @!p0 $0x108  }
0x21: {  	s3 =	sadd.s32 s3, s9;
	s6 =	sadd.s32 @!p0 $0x88, s6;
	s7 =	simm.s32 @p2 $0x1082  }
0x22: {  	[simem:s7], [sflag:s8] =	dma.local @!p0 [hbm:s6], $0xF7A  }
0x23: {  	s9 =	sor.u32 $0xD0000000, s2;
	s6 =	simm.s32 $0x108;
	_ =	swait.ge @!p0 [sflag:s8], $0x0  }
0x24: {  	s3 =	sadd.s32 $0x88, s3;
	s6 =	simm.s32 @!p1 $0x1082;
	[sflag:s4] =	ssyncset.s32 $0xFFFFF086  }
0x25: {  	[simem:s6], [sflag:s4] =	dma.local [hbm:s3], $0xF7A  }
0x26: {  	[smem:$0x3F9F] =	sst s1;
	(tag) =	ssettag s2;
	_ =	strace s9  }
0x27: {  	s1 =	sld [smem:$0x3FAF]  }
0x28: {  	s2 =	sld [smem:$0x3FB0]  }
0x29: {  	s4 =	sld [smem:$0x3FB2]  }
0x2a: {  	p0 =	seq.s32 s5, $0x0;
	s5 =	sld [smem:$0x3FB3]  }
0x2b: {  	s6 =	sld [smem:$0x3FB4]  }
0x2c: {  	s7 =	sld [smem:$0x3FB5]  }
0x2d: {  	s3 =	simm.s32 $0x108;
	s8 =	sld [smem:$0x3FB6]  }
0x2e: {  	s3 =	simm.s32 @!p0 $0x1082;
	s9 =	sld [smem:$0x3FB7]  }
0x2f: {  	lr =	sadd.s32 s0, s3;
	s0 =	sld [smem:$0x3FAE]  }
0x30: {  	s3 =	sld [smem:$0x3FB1]  }
0x31: {  	[smem:$0x3FBA] =	sst s10  }
0x32: {  	s10 =	sld [smem:$0x3FB8];
	_ =	sdelay $0x3  }
0x33: {  	p0 =	seq.s32 s10, $0x1;
	s10 =	sld [smem:$0x3FBA];
	_ =	sdelay $0x3  }
0x34: {  	[smem:$0x3FBA] =	sst s10  }
0x35: {  	s10 =	sld [smem:$0x3FB9];
	_ =	sdelay $0x3  }
0x36: {  	p1 =	seq.s32 s10, $0x1;
	s10 =	sld [smem:$0x3FBA];
	_ =	sdelay $0x3  }
0x37: {  	[smem:$0x3FBA] =	sst s10  }
0x38: {  	s10 =	sld [smem:$0x3FBB]  }
0x39: {  	_ = 	snop;
	(pc) =	sbr.ind lr, $3  }
0x3a: {  	_ = 	snop  }
0x3b: {  	_ = 	snop  }
0x3c: {  	p2 =	seq.s32 s10, $0x1;
	s10 =	sld [smem:$0x3FBA]  }
0x3d: {  	_ =	shalt  }
0x3e: {  	_ =	shalt  }
0x3f: {  	_ =	shalt  }
0x40: {  	_ =	shalt  }
0x41: {  	_ =	shalt  }
0x42: {  	_ =	shalt  }
0x43: {  	_ =	shalt  }
0x44: {  	_ =	shalt  }
0x45: {  	_ =	shalt  }
0x46: {  	_ =	shalt  }
0x47: {  	_ =	shalt  }
0x48: {  	_ =	shalt  }
0x49: {  	_ =	shalt  }
0x4a: {  	_ =	shalt  }
0x4b: {  	_ =	shalt  }
0x4c: {  	_ =	shalt  }
0x4d: {  	_ =	shalt  }
0x4e: {  	_ =	shalt  }
0x4f: {  	_ =	shalt  }
0x50: {  	_ =	shalt  }
0x51: {  	_ =	shalt  }
0x52: {  	_ =	shalt  }
0x53: {  	_ =	shalt  }
0x54: {  	_ =	shalt  }
0x55: {  	_ =	shalt  }
0x56: {  	_ =	shalt  }
0x57: {  	_ =	shalt  }
0x58: {  	_ =	shalt  }
0x59: {  	_ =	shalt  }
0x5a: {  	_ =	shalt  }
0x5b: {  	_ =	shalt  }
0x5c: {  	_ =	shalt  }
0x5d: {  	_ =	shalt  }
0x5e: {  	_ =	shalt  }
0x5f: {  	_ =	shalt  }
0x60: {  	_ =	shalt  }
0x61: {  	_ =	shalt  }
0x62: {  	_ =	shalt  }
0x63: {  	_ =	shalt  }
0x64: {  	_ =	shalt  }
0x65: {  	_ =	shalt  }
0x66: {  	_ =	shalt  }
0x67: {  	_ =	shalt  }
0x68: {  	_ =	shalt  }
0x69: {  	_ =	shalt  }
0x6a: {  	_ =	shalt  }
0x6b: {  	_ =	shalt  }
0x6c: {  	_ =	shalt  }
0x6d: {  	_ =	shalt  }
0x6e: {  	_ =	shalt  }
0x6f: {  	_ =	shalt  }
0x70: {  	_ =	shalt  }
0x71: {  	_ =	shalt  }
0x72: {  	_ =	shalt  }
0x73: {  	_ =	shalt  }
0x74: {  	_ =	shalt  }
0x75: {  	_ =	shalt  }
0x76: {  	_ =	shalt  }
0x77: {  	_ =	shalt  }
0x78: {  	_ =	shalt  }
0x79: {  	_ =	shalt  }
0x7a: {  	_ =	shalt  }
0x7b: {  	_ =	shalt  }
0x7c: {  	_ =	shalt  }
0x7d: {  	_ =	shalt  }
0x7e: {  	_ =	shalt  }
0x7f: {  	_ =	shalt  }
0x80: {  	_ =	shalt  }
0x81: {  	_ =	shalt  }
0x82: {  	_ =	shalt  }
0x83: {  	_ =	shalt  }
0x84: {  	_ =	shalt  }
0x85: {  	_ =	shalt  }
0x86: {  	_ =	shalt  }
0x87: {  	_ =	shalt  }
.Lfunc_end0:
.L_simem_size_0:
called_computation_lowered:
.L_overlay_start_0:
0x88: {  	s2 =	sld [smem:$0x3FD9]  }
0x89: {  	s3 =	sld [smem:$0x3FFE];
	_ =	sdelay $0x1  }
0x8a: {  	s1 =	srdreg.scid  }
0x8b: {  	s0 =	sand.u32 $0x1, s1  }
0x8c: {  	s15 =	sshll.u32 s0, $0xA;
	s2 =	sadd.s32 s3, s2  }
0x8d: {  	s2 =	sadd.s32 s2, s15  }
0x8e: {  	[smem:$0x3FC6] =	sst s2  }
0x8f: {  	_ = 	snop  }
0x90: {  	s2 =	sld [smem:$0x3FD0];
	_ =	sdelay $0x1  }
0x91: {  	s16 =	sld [smem:$0x3FC9]  }
0x92: {  	s5 =	simm.s32 $0xA;
	s6 =	simm.s32 $0x10;
	s4 =	sld [smem:$0x3FC8]  }
0x93: {  	[smem:s6], [sflag:s5] =	dma.local [hbm:s2], $0x1  }
0x94: {  	_ =	swait.eq [sflag:s5], $0x1  }
0x95: {  	[sflag:s5] =	ssyncset.done $0x0  }
0x96: {  	[sflag:s5] =	ssyncadd.s32 $0xFFFFFFFF  }
0x97: {  	s17 =	sld [smem:$0x11];
	(tm) =	ssettm $0x1  }
0x98: {  	s18 =	sld [smem:$0x3FFB];
	_ =	sdelay $0x3  }
0x99: {  	_ =	strace s18  }
0x9a: {  	s5 =	sld [smem:$0x3FFC];
	_ =	sdelay $0x3  }
0x9b: {  	_ =	strace s5  }
0x9c: {  	s5 =	sld [smem:$0x3FFD];
	_ =	sdelay $0x3  }
0x9d: {  	_ =	strace s5  }
0x9e: {  	_ =	strace $0x8FFFFFFF  }
0x9f: {  	s19 =	sld [smem:$0x3FDB];
	_ =	sdelay $0x1  }
0xa0: {  	s20 =	simm.s32 $_scs_section_size  }
0xa1: {  	s7 =	simm.s32 $_size__tile_overlayer_lowered;
	s8 =	simm.s32 $_tile_overlayer_lowered  }
0xa2: {  	s23 =	simm.s32 $0x1BFF;
	s22 =	sshll.u32 s8, $0x1;
	s5 =	sadd.s32 s20, s19  }
0xa3: {  	s9 =	simm.s32 $0x0;
	s21 =	sshll.u32 s7, $0x1;
	s7 =	sadd.s32 s22, s5  }
0xa4: {  	[timem:s9], [sflag:s23] =	dma.local [hbm:s7], s21  }
0xa5: {  	_ =	swait.ge [sflag:s23], s21  }
0xa6: {  	s6 =	ssub.s32 $0x0, s21;
	[sflag:s23] =	ssyncset.done $0x0  }
0xa7: {  	[sflag:s23] =	ssyncadd.s32 s6;
	_ =	sdelay $0x1  }
0xa8: {  	s24 =	simm.s32 $0x1B8B  }
0xa9: {  	_ =	swait.ge [sflag:s24], $0x1  }
0xaa: {  	[sflag:s24] =	ssyncset.done $0x0  }
0xab: {  	s25 =	simm.s32 $0x1B8E;
	[sflag:s24] =	ssyncadd.s32 $0xFFFFFFFF  }
0xac: {  	s26 =	simm.s32 $execute0_lowered;
	[smem:$0x3FD2] =	sst s25  }
0xad: {  	s6 =	sshll.u32 s26, $0x1;
	_ =	strace $0x80000046;
	[dreg:$0x1] =	wrdreg $0xFFFFFFFF  }
0xae: {  	s28 =	simm.s32 $_size_execute0_lowered;
	s5 =	sadd.s32 s5, s6;
	[dreg:$0x0] =	wrdreg $0x0  }
0xaf: {  	s6 =	sshll.u32 s28, $0x1;
	[dreg:$0x2] =	wrdreg s5  }
0xb0: {  	[dreg:$0x3] =	wrdreg s6  }
0xb1: {  	[dreg:$0x4] =	wrdreg $0xC0  }
0xb2: {  	_ =	task [dreg:s9], $0x5FFFF  }
0xb3: {  	[dreg:$0x1] =	wrdreg $0xFFFFFFFF  }
0xb4: {  	[dreg:$0x0] =	wrdreg $0x60  }
0xb5: {  	[dreg:$0x2] =	wrdreg s16  }
0xb6: {  	[dreg:$0x3] =	wrdreg s4  }
0xb7: {  	[dreg:$0x4] =	wrdreg s17  }
0xb8: {  	[dreg:$0x5] =	wrdreg $0x9  }
0xb9: {  	_ =	task.clear_ibuf [dreg:s9], $0x6FFFF;
	_ =	strace $0x90000046  }
0xba: {  	s29 =	simm.s32 $0x9;
	_ =	strace $0x80000048  }
0xbb: {  	_ =	swait.ge [sflag:s29], $0x1  }
0xbc: {  	[sflag:s29] =	ssyncadd.s32 $0xFFFFFFFF  }
0xbd: {  	_ =	strace $0x90000048  }
0xbe: {  	_ =	sfence  }
0xbf: {  	s30 =	sld [smem:$0x0];
	_ =	sdelay $0x2  }
0xc0: {  	s31 =	sshll.u32 s1, $0xD;
	s1 =	sshrl.u32 s1, $0x2  }
0xc1: {  	s3 =	sand.u32 $0x4000, s31;
	s1 =	sadd.s32 s1, s30  }
0xc2: {  	s0 =	sor.u32 s3, s0;
	s1 =	sshll.u32 s1, $0x11  }
0xc3: {  	s0 =	sor.u32 s1, s0  }
0xc4: {  	s0 =	sadd.s32 $0x8F2B, s0  }
0xc5: {  	[sflag:s0] =	ssyncadd.remote.s32 $0x1  }
0xc6: {  	_ =	sfence.sel $0xFFFF  }
0xc7: {  	[dreg:$0x0] =	wrdreg $0xFFFFFFFF;
	(pc) =	sbr.abs _section_cstart, $3  }
0xc8: {  	[dreg:$0x1] =	wrdreg $0xFFFFFFFF  }
0xc9: {  	_ =	task.clear_ibuf [dreg:s9], $0x2FFFF;
	_ =	strace $0x9FFFFFFF  }
0xca: {  	(tm) =	ssettm $0x7FFFFFFF  }
0xcb: {  	_ =	shalt  }
tec
execute0_lowered:
.L_overlay_start_1:
0x0: {  	(tag) =	ssettag $0x1  }
0x1: {  	s0 =	rddreg [dreg:$0x0];
	s1 =	srdreg.scid  }
0x2: {  	s3 =	stileid.u32;
	s2 =	rddreg [dreg:$0x2];
	s14 =	simm.s32 $0x1  }
0x3: {  	s15 =	simm.s32 $0x2000;
	s16 =	simm.s32 $0x6000;
	s17 =	simm.s32 $0x6800  }
0x4: {  	s18 =	simm.s32 $0x6880;
	s19 =	simm.s32 $0x6900;
	s20 =	simm.s32 $0x6980  }
0x5: {  	s21 =	simm.s32 $0x6A00;
	s22 =	simm.s32 $0x6A80;
	s23 =	simm.s32 $0x6B00  }
0x6: {  	s24 =	simm.s32 $0x6B80;
	s1 =	sand.u32 $0x1, s1;
	s4 =	sshll.u32 s3, $0x1  }
0x7: {  	s25 =	simm.s32 $0x0;
	s3 =	simm.s32 $0x0;
	s4 =	sor.u32 s1, s4  }
0x8: {  	[smem:$0x7FF] =	sst s3;
	s5 =	ssub.s32 $0x2, s1;
	s1 =	sshll.u32 s1, $0x6  }
0x9: {  	s6 =	sshll.u32 s4, $0x9;
	s7 =	sshrl.u32 s5, $0x1;
	_ =	strace $0x80000047  }
0xa: {  	s4 =	sshll.u32 s4, $0xD;
	s8 =	sand.u32 $0x3C00, s6;
	s13 =	ssub.s32 s5, s7  }
0xb: {  	s4 =	sadd.s32 s0, s4;
	s28 =	sor.u32 s1, s8;
	s1 =	sor.u32 s1, s6  }
0xc: {  	s13 =	smax.u32 s13, $0x1;
	s5 =	sshrl.u32 s28, $0x3;
	s29 =	sshrl.u32 s1, $0x3  }
0xd: {  	vm0 =	vmmov $0x1;
	s5 =	sadd.s32 s2, s5;
	s1 =	sor.u32 $0x40, s29;
	s30 =	sor.u32 $0x50, s29  }
0xe: {  	vm1 =	vcmask $0x320;
	vm2 =	vcmask $0x720;
	vm3 =	vcmask $0xB20;
	s31 =	sor.u32 $0x60, s29;
	s0 =	sor.u32 $0x70, s29;
	s6 =	sadd.s32 $0x10, s5  }
0xf: {  	vm4 =	vcmask $0xF20;
	vm5 =	vcmask $0x1320;
	v0 =	vlaneseq.u32;
	s7 =	sadd.s32 $0x20, s5;
	s8 =	sadd.s32 $0x30, s5;
	s9 =	sadd.s32 s2, s1  }
0x10: {  	vm6 =	vcmask $0x1720;
	vm7 =	vcmask $0x1B20;
	v0 =	vmul.u32 $0x80, v0;
	s10 =	sadd.s32 s2, s30;
	s11 =	sadd.s32 s2, s31;
	s12 =	sadd.s32 s2, s0  }
.LBB2_1:
0x11: {  	s0 =	rddreg [dreg:$0x1]  }
0x12: {  	[tilespmem:s3], [sflag:$0x1] =	stream.linear.gather [hbm4b:s0+s3], $0x2000, $0x38;
	[tilespmem:$0x6C00] =	vst v63  }
0x13: {  	_ =	swait.ge [sflag:s14], $0x2000  }
0x14: {  	s30 =	sand.u32 $0x70, s3;
	s1 =	sand.u32 $0x1C00, s3;
	[sflag:s14] =	ssyncset.done $0x0  }
0x15: {  	s26 =	sor.u32 s30, s1;
	[sflag:s14] =	ssyncadd.s32 $0xFFFFE000  }
0x16: {  	v1 =	vld [tilespmem:s26+$0x0];
	_ =	sdelay $0x4  }
0x17: {  	v2 =	vshrl.u32 v1, $0x10  }
0x18: {  	v2 =	vand.u32 $0x1, v2  }
0x19: {  	v1 =	vadd.s32 v2, v1  }
0x1a: {  	s31 =	simm.s32 $0x10;
	s28 =	simm.s32 $0x80;
	v1 =	vadd.s32 $0x7FFF, v1  }
0x1b: {  	s29 =	simm.s32 $0x20;
	s1 =	sand.u32 $0x70, s31;
	s0 =	sand.u32 $0x1C00, s28;
	v1 =	vand.u32 $0xFFFF0000, v1  }
.LBB2_2:
0x1c: {  	p0 =	sne.s32 s29, $0x3F0;
	[tilespmem:s26+$0x0] =	vst v1;
	s26 =	sor.u32 s1, s0  }
0x1d: {  	v1 =	vld [tilespmem:s26+$0x0];
	_ =	sdelay $0x4  }
.Ltmp0:
0x1e: {  	v2 =	vshrl.u32 v1, $0x10;
	(pc) =	sbr.rel @p0 .LBB2_2-.Ltmp0, $4  }
0x1f: {  	v2 =	vand.u32 $0x1, v2  }
0x20: {  	v1 =	vadd.s32 v2, v1  }
0x21: {  	s28 =	sadd.s32 $0x80, s28;
	v1 =	vadd.s32 $0x7FFF, v1  }
0x22: {  	s1 =	sand.u32 $0x70, s29;
	s29 =	sadd.s32 $0x10, s29;
	s0 =	sand.u32 $0x1C00, s28;
	v1 =	vand.u32 $0xFFFF0000, v1  }
0x23: {  	s0 =	sor.u32 s1, s0;
	[tilespmem:s26+$0x0] =	vst v1  }
0x24: {  	v1 =	vld [tilespmem:s0+$0x0];
	_ =	sdelay $0x4  }
0x25: {  	v2 =	vshrl.u32 v1, $0x10  }
0x26: {  	v2 =	vand.u32 $0x1, v2  }
0x27: {  	v1 =	vadd.s32 v2, v1  }
0x28: {  	s2 =	simm.s32 $0x0;
	v1 =	vadd.s32 $0x7FFF, v1  }
0x29: {  	s26 =	sand.u32 $0x70, s2;
	s28 =	sand.u32 $0x1C00, s2;
	v1 =	vand.u32 $0xFFFF0000, v1  }
0x2a: {  	s30 =	sor.u32 s26, s28;
	[tilespmem:s0+$0x0] =	vst v1  }
0x2b: {  	v1 =	vld [tilespmem:s30+$0x80];
	_ =	sdelay $0x4  }
0x2c: {  	v2 =	vshrl.u32 v1, $0x10  }
0x2d: {  	v2 =	vand.u32 $0x1, v2  }
0x2e: {  	v1 =	vadd.s32 v2, v1  }
0x2f: {  	s29 =	simm.s32 $0x10;
	s31 =	simm.s32 $0x80;
	v1 =	vadd.s32 $0x7FFF, v1  }
0x30: {  	s1 =	simm.s32 $0x20;
	s2 =	sand.u32 $0x1C00, s31;
	s0 =	sand.u32 $0x70, s29;
	v1 =	vand.u32 $0xFFFF0000, v1  }
.LBB2_4:
0x31: {  	p0 =	sne.s32 s1, $0x3F0;
	[tilespmem:s30+$0x80] =	vst v1;
	s30 =	sor.u32 s0, s2  }
0x32: {  	v1 =	vld [tilespmem:s30+$0x80];
	_ =	sdelay $0x4  }
.Ltmp1:
0x33: {  	v2 =	vshrl.u32 v1, $0x10;
	(pc) =	sbr.rel @p0 .LBB2_4-.Ltmp1, $4  }
0x34: {  	v2 =	vand.u32 $0x1, v2  }
0x35: {  	v1 =	vadd.s32 v2, v1  }
0x36: {  	s31 =	sadd.s32 $0x80, s31;
	v1 =	vadd.s32 $0x7FFF, v1  }
0x37: {  	s0 =	sand.u32 $0x70, s1;
	s1 =	sadd.s32 $0x10, s1;
	s2 =	sand.u32 $0x1C00, s31;
	v1 =	vand.u32 $0xFFFF0000, v1  }
0x38: {  	s0 =	sor.u32 s0, s2;
	[tilespmem:s30+$0x80] =	vst v1  }
0x39: {  	v1 =	vld [tilespmem:s0+$0x80];
	_ =	sdelay $0x4  }
0x3a: {  	v2 =	vshrl.u32 v1, $0x10  }
0x3b: {  	v2 =	vand.u32 $0x1, v2  }
0x3c: {  	v1 =	vadd.s32 v2, v1  }
0x3d: {  	v1 =	vadd.s32 $0x7FFF, v1  }
0x3e: {  	v1 =	vand.u32 $0xFFFF0000, v1  }
0x3f: {  	s26 =	sor.u32 s26, s28;
	[tilespmem:s0+$0x80] =	vst v1  }
0x40: {  	v1 =	vld [tilespmem:s26+$0x100];
	_ =	sdelay $0x4  }
0x41: {  	v2 =	vshrl.u32 v1, $0x10  }
0x42: {  	v2 =	vand.u32 $0x1, v2  }
0x43: {  	v1 =	vadd.s32 v2, v1  }
0x44: {  	s28 =	simm.s32 $0x80;
	v1 =	vadd.s32 $0x7FFF, v1  }
0x45: {  	s1 =	simm.s32 $0x20;
	s2 =	sand.u32 $0x1C00, s28;
	s0 =	sand.u32 $0x70, s29;
	v1 =	vand.u32 $0xFFFF0000, v1  }
.LBB2_6:
0x46: {  	p0 =	sne.s32 s1, $0x3F0;
	[tilespmem:s26+$0x100] =	vst v1;
	s26 =	sor.u32 s0, s2  }
0x47: {  	v1 =	vld [tilespmem:s26+$0x100];
	_ =	sdelay $0x4  }
.Ltmp2:
0x48: {  	v2 =	vshrl.u32 v1, $0x10;
	(pc) =	sbr.rel @p0 .LBB2_6-.Ltmp2, $4  }
0x49: {  	v2 =	vand.u32 $0x1, v2  }
0x4a: {  	v1 =	vadd.s32 v2, v1  }
0x4b: {  	s28 =	sadd.s32 $0x80, s28;
	v1 =	vadd.s32 $0x7FFF, v1  }
0x4c: {  	s0 =	sand.u32 $0x70, s1;
	s1 =	sadd.s32 $0x10, s1;
	s2 =	sand.u32 $0x1C00, s28;
	v1 =	vand.u32 $0xFFFF0000, v1  }
0x4d: {  	s0 =	sor.u32 s0, s2;
	[tilespmem:s26+$0x100] =	vst v1  }
0x4e: {  	v1 =	vld [tilespmem:s0+$0x100];
	_ =	sdelay $0x4  }
0x4f: {  	v2 =	vshrl.u32 v1, $0x10  }
0x50: {  	v2 =	vand.u32 $0x1, v2  }
0x51: {  	v1 =	vadd.s32 v2, v1  }
0x52: {  	s1 =	simm.s32 $0x0;
	v1 =	vadd.s32 $0x7FFF, v1  }
0x53: {  	s26 =	sand.u32 $0x70, s1;
	s28 =	sand.u32 $0x1C00, s1;
	v1 =	vand.u32 $0xFFFF0000, v1  }
0x54: {  	s30 =	sor.u32 s26, s28;
	[tilespmem:s0+$0x100] =	vst v1  }
0x55: {  	v1 =	vld [tilespmem:s30+$0x180];
	_ =	sdelay $0x4  }
0x56: {  	v2 =	vshrl.u32 v1, $0x10  }
0x57: {  	v2 =	vand.u32 $0x1, v2  }
0x58: {  	v1 =	vadd.s32 v2, v1  }
0x59: {  	s29 =	simm.s32 $0x10;
	s31 =	simm.s32 $0x80;
	v1 =	vadd.s32 $0x7FFF, v1  }
0x5a: {  	s2 =	sand.u32 $0x1C00, s31;
	s1 =	simm.s32 $0x20;
	s0 =	sand.u32 $0x70, s29;
	v1 =	vand.u32 $0xFFFF0000, v1  }
.LBB2_8:
0x5b: {  	p0 =	sne.s32 s1, $0x3F0;
	[tilespmem:s30+$0x180] =	vst v1;
	s30 =	sor.u32 s0, s2  }
0x5c: {  	v1 =	vld [tilespmem:s30+$0x180];
	_ =	sdelay $0x4  }
.Ltmp3:
0x5d: {  	v2 =	vshrl.u32 v1, $0x10;
	(pc) =	sbr.rel @p0 .LBB2_8-.Ltmp3, $4  }
0x5e: {  	v2 =	vand.u32 $0x1, v2  }
0x5f: {  	v1 =	vadd.s32 v2, v1  }
0x60: {  	s31 =	sadd.s32 $0x80, s31;
	v1 =	vadd.s32 $0x7FFF, v1  }
0x61: {  	s0 =	sand.u32 $0x70, s1;
	s1 =	sadd.s32 $0x10, s1;
	s2 =	sand.u32 $0x1C00, s31;
	v1 =	vand.u32 $0xFFFF0000, v1  }
0x62: {  	s0 =	sor.u32 s0, s2;
	[tilespmem:s30+$0x180] =	vst v1  }
0x63: {  	v1 =	vld [tilespmem:s0+$0x180];
	_ =	sdelay $0x4  }
0x64: {  	v2 =	vshrl.u32 v1, $0x10  }
0x65: {  	v2 =	vand.u32 $0x1, v2  }
0x66: {  	v1 =	vadd.s32 v2, v1  }
0x67: {  	v1 =	vadd.s32 $0x7FFF, v1  }
0x68: {  	v1 =	vand.u32 $0xFFFF0000, v1  }
0x69: {  	s26 =	sor.u32 s26, s28;
	[tilespmem:s0+$0x180] =	vst v1  }
0x6a: {  	v1 =	vld [tilespmem:s26+$0x200];
	_ =	sdelay $0x4  }
0x6b: {  	v2 =	vshrl.u32 v1, $0x10  }
0x6c: {  	v2 =	vand.u32 $0x1, v2  }
0x6d: {  	v1 =	vadd.s32 v2, v1  }
0x6e: {  	s28 =	simm.s32 $0x80;
	v1 =	vadd.s32 $0x7FFF, v1  }
0x6f: {  	s1 =	simm.s32 $0x20;
	s2 =	sand.u32 $0x1C00, s28;
	s0 =	sand.u32 $0x70, s29;
	v1 =	vand.u32 $0xFFFF0000, v1  }
.LBB2_10:
0x70: {  	p0 =	sne.s32 s1, $0x3F0;
	[tilespmem:s26+$0x200] =	vst v1;
	s26 =	sor.u32 s0, s2  }
0x71: {  	v1 =	vld [tilespmem:s26+$0x200];
	_ =	sdelay $0x4  }
.Ltmp4:
0x72: {  	v2 =	vshrl.u32 v1, $0x10;
	(pc) =	sbr.rel @p0 .LBB2_10-.Ltmp4, $4  }
0x73: {  	v2 =	vand.u32 $0x1, v2  }
0x74: {  	v1 =	vadd.s32 v2, v1  }
0x75: {  	s28 =	sadd.s32 $0x80, s28;
	v1 =	vadd.s32 $0x7FFF, v1  }
0x76: {  	s0 =	sand.u32 $0x70, s1;
	s1 =	sadd.s32 $0x10, s1;
	s2 =	sand.u32 $0x1C00, s28;
	v1 =	vand.u32 $0xFFFF0000, v1  }
0x77: {  	s0 =	sor.u32 s0, s2;
	[tilespmem:s26+$0x200] =	vst v1  }
0x78: {  	v1 =	vld [tilespmem:s0+$0x200];
	_ =	sdelay $0x4  }
0x79: {  	v2 =	vshrl.u32 v1, $0x10  }
0x7a: {  	v2 =	vand.u32 $0x1, v2  }
0x7b: {  	v1 =	vadd.s32 v2, v1  }
0x7c: {  	s1 =	simm.s32 $0x0;
	v1 =	vadd.s32 $0x7FFF, v1  }
0x7d: {  	s26 =	sand.u32 $0x70, s1;
	s28 =	sand.u32 $0x1C00, s1;
	v1 =	vand.u32 $0xFFFF0000, v1  }
0x7e: {  	s30 =	sor.u32 s26, s28;
	[tilespmem:s0+$0x200] =	vst v1  }
0x7f: {  	v1 =	vld [tilespmem:s30+$0x280];
	_ =	sdelay $0x4  }
0x80: {  	v2 =	vshrl.u32 v1, $0x10  }
0x81: {  	v2 =	vand.u32 $0x1, v2  }
0x82: {  	v1 =	vadd.s32 v2, v1  }
0x83: {  	s29 =	simm.s32 $0x10;
	s31 =	simm.s32 $0x80;
	v1 =	vadd.s32 $0x7FFF, v1  }
0x84: {  	s2 =	sand.u32 $0x1C00, s31;
	s1 =	simm.s32 $0x20;
	s0 =	sand.u32 $0x70, s29;
	v1 =	vand.u32 $0xFFFF0000, v1  }
.LBB2_12:
0x85: {  	p0 =	sne.s32 s1, $0x3F0;
	[tilespmem:s30+$0x280] =	vst v1;
	s30 =	sor.u32 s0, s2  }
0x86: {  	v1 =	vld [tilespmem:s30+$0x280];
	_ =	sdelay $0x4  }
.Ltmp5:
0x87: {  	v2 =	vshrl.u32 v1, $0x10;
	(pc) =	sbr.rel @p0 .LBB2_12-.Ltmp5, $4  }
0x88: {  	v2 =	vand.u32 $0x1, v2  }
0x89: {  	v1 =	vadd.s32 v2, v1  }
0x8a: {  	s31 =	sadd.s32 $0x80, s31;
	v1 =	vadd.s32 $0x7FFF, v1  }
0x8b: {  	s0 =	sand.u32 $0x70, s1;
	s1 =	sadd.s32 $0x10, s1;
	s2 =	sand.u32 $0x1C00, s31;
	v1 =	vand.u32 $0xFFFF0000, v1  }
0x8c: {  	s0 =	sor.u32 s0, s2;
	[tilespmem:s30+$0x280] =	vst v1  }
0x8d: {  	v1 =	vld [tilespmem:s0+$0x280];
	_ =	sdelay $0x4  }
0x8e: {  	v2 =	vshrl.u32 v1, $0x10  }
0x8f: {  	v2 =	vand.u32 $0x1, v2  }
0x90: {  	v1 =	vadd.s32 v2, v1  }
0x91: {  	v1 =	vadd.s32 $0x7FFF, v1  }
0x92: {  	v1 =	vand.u32 $0xFFFF0000, v1  }
0x93: {  	s26 =	sor.u32 s26, s28;
	[tilespmem:s0+$0x280] =	vst v1  }
0x94: {  	v1 =	vld [tilespmem:s26+$0x300];
	_ =	sdelay $0x4  }
0x95: {  	v2 =	vshrl.u32 v1, $0x10  }
0x96: {  	v2 =	vand.u32 $0x1, v2  }
0x97: {  	v1 =	vadd.s32 v2, v1  }
0x98: {  	s28 =	simm.s32 $0x80;
	v1 =	vadd.s32 $0x7FFF, v1  }
0x99: {  	s1 =	simm.s32 $0x20;
	s2 =	sand.u32 $0x1C00, s28;
	s0 =	sand.u32 $0x70, s29;
	v1 =	vand.u32 $0xFFFF0000, v1  }
.LBB2_14:
0x9a: {  	p0 =	sne.s32 s1, $0x3F0;
	[tilespmem:s26+$0x300] =	vst v1;
	s26 =	sor.u32 s0, s2  }
0x9b: {  	v1 =	vld [tilespmem:s26+$0x300];
	_ =	sdelay $0x4  }
.Ltmp6:
0x9c: {  	v2 =	vshrl.u32 v1, $0x10;
	(pc) =	sbr.rel @p0 .LBB2_14-.Ltmp6, $4  }
0x9d: {  	v2 =	vand.u32 $0x1, v2  }
0x9e: {  	v1 =	vadd.s32 v2, v1  }
0x9f: {  	s28 =	sadd.s32 $0x80, s28;
	v1 =	vadd.s32 $0x7FFF, v1  }
0xa0: {  	s0 =	sand.u32 $0x70, s1;
	s1 =	sadd.s32 $0x10, s1;
	s2 =	sand.u32 $0x1C00, s28;
	v1 =	vand.u32 $0xFFFF0000, v1  }
0xa1: {  	s0 =	sor.u32 s0, s2;
	[tilespmem:s26+$0x300] =	vst v1  }
0xa2: {  	v1 =	vld [tilespmem:s0+$0x300];
	_ =	sdelay $0x4  }
0xa3: {  	v2 =	vshrl.u32 v1, $0x10  }
0xa4: {  	v2 =	vand.u32 $0x1, v2  }
0xa5: {  	v1 =	vadd.s32 v2, v1  }
0xa6: {  	s26 =	simm.s32 $0x0;
	v1 =	vadd.s32 $0x7FFF, v1  }
0xa7: {  	s1 =	sor.u32 s26, s26;
	v1 =	vand.u32 $0xFFFF0000, v1  }
0xa8: {  	s28 =	sor.u32 $0x380, s1;
	[tilespmem:s0+$0x300] =	vst v1  }
0xa9: {  	v1 =	vld [tilespmem:s28+$0x0];
	_ =	sdelay $0x4  }
0xaa: {  	v2 =	vshrl.u32 v1, $0x10  }
0xab: {  	v2 =	vand.u32 $0x1, v2  }
0xac: {  	v1 =	vadd.s32 v2, v1  }
0xad: {  	s31 =	simm.s32 $0x10;
	s29 =	simm.s32 $0x80;
	v1 =	vadd.s32 $0x7FFF, v1  }
0xae: {  	s1 =	simm.s32 $0x20;
	s0 =	sor.u32 s29, s31;
	v1 =	vand.u32 $0xFFFF0000, v1  }
.LBB2_16:
0xaf: {  	p0 =	sne.s32 s1, $0x3F0;
	[tilespmem:s28+$0x0] =	vst v1;
	s28 =	sor.u32 $0x380, s0  }
0xb0: {  	v1 =	vld [tilespmem:s28+$0x0];
	_ =	sdelay $0x4  }
.Ltmp7:
0xb1: {  	v2 =	vshrl.u32 v1, $0x10;
	(pc) =	sbr.rel @p0 .LBB2_16-.Ltmp7, $4  }
0xb2: {  	v2 =	vand.u32 $0x1, v2  }
0xb3: {  	v1 =	vadd.s32 v2, v1  }
0xb4: {  	s29 =	sadd.s32 $0x80, s29;
	v1 =	vadd.s32 $0x7FFF, v1  }
0xb5: {  	s0 =	sor.u32 s29, s1;
	s1 =	sadd.s32 $0x10, s1;
	v1 =	vand.u32 $0xFFFF0000, v1  }
0xb6: {  	s0 =	sor.u32 $0x380, s0;
	[tilespmem:s28+$0x0] =	vst v1  }
0xb7: {  	v1 =	vld [tilespmem:s0+$0x0];
	_ =	sdelay $0x4  }
0xb8: {  	v2 =	vshrl.u32 v1, $0x10  }
0xb9: {  	v2 =	vand.u32 $0x1, v2  }
0xba: {  	v1 =	vadd.s32 v2, v1  }
0xbb: {  	v1 =	vadd.s32 $0x7FFF, v1  }
0xbc: {  	v1 =	vand.u32 $0xFFFF0000, v1  }
0xbd: {  	[tilespmem:s0+$0x0] =	vst v1  }
.LBB2_18:
0xbe: {  	s0 =	sshll.u32 s26, $0xB  }
0xbf: {  	s28 =	simm.s32 $0x0;
	s0 =	sadd.s32 s0, s4  }
0xc0: {  	[tilespmem:s15], [sflag:$0x1] =	stream.linear.gather [hbm4b:s0+s28], $0x4000, $0x38;
	[tilespmem:$0x6C00] =	vst v63  }
0xc1: {  	s30 =	simm.s32 $0x0;
	_ =	swait.ge [sflag:s14], $0x4000  }
0xc2: {  	s1 =	sand.u32 $0x70, s28;
	s0 =	sand.u32 $0x3FFFFE00, s30;
	[sflag:s14] =	ssyncset.done $0x0  }
0xc3: {  	s0 =	sor.u32 s1, s0;
	[sflag:s14] =	ssyncadd.s32 $0xFFFFC000  }
0xc4: {  	v7 =	vimm.f32 $0.0e+00;
	v23 =	vimm.f32 $0.0e+00;
	v2 =	vld [tilespmem:s0+$0x2100]  }
0xc5: {  	v15 =	vimm.f32 $0.0e+00;
	v21 =	vimm.f32 $0.0e+00;
	v31 =	vimm.f32 $0.0e+00;
	v1 =	vld [tilespmem:s0+$0x2180]  }
0xc6: {  	s31 =	simm.s32 $0x0;
	v17 =	vimm.f32 $0.0e+00;
	v38 =	vimm.f32 $0.0e+00;
	v27 =	vimm.f32 $0.0e+00;
	v3 =	vld [tilespmem:s0+$0x2000]  }
0xc7: {  	v35 =	vimm.f32 $0.0e+00;
	v26 =	vimm.f32 $0.0e+00;
	v37 =	vimm.f32 $0.0e+00;
	v4 =	vld [tilespmem:s0+$0x2080];
	s0 =	sand.u32 $0x3FFFFC00, s31  }
0xc8: {  	v30 =	vimm.f32 $0.0e+00;
	v39 =	vimm.f32 $0.0e+00;
	v28 =	vimm.f32 $0.0e+00;
	s29 =	sor.u32 s1, s0  }
0xc9: {  	v33 =	vimm.f32 $0.0e+00;
	v44 =	vimm.f32 $0.0e+00;
	v13 =	vld [tilespmem:s29+$0x200];
	v5 =	vshrl.u32 v2, $0x10  }
0xca: {  	v43 =	vimm.f32 $0.0e+00;
	v10 =	vld [tilespmem:s29+$0x100];
	v6 =	vshrl.u32 v1, $0x10;
	v5 =	vand.u32 $0x1, v5  }
0xcb: {  	v9 =	vld [tilespmem:s29+$0x80];
	v8 =	vshrl.u32 v3, $0x10;
	v6 =	vand.u32 $0x1, v6;
	v2 =	vadd.s32 v5, v2  }
0xcc: {  	v24 =	vld [tilespmem:s29+$0x0];
	v1 =	vadd.s32 v6, v1;
	v5 =	vshrl.u32 v4, $0x10;
	v2 =	vadd.s32 $0x7FFF, v2  }
0xcd: {  	v18 =	vld [tilespmem:s29+$0x180];
	v1 =	vadd.s32 $0x7FFF, v1;
	v16 =	vand.u32 $0xFFFF0000, v2;
	v2 =	vand.u32 $0x1, v8  }
0xce: {  	v6 =	vld [tilespmem:s29+$0x280];
	v5 =	vand.u32 $0x1, v5;
	v8 =	vand.u32 $0xFFFF0000, v1;
	v1 =	vadd.s32 v2, v3  }
0xcf: {  	v2 =	vadd.s32 v5, v4;
	v3 =	vmul.f32 v16, v13;
	v4 =	vmul.f32 v8, v13  }
0xd0: {  	v20 =	vimm.f32 $0.0e+00;
	v11 =	vmul.f32 v16, v10;
	v41 =	vmul.f32 v8, v9  }
0xd1: {  	v40 =	vmul.f32 v16, v24;
	v50 =	vmul.f32 v16, v9;
	v2 =	vadd.s32 $0x7FFF, v2  }
0xd2: {  	v47 =	vmul.f32 v16, v18;
	v1 =	vadd.s32 $0x7FFF, v1;
	v36 =	vand.u32 $0xFFFF0000, v2  }
0xd3: {  	v42 =	vand.u32 $0xFFFF0000, v1;
	v2 =	vmul.f32 v8, v18;
	v12 =	vmul.f32 v8, v6  }
0xd4: {  	v34 =	vld [tilespmem:s29+$0x300];
	v1 =	vadd.f32 v4, v7;
	v49 =	vmul.f32 v16, v6;
	v4 =	vmul.f32 v42, v6  }
0xd5: {  	v5 =	vadd.f32 v3, v7;
	v14 =	vmul.f32 v36, v10;
	v48 =	vmul.f32 v42, v24  }
0xd6: {  	v11 =	vadd.f32 v11, v7;
	v51 =	vmul.f32 v36, v9;
	v45 =	vmul.f32 v36, v6  }
0xd7: {  	v46 =	vmul.f32 v36, v24;
	v6 =	vimm.f32 $0.0e+00;
	v3 =	vadd.f32 v2, v7  }
0xd8: {  	v32 =	vld [tilespmem:s29+$0x380];
	v2 =	vadd.f32 v12, v7;
	v12 =	vmul.f32 v42, v9;
	v25 =	vadd.f32 v4, v7  }
0xd9: {  	v22 =	vadd.f32 v14, v7;
	v4 =	vmul.f32 v36, v34;
	v14 =	vmul.f32 v8, v34  }
0xda: {  	v9 =	vimm.f32 $0.0e+00;
	v29 =	vadd.f32 v12, v7;
	v12 =	vimm.f32 $0.0e+00  }
0xdb: {  	s1 =	simm.s32 $0x1;
	v19 =	vadd.f32 v4, v7;
	v4 =	vadd.f32 v14, v7;
	v14 =	vimm.f32 $0.0e+00  }
.LBB2_19:
0xdc: {  	s0 =	sshll.u32 s1, $0x6  }
0xdd: {  	v52 =	vmul.f32 v42, v34;
	v7 =	vadd.f32 v51, v7;
	v51 =	vmul.f32 v36, v32;
	s28 =	sadd.s32 $0x10, s28;
	s2 =	smov.u32 s1;
	s29 =	sadd.s32 $0x1, s1  }
0xde: {  	p0 =	sne.s32 s1, $0x3F;
	v23 =	vadd.f32 v50, v23;
	v34 =	vmul.f32 v16, v34;
	s30 =	sand.u32 $0x70, s28;
	s0 =	sand.u32 $0x3FFFFE00, s0;
	v15 =	vadd.f32 v49, v15  }
0xdf: {  	v50 =	vmul.f32 v36, v13;
	v21 =	vadd.f32 v47, v21;
	v49 =	vmul.f32 v42, v18;
	s0 =	sor.u32 s30, s0  }
0xe0: {  	v17 =	vadd.f32 v41, v17;
	v41 =	vmul.f32 v8, v10;
	v31 =	vadd.f32 v52, v31;
	v47 =	vld [tilespmem:s0+$0x2180]  }
0xe1: {  	v53 =	vmul.f32 v42, v10;
	v10 =	vmul.f32 v16, v32;
	v14 =	vadd.f32 v34, v14;
	v52 =	vld [tilespmem:s0+$0x2100]  }
0xe2: {  	v38 =	vadd.f32 v48, v38;
	v16 =	vmul.f32 v42, v32;
	v32 =	vmul.f32 v8, v32;
	v34 =	vld [tilespmem:s0+$0x2000]  }
0xe3: {  	v27 =	vadd.f32 v45, v27;
	v24 =	vmul.f32 v8, v24;
	v12 =	vadd.f32 v10, v12;
	v48 =	vld [tilespmem:s0+$0x2080]  }
0xe4: {  	v8 =	vmul.f32 v36, v18;
	v35 =	vadd.f32 v16, v35;
	v6 =	vadd.f32 v32, v6;
	s0 =	sshll.u32 s2, $0x7  }
0xe5: {  	v26 =	vadd.f32 v40, v26;
	v10 =	vmul.f32 v42, v13;
	v9 =	vadd.f32 v41, v9;
	s0 =	sand.u32 $0x3FFFFC00, s0  }
0xe6: {  	v37 =	vadd.f32 v46, v37;
	v16 =	vshrl.u32 v47, $0x10;
	s0 =	sor.u32 s30, s0;
	v13 =	vshrl.u32 v52, $0x10  }
0xe7: {  	v30 =	vadd.f32 v50, v30;
	v16 =	vand.u32 $0x1, v16;
	v13 =	vand.u32 $0x1, v13;
	v54 =	vld [tilespmem:s0+$0x280]  }
0xe8: {  	v39 =	vadd.f32 v10, v39;
	v36 =	vshrl.u32 v34, $0x10;
	v16 =	vadd.s32 v16, v47;
	v18 =	vld [tilespmem:s0+$0x180]  }
0xe9: {  	v28 =	vadd.f32 v51, v28;
	v40 =	vshrl.u32 v48, $0x10;
	v10 =	vadd.s32 v13, v52;
	v13 =	vld [tilespmem:s0+$0x200]  }
0xea: {  	v33 =	vadd.f32 v8, v33;
	v41 =	vadd.s32 $0x7FFF, v16;
	v32 =	vadd.s32 $0x7FFF, v10;
	v10 =	vld [tilespmem:s0+$0x100]  }
0xeb: {  	v44 =	vadd.f32 v53, v44;
	v8 =	vand.u32 $0xFFFF0000, v41;
	v16 =	vand.u32 $0xFFFF0000, v32;
	v32 =	vld [tilespmem:s0+$0x380]  }
0xec: {  	v43 =	vadd.f32 v49, v43;
	v36 =	vand.u32 $0x1, v36;
	v40 =	vand.u32 $0x1, v40;
	v46 =	vld [tilespmem:s0+$0x80]  }
0xed: {  	v20 =	vadd.f32 v24, v20;
	v36 =	vadd.s32 v36, v34;
	v40 =	vadd.s32 v40, v48;
	v34 =	vld [tilespmem:s0+$0x300]  }
0xee: {  	v40 =	vadd.s32 $0x7FFF, v40;
	v24 =	vld [tilespmem:s0+$0x0];
	v41 =	vmul.f32 v16, v13;
	v45 =	vmul.f32 v8, v13  }
0xef: {  	v42 =	vadd.s32 $0x7FFF, v36;
	v36 =	vand.u32 $0xFFFF0000, v40;
	v47 =	vmul.f32 v16, v10  }
0xf0: {  	v42 =	vand.u32 $0xFFFF0000, v42;
	v40 =	vmul.f32 v8, v18;
	v1 =	vadd.f32 v45, v1  }
0xf1: {  	v49 =	vmul.f32 v8, v54;
	v45 =	vmul.f32 v42, v54;
	v5 =	vadd.f32 v41, v5  }
0xf2: {  	v50 =	vmul.f32 v36, v10;
	v3 =	vadd.f32 v40, v3;
	v41 =	vmul.f32 v8, v46  }
0xf3: {  	v25 =	vadd.f32 v45, v25;
	v48 =	vmul.f32 v42, v24;
	v40 =	vmul.f32 v16, v24  }
.Ltmp8:
0xf4: {  	v2 =	vadd.f32 v49, v2;
	v22 =	vadd.f32 v50, v22;
	v50 =	vmul.f32 v36, v34;
	(pc) =	sbr.rel @p0 .LBB2_19-.Ltmp8, $4  }
0xf5: {  	v49 =	vmul.f32 v42, v46;
	v11 =	vadd.f32 v47, v11;
	v52 =	vmul.f32 v8, v34  }
0xf6: {  	v51 =	vmul.f32 v36, v46;
	v45 =	vmul.f32 v36, v54;
	v19 =	vadd.f32 v50, v19  }
0xf7: {  	v47 =	vmul.f32 v16, v18;
	v29 =	vadd.f32 v49, v29;
	v50 =	vmul.f32 v16, v46  }
0xf8: {  	s1 =	smov.u32 s29;
	v49 =	vmul.f32 v16, v54;
	v46 =	vmul.f32 v36, v24;
	v4 =	vadd.f32 v52, v4  }
0xf9: {  	v52 =	vmul.f32 v42, v10;
	v38 =	vadd.f32 v48, v38  }
0xfa: {  	v60 =	vmul.f32 v42, v18  }
0xfb: {  	v61 =	vmul.f32 v42, v13;
	v44 =	vadd.f32 v52, v44;
	(xrf2) =	vadd.scan.msk.f32 $0xffff, v38  }
0xfc: {  	v62 =	vadd.f32 v60, v43;
	(xrf2) =	vadd.scan.msk.f32 $0xffff, v29  }
0xfd: {  	v39 =	vadd.f32 v61, v39;
	v29 =	vmul.f32 v42, v34;
	(xrf2) =	vadd.scan.msk.f32 $0xffff, v44  }
0xfe: {  	v63 =	vmul.f32 v42, v32;
	(xrf2) =	vadd.scan.msk.f32 $0xffff, v62  }
0xff: {  	v29 =	vadd.f32 v29, v31;
	(xrf2) =	vadd.scan.msk.f32 $0xffff, v39  }
0x100: {  	v31 =	vadd.f32 v63, v35;
	(xrf2) =	vadd.scan.msk.f32 $0xffff, v25  }
0x101: {  	v13 =	vmul.f32 v36, v13;
	v25 =	vadd.f32 v46, v37;
	(xrf2) =	vadd.scan.msk.f32 $0xffff, v29  }
0x102: {  	v7 =	vadd.f32 v51, v7;
	v18 =	vmul.f32 v36, v18;
	(xrf2) =	vadd.scan.msk.f32 $0xffff, v31  }
0x103: {  	(xrf2) =	vadd.scan.msk.f32 $0xffff, v25  }
0x104: {  	v18 =	vadd.f32 v18, v33;
	(xrf2) =	vadd.scan.msk.f32 $0xffff, v7  }
0x105: {  	v7 =	vadd.f32 v13, v30;
	v13, _, _ =	vpop (xrf2);
	(xrf2) =	vadd.scan.msk.f32 $0xffff, v22;
	v22 =	vmul.f32 v36, v32;
	_ =	sdelay $0x1  }
0x106: {  	v25 =	vadd.f32 v45, v27;
	v27, _, _ =	vpop (xrf2);
	(xrf2) =	vadd.scan.msk.f32 $0xffff, v18  }
0x107: {  	v18, _, _ =	vpop (xrf2);
	(xrf2) =	vadd.scan.msk.f32 $0xffff, v7;
	v7 =	vadd.f32 v22, v28  }
0x108: {  	v22, _, _ =	vpop (xrf2);
	(xrf2) =	vadd.scan.msk.f32 $0xffff, v25;
	v25 =	vadd.f32 v40, v26  }
0x109: {  	v26, _, _ =	vpop (xrf2);
	(xrf2) =	vadd.scan.msk.f32 $0xffff, v19  }
0x10a: {  	v19 =	vadd.f32 v50, v23;
	v23, _, _ =	vpop (xrf2);
	(xrf2) =	vadd.scan.msk.f32 $0xffff, v7  }
0x10b: {  	v7, _, _ =	vpop (xrf2);
	(xrf2) =	vadd.scan.msk.f32 $0xffff, v25  }
0x10c: {  	v21 =	vadd.f32 v47, v21;
	v25, _, _ =	vpop (xrf2);
	(xrf2) =	vadd.scan.msk.f32 $0xffff, v19;
	v19 =	vmul.f32 v16, v34  }
0x10d: {  	v16 =	vmul.f32 v16, v32  }
0x10e: {  	v28, _, _ =	vpop (xrf2);
	(xrf2) =	vadd.scan.msk.f32 $0xffff, v11;
	v14 =	vadd.f32 v19, v14;
	v19 =	vmul.f32 v8, v24  }
0x10f: {  	v13 =	vbroadcast v13, $0xF;
	v11 =	vadd.f32 v49, v15;
	v15 =	vadd.f32 v41, v17;
	v17, _, _ =	vpop (xrf2);
	(xrf2) =	vadd.scan.msk.f32 $0xffff, v21  }
0x110: {  	v21, _, _ =	vpop (xrf2);
	(xrf2) =	vadd.scan.msk.f32 $0xffff, v5;
	v5 =	vmul.f32 v8, v10;
	v10 =	vadd.f32 v16, v12;
	v12 =	vbroadcast v27, $0xF  }
0x111: {  	v13 =	vnsel vm0, $0x0, v13;
	v18 =	vbroadcast v18, $0xF;
	v16, _, _ =	vpop (xrf2);
	(xrf2) =	vadd.scan.msk.f32 $0xffff, v11  }
0x112: {  	v11 =	vadd.f32 v19, v20;
	v12 =	vsel vm1, v13, v12;
	v13 =	vbroadcast v22, $0xF;
	v19, _, _ =	vpop (xrf2);
	(xrf2) =	vadd.scan.msk.f32 $0xffff, v14  }
0x113: {  	v5 =	vadd.f32 v5, v9;
	v9 =	vsel vm2, v12, v18;
	v14, _, _ =	vpop (xrf2);
	(xrf2) =	vadd.scan.msk.f32 $0xffff, v10;
	v10 =	vbroadcast v26, $0xF  }
0x114: {  	v8 =	vmul.f32 v8, v32;
	v9 =	vsel vm3, v9, v13;
	v13 =	vbroadcast v28, $0xF  }
0x115: {  	v12, _, _ =	vpop (xrf2);
	(xrf2) =	vadd.scan.msk.f32 $0xffff, v11;
	v11 =	vbroadcast v23, $0xF  }
0x116: {  	v6 =	vadd.f32 v8, v6;
	v18, _, _ =	vpop (xrf2);
	(xrf2) =	vadd.scan.msk.f32 $0xffff, v15;
	v8 =	vsel vm4, v9, v10;
	v9 =	vbroadcast v17, $0xF  }
0x117: {  	v10, _, _ =	vpop (xrf2);
	(xrf2) =	vadd.scan.msk.f32 $0xffff, v5;
	v5 =	vsel vm5, v8, v11;
	v8 =	vnsel vm0, $0x0, v13;
	v11 =	vbroadcast v21, $0xF  }
0x118: {  	v13, _, _ =	vpop (xrf2);
	(xrf2) =	vadd.scan.msk.f32 $0xffff, v3;
	v3 =	vbroadcast v7, $0xF;
	v7 =	vsel vm1, v8, v9  }
0x119: {  	v7 =	vsel vm2, v7, v11  }
0x11a: {  	v8 =	vbroadcast v16, $0xF;
	v9, _, _ =	vpop (xrf2);
	(xrf2) =	vadd.scan.msk.f32 $0xffff, v1  }
0x11b: {  	v1 =	vbroadcast v25, $0xF;
	v11 =	vbroadcast v19, $0xF;
	v15, _, _ =	vpop (xrf2);
	(xrf2) =	vadd.scan.msk.f32 $0xffff, v2;
	v2 =	vsel vm6, v5, v3  }
0x11c: {  	v3 =	vsel vm3, v7, v8;
	v5 =	vbroadcast v14, $0xF;
	v8 =	vbroadcast v13, $0xF;
	v7, _, _ =	vpop (xrf2);
	(xrf2) =	vadd.scan.msk.f32 $0xffff, v4  }
0x11d: {  	v1 =	vsel vm7, v2, v1;
	v2 =	vsel vm4, v3, v11;
	v3 =	vbroadcast v10, $0xF;
	v4, _, _ =	vpop (xrf2);
	(xrf2) =	vadd.scan.msk.f32 $0xffff, v6  }
0x11e: {  	v11 =	vbroadcast v18, $0xF;
	v2 =	vsel vm5, v2, v5;
	v5 =	vbroadcast v12, $0xF;
	v6, _, _ =	vpop (xrf2)  }
0x11f: {  	v9 =	vbroadcast v9, $0xF;
	v3 =	vnsel vm0, $0x0, v3;
	v10, _, _ =	vpop (xrf2)  }
0x120: {  	v2 =	vsel vm6, v2, v5;
	v3 =	vsel vm1, v3, v8;
	v5 =	vbroadcast v15, $0xF;
	v12, _, _ =	vpop (xrf2)  }
0x121: {  	v2 =	vsel vm7, v2, v11;
	v3 =	vsel vm2, v3, v9;
	v8, _, _ =	vpop (xrf2);
	v9 =	vbroadcast v12, $0xF  }
0x122: {  	v3 =	vsel vm3, v3, v5;
	v5 =	vbroadcast v7, $0xF;
	v11, _, _ =	vpop (xrf2);
	v7 =	vbroadcast v8, $0xF  }
0x123: {  	v4 =	vbroadcast v4, $0xF;
	v8, _, _ =	vpop (xrf2);
	v9 =	vnsel vm0, $0x0, v9;
	v11 =	vbroadcast v11, $0xF  }
0x124: {  	v3 =	vsel vm4, v3, v5;
	v12, _, _ =	vpop (xrf2);
	v5 =	vsel vm1, v9, v7;
	v7 =	vbroadcast v8, $0xF  }
0x125: {  	v3 =	vsel vm5, v3, v4;
	v8, _, _ =	vpop (xrf2);
	v4 =	vsel vm2, v5, v11;
	v5 =	vbroadcast v12, $0xF  }
0x126: {  	v6 =	vbroadcast v6, $0xF;
	v9, _, _ =	vpop (xrf2);
	v4 =	vsel vm3, v4, v7;
	v7 =	vbroadcast v8, $0xF  }
0x127: {  	v8 =	vbroadcast v10, $0xF;
	v4 =	vsel vm4, v4, v5;
	v5 =	vbroadcast v9, $0xF;
	v9, _, _ =	vpop (xrf2)  }
0x128: {  	[tilespmem:$0x6000] =	vst v1;
	v1 =	vsel vm6, v3, v6;
	v3 =	vsel vm5, v4, v7;
	v4 =	vbroadcast v9, $0xF  }
0x129: {  	s28 =	simm.s32 $0x0;
	s0 =	simm.s32 $0x0;
	[tilespmem:$0x6080] =	vst v2;
	v1 =	vsel vm7, v1, v8;
	v2 =	vsel vm6, v3, v5  }
0x12a: {  	s1 =	sand.u32 $0x70, s28;
	s0 =	sand.u32 $0x3FFFFE00, s0;
	[tilespmem:$0x6100] =	vst v1;
	v1 =	vsel vm7, v2, v4  }
0x12b: {  	s0 =	sor.u32 s1, s0;
	[tilespmem:$0x6180] =	vst v1  }
0x12c: {  	v38 =	vimm.f32 $0.0e+00;
	v33 =	vimm.f32 $0.0e+00;
	v2 =	vld [tilespmem:s0+$0x3100]  }
0x12d: {  	v43 =	vimm.f32 $0.0e+00;
	v44 =	vimm.f32 $0.0e+00;
	v35 =	vimm.f32 $0.0e+00;
	v1 =	vld [tilespmem:s0+$0x3180]  }
0x12e: {  	s31 =	simm.s32 $0x0;
	v39 =	vimm.f32 $0.0e+00;
	v37 =	vimm.f32 $0.0e+00;
	v31 =	vimm.f32 $0.0e+00;
	v3 =	vld [tilespmem:s0+$0x3000]  }
0x12f: {  	v30 =	vimm.f32 $0.0e+00;
	v27 =	vimm.f32 $0.0e+00;
	v20 =	vimm.f32 $0.0e+00;
	v4 =	vld [tilespmem:s0+$0x3080];
	s0 =	sand.u32 $0x3FFFFC00, s31  }
0x130: {  	v26 =	vimm.f32 $0.0e+00;
	v28 =	vimm.f32 $0.0e+00;
	v23 =	vimm.f32 $0.0e+00;
	s29 =	sor.u32 s1, s0  }
0x131: {  	v17 =	vimm.f32 $0.0e+00;
	v21 =	vimm.f32 $0.0e+00;
	v13 =	vld [tilespmem:s29+$0x200];
	v5 =	vshrl.u32 v2, $0x10  }
0x132: {  	v15 =	vimm.f32 $0.0e+00;
	v10 =	vld [tilespmem:s29+$0x100];
	v6 =	vshrl.u32 v1, $0x10;
	v5 =	vand.u32 $0x1, v5  }
0x133: {  	v9 =	vld [tilespmem:s29+$0x80];
	v8 =	vshrl.u32 v3, $0x10;
	v6 =	vand.u32 $0x1, v6;
	v2 =	vadd.s32 v5, v2  }
0x134: {  	v24 =	vld [tilespmem:s29+$0x0];
	v1 =	vadd.s32 v6, v1;
	v5 =	vshrl.u32 v4, $0x10;
	v2 =	vadd.s32 $0x7FFF, v2  }
0x135: {  	v18 =	vld [tilespmem:s29+$0x180];
	v1 =	vadd.s32 $0x7FFF, v1;
	v16 =	vand.u32 $0xFFFF0000, v2;
	v2 =	vand.u32 $0x1, v8  }
0x136: {  	v6 =	vld [tilespmem:s29+$0x280];
	v5 =	vand.u32 $0x1, v5;
	v8 =	vand.u32 $0xFFFF0000, v1;
	v1 =	vadd.s32 v2, v3  }
0x137: {  	v2 =	vadd.s32 v5, v4;
	v3 =	vmul.f32 v16, v13;
	v4 =	vmul.f32 v8, v13  }
0x138: {  	v7 =	vimm.f32 $0.0e+00;
	v11 =	vmul.f32 v16, v10;
	v41 =	vmul.f32 v8, v9  }
0x139: {  	v40 =	vmul.f32 v16, v24;
	v50 =	vmul.f32 v16, v9;
	v2 =	vadd.s32 $0x7FFF, v2  }
0x13a: {  	v47 =	vmul.f32 v16, v18;
	v1 =	vadd.s32 $0x7FFF, v1;
	v36 =	vand.u32 $0xFFFF0000, v2  }
0x13b: {  	v42 =	vand.u32 $0xFFFF0000, v1;
	v2 =	vmul.f32 v8, v18;
	v12 =	vmul.f32 v8, v6  }
0x13c: {  	v34 =	vld [tilespmem:s29+$0x300];
	v1 =	vadd.f32 v4, v7;
	v49 =	vmul.f32 v16, v6;
	v4 =	vmul.f32 v42, v6  }
0x13d: {  	v5 =	vadd.f32 v3, v7;
	v14 =	vmul.f32 v36, v10;
	v48 =	vmul.f32 v42, v24  }
0x13e: {  	v11 =	vadd.f32 v11, v7;
	v51 =	vmul.f32 v36, v9;
	v45 =	vmul.f32 v36, v6  }
0x13f: {  	v46 =	vmul.f32 v36, v24;
	v6 =	vimm.f32 $0.0e+00;
	v3 =	vadd.f32 v2, v7  }
0x140: {  	v32 =	vld [tilespmem:s29+$0x380];
	v2 =	vadd.f32 v12, v7;
	v12 =	vmul.f32 v42, v9;
	v25 =	vadd.f32 v4, v7  }
0x141: {  	v22 =	vadd.f32 v14, v7;
	v4 =	vmul.f32 v36, v34;
	v14 =	vmul.f32 v8, v34  }
0x142: {  	v9 =	vimm.f32 $0.0e+00;
	v29 =	vadd.f32 v12, v7;
	v12 =	vimm.f32 $0.0e+00  }
0x143: {  	s1 =	simm.s32 $0x1;
	v19 =	vadd.f32 v4, v7;
	v4 =	vadd.f32 v14, v7;
	v14 =	vimm.f32 $0.0e+00  }
.LBB2_21:
0x144: {  	s0 =	sshll.u32 s1, $0x6  }
0x145: {  	v52 =	vmul.f32 v42, v34;
	v7 =	vadd.f32 v51, v7;
	v51 =	vmul.f32 v36, v32;
	s28 =	sadd.s32 $0x10, s28;
	s2 =	smov.u32 s1;
	s29 =	sadd.s32 $0x1, s1  }
0x146: {  	p0 =	sne.s32 s1, $0x3F;
	v23 =	vadd.f32 v50, v23;
	v34 =	vmul.f32 v16, v34;
	s30 =	sand.u32 $0x70, s28;
	s0 =	sand.u32 $0x3FFFFE00, s0;
	v15 =	vadd.f32 v49, v15  }
0x147: {  	v50 =	vmul.f32 v36, v13;
	v21 =	vadd.f32 v47, v21;
	v49 =	vmul.f32 v42, v18;
	s0 =	sor.u32 s30, s0  }
0x148: {  	v17 =	vadd.f32 v41, v17;
	v41 =	vmul.f32 v8, v10;
	v31 =	vadd.f32 v52, v31;
	v47 =	vld [tilespmem:s0+$0x3180]  }
0x149: {  	v53 =	vmul.f32 v42, v10;
	v10 =	vmul.f32 v16, v32;
	v14 =	vadd.f32 v34, v14;
	v52 =	vld [tilespmem:s0+$0x3100]  }
0x14a: {  	v38 =	vadd.f32 v48, v38;
	v16 =	vmul.f32 v42, v32;
	v32 =	vmul.f32 v8, v32;
	v34 =	vld [tilespmem:s0+$0x3000]  }
0x14b: {  	v27 =	vadd.f32 v45, v27;
	v24 =	vmul.f32 v8, v24;
	v12 =	vadd.f32 v10, v12;
	v48 =	vld [tilespmem:s0+$0x3080]  }
0x14c: {  	v8 =	vmul.f32 v36, v18;
	v35 =	vadd.f32 v16, v35;
	v6 =	vadd.f32 v32, v6;
	s0 =	sshll.u32 s2, $0x7  }
0x14d: {  	v26 =	vadd.f32 v40, v26;
	v10 =	vmul.f32 v42, v13;
	v9 =	vadd.f32 v41, v9;
	s0 =	sand.u32 $0x3FFFFC00, s0  }
0x14e: {  	v37 =	vadd.f32 v46, v37;
	v16 =	vshrl.u32 v47, $0x10;
	s0 =	sor.u32 s30, s0;
	v13 =	vshrl.u32 v52, $0x10  }
0x14f: {  	v30 =	vadd.f32 v50, v30;
	v16 =	vand.u32 $0x1, v16;
	v13 =	vand.u32 $0x1, v13;
	v54 =	vld [tilespmem:s0+$0x280]  }
0x150: {  	v39 =	vadd.f32 v10, v39;
	v36 =	vshrl.u32 v34, $0x10;
	v16 =	vadd.s32 v16, v47;
	v18 =	vld [tilespmem:s0+$0x180]  }
0x151: {  	v28 =	vadd.f32 v51, v28;
	v40 =	vshrl.u32 v48, $0x10;
	v10 =	vadd.s32 v13, v52;
	v13 =	vld [tilespmem:s0+$0x200]  }
0x152: {  	v33 =	vadd.f32 v8, v33;
	v41 =	vadd.s32 $0x7FFF, v16;
	v32 =	vadd.s32 $0x7FFF, v10;
	v10 =	vld [tilespmem:s0+$0x100]  }
0x153: {  	v44 =	vadd.f32 v53, v44;
	v8 =	vand.u32 $0xFFFF0000, v41;
	v16 =	vand.u32 $0xFFFF0000, v32;
	v32 =	vld [tilespmem:s0+$0x380]  }
0x154: {  	v43 =	vadd.f32 v49, v43;
	v36 =	vand.u32 $0x1, v36;
	v40 =	vand.u32 $0x1, v40;
	v46 =	vld [tilespmem:s0+$0x80]  }
0x155: {  	v20 =	vadd.f32 v24, v20;
	v36 =	vadd.s32 v36, v34;
	v40 =	vadd.s32 v40, v48;
	v34 =	vld [tilespmem:s0+$0x300]  }
0x156: {  	v40 =	vadd.s32 $0x7FFF, v40;
	v24 =	vld [tilespmem:s0+$0x0];
	v41 =	vmul.f32 v16, v13;
	v45 =	vmul.f32 v8, v13  }
0x157: {  	v42 =	vadd.s32 $0x7FFF, v36;
	v36 =	vand.u32 $0xFFFF0000, v40;
	v47 =	vmul.f32 v16, v10  }
0x158: {  	v42 =	vand.u32 $0xFFFF0000, v42;
	v40 =	vmul.f32 v8, v18;
	v1 =	vadd.f32 v45, v1  }
0x159: {  	v49 =	vmul.f32 v8, v54;
	v45 =	vmul.f32 v42, v54;
	v5 =	vadd.f32 v41, v5  }
0x15a: {  	v50 =	vmul.f32 v36, v10;
	v3 =	vadd.f32 v40, v3;
	v41 =	vmul.f32 v8, v46  }
0x15b: {  	v25 =	vadd.f32 v45, v25;
	v48 =	vmul.f32 v42, v24;
	v40 =	vmul.f32 v16, v24  }
.Ltmp9:
0x15c: {  	v2 =	vadd.f32 v49, v2;
	v22 =	vadd.f32 v50, v22;
	v50 =	vmul.f32 v36, v34;
	(pc) =	sbr.rel @p0 .LBB2_21-.Ltmp9, $4  }
0x15d: {  	v49 =	vmul.f32 v42, v46;
	v11 =	vadd.f32 v47, v11;
	v52 =	vmul.f32 v8, v34  }
0x15e: {  	v51 =	vmul.f32 v36, v46;
	v45 =	vmul.f32 v36, v54;
	v19 =	vadd.f32 v50, v19  }
0x15f: {  	v47 =	vmul.f32 v16, v18;
	v29 =	vadd.f32 v49, v29;
	v50 =	vmul.f32 v16, v46  }
0x160: {  	s1 =	smov.u32 s29;
	v49 =	vmul.f32 v16, v54;
	v46 =	vmul.f32 v36, v24;
	v4 =	vadd.f32 v52, v4  }
0x161: {  	v52 =	vmul.f32 v42, v10;
	v38 =	vadd.f32 v48, v38  }
0x162: {  	v60 =	vmul.f32 v42, v18  }
0x163: {  	v61 =	vmul.f32 v42, v13;
	v44 =	vadd.f32 v52, v44;
	(xrf2) =	vadd.scan.msk.f32 $0xffff, v38  }
0x164: {  	v62 =	vadd.f32 v60, v43;
	(xrf2) =	vadd.scan.msk.f32 $0xffff, v29  }
0x165: {  	v39 =	vadd.f32 v61, v39;
	v29 =	vmul.f32 v42, v34;
	(xrf2) =	vadd.scan.msk.f32 $0xffff, v44  }
0x166: {  	v63 =	vmul.f32 v42, v32;
	(xrf2) =	vadd.scan.msk.f32 $0xffff, v62  }
0x167: {  	v29 =	vadd.f32 v29, v31;
	(xrf2) =	vadd.scan.msk.f32 $0xffff, v39  }
0x168: {  	v31 =	vadd.f32 v63, v35;
	(xrf2) =	vadd.scan.msk.f32 $0xffff, v25  }
0x169: {  	v13 =	vmul.f32 v36, v13;
	v25 =	vadd.f32 v46, v37;
	(xrf2) =	vadd.scan.msk.f32 $0xffff, v29  }
0x16a: {  	v7 =	vadd.f32 v51, v7;
	v18 =	vmul.f32 v36, v18;
	(xrf2) =	vadd.scan.msk.f32 $0xffff, v31  }
0x16b: {  	(xrf2) =	vadd.scan.msk.f32 $0xffff, v25  }
0x16c: {  	v18 =	vadd.f32 v18, v33;
	(xrf2) =	vadd.scan.msk.f32 $0xffff, v7  }
0x16d: {  	v7 =	vadd.f32 v13, v30;
	v13, _, _ =	vpop (xrf2);
	(xrf2) =	vadd.scan.msk.f32 $0xffff, v22;
	v22 =	vmul.f32 v36, v32;
	_ =	sdelay $0x1  }
0x16e: {  	v25 =	vadd.f32 v45, v27;
	v27, _, _ =	vpop (xrf2);
	(xrf2) =	vadd.scan.msk.f32 $0xffff, v18  }
0x16f: {  	v18, _, _ =	vpop (xrf2);
	(xrf2) =	vadd.scan.msk.f32 $0xffff, v7;
	v7 =	vadd.f32 v22, v28  }
0x170: {  	v22, _, _ =	vpop (xrf2);
	(xrf2) =	vadd.scan.msk.f32 $0xffff, v25;
	v25 =	vadd.f32 v40, v26  }
0x171: {  	v26, _, _ =	vpop (xrf2);
	(xrf2) =	vadd.scan.msk.f32 $0xffff, v19  }
0x172: {  	v19 =	vadd.f32 v50, v23;
	v23, _, _ =	vpop (xrf2);
	(xrf2) =	vadd.scan.msk.f32 $0xffff, v7  }
0x173: {  	v7, _, _ =	vpop (xrf2);
	(xrf2) =	vadd.scan.msk.f32 $0xffff, v25  }
0x174: {  	v21 =	vadd.f32 v47, v21;
	v25, _, _ =	vpop (xrf2);
	(xrf2) =	vadd.scan.msk.f32 $0xffff, v19;
	v19 =	vmul.f32 v16, v34  }
0x175: {  	v16 =	vmul.f32 v16, v32  }
0x176: {  	v28, _, _ =	vpop (xrf2);
	(xrf2) =	vadd.scan.msk.f32 $0xffff, v11;
	v14 =	vadd.f32 v19, v14;
	v19 =	vmul.f32 v8, v24  }
0x177: {  	v13 =	vbroadcast v13, $0xF;
	v11 =	vadd.f32 v49, v15;
	v15 =	vadd.f32 v41, v17;
	v17, _, _ =	vpop (xrf2);
	(xrf2) =	vadd.scan.msk.f32 $0xffff, v21  }
0x178: {  	v21, _, _ =	vpop (xrf2);
	(xrf2) =	vadd.scan.msk.f32 $0xffff, v5;
	v5 =	vmul.f32 v8, v10;
	v10 =	vadd.f32 v16, v12;
	v12 =	vbroadcast v27, $0xF  }
0x179: {  	v13 =	vnsel vm0, $0x0, v13;
	v18 =	vbroadcast v18, $0xF;
	v16, _, _ =	vpop (xrf2);
	(xrf2) =	vadd.scan.msk.f32 $0xffff, v11  }
0x17a: {  	v11 =	vadd.f32 v19, v20;
	v12 =	vsel vm1, v13, v12;
	v13 =	vbroadcast v22, $0xF;
	v19, _, _ =	vpop (xrf2);
	(xrf2) =	vadd.scan.msk.f32 $0xffff, v14  }
0x17b: {  	v5 =	vadd.f32 v5, v9;
	v9 =	vsel vm2, v12, v18;
	v14, _, _ =	vpop (xrf2);
	(xrf2) =	vadd.scan.msk.f32 $0xffff, v10;
	v10 =	vbroadcast v26, $0xF  }
0x17c: {  	v8 =	vmul.f32 v8, v32;
	v9 =	vsel vm3, v9, v13;
	v13 =	vbroadcast v28, $0xF  }
0x17d: {  	v12, _, _ =	vpop (xrf2);
	(xrf2) =	vadd.scan.msk.f32 $0xffff, v11;
	v11 =	vbroadcast v23, $0xF  }
0x17e: {  	v6 =	vadd.f32 v8, v6;
	v18, _, _ =	vpop (xrf2);
	(xrf2) =	vadd.scan.msk.f32 $0xffff, v15;
	v8 =	vsel vm4, v9, v10;
	v9 =	vbroadcast v17, $0xF  }
0x17f: {  	v10, _, _ =	vpop (xrf2);
	(xrf2) =	vadd.scan.msk.f32 $0xffff, v5;
	v5 =	vsel vm5, v8, v11;
	v8 =	vnsel vm0, $0x0, v13;
	v11 =	vbroadcast v21, $0xF  }
0x180: {  	v13, _, _ =	vpop (xrf2);
	(xrf2) =	vadd.scan.msk.f32 $0xffff, v3;
	v3 =	vbroadcast v7, $0xF;
	v7 =	vsel vm1, v8, v9  }
0x181: {  	v7 =	vsel vm2, v7, v11  }
0x182: {  	v8 =	vbroadcast v16, $0xF;
	v9, _, _ =	vpop (xrf2);
	(xrf2) =	vadd.scan.msk.f32 $0xffff, v1  }
0x183: {  	v1 =	vbroadcast v25, $0xF;
	v11 =	vbroadcast v19, $0xF;
	v15, _, _ =	vpop (xrf2);
	(xrf2) =	vadd.scan.msk.f32 $0xffff, v2;
	v2 =	vsel vm6, v5, v3  }
0x184: {  	v3 =	vsel vm3, v7, v8;
	v5 =	vbroadcast v14, $0xF;
	v8 =	vbroadcast v13, $0xF;
	v7, _, _ =	vpop (xrf2);
	(xrf2) =	vadd.scan.msk.f32 $0xffff, v4  }
0x185: {  	v1 =	vsel vm7, v2, v1;
	v2 =	vsel vm4, v3, v11;
	v3 =	vbroadcast v10, $0xF;
	v4, _, _ =	vpop (xrf2);
	(xrf2) =	vadd.scan.msk.f32 $0xffff, v6  }
0x186: {  	v11 =	vbroadcast v18, $0xF;
	v2 =	vsel vm5, v2, v5;
	v5 =	vbroadcast v12, $0xF;
	v6, _, _ =	vpop (xrf2)  }
0x187: {  	v9 =	vbroadcast v9, $0xF;
	v3 =	vnsel vm0, $0x0, v3;
	v10, _, _ =	vpop (xrf2)  }
0x188: {  	v2 =	vsel vm6, v2, v5;
	v3 =	vsel vm1, v3, v8;
	v5 =	vbroadcast v15, $0xF;
	v12, _, _ =	vpop (xrf2)  }
0x189: {  	v2 =	vsel vm7, v2, v11;
	v3 =	vsel vm2, v3, v9;
	v8, _, _ =	vpop (xrf2);
	v9 =	vbroadcast v12, $0xF  }
0x18a: {  	v3 =	vsel vm3, v3, v5;
	v5 =	vbroadcast v7, $0xF;
	v11, _, _ =	vpop (xrf2);
	v7 =	vbroadcast v8, $0xF  }
0x18b: {  	v4 =	vbroadcast v4, $0xF;
	v8, _, _ =	vpop (xrf2);
	v9 =	vnsel vm0, $0x0, v9;
	v11 =	vbroadcast v11, $0xF  }
0x18c: {  	v3 =	vsel vm4, v3, v5;
	v12, _, _ =	vpop (xrf2);
	v5 =	vsel vm1, v9, v7;
	v7 =	vbroadcast v8, $0xF  }
0x18d: {  	v3 =	vsel vm5, v3, v4;
	v8, _, _ =	vpop (xrf2);
	v4 =	vsel vm2, v5, v11;
	v5 =	vbroadcast v12, $0xF  }
0x18e: {  	v6 =	vbroadcast v6, $0xF;
	v9, _, _ =	vpop (xrf2);
	v4 =	vsel vm3, v4, v7;
	v7 =	vbroadcast v8, $0xF  }
0x18f: {  	v8 =	vbroadcast v10, $0xF;
	v4 =	vsel vm4, v4, v5;
	v5 =	vbroadcast v9, $0xF;
	v9, _, _ =	vpop (xrf2)  }
0x190: {  	[tilespmem:$0x6200] =	vst v1;
	v1 =	vsel vm6, v3, v6;
	v3 =	vsel vm5, v4, v7;
	v4 =	vbroadcast v9, $0xF  }
0x191: {  	s28 =	simm.s32 $0x0;
	s0 =	simm.s32 $0x0;
	[tilespmem:$0x6280] =	vst v2;
	v1 =	vsel vm7, v1, v8;
	v2 =	vsel vm6, v3, v5  }
0x192: {  	s1 =	sand.u32 $0x70, s28;
	s0 =	sand.u32 $0x3FFFFE00, s0;
	[tilespmem:$0x6300] =	vst v1;
	v1 =	vsel vm7, v2, v4  }
0x193: {  	s0 =	sor.u32 s1, s0;
	[tilespmem:$0x6380] =	vst v1  }
0x194: {  	v38 =	vimm.f32 $0.0e+00;
	v33 =	vimm.f32 $0.0e+00;
	v2 =	vld [tilespmem:s0+$0x4100]  }
0x195: {  	v43 =	vimm.f32 $0.0e+00;
	v44 =	vimm.f32 $0.0e+00;
	v35 =	vimm.f32 $0.0e+00;
	v1 =	vld [tilespmem:s0+$0x4180]  }
0x196: {  	s31 =	simm.s32 $0x0;
	v39 =	vimm.f32 $0.0e+00;
	v37 =	vimm.f32 $0.0e+00;
	v31 =	vimm.f32 $0.0e+00;
	v3 =	vld [tilespmem:s0+$0x4000]  }
0x197: {  	v30 =	vimm.f32 $0.0e+00;
	v27 =	vimm.f32 $0.0e+00;
	v20 =	vimm.f32 $0.0e+00;
	v4 =	vld [tilespmem:s0+$0x4080];
	s0 =	sand.u32 $0x3FFFFC00, s31  }
0x198: {  	v26 =	vimm.f32 $0.0e+00;
	v28 =	vimm.f32 $0.0e+00;
	v23 =	vimm.f32 $0.0e+00;
	s29 =	sor.u32 s1, s0  }
0x199: {  	v17 =	vimm.f32 $0.0e+00;
	v21 =	vimm.f32 $0.0e+00;
	v13 =	vld [tilespmem:s29+$0x200];
	v5 =	vshrl.u32 v2, $0x10  }
0x19a: {  	v15 =	vimm.f32 $0.0e+00;
	v10 =	vld [tilespmem:s29+$0x100];
	v6 =	vshrl.u32 v1, $0x10;
	v5 =	vand.u32 $0x1, v5  }
0x19b: {  	v9 =	vld [tilespmem:s29+$0x80];
	v8 =	vshrl.u32 v3, $0x10;
	v6 =	vand.u32 $0x1, v6;
	v2 =	vadd.s32 v5, v2  }
0x19c: {  	v24 =	vld [tilespmem:s29+$0x0];
	v1 =	vadd.s32 v6, v1;
	v5 =	vshrl.u32 v4, $0x10;
	v2 =	vadd.s32 $0x7FFF, v2  }
0x19d: {  	v18 =	vld [tilespmem:s29+$0x180];
	v1 =	vadd.s32 $0x7FFF, v1;
	v16 =	vand.u32 $0xFFFF0000, v2;
	v2 =	vand.u32 $0x1, v8  }
0x19e: {  	v6 =	vld [tilespmem:s29+$0x280];
	v5 =	vand.u32 $0x1, v5;
	v8 =	vand.u32 $0xFFFF0000, v1;
	v1 =	vadd.s32 v2, v3  }
0x19f: {  	v2 =	vadd.s32 v5, v4;
	v3 =	vmul.f32 v16, v13;
	v4 =	vmul.f32 v8, v13  }
0x1a0: {  	v7 =	vimm.f32 $0.0e+00;
	v11 =	vmul.f32 v16, v10;
	v41 =	vmul.f32 v8, v9  }
0x1a1: {  	v40 =	vmul.f32 v16, v24;
	v50 =	vmul.f32 v16, v9;
	v2 =	vadd.s32 $0x7FFF, v2  }
0x1a2: {  	v47 =	vmul.f32 v16, v18;
	v1 =	vadd.s32 $0x7FFF, v1;
	v36 =	vand.u32 $0xFFFF0000, v2  }
0x1a3: {  	v42 =	vand.u32 $0xFFFF0000, v1;
	v2 =	vmul.f32 v8, v18;
	v12 =	vmul.f32 v8, v6  }
0x1a4: {  	v34 =	vld [tilespmem:s29+$0x300];
	v1 =	vadd.f32 v4, v7;
	v49 =	vmul.f32 v16, v6;
	v4 =	vmul.f32 v42, v6  }
0x1a5: {  	v5 =	vadd.f32 v3, v7;
	v14 =	vmul.f32 v36, v10;
	v48 =	vmul.f32 v42, v24  }
0x1a6: {  	v11 =	vadd.f32 v11, v7;
	v51 =	vmul.f32 v36, v9;
	v45 =	vmul.f32 v36, v6  }
0x1a7: {  	v46 =	vmul.f32 v36, v24;
	v6 =	vimm.f32 $0.0e+00;
	v3 =	vadd.f32 v2, v7  }
0x1a8: {  	v32 =	vld [tilespmem:s29+$0x380];
	v2 =	vadd.f32 v12, v7;
	v12 =	vmul.f32 v42, v9;
	v25 =	vadd.f32 v4, v7  }
0x1a9: {  	v22 =	vadd.f32 v14, v7;
	v4 =	vmul.f32 v36, v34;
	v14 =	vmul.f32 v8, v34  }
0x1aa: {  	v9 =	vimm.f32 $0.0e+00;
	v29 =	vadd.f32 v12, v7;
	v12 =	vimm.f32 $0.0e+00  }
0x1ab: {  	s1 =	simm.s32 $0x1;
	v19 =	vadd.f32 v4, v7;
	v4 =	vadd.f32 v14, v7;
	v14 =	vimm.f32 $0.0e+00  }
.LBB2_23:
0x1ac: {  	s0 =	sshll.u32 s1, $0x6  }
0x1ad: {  	v52 =	vmul.f32 v42, v34;
	v7 =	vadd.f32 v51, v7;
	v51 =	vmul.f32 v36, v32;
	s28 =	sadd.s32 $0x10, s28;
	s2 =	smov.u32 s1;
	s29 =	sadd.s32 $0x1, s1  }
0x1ae: {  	p0 =	sne.s32 s1, $0x3F;
	v23 =	vadd.f32 v50, v23;
	v34 =	vmul.f32 v16, v34;
	s30 =	sand.u32 $0x70, s28;
	s0 =	sand.u32 $0x3FFFFE00, s0;
	v15 =	vadd.f32 v49, v15  }
0x1af: {  	v50 =	vmul.f32 v36, v13;
	v21 =	vadd.f32 v47, v21;
	v49 =	vmul.f32 v42, v18;
	s0 =	sor.u32 s30, s0  }
0x1b0: {  	v17 =	vadd.f32 v41, v17;
	v41 =	vmul.f32 v8, v10;
	v31 =	vadd.f32 v52, v31;
	v47 =	vld [tilespmem:s0+$0x4180]  }
0x1b1: {  	v53 =	vmul.f32 v42, v10;
	v10 =	vmul.f32 v16, v32;
	v14 =	vadd.f32 v34, v14;
	v52 =	vld [tilespmem:s0+$0x4100]  }
0x1b2: {  	v38 =	vadd.f32 v48, v38;
	v16 =	vmul.f32 v42, v32;
	v32 =	vmul.f32 v8, v32;
	v34 =	vld [tilespmem:s0+$0x4000]  }
0x1b3: {  	v27 =	vadd.f32 v45, v27;
	v24 =	vmul.f32 v8, v24;
	v12 =	vadd.f32 v10, v12;
	v48 =	vld [tilespmem:s0+$0x4080]  }
0x1b4: {  	v8 =	vmul.f32 v36, v18;
	v35 =	vadd.f32 v16, v35;
	v6 =	vadd.f32 v32, v6;
	s0 =	sshll.u32 s2, $0x7  }
0x1b5: {  	v26 =	vadd.f32 v40, v26;
	v10 =	vmul.f32 v42, v13;
	v9 =	vadd.f32 v41, v9;
	s0 =	sand.u32 $0x3FFFFC00, s0  }
0x1b6: {  	v37 =	vadd.f32 v46, v37;
	v16 =	vshrl.u32 v47, $0x10;
	s0 =	sor.u32 s30, s0;
	v13 =	vshrl.u32 v52, $0x10  }
0x1b7: {  	v30 =	vadd.f32 v50, v30;
	v16 =	vand.u32 $0x1, v16;
	v13 =	vand.u32 $0x1, v13;
	v54 =	vld [tilespmem:s0+$0x280]  }
0x1b8: {  	v39 =	vadd.f32 v10, v39;
	v36 =	vshrl.u32 v34, $0x10;
	v16 =	vadd.s32 v16, v47;
	v18 =	vld [tilespmem:s0+$0x180]  }
0x1b9: {  	v28 =	vadd.f32 v51, v28;
	v40 =	vshrl.u32 v48, $0x10;
	v10 =	vadd.s32 v13, v52;
	v13 =	vld [tilespmem:s0+$0x200]  }
0x1ba: {  	v33 =	vadd.f32 v8, v33;
	v41 =	vadd.s32 $0x7FFF, v16;
	v32 =	vadd.s32 $0x7FFF, v10;
	v10 =	vld [tilespmem:s0+$0x100]  }
0x1bb: {  	v44 =	vadd.f32 v53, v44;
	v8 =	vand.u32 $0xFFFF0000, v41;
	v16 =	vand.u32 $0xFFFF0000, v32;
	v32 =	vld [tilespmem:s0+$0x380]  }
0x1bc: {  	v43 =	vadd.f32 v49, v43;
	v36 =	vand.u32 $0x1, v36;
	v40 =	vand.u32 $0x1, v40;
	v46 =	vld [tilespmem:s0+$0x80]  }
0x1bd: {  	v20 =	vadd.f32 v24, v20;
	v36 =	vadd.s32 v36, v34;
	v40 =	vadd.s32 v40, v48;
	v34 =	vld [tilespmem:s0+$0x300]  }
0x1be: {  	v40 =	vadd.s32 $0x7FFF, v40;
	v24 =	vld [tilespmem:s0+$0x0];
	v41 =	vmul.f32 v16, v13;
	v45 =	vmul.f32 v8, v13  }
0x1bf: {  	v42 =	vadd.s32 $0x7FFF, v36;
	v36 =	vand.u32 $0xFFFF0000, v40;
	v47 =	vmul.f32 v16, v10  }
0x1c0: {  	v42 =	vand.u32 $0xFFFF0000, v42;
	v40 =	vmul.f32 v8, v18;
	v1 =	vadd.f32 v45, v1  }
0x1c1: {  	v49 =	vmul.f32 v8, v54;
	v45 =	vmul.f32 v42, v54;
	v5 =	vadd.f32 v41, v5  }
0x1c2: {  	v50 =	vmul.f32 v36, v10;
	v3 =	vadd.f32 v40, v3;
	v41 =	vmul.f32 v8, v46  }
0x1c3: {  	v25 =	vadd.f32 v45, v25;
	v48 =	vmul.f32 v42, v24;
	v40 =	vmul.f32 v16, v24  }
.Ltmp10:
0x1c4: {  	v2 =	vadd.f32 v49, v2;
	v22 =	vadd.f32 v50, v22;
	v50 =	vmul.f32 v36, v34;
	(pc) =	sbr.rel @p0 .LBB2_23-.Ltmp10, $4  }
0x1c5: {  	v49 =	vmul.f32 v42, v46;
	v11 =	vadd.f32 v47, v11;
	v52 =	vmul.f32 v8, v34  }
0x1c6: {  	v51 =	vmul.f32 v36, v46;
	v45 =	vmul.f32 v36, v54;
	v19 =	vadd.f32 v50, v19  }
0x1c7: {  	v47 =	vmul.f32 v16, v18;
	v29 =	vadd.f32 v49, v29;
	v50 =	vmul.f32 v16, v46  }
0x1c8: {  	s1 =	smov.u32 s29;
	v49 =	vmul.f32 v16, v54;
	v46 =	vmul.f32 v36, v24;
	v4 =	vadd.f32 v52, v4  }
0x1c9: {  	v52 =	vmul.f32 v42, v10;
	v38 =	vadd.f32 v48, v38  }
0x1ca: {  	v60 =	vmul.f32 v42, v18  }
0x1cb: {  	v61 =	vmul.f32 v42, v13;
	v44 =	vadd.f32 v52, v44;
	(xrf2) =	vadd.scan.msk.f32 $0xffff, v38  }
0x1cc: {  	v62 =	vadd.f32 v60, v43;
	(xrf2) =	vadd.scan.msk.f32 $0xffff, v29  }
0x1cd: {  	v39 =	vadd.f32 v61, v39;
	v29 =	vmul.f32 v42, v34;
	(xrf2) =	vadd.scan.msk.f32 $0xffff, v44  }
0x1ce: {  	v63 =	vmul.f32 v42, v32;
	(xrf2) =	vadd.scan.msk.f32 $0xffff, v62  }
0x1cf: {  	v29 =	vadd.f32 v29, v31;
	(xrf2) =	vadd.scan.msk.f32 $0xffff, v39  }
0x1d0: {  	v31 =	vadd.f32 v63, v35;
	(xrf2) =	vadd.scan.msk.f32 $0xffff, v25  }
0x1d1: {  	v13 =	vmul.f32 v36, v13;
	v25 =	vadd.f32 v46, v37;
	(xrf2) =	vadd.scan.msk.f32 $0xffff, v29  }
0x1d2: {  	v7 =	vadd.f32 v51, v7;
	v18 =	vmul.f32 v36, v18;
	(xrf2) =	vadd.scan.msk.f32 $0xffff, v31  }
0x1d3: {  	(xrf2) =	vadd.scan.msk.f32 $0xffff, v25  }
0x1d4: {  	v18 =	vadd.f32 v18, v33;
	(xrf2) =	vadd.scan.msk.f32 $0xffff, v7  }
0x1d5: {  	v7 =	vadd.f32 v13, v30;
	v13, _, _ =	vpop (xrf2);
	(xrf2) =	vadd.scan.msk.f32 $0xffff, v22;
	v22 =	vmul.f32 v36, v32;
	_ =	sdelay $0x1  }
0x1d6: {  	v25 =	vadd.f32 v45, v27;
	v27, _, _ =	vpop (xrf2);
	(xrf2) =	vadd.scan.msk.f32 $0xffff, v18  }
0x1d7: {  	v18, _, _ =	vpop (xrf2);
	(xrf2) =	vadd.scan.msk.f32 $0xffff, v7;
	v7 =	vadd.f32 v22, v28  }
0x1d8: {  	v22, _, _ =	vpop (xrf2);
	(xrf2) =	vadd.scan.msk.f32 $0xffff, v25;
	v25 =	vadd.f32 v40, v26  }
0x1d9: {  	v26, _, _ =	vpop (xrf2);
	(xrf2) =	vadd.scan.msk.f32 $0xffff, v19  }
0x1da: {  	v19 =	vadd.f32 v50, v23;
	v23, _, _ =	vpop (xrf2);
	(xrf2) =	vadd.scan.msk.f32 $0xffff, v7  }
0x1db: {  	v7, _, _ =	vpop (xrf2);
	(xrf2) =	vadd.scan.msk.f32 $0xffff, v25  }
0x1dc: {  	v21 =	vadd.f32 v47, v21;
	v25, _, _ =	vpop (xrf2);
	(xrf2) =	vadd.scan.msk.f32 $0xffff, v19;
	v19 =	vmul.f32 v16, v34  }
0x1dd: {  	v16 =	vmul.f32 v16, v32  }
0x1de: {  	v28, _, _ =	vpop (xrf2);
	(xrf2) =	vadd.scan.msk.f32 $0xffff, v11;
	v14 =	vadd.f32 v19, v14;
	v19 =	vmul.f32 v8, v24  }
0x1df: {  	v13 =	vbroadcast v13, $0xF;
	v11 =	vadd.f32 v49, v15;
	v15 =	vadd.f32 v41, v17;
	v17, _, _ =	vpop (xrf2);
	(xrf2) =	vadd.scan.msk.f32 $0xffff, v21  }
0x1e0: {  	v21, _, _ =	vpop (xrf2);
	(xrf2) =	vadd.scan.msk.f32 $0xffff, v5;
	v5 =	vmul.f32 v8, v10;
	v10 =	vadd.f32 v16, v12;
	v12 =	vbroadcast v27, $0xF  }
0x1e1: {  	v13 =	vnsel vm0, $0x0, v13;
	v18 =	vbroadcast v18, $0xF;
	v16, _, _ =	vpop (xrf2);
	(xrf2) =	vadd.scan.msk.f32 $0xffff, v11  }
0x1e2: {  	v11 =	vadd.f32 v19, v20;
	v12 =	vsel vm1, v13, v12;
	v13 =	vbroadcast v22, $0xF;
	v19, _, _ =	vpop (xrf2);
	(xrf2) =	vadd.scan.msk.f32 $0xffff, v14  }
0x1e3: {  	v5 =	vadd.f32 v5, v9;
	v9 =	vsel vm2, v12, v18;
	v14, _, _ =	vpop (xrf2);
	(xrf2) =	vadd.scan.msk.f32 $0xffff, v10;
	v10 =	vbroadcast v26, $0xF  }
0x1e4: {  	v8 =	vmul.f32 v8, v32;
	v9 =	vsel vm3, v9, v13;
	v13 =	vbroadcast v28, $0xF  }
0x1e5: {  	v12, _, _ =	vpop (xrf2);
	(xrf2) =	vadd.scan.msk.f32 $0xffff, v11;
	v11 =	vbroadcast v23, $0xF  }
0x1e6: {  	v6 =	vadd.f32 v8, v6;
	v18, _, _ =	vpop (xrf2);
	(xrf2) =	vadd.scan.msk.f32 $0xffff, v15;
	v8 =	vsel vm4, v9, v10;
	v9 =	vbroadcast v17, $0xF  }
0x1e7: {  	v10, _, _ =	vpop (xrf2);
	(xrf2) =	vadd.scan.msk.f32 $0xffff, v5;
	v5 =	vsel vm5, v8, v11;
	v8 =	vnsel vm0, $0x0, v13;
	v11 =	vbroadcast v21, $0xF  }
0x1e8: {  	v13, _, _ =	vpop (xrf2);
	(xrf2) =	vadd.scan.msk.f32 $0xffff, v3;
	v3 =	vbroadcast v7, $0xF;
	v7 =	vsel vm1, v8, v9  }
0x1e9: {  	v7 =	vsel vm2, v7, v11  }
0x1ea: {  	v8 =	vbroadcast v16, $0xF;
	v9, _, _ =	vpop (xrf2);
	(xrf2) =	vadd.scan.msk.f32 $0xffff, v1  }
0x1eb: {  	v1 =	vbroadcast v25, $0xF;
	v11 =	vbroadcast v19, $0xF;
	v15, _, _ =	vpop (xrf2);
	(xrf2) =	vadd.scan.msk.f32 $0xffff, v2;
	v2 =	vsel vm6, v5, v3  }
0x1ec: {  	v3 =	vsel vm3, v7, v8;
	v5 =	vbroadcast v14, $0xF;
	v8 =	vbroadcast v13, $0xF;
	v7, _, _ =	vpop (xrf2);
	(xrf2) =	vadd.scan.msk.f32 $0xffff, v4  }
0x1ed: {  	v1 =	vsel vm7, v2, v1;
	v2 =	vsel vm4, v3, v11;
	v3 =	vbroadcast v10, $0xF;
	v4, _, _ =	vpop (xrf2);
	(xrf2) =	vadd.scan.msk.f32 $0xffff, v6  }
0x1ee: {  	v11 =	vbroadcast v18, $0xF;
	v2 =	vsel vm5, v2, v5;
	v5 =	vbroadcast v12, $0xF;
	v6, _, _ =	vpop (xrf2)  }
0x1ef: {  	v9 =	vbroadcast v9, $0xF;
	v3 =	vnsel vm0, $0x0, v3;
	v10, _, _ =	vpop (xrf2)  }
0x1f0: {  	v2 =	vsel vm6, v2, v5;
	v3 =	vsel vm1, v3, v8;
	v5 =	vbroadcast v15, $0xF;
	v12, _, _ =	vpop (xrf2)  }
0x1f1: {  	v2 =	vsel vm7, v2, v11;
	v3 =	vsel vm2, v3, v9;
	v8, _, _ =	vpop (xrf2);
	v9 =	vbroadcast v12, $0xF  }
0x1f2: {  	v3 =	vsel vm3, v3, v5;
	v5 =	vbroadcast v7, $0xF;
	v11, _, _ =	vpop (xrf2);
	v7 =	vbroadcast v8, $0xF  }
0x1f3: {  	v4 =	vbroadcast v4, $0xF;
	v8, _, _ =	vpop (xrf2);
	v9 =	vnsel vm0, $0x0, v9;
	v11 =	vbroadcast v11, $0xF  }
0x1f4: {  	v3 =	vsel vm4, v3, v5;
	v12, _, _ =	vpop (xrf2);
	v5 =	vsel vm1, v9, v7;
	v7 =	vbroadcast v8, $0xF  }
0x1f5: {  	v3 =	vsel vm5, v3, v4;
	v8, _, _ =	vpop (xrf2);
	v4 =	vsel vm2, v5, v11;
	v5 =	vbroadcast v12, $0xF  }
0x1f6: {  	v6 =	vbroadcast v6, $0xF;
	v9, _, _ =	vpop (xrf2);
	v4 =	vsel vm3, v4, v7;
	v7 =	vbroadcast v8, $0xF  }
0x1f7: {  	v8 =	vbroadcast v10, $0xF;
	v4 =	vsel vm4, v4, v5;
	v5 =	vbroadcast v9, $0xF;
	v9, _, _ =	vpop (xrf2)  }
0x1f8: {  	[tilespmem:$0x6400] =	vst v1;
	v1 =	vsel vm6, v3, v6;
	v3 =	vsel vm5, v4, v7;
	v4 =	vbroadcast v9, $0xF  }
0x1f9: {  	s28 =	simm.s32 $0x0;
	s0 =	simm.s32 $0x0;
	[tilespmem:$0x6480] =	vst v2;
	v1 =	vsel vm7, v1, v8;
	v2 =	vsel vm6, v3, v5  }
0x1fa: {  	s1 =	sand.u32 $0x70, s28;
	s0 =	sand.u32 $0x3FFFFE00, s0;
	[tilespmem:$0x6500] =	vst v1;
	v1 =	vsel vm7, v2, v4  }
0x1fb: {  	s0 =	sor.u32 s1, s0;
	[tilespmem:$0x6580] =	vst v1  }
0x1fc: {  	v38 =	vimm.f32 $0.0e+00;
	v33 =	vimm.f32 $0.0e+00;
	v2 =	vld [tilespmem:s0+$0x5100]  }
0x1fd: {  	v43 =	vimm.f32 $0.0e+00;
	v44 =	vimm.f32 $0.0e+00;
	v35 =	vimm.f32 $0.0e+00;
	v1 =	vld [tilespmem:s0+$0x5180]  }
0x1fe: {  	s31 =	simm.s32 $0x0;
	v39 =	vimm.f32 $0.0e+00;
	v37 =	vimm.f32 $0.0e+00;
	v31 =	vimm.f32 $0.0e+00;
	v3 =	vld [tilespmem:s0+$0x5000]  }
0x1ff: {  	v30 =	vimm.f32 $0.0e+00;
	v27 =	vimm.f32 $0.0e+00;
	v20 =	vimm.f32 $0.0e+00;
	v4 =	vld [tilespmem:s0+$0x5080];
	s0 =	sand.u32 $0x3FFFFC00, s31  }
0x200: {  	v26 =	vimm.f32 $0.0e+00;
	v28 =	vimm.f32 $0.0e+00;
	v23 =	vimm.f32 $0.0e+00;
	s29 =	sor.u32 s1, s0  }
0x201: {  	v17 =	vimm.f32 $0.0e+00;
	v21 =	vimm.f32 $0.0e+00;
	v13 =	vld [tilespmem:s29+$0x200];
	v5 =	vshrl.u32 v2, $0x10  }
0x202: {  	v15 =	vimm.f32 $0.0e+00;
	v10 =	vld [tilespmem:s29+$0x100];
	v6 =	vshrl.u32 v1, $0x10;
	v5 =	vand.u32 $0x1, v5  }
0x203: {  	v9 =	vld [tilespmem:s29+$0x80];
	v8 =	vshrl.u32 v3, $0x10;
	v6 =	vand.u32 $0x1, v6;
	v2 =	vadd.s32 v5, v2  }
0x204: {  	v24 =	vld [tilespmem:s29+$0x0];
	v1 =	vadd.s32 v6, v1;
	v5 =	vshrl.u32 v4, $0x10;
	v2 =	vadd.s32 $0x7FFF, v2  }
0x205: {  	v18 =	vld [tilespmem:s29+$0x180];
	v1 =	vadd.s32 $0x7FFF, v1;
	v16 =	vand.u32 $0xFFFF0000, v2;
	v2 =	vand.u32 $0x1, v8  }
0x206: {  	v6 =	vld [tilespmem:s29+$0x280];
	v5 =	vand.u32 $0x1, v5;
	v8 =	vand.u32 $0xFFFF0000, v1;
	v1 =	vadd.s32 v2, v3  }
0x207: {  	v2 =	vadd.s32 v5, v4;
	v3 =	vmul.f32 v16, v13;
	v4 =	vmul.f32 v8, v13  }
0x208: {  	v7 =	vimm.f32 $0.0e+00;
	v11 =	vmul.f32 v16, v10;
	v41 =	vmul.f32 v8, v9  }
0x209: {  	v40 =	vmul.f32 v16, v24;
	v50 =	vmul.f32 v16, v9;
	v2 =	vadd.s32 $0x7FFF, v2  }
0x20a: {  	v47 =	vmul.f32 v16, v18;
	v1 =	vadd.s32 $0x7FFF, v1;
	v36 =	vand.u32 $0xFFFF0000, v2  }
0x20b: {  	v42 =	vand.u32 $0xFFFF0000, v1;
	v2 =	vmul.f32 v8, v18;
	v12 =	vmul.f32 v8, v6  }
0x20c: {  	v34 =	vld [tilespmem:s29+$0x300];
	v1 =	vadd.f32 v4, v7;
	v49 =	vmul.f32 v16, v6;
	v4 =	vmul.f32 v42, v6  }
0x20d: {  	v5 =	vadd.f32 v3, v7;
	v14 =	vmul.f32 v36, v10;
	v48 =	vmul.f32 v42, v24  }
0x20e: {  	v11 =	vadd.f32 v11, v7;
	v51 =	vmul.f32 v36, v9;
	v45 =	vmul.f32 v36, v6  }
0x20f: {  	v46 =	vmul.f32 v36, v24;
	v6 =	vimm.f32 $0.0e+00;
	v3 =	vadd.f32 v2, v7  }
0x210: {  	v32 =	vld [tilespmem:s29+$0x380];
	v2 =	vadd.f32 v12, v7;
	v12 =	vmul.f32 v42, v9;
	v25 =	vadd.f32 v4, v7  }
0x211: {  	v22 =	vadd.f32 v14, v7;
	v4 =	vmul.f32 v36, v34;
	v14 =	vmul.f32 v8, v34  }
0x212: {  	v9 =	vimm.f32 $0.0e+00;
	v29 =	vadd.f32 v12, v7;
	v12 =	vimm.f32 $0.0e+00  }
0x213: {  	s1 =	simm.s32 $0x1;
	v19 =	vadd.f32 v4, v7;
	v4 =	vadd.f32 v14, v7;
	v14 =	vimm.f32 $0.0e+00  }
.LBB2_25:
0x214: {  	s0 =	sshll.u32 s1, $0x6  }
0x215: {  	v52 =	vmul.f32 v42, v34;
	v7 =	vadd.f32 v51, v7;
	v51 =	vmul.f32 v36, v32;
	s28 =	sadd.s32 $0x10, s28;
	s2 =	smov.u32 s1;
	s29 =	sadd.s32 $0x1, s1  }
0x216: {  	p0 =	sne.s32 s1, $0x3F;
	v23 =	vadd.f32 v50, v23;
	v34 =	vmul.f32 v16, v34;
	s30 =	sand.u32 $0x70, s28;
	s0 =	sand.u32 $0x3FFFFE00, s0;
	v15 =	vadd.f32 v49, v15  }
0x217: {  	v50 =	vmul.f32 v36, v13;
	v21 =	vadd.f32 v47, v21;
	v49 =	vmul.f32 v42, v18;
	s0 =	sor.u32 s30, s0  }
0x218: {  	v17 =	vadd.f32 v41, v17;
	v41 =	vmul.f32 v8, v10;
	v31 =	vadd.f32 v52, v31;
	v47 =	vld [tilespmem:s0+$0x5180]  }
0x219: {  	v53 =	vmul.f32 v42, v10;
	v10 =	vmul.f32 v16, v32;
	v14 =	vadd.f32 v34, v14;
	v52 =	vld [tilespmem:s0+$0x5100]  }
0x21a: {  	v38 =	vadd.f32 v48, v38;
	v16 =	vmul.f32 v42, v32;
	v32 =	vmul.f32 v8, v32;
	v34 =	vld [tilespmem:s0+$0x5000]  }
0x21b: {  	v27 =	vadd.f32 v45, v27;
	v24 =	vmul.f32 v8, v24;
	v12 =	vadd.f32 v10, v12;
	v48 =	vld [tilespmem:s0+$0x5080]  }
0x21c: {  	v8 =	vmul.f32 v36, v18;
	v35 =	vadd.f32 v16, v35;
	v6 =	vadd.f32 v32, v6;
	s0 =	sshll.u32 s2, $0x7  }
0x21d: {  	v26 =	vadd.f32 v40, v26;
	v10 =	vmul.f32 v42, v13;
	v9 =	vadd.f32 v41, v9;
	s0 =	sand.u32 $0x3FFFFC00, s0  }
0x21e: {  	v37 =	vadd.f32 v46, v37;
	v16 =	vshrl.u32 v47, $0x10;
	s0 =	sor.u32 s30, s0;
	v13 =	vshrl.u32 v52, $0x10  }
0x21f: {  	v30 =	vadd.f32 v50, v30;
	v16 =	vand.u32 $0x1, v16;
	v13 =	vand.u32 $0x1, v13;
	v54 =	vld [tilespmem:s0+$0x280]  }
0x220: {  	v39 =	vadd.f32 v10, v39;
	v36 =	vshrl.u32 v34, $0x10;
	v16 =	vadd.s32 v16, v47;
	v18 =	vld [tilespmem:s0+$0x180]  }
0x221: {  	v28 =	vadd.f32 v51, v28;
	v40 =	vshrl.u32 v48, $0x10;
	v10 =	vadd.s32 v13, v52;
	v13 =	vld [tilespmem:s0+$0x200]  }
0x222: {  	v33 =	vadd.f32 v8, v33;
	v41 =	vadd.s32 $0x7FFF, v16;
	v32 =	vadd.s32 $0x7FFF, v10;
	v10 =	vld [tilespmem:s0+$0x100]  }
0x223: {  	v44 =	vadd.f32 v53, v44;
	v8 =	vand.u32 $0xFFFF0000, v41;
	v16 =	vand.u32 $0xFFFF0000, v32;
	v32 =	vld [tilespmem:s0+$0x380]  }
0x224: {  	v43 =	vadd.f32 v49, v43;
	v36 =	vand.u32 $0x1, v36;
	v40 =	vand.u32 $0x1, v40;
	v46 =	vld [tilespmem:s0+$0x80]  }
0x225: {  	v20 =	vadd.f32 v24, v20;
	v36 =	vadd.s32 v36, v34;
	v40 =	vadd.s32 v40, v48;
	v34 =	vld [tilespmem:s0+$0x300]  }
0x226: {  	v40 =	vadd.s32 $0x7FFF, v40;
	v24 =	vld [tilespmem:s0+$0x0];
	v41 =	vmul.f32 v16, v13;
	v45 =	vmul.f32 v8, v13  }
0x227: {  	v42 =	vadd.s32 $0x7FFF, v36;
	v36 =	vand.u32 $0xFFFF0000, v40;
	v47 =	vmul.f32 v16, v10  }
0x228: {  	v42 =	vand.u32 $0xFFFF0000, v42;
	v40 =	vmul.f32 v8, v18;
	v1 =	vadd.f32 v45, v1  }
0x229: {  	v49 =	vmul.f32 v8, v54;
	v45 =	vmul.f32 v42, v54;
	v5 =	vadd.f32 v41, v5  }
0x22a: {  	v50 =	vmul.f32 v36, v10;
	v3 =	vadd.f32 v40, v3;
	v41 =	vmul.f32 v8, v46  }
0x22b: {  	v25 =	vadd.f32 v45, v25;
	v48 =	vmul.f32 v42, v24;
	v40 =	vmul.f32 v16, v24  }
.Ltmp11:
0x22c: {  	v2 =	vadd.f32 v49, v2;
	v22 =	vadd.f32 v50, v22;
	v50 =	vmul.f32 v36, v34;
	(pc) =	sbr.rel @p0 .LBB2_25-.Ltmp11, $4  }
0x22d: {  	v49 =	vmul.f32 v42, v46;
	v11 =	vadd.f32 v47, v11;
	v52 =	vmul.f32 v8, v34  }
0x22e: {  	v51 =	vmul.f32 v36, v46;
	v45 =	vmul.f32 v36, v54;
	v19 =	vadd.f32 v50, v19  }
0x22f: {  	v47 =	vmul.f32 v16, v18;
	v29 =	vadd.f32 v49, v29;
	v50 =	vmul.f32 v16, v46  }
0x230: {  	s1 =	smov.u32 s29;
	v49 =	vmul.f32 v16, v54;
	v46 =	vmul.f32 v36, v24;
	v4 =	vadd.f32 v52, v4  }
0x231: {  	v52 =	vmul.f32 v42, v10;
	v38 =	vadd.f32 v48, v38  }
0x232: {  	v61 =	vmul.f32 v42, v18  }
0x233: {  	v62 =	vmul.f32 v42, v13;
	v44 =	vadd.f32 v52, v44;
	(xrf2) =	vadd.scan.msk.f32 $0xffff, v38  }
0x234: {  	v63 =	vadd.f32 v61, v43;
	(xrf2) =	vadd.scan.msk.f32 $0xffff, v29  }
0x235: {  	v48 =	vmul.f32 v42, v34;
	v39 =	vadd.f32 v62, v39;
	(xrf2) =	vadd.scan.msk.f32 $0xffff, v44  }
0x236: {  	v53 =	vmul.f32 v42, v32;
	(xrf2) =	vadd.scan.msk.f32 $0xffff, v63  }
0x237: {  	v29 =	vadd.f32 v48, v31;
	(xrf2) =	vadd.scan.msk.f32 $0xffff, v39  }
0x238: {  	v54 =	vadd.f32 v53, v35;
	(xrf2) =	vadd.scan.msk.f32 $0xffff, v25  }
0x239: {  	v55 =	vadd.f32 v46, v37;
	(xrf2) =	vadd.scan.msk.f32 $0xffff, v29  }
0x23a: {  	v7 =	vadd.f32 v51, v7;
	v56 =	vmul.f32 v36, v18;
	(xrf2) =	vadd.scan.msk.f32 $0xffff, v54  }
0x23b: {  	v57 =	vmul.f32 v36, v13;
	(xrf2) =	vadd.scan.msk.f32 $0xffff, v55  }
0x23c: {  	v18 =	vadd.f32 v56, v33;
	(xrf2) =	vadd.scan.msk.f32 $0xffff, v7  }
0x23d: {  	v58 =	vadd.f32 v57, v30;
	v59, _, _ =	vpop (xrf2);
	(xrf2) =	vadd.scan.msk.f32 $0xffff, v22  }
0x23e: {  	v60 =	vmul.f32 v36, v32;
	v61 =	vadd.f32 v45, v27;
	v62, _, _ =	vpop (xrf2);
	(xrf2) =	vadd.scan.msk.f32 $0xffff, v18  }
0x23f: {  	v63, _, _ =	vpop (xrf2);
	(xrf2) =	vadd.scan.msk.f32 $0xffff, v58  }
0x240: {  	v31 =	vadd.f32 v60, v28;
	v33, _, _ =	vpop (xrf2);
	(xrf2) =	vadd.scan.msk.f32 $0xffff, v61  }
0x241: {  	v35 =	vadd.f32 v40, v26;
	v36, _, _ =	vpop (xrf2);
	(xrf2) =	vadd.scan.msk.f32 $0xffff, v19  }
0x242: {  	v37 =	vadd.f32 v50, v23;
	v38, _, _ =	vpop (xrf2);
	(xrf2) =	vadd.scan.msk.f32 $0xffff, v31  }
0x243: {  	v39, _, _ =	vpop (xrf2);
	(xrf2) =	vadd.scan.msk.f32 $0xffff, v35  }
0x244: {  	v21 =	vadd.f32 v47, v21;
	v40, _, _ =	vpop (xrf2);
	(xrf2) =	vadd.scan.msk.f32 $0xffff, v37  }
0x245: {  	v42 =	vmul.f32 v16, v34;
	v43, _, _ =	vpop (xrf2);
	(xrf2) =	vadd.scan.msk.f32 $0xffff, v11  }
0x246: {  	v46 =	vmul.f32 v16, v32;
	v50 =	vmul.f32 v8, v10;
	v44 =	vadd.f32 v49, v15;
	v47, _, _ =	vpop (xrf2);
	(xrf2) =	vadd.scan.msk.f32 $0xffff, v21  }
0x247: {  	v14 =	vadd.f32 v42, v14;
	v48 =	vmul.f32 v8, v24;
	v13 =	vbroadcast v59, $0xF;
	v49, _, _ =	vpop (xrf2);
	(xrf2) =	vadd.scan.msk.f32 $0xffff, v5  }
0x248: {  	v45 =	vadd.f32 v41, v17;
	v51 =	vadd.f32 v46, v12;
	v52 =	vbroadcast v62, $0xF;
	v53, _, _ =	vpop (xrf2);
	(xrf2) =	vadd.scan.msk.f32 $0xffff, v44  }
0x249: {  	v54 =	vadd.f32 v48, v20;
	v13 =	vnsel vm0, $0x0, v13;
	v18 =	vbroadcast v63, $0xF;
	v55, _, _ =	vpop (xrf2);
	(xrf2) =	vadd.scan.msk.f32 $0xffff, v14  }
0x24a: {  	v56 =	vmul.f32 v8, v32;
	v12 =	vsel vm1, v13, v52;
	v57 =	vbroadcast v33, $0xF;
	v58, _, _ =	vpop (xrf2);
	(xrf2) =	vadd.scan.msk.f32 $0xffff, v51  }
0x24b: {  	v59 =	vsel vm2, v12, v18;
	v60 =	vbroadcast v36, $0xF;
	v5 =	vadd.f32 v50, v9;
	v61, _, _ =	vpop (xrf2);
	(xrf2) =	vadd.scan.msk.f32 $0xffff, v54  }
0x24c: {  	v6 =	vadd.f32 v56, v6;
	v63 =	vbroadcast v43, $0xF;
	v9 =	vsel vm3, v59, v57;
	v22, _, _ =	vpop (xrf2);
	(xrf2) =	vadd.scan.msk.f32 $0xffff, v45  }
0x24d: {  	v62 =	vbroadcast v38, $0xF;
	v24 =	vbroadcast v47, $0xF;
	v23 =	vsel vm4, v9, v60;
	v26, _, _ =	vpop (xrf2);
	(xrf2) =	vadd.scan.msk.f32 $0xffff, v5  }
0x24e: {  	v28 =	vnsel vm0, $0x0, v63;
	v29 =	vbroadcast v49, $0xF;
	v32 =	vbroadcast v53, $0xF;
	v30, _, _ =	vpop (xrf2);
	(xrf2) =	vadd.scan.msk.f32 $0xffff, v3  }
0x24f: {  	v27 =	vsel vm5, v23, v62;
	v34 =	vbroadcast v55, $0xF;
	v36 =	vbroadcast v58, $0xF;
	v33, _, _ =	vpop (xrf2);
	(xrf2) =	vadd.scan.msk.f32 $0xffff, v1  }
0x250: {  	v31 =	vsel vm1, v28, v24;
	v43 =	vbroadcast v22, $0xF;
	v3 =	vbroadcast v39, $0xF;
	v35, _, _ =	vpop (xrf2);
	(xrf2) =	vadd.scan.msk.f32 $0xffff, v2  }
0x251: {  	v7 =	vsel vm2, v31, v29;
	v1 =	vbroadcast v40, $0xF;
	v40 =	vbroadcast v61, $0xF;
	v37, _, _ =	vpop (xrf2);
	(xrf2) =	vadd.scan.msk.f32 $0xffff, v4  }
0x252: {  	v41 =	vbroadcast v30, $0xF;
	v2 =	vsel vm6, v27, v3;
	v3 =	vsel vm3, v7, v32;
	v38, _, _ =	vpop (xrf2);
	(xrf2) =	vadd.scan.msk.f32 $0xffff, v6  }
0x253: {  	v1 =	vsel vm7, v2, v1;
	v2 =	vsel vm4, v3, v34;
	v3 =	vbroadcast v26, $0xF;
	v39, _, _ =	vpop (xrf2)  }
0x254: {  	v9 =	vbroadcast v33, $0xF;
	v45 =	vbroadcast v35, $0xF;
	v2 =	vsel vm5, v2, v36;
	v42, _, _ =	vpop (xrf2)  }
0x255: {  	v49 =	vbroadcast v37, $0xF;
	v3 =	vnsel vm0, $0x0, v3;
	v2 =	vsel vm6, v2, v40;
	v44, _, _ =	vpop (xrf2)  }
0x256: {  	v4 =	vbroadcast v38, $0xF;
	v3 =	vsel vm1, v3, v41;
	v46, _, _ =	vpop (xrf2);
	v47 =	vbroadcast v44, $0xF  }
0x257: {  	v2 =	vsel vm7, v2, v43;
	v6 =	vbroadcast v39, $0xF;
	v48, _, _ =	vpop (xrf2);
	v50 =	vbroadcast v46, $0xF  }
0x258: {  	v3 =	vsel vm2, v3, v9;
	v51, _, _ =	vpop (xrf2);
	v9 =	vnsel vm0, $0x0, v47;
	v11 =	vbroadcast v48, $0xF  }
0x259: {  	v3 =	vsel vm3, v3, v45;
	v52, _, _ =	vpop (xrf2);
	v53 =	vsel vm1, v9, v50;
	v54 =	vbroadcast v51, $0xF  }
0x25a: {  	v3 =	vsel vm4, v3, v49;
	v55, _, _ =	vpop (xrf2);
	v56 =	vsel vm2, v53, v11;
	v57 =	vbroadcast v52, $0xF  }
0x25b: {  	v3 =	vsel vm5, v3, v4;
	v58, _, _ =	vpop (xrf2);
	v4 =	vsel vm3, v56, v54;
	v59 =	vbroadcast v55, $0xF  }
0x25c: {  	v60 =	vbroadcast v42, $0xF;
	v4 =	vsel vm4, v4, v57;
	v61 =	vbroadcast v58, $0xF;
	v62, _, _ =	vpop (xrf2)  }
0x25d: {  	[tilespmem:$0x6600] =	vst v1;
	v1 =	vsel vm6, v3, v6;
	v3 =	vsel vm5, v4, v59;
	v63 =	vbroadcast v62, $0xF  }
0x25e: {  	[tilespmem:$0x6680] =	vst v2;
	v1 =	vsel vm7, v1, v60;
	v2 =	vsel vm6, v3, v61  }
0x25f: {  	[tilespmem:$0x6700] =	vst v1;
	v1 =	vsel vm7, v2, v63  }
0x260: {  	[tilespmem:$0x6780] =	vst v1  }
0x261: {  	v1 =	vld.idx.msk [tilespmem:v0+s16+$0x0], $0xffff;
	_ =	sdelay $0x4  }
0x262: {  	v1 =	vmul.f32 $1.442695020e+00, v1;
	_ =	sdelay $0x1  }
0x263: {  	(erf) = vpow2.f32 v1;
	_ =	sdelay $0x5  }
0x264: {  	v1 =	vor.u32 $0x1, v0;
	_ =	sdelay $0x2  }
0x265: {  	s0 =	sshll.u32 s26, $0x4;
	v2 =	vpop (erf)  }
0x266: {  	[tilespmem:s0+$0x6800] =	vst v2  }
0x267: {  	v1 =	vld.idx.msk [tilespmem:v1+s16+$0x0], $0xffff;
	_ =	sdelay $0x4  }
0x268: {  	v1 =	vmul.f32 $1.442695020e+00, v1;
	_ =	sdelay $0x1  }
0x269: {  	(erf) = vpow2.f32 v1;
	_ =	sdelay $0x5  }
0x26a: {  	v1 =	vor.u32 $0x2, v0;
	_ =	sdelay $0x2  }
0x26b: {  	v2 =	vpop (erf)  }
0x26c: {  	[tilespmem:s0+$0x6880] =	vst v2  }
0x26d: {  	v1 =	vld.idx.msk [tilespmem:v1+s16+$0x0], $0xffff;
	_ =	sdelay $0x4  }
0x26e: {  	v1 =	vmul.f32 $1.442695020e+00, v1;
	_ =	sdelay $0x1  }
0x26f: {  	(erf) = vpow2.f32 v1;
	_ =	sdelay $0x5  }
0x270: {  	v1 =	vor.u32 $0x3, v0;
	_ =	sdelay $0x2  }
0x271: {  	v2 =	vpop (erf)  }
0x272: {  	[tilespmem:s0+$0x6900] =	vst v2  }
0x273: {  	v1 =	vld.idx.msk [tilespmem:v1+s16+$0x0], $0xffff;
	_ =	sdelay $0x4  }
0x274: {  	v1 =	vmul.f32 $1.442695020e+00, v1;
	_ =	sdelay $0x1  }
0x275: {  	(erf) = vpow2.f32 v1;
	_ =	sdelay $0x5  }
0x276: {  	v1 =	vor.u32 $0x4, v0;
	_ =	sdelay $0x2  }
0x277: {  	v2 =	vpop (erf)  }
0x278: {  	[tilespmem:s0+$0x6980] =	vst v2  }
0x279: {  	v1 =	vld.idx.msk [tilespmem:v1+s16+$0x0], $0xffff;
	_ =	sdelay $0x4  }
0x27a: {  	v1 =	vmul.f32 $1.442695020e+00, v1;
	_ =	sdelay $0x1  }
0x27b: {  	(erf) = vpow2.f32 v1;
	_ =	sdelay $0x5  }
0x27c: {  	v1 =	vor.u32 $0x5, v0;
	_ =	sdelay $0x2  }
0x27d: {  	v2 =	vpop (erf)  }
0x27e: {  	[tilespmem:s0+$0x6A00] =	vst v2  }
0x27f: {  	v1 =	vld.idx.msk [tilespmem:v1+s16+$0x0], $0xffff;
	_ =	sdelay $0x4  }
0x280: {  	v1 =	vmul.f32 $1.442695020e+00, v1;
	_ =	sdelay $0x1  }
0x281: {  	(erf) = vpow2.f32 v1;
	_ =	sdelay $0x5  }
0x282: {  	v1 =	vor.u32 $0x6, v0;
	_ =	sdelay $0x2  }
0x283: {  	v2 =	vpop (erf)  }
0x284: {  	[tilespmem:s0+$0x6A80] =	vst v2  }
0x285: {  	v1 =	vld.idx.msk [tilespmem:v1+s16+$0x0], $0xffff;
	_ =	sdelay $0x4  }
0x286: {  	v1 =	vmul.f32 $1.442695020e+00, v1;
	_ =	sdelay $0x1  }
0x287: {  	(erf) = vpow2.f32 v1;
	_ =	sdelay $0x5  }
0x288: {  	v1 =	vor.u32 $0x7, v0;
	_ =	sdelay $0x2  }
0x289: {  	v2 =	vpop (erf)  }
0x28a: {  	[tilespmem:s0+$0x6B00] =	vst v2  }
0x28b: {  	v1 =	vld.idx.msk [tilespmem:v1+s16+$0x0], $0xffff;
	_ =	sdelay $0x4  }
0x28c: {  	v1 =	vmul.f32 $1.442695020e+00, v1;
	_ =	sdelay $0x1  }
0x28d: {  	(erf) = vpow2.f32 v1;
	_ =	sdelay $0x3  }
0x28e: {  	s26 =	sadd.s32 $0x1, s26  }
0x28f: {  	p0 =	sne.s32 s26, $0x4  }
.Ltmp12:
0x290: {  	_ = 	snop;
	(pc) =	sbr.rel @p0 .LBB2_18-.Ltmp12, $3  }
0x291: {  	_ =	sdelay $0x1  }
0x292: {  	v1 =	vpop (erf)  }
0x293: {  	[tilespmem:s0+$0x6B80] =	vst v1  }
0x294: {  	[hbm4b:s5+s3] =	stream.linear.scatter [tilespmem:s17], [sflag:$0x1], $0x40, $0x38;
	[tilespmem:$0x6C00] =	vst v63  }
0x295: {  	_ =	swait.ge [sflag:s14], $0x40  }
0x296: {  	[sflag:s14] =	ssyncset.done $0x0  }
0x297: {  	[sflag:s14] =	ssyncadd.s32 $0xFFFFFFC0  }
0x298: {  	[hbm4b:s6+s3] =	stream.linear.scatter [tilespmem:s18], [sflag:$0x1], $0x40, $0x38;
	[tilespmem:$0x6C00] =	vst v63  }
0x299: {  	_ =	swait.ge [sflag:s14], $0x40  }
0x29a: {  	[sflag:s14] =	ssyncset.done $0x0  }
0x29b: {  	[sflag:s14] =	ssyncadd.s32 $0xFFFFFFC0  }
0x29c: {  	[hbm4b:s7+s3] =	stream.linear.scatter [tilespmem:s19], [sflag:$0x1], $0x40, $0x38;
	[tilespmem:$0x6C00] =	vst v63  }
0x29d: {  	_ =	swait.ge [sflag:s14], $0x40  }
0x29e: {  	[sflag:s14] =	ssyncset.done $0x0  }
0x29f: {  	[sflag:s14] =	ssyncadd.s32 $0xFFFFFFC0  }
0x2a0: {  	[hbm4b:s8+s3] =	stream.linear.scatter [tilespmem:s20], [sflag:$0x1], $0x40, $0x38;
	[tilespmem:$0x6C00] =	vst v63  }
0x2a1: {  	_ =	swait.ge [sflag:s14], $0x40  }
0x2a2: {  	[sflag:s14] =	ssyncset.done $0x0  }
0x2a3: {  	[sflag:s14] =	ssyncadd.s32 $0xFFFFFFC0  }
0x2a4: {  	[hbm4b:s9+s3] =	stream.linear.scatter [tilespmem:s21], [sflag:$0x1], $0x40, $0x38;
	[tilespmem:$0x6C00] =	vst v63  }
0x2a5: {  	_ =	swait.ge [sflag:s14], $0x40  }
0x2a6: {  	[sflag:s14] =	ssyncset.done $0x0  }
0x2a7: {  	[sflag:s14] =	ssyncadd.s32 $0xFFFFFFC0  }
0x2a8: {  	[hbm4b:s10+s3] =	stream.linear.scatter [tilespmem:s22], [sflag:$0x1], $0x40, $0x38;
	[tilespmem:$0x6C00] =	vst v63  }
0x2a9: {  	_ =	swait.ge [sflag:s14], $0x40  }
0x2aa: {  	[sflag:s14] =	ssyncset.done $0x0  }
0x2ab: {  	[sflag:s14] =	ssyncadd.s32 $0xFFFFFFC0  }
0x2ac: {  	[hbm4b:s11+s3] =	stream.linear.scatter [tilespmem:s23], [sflag:$0x1], $0x40, $0x38;
	[tilespmem:$0x6C00] =	vst v63  }
0x2ad: {  	s25 =	sadd.s32 $0x1, s25;
	_ =	swait.ge [sflag:s14], $0x40  }
0x2ae: {  	p0 =	sne.s32 s25, s13;
	[sflag:s14] =	ssyncset.done $0x0  }
.Ltmp13:
0x2af: {  	[sflag:s14] =	ssyncadd.s32 $0xFFFFFFC0;
	(pc) =	sbr.rel @p0 .LBB2_1-.Ltmp13, $4  }
0x2b0: {  	[hbm4b:s12+s3] =	stream.linear.scatter [tilespmem:s24], [sflag:$0x1], $0x40, $0x38;
	[tilespmem:$0x6C00] =	vst v63  }
0x2b1: {  	_ =	swait.ge [sflag:s14], $0x40  }
0x2b2: {  	[sflag:s14] =	ssyncset.done $0x0  }
0x2b3: {  	[sflag:s14] =	ssyncadd.s32 $0xFFFFFFC0  }
0x2b4: {  	_ =	sfence.sel $0x180000  }
0x2b5: {  	[bflag:$0x0] =	sbarrier.arrive $0xFFFF  }
0x2b6: {  	_ =	strace $0x90000047  }
0x2b7: {  	s0 =	stileid.u32;
	[bflag:$0x2] =	sbarrier.arrive $0xFFFF  }
0x2b8: {  	p0 =	sne.s32 s0, $0x0;
	s0 =	rddreg [dreg:$0x3]  }
0x2b9: {  	s0 =	sadd.s32 @!p0 $0x100000, s0  }
0x2ba: {  	[sflag:s0] =	ssyncadd.tile.s32 @!p0 $0x1;
	_ =	shalt  }
.Lfunc_end2:
_tile_overlayer_lowered:
.L_overlay_start_2:
0x2bb: {  	(tag) =	ssettag $0x2  }
0x2bc: {  	s0 =	rddreg [dreg:$0x0];
	s2 =	stileid.u32  }
0x2bd: {  	s1 =	rddreg [dreg:$0x1];
	p0 =	sne.s32 s2, $0x0  }
0x2be: {  	s3 =	rddreg [dreg:$0x2];
	[bflag:$0x3] =	sbarrier.arrive $0xFFFF;
	s2 =	simm.s32 @!p0 $0x1C01  }
0x2bf: {  	[timem:s3], [sflag:s2] =	dma.local @!p0 [hbm:s0], s1  }
0x2c0: {  	s0 =	simm.s32 @!p0 $0x1  }
0x2c1: {  	_ =	swait.ge @!p0 [sflag:s0], s1  }
0x2c2: {  	s1 =	ssub.s32 @!p0 $0x0, s1;
	[sflag:s0] =	ssyncset.done @!p0 $0x0  }
0x2c3: {  	[sflag:s0] =	ssyncadd.s32 @!p0 s1  }
0x2c4: {  	[bflag:$0x3] =	sbarrier.arrive $0xFFFF  }
0x2c5: {  	_ =	shalt  }

</sc_bundles>
